<compile_context>
chip_gen: v7x
topology: tpu7x:2x2x1
jax: 0.10.2.dev20260603
libtpu: 0.0.44.dev20260713+nightly
codegen_flags: <defaults>
</compile_context>

<pallas_src>
import functools

import jax
import jax.numpy as jnp
from jax import lax
from jax.experimental import pallas as pl
from jax.experimental.pallas import tpu as pltpu
from jax.experimental.pallas import tpu_sc as plsc

MAX_REL = 128
NC = 2
NS = 16
LANES = 16




def _tc_body(summed_ref, out_ref, buf, sems, *, S, D, BB, B, NSEM):
    buf[...] = jnp.broadcast_to(summed_ref[...][None, :, :], (BB, S, D))

    nblk = B // BB
    for k in range(nblk):
        if k >= NSEM:
            pltpu.make_async_copy(
                buf,
                out_ref.at[pl.ds((k - NSEM) * BB, BB)],
                sems.at[(k - NSEM) % NSEM],
            ).wait()
        pltpu.make_async_copy(
            buf, out_ref.at[pl.ds(k * BB, BB)], sems.at[k % NSEM]
        ).start()
    for k in range(max(nblk - NSEM, 0), nblk):
        pltpu.make_async_copy(
            buf, out_ref.at[pl.ds(k * BB, BB)], sems.at[k % NSEM]
        ).wait()


def _tc_broadcast(summed, B, S, D):
    BB = 8
    NSEM = 32
    return pl.pallas_call(
        functools.partial(_tc_body, S=S, D=D, BB=BB, B=B, NSEM=NSEM),
        in_specs=[pl.BlockSpec(memory_space=pltpu.MemorySpace.VMEM)],
        out_specs=pl.BlockSpec(memory_space=pl.ANY),
        out_shape=jax.ShapeDtypeStruct((B, S, D), jnp.float32),
        scratch_shapes=[
            pltpu.VMEM((BB, S, D), jnp.float32),
            pltpu.SemaphoreType.DMA((NSEM,)),
        ],
    )(summed)




def _sc_body(table_hbm, out_hbm, table_v, rows_v, *, S, D, T, NROWS):
    sid = lax.axis_index("s")
    NCH = D // LANES

    pltpu.sync_copy(table_hbm, table_v)

    i0 = jnp.minimum(sid * NROWS, S - NROWS)

    a = jnp.maximum(i0 - (S - 1 - MAX_REL), 0)
    bnd = jnp.minimum(i0 + MAX_REL, 2 * MAX_REL)

    def win_body(t, acc):
        return tuple(
            acc[c] + table_v[t, pl.ds(c * LANES, LANES)] for c in range(NCH)
        )

    acc = tuple(jnp.zeros((LANES,), jnp.float32) for _ in range(NCH))
    acc = lax.fori_loop(a, bnd + 1, win_body, acc)
    lo_f = jnp.maximum((S - 1 - MAX_REL) - i0, 0).astype(jnp.float32)
    hi_f = jnp.maximum(i0 - MAX_REL, 0).astype(jnp.float32)
    acc = tuple(
        acc[c]
        + lo_f * table_v[0, pl.ds(c * LANES, LANES)]
        + hi_f * table_v[2 * MAX_REL, pl.ds(c * LANES, LANES)]
        for c in range(NCH)
    )
    for c in range(NCH):
        rows_v[0, pl.ds(c * LANES, LANES)] = acc[c]

    for r in range(1, NROWS):
        i = i0 + r
        add_t = jnp.minimum(i + MAX_REL, 2 * MAX_REL)
        sub_t = jnp.maximum(i - (S - 1 - MAX_REL) - 1, 0)
        acc = tuple(
            acc[c]
            + table_v[add_t, pl.ds(c * LANES, LANES)]
            - table_v[sub_t, pl.ds(c * LANES, LANES)]
            for c in range(NCH)
        )
        for c in range(NCH):
            rows_v[r, pl.ds(c * LANES, LANES)] = acc[c]

    pltpu.sync_copy(rows_v, out_hbm.at[pl.ds(i0, NROWS)])


def _sc_summed(table, S, D):
    T = table.shape[0]
    NROWS = 16
    mesh = plsc.VectorSubcoreMesh(core_axis_name="c", subcore_axis_name="s")
    kfn = pl.kernel(
        functools.partial(_sc_body, S=S, D=D, T=T, NROWS=NROWS),
        mesh=mesh,
        out_type=jax.ShapeDtypeStruct((S, D), jnp.float32),
        scratch_types=[
            pltpu.VMEM((T, D), jnp.float32),
            pltpu.VMEM((NROWS, D), jnp.float32),
        ],
    )
    return kfn(table)


def kernel(inputs, table):
    B, S = inputs.shape
    T, D = table.shape
    summed = _sc_summed(table, S, D)
    return _tc_broadcast(summed, B, S, D)

# --- scband reference (transcript-rebuilt; emitter-appended) ---
"""Pipeline reference for scband-relative-positional-embedding-36404142801552 (READ-ONLY COPY).

The authoritative reference and input builder live on the scoring server;
editing this copy changes nothing except your own understanding.
"""

import jax, jax.numpy as jnp
import numpy as np

D_MODEL = 128
MAX_REL = 128
BATCH = 1024
SEQ_LEN = 200


def setup_inputs(seed: int = 0) -> dict:
    key = jax.random.key(seed)
    k1, k2 = jax.random.split(key)
    # inputs only contribute shape info (batch_size, seq_len) in the original module
    inputs = jax.random.randint(k1, (BATCH, SEQ_LEN), 0, 1000, dtype=jnp.int32)
    # learned relative embedding table: (2*max_relative_distance + 1, d_model)
    table = jax.random.normal(k2, (2 * MAX_REL + 1, D_MODEL), dtype=jnp.float32) * 0.02
    return {"inputs": inputs, "table": table}


def reference(inputs, table):
    B = inputs.shape[0]
    S = inputs.shape[1]
    positions = jnp.arange(S, dtype=jnp.int32)
    relative_positions = positions[:, None] - positions[None, :]
    relative_positions = jnp.clip(relative_positions, -MAX_REL, MAX_REL)
    relative_positions = relative_positions + MAX_REL
    # embedding lookup -> [S, S, d_model]
    relative_emb = jnp.take(table, relative_positions, axis=0)
    # tf: tile to [B, S, S, d] then reduce_sum axis=2 == sum over axis=1 of [S,S,d] then broadcast to batch (same math)
    summed = jnp.sum(relative_emb, axis=1)  # [S, d_model]
    out = jnp.broadcast_to(summed[None, :, :], (B, S, table.shape[1]))
    return out

if __name__ == "__main__":
    import jax
    _d = setup_inputs()
    print(jax.jit(kernel)(*tuple(_d.values())))

</pallas_src>

<mosaic_0001>
#map = affine_map<(d0, d1) -> (0, 0)>
module attributes {stable_mosaic.version = 14 : i64} {
  func.func @_sc_body(%arg0: i32, %arg1: i32, %arg2: memref<257x128xf32, #tpu.memory_space<hbm>>, %arg3: memref<200x128xf32, #tpu.memory_space<hbm>>, %arg4: memref<257x128xf32, #tpu.memory_space<vmem>>, %arg5: memref<16x128xf32, #tpu.memory_space<vmem>>) attributes {dimension_semantics = [#tpu.dimension_semantics<core_parallel>, #tpu.dimension_semantics<subcore_parallel>], iteration_bounds = array<i64: 2, 16>, scalar_prefetch = 0 : i64, scratch_operands = 2 : i64, tpu.core_type = #tpu.core_type<sc_vector_subcore>, window_params = [{transform_indices = #map}, {transform_indices = #map}]} {
    "tpu.region"() ({
      %run_scoped3A = tpu.sem_alloc : memref<!tpu.dma_semaphore, #tpu.memory_space<semaphore_mem>>
      tpu.enqueue_dma source(%arg2 : memref<257x128xf32, #tpu.memory_space<hbm>>) target(%arg4 : memref<257x128xf32, #tpu.memory_space<vmem>>) target_semaphore(%run_scoped3A : memref<!tpu.dma_semaphore, #tpu.memory_space<semaphore_mem>>)
      tpu.wait_dma2 semaphore(%run_scoped3A : memref<!tpu.dma_semaphore, #tpu.memory_space<semaphore_mem>>) src(%arg2 : memref<257x128xf32, #tpu.memory_space<hbm>>) dst(%arg4 : memref<257x128xf32, #tpu.memory_space<vmem>>)
      tpu.yield
    }) : () -> ()
    %mul3A = arith.constant 16 : i32
    %mul3A_0 = arith.muli %arg1, %mul3A : i32
    %min3A = arith.constant 184 : i32
    %min3A_1 = arith.minsi %mul3A_0, %min3A : i32
    %sub3A = arith.constant 71 : i32
    %sub3A_2 = arith.subi %min3A_1, %sub3A : i32
    %max3A = arith.constant 0 : i32
    %max3A_3 = arith.maxsi %sub3A_2, %max3A : i32
    %add3A = arith.constant 128 : i32
    %add3A_4 = arith.addi %min3A_1, %add3A : i32
    %min3A_5 = arith.constant 256 : i32
    %min3A_6 = arith.minsi %add3A_4, %min3A_5 : i32
    %broadcast_in_dim3A = arith.constant 0.000000e+00 : f32
    %broadcast_in_dim3A_7 = vector.broadcast %broadcast_in_dim3A : f32 to vector<16xf32>
    %broadcast_in_dim3A_8 = arith.constant 0.000000e+00 : f32
    %broadcast_in_dim3A_9 = vector.broadcast %broadcast_in_dim3A_8 : f32 to vector<16xf32>
    %broadcast_in_dim3A_10 = arith.constant 0.000000e+00 : f32
    %broadcast_in_dim3A_11 = vector.broadcast %broadcast_in_dim3A_10 : f32 to vector<16xf32>
    %broadcast_in_dim3A_12 = arith.constant 0.000000e+00 : f32
    %broadcast_in_dim3A_13 = vector.broadcast %broadcast_in_dim3A_12 : f32 to vector<16xf32>
    %broadcast_in_dim3A_14 = arith.constant 0.000000e+00 : f32
    %broadcast_in_dim3A_15 = vector.broadcast %broadcast_in_dim3A_14 : f32 to vector<16xf32>
    %broadcast_in_dim3A_16 = arith.constant 0.000000e+00 : f32
    %broadcast_in_dim3A_17 = vector.broadcast %broadcast_in_dim3A_16 : f32 to vector<16xf32>
    %broadcast_in_dim3A_18 = arith.constant 0.000000e+00 : f32
    %broadcast_in_dim3A_19 = vector.broadcast %broadcast_in_dim3A_18 : f32 to vector<16xf32>
    %broadcast_in_dim3A_20 = arith.constant 0.000000e+00 : f32
    %broadcast_in_dim3A_21 = vector.broadcast %broadcast_in_dim3A_20 : f32 to vector<16xf32>
    %add3A_22 = arith.constant 1 : i32
    %add3A_23 = arith.addi %min3A_6, %add3A_22 : i32
    %while3A = arith.subi %add3A_23, %max3A_3 : i32
    %while3A_24 = arith.addi %max3A_3, %while3A : i32
    %while3A_25 = arith.constant 1 : i32
    %while3A_26 = arith.divsi %while3A, %while3A_25 : i32
    %while3A_27 = arith.muli %while3A_26, %while3A_25 : i32
    %while3A_28 = arith.addi %max3A_3, %while3A_27 : i32
    %while3A_29 = arith.constant 1 : i32
    %while3A_30:8 = scf.for %while3A_2316 = %max3A_3 to %while3A_28 step %while3A_29 iter_args(%while3A_2317 = %broadcast_in_dim3A_7, %while3A_2318 = %broadcast_in_dim3A_9, %while3A_2319 = %broadcast_in_dim3A_11, %while3A_2320 = %broadcast_in_dim3A_13, %while3A_2321 = %broadcast_in_dim3A_15, %while3A_2322 = %broadcast_in_dim3A_17, %while3A_2323 = %broadcast_in_dim3A_19, %while3A_2324 = %broadcast_in_dim3A_21) -> (vector<16xf32>, vector<16xf32>, vector<16xf32>, vector<16xf32>, vector<16xf32>, vector<16xf32>, vector<16xf32>, vector<16xf32>)  : i32 {
      %get3A_2325 = arith.index_cast %while3A_2316 : i32 to index
      %get3A_2326 = arith.constant 0 : index
      %get3A_2327 = tpu.vector_load %arg4[%get3A_2325, %get3A_2326] {strides = array<i32>} : memref<257x128xf32, #tpu.memory_space<vmem>>, vector<1x16xf32>,
      %get3A_2328 = vector.shape_cast %get3A_2327 : vector<1x16xf32> to vector<16xf32>
      %add3A_2329 = arith.addf %while3A_2317, %get3A_2328 : vector<16xf32>
      %get3A_2330 = arith.index_cast %while3A_2316 : i32 to index
      %get3A_2331 = arith.constant 16 : index
      %get3A_2332 = tpu.vector_load %arg4[%get3A_2330, %get3A_2331] {strides = array<i32>} : memref<257x128xf32, #tpu.memory_space<vmem>>, vector<1x16xf32>,
      %get3A_2333 = vector.shape_cast %get3A_2332 : vector<1x16xf32> to vector<16xf32>
      %add3A_2334 = arith.addf %while3A_2318, %get3A_2333 : vector<16xf32>
      %get3A_2335 = arith.index_cast %while3A_2316 : i32 to index
      %get3A_2336 = arith.constant 32 : index
      %get3A_2337 = tpu.vector_load %arg4[%get3A_2335, %get3A_2336] {strides = array<i32>} : memref<257x128xf32, #tpu.memory_space<vmem>>, vector<1x16xf32>,
      %get3A_2338 = vector.shape_cast %get3A_2337 : vector<1x16xf32> to vector<16xf32>
      %add3A_2339 = arith.addf %while3A_2319, %get3A_2338 : vector<16xf32>
      %get3A_2340 = arith.index_cast %while3A_2316 : i32 to index
      %get3A_2341 = arith.constant 48 : index
      %get3A_2342 = tpu.vector_load %arg4[%get3A_2340, %get3A_2341] {strides = array<i32>} : memref<257x128xf32, #tpu.memory_space<vmem>>, vector<1x16xf32>,
      %get3A_2343 = vector.shape_cast %get3A_2342 : vector<1x16xf32> to vector<16xf32>
      %add3A_2344 = arith.addf %while3A_2320, %get3A_2343 : vector<16xf32>
      %get3A_2345 = arith.index_cast %while3A_2316 : i32 to index
      %get3A_2346 = arith.constant 64 : index
      %get3A_2347 = tpu.vector_load %arg4[%get3A_2345, %get3A_2346] {strides = array<i32>} : memref<257x128xf32, #tpu.memory_space<vmem>>, vector<1x16xf32>,
      %get3A_2348 = vector.shape_cast %get3A_2347 : vector<1x16xf32> to vector<16xf32>
      %add3A_2349 = arith.addf %while3A_2321, %get3A_2348 : vector<16xf32>
      %get3A_2350 = arith.index_cast %while3A_2316 : i32 to index
      %get3A_2351 = arith.constant 80 : index
      %get3A_2352 = tpu.vector_load %arg4[%get3A_2350, %get3A_2351] {strides = array<i32>} : memref<257x128xf32, #tpu.memory_space<vmem>>, vector<1x16xf32>,
      %get3A_2353 = vector.shape_cast %get3A_2352 : vector<1x16xf32> to vector<16xf32>
      %add3A_2354 = arith.addf %while3A_2322, %get3A_2353 : vector<16xf32>
      %get3A_2355 = arith.index_cast %while3A_2316 : i32 to index
      %get3A_2356 = arith.constant 96 : index
      %get3A_2357 = tpu.vector_load %arg4[%get3A_2355, %get3A_2356] {strides = array<i32>} : memref<257x128xf32, #tpu.memory_space<vmem>>, vector<1x16xf32>,
      %get3A_2358 = vector.shape_cast %get3A_2357 : vector<1x16xf32> to vector<16xf32>
      %add3A_2359 = arith.addf %while3A_2323, %get3A_2358 : vector<16xf32>
      %get3A_2360 = arith.index_cast %while3A_2316 : i32 to index
      %get3A_2361 = arith.constant 112 : index
      %get3A_2362 = tpu.vector_load %arg4[%get3A_2360, %get3A_2361] {strides = array<i32>} : memref<257x128xf32, #tpu.memory_space<vmem>>, vector<1x16xf32>,
      %get3A_2363 = vector.shape_cast %get3A_2362 : vector<1x16xf32> to vector<16xf32>
      %add3A_2364 = arith.addf %while3A_2324, %get3A_2363 : vector<16xf32>
      scf.yield %add3A_2329, %add3A_2334, %add3A_2339, %add3A_2344, %add3A_2349, %add3A_2354, %add3A_2359, %add3A_2364 : vector<16xf32>, vector<16xf32>, vector<16xf32>, vector<16xf32>, vector<16xf32>, vector<16xf32>, vector<16xf32>, vector<16xf32>
    }
    %while3A_31 = arith.constant 1 : i32
    %while3A_32:8 = scf.for %while3A_2316 = %while3A_28 to %while3A_24 step %while3A_31 iter_args(%while3A_2317 = %while3A_30#0, %while3A_2318 = %while3A_30#1, %while3A_2319 = %while3A_30#2, %while3A_2320 = %while3A_30#3, %while3A_2321 = %while3A_30#4, %while3A_2322 = %while3A_30#5, %while3A_2323 = %while3A_30#6, %while3A_2324 = %while3A_30#7) -> (vector<16xf32>, vector<16xf32>, vector<16xf32>, vector<16xf32>, vector<16xf32>, vector<16xf32>, vector<16xf32>, vector<16xf32>)  : i32 {
      %get3A_2325 = arith.index_cast %while3A_2316 : i32 to index
      %get3A_2326 = arith.constant 0 : index
      %get3A_2327 = tpu.vector_load %arg4[%get3A_2325, %get3A_2326] {strides = array<i32>} : memref<257x128xf32, #tpu.memory_space<vmem>>, vector<1x16xf32>,
      %get3A_2328 = vector.shape_cast %get3A_2327 : vector<1x16xf32> to vector<16xf32>
      %add3A_2329 = arith.addf %while3A_2317, %get3A_2328 : vector<16xf32>
      %get3A_2330 = arith.index_cast %while3A_2316 : i32 to index
      %get3A_2331 = arith.constant 16 : index
      %get3A_2332 = tpu.vector_load %arg4[%get3A_2330, %get3A_2331] {strides = array<i32>} : memref<257x128xf32, #tpu.memory_space<vmem>>, vector<1x16xf32>,
      %get3A_2333 = vector.shape_cast %get3A_2332 : vector<1x16xf32> to vector<16xf32>
      %add3A_2334 = arith.addf %while3A_2318, %get3A_2333 : vector<16xf32>
      %get3A_2335 = arith.index_cast %while3A_2316 : i32 to index
      %get3A_2336 = arith.constant 32 : index
      %get3A_2337 = tpu.vector_load %arg4[%get3A_2335, %get3A_2336] {strides = array<i32>} : memref<257x128xf32, #tpu.memory_space<vmem>>, vector<1x16xf32>,
      %get3A_2338 = vector.shape_cast %get3A_2337 : vector<1x16xf32> to vector<16xf32>
      %add3A_2339 = arith.addf %while3A_2319, %get3A_2338 : vector<16xf32>
      %get3A_2340 = arith.index_cast %while3A_2316 : i32 to index
      %get3A_2341 = arith.constant 48 : index
      %get3A_2342 = tpu.vector_load %arg4[%get3A_2340, %get3A_2341] {strides = array<i32>} : memref<257x128xf32, #tpu.memory_space<vmem>>, vector<1x16xf32>,
      %get3A_2343 = vector.shape_cast %get3A_2342 : vector<1x16xf32> to vector<16xf32>
      %add3A_2344 = arith.addf %while3A_2320, %get3A_2343 : vector<16xf32>
      %get3A_2345 = arith.index_cast %while3A_2316 : i32 to index
      %get3A_2346 = arith.constant 64 : index
      %get3A_2347 = tpu.vector_load %arg4[%get3A_2345, %get3A_2346] {strides = array<i32>} : memref<257x128xf32, #tpu.memory_space<vmem>>, vector<1x16xf32>,
      %get3A_2348 = vector.shape_cast %get3A_2347 : vector<1x16xf32> to vector<16xf32>
      %add3A_2349 = arith.addf %while3A_2321, %get3A_2348 : vector<16xf32>
      %get3A_2350 = arith.index_cast %while3A_2316 : i32 to index
      %get3A_2351 = arith.constant 80 : index
      %get3A_2352 = tpu.vector_load %arg4[%get3A_2350, %get3A_2351] {strides = array<i32>} : memref<257x128xf32, #tpu.memory_space<vmem>>, vector<1x16xf32>,
      %get3A_2353 = vector.shape_cast %get3A_2352 : vector<1x16xf32> to vector<16xf32>
      %add3A_2354 = arith.addf %while3A_2322, %get3A_2353 : vector<16xf32>
      %get3A_2355 = arith.index_cast %while3A_2316 : i32 to index
      %get3A_2356 = arith.constant 96 : index
      %get3A_2357 = tpu.vector_load %arg4[%get3A_2355, %get3A_2356] {strides = array<i32>} : memref<257x128xf32, #tpu.memory_space<vmem>>, vector<1x16xf32>,
      %get3A_2358 = vector.shape_cast %get3A_2357 : vector<1x16xf32> to vector<16xf32>
      %add3A_2359 = arith.addf %while3A_2323, %get3A_2358 : vector<16xf32>
      %get3A_2360 = arith.index_cast %while3A_2316 : i32 to index
      %get3A_2361 = arith.constant 112 : index
      %get3A_2362 = tpu.vector_load %arg4[%get3A_2360, %get3A_2361] {strides = array<i32>} : memref<257x128xf32, #tpu.memory_space<vmem>>, vector<1x16xf32>,
      %get3A_2363 = vector.shape_cast %get3A_2362 : vector<1x16xf32> to vector<16xf32>
      %add3A_2364 = arith.addf %while3A_2324, %get3A_2363 : vector<16xf32>
      scf.yield %add3A_2329, %add3A_2334, %add3A_2339, %add3A_2344, %add3A_2349, %add3A_2354, %add3A_2359, %add3A_2364 : vector<16xf32>, vector<16xf32>, vector<16xf32>, vector<16xf32>, vector<16xf32>, vector<16xf32>, vector<16xf32>, vector<16xf32>
    }
    %sub3A_33 = arith.constant 71 : i32
    %sub3A_34 = arith.subi %sub3A_33, %min3A_1 : i32
    %max3A_35 = arith.constant 0 : i32
    %max3A_36 = arith.maxsi %sub3A_34, %max3A_35 : i32
    %convert_element_type3A = arith.sitofp %max3A_36 : i32 to f32
    %sub3A_37 = arith.constant 128 : i32
    %sub3A_38 = arith.subi %min3A_1, %sub3A_37 : i32
    %max3A_39 = arith.constant 0 : i32
    %max3A_40 = arith.maxsi %sub3A_38, %max3A_39 : i32
    %convert_element_type3A_41 = arith.sitofp %max3A_40 : i32 to f32
    %get3A = arith.constant 0 : i32
    %get3A_42 = arith.index_cast %get3A : i32 to index
    %get3A_43 = arith.constant 0 : index
    %get3A_44 = tpu.vector_load %arg4[%get3A_42, %get3A_43] {strides = array<i32>} : memref<257x128xf32, #tpu.memory_space<vmem>>, vector<1x16xf32>,
    %get3A_45 = vector.shape_cast %get3A_44 : vector<1x16xf32> to vector<16xf32>
    %mul3A_46 = vector.broadcast %convert_element_type3A : f32 to vector<16xf32>
    %mul3A_47 = arith.mulf %mul3A_46, %get3A_45 : vector<16xf32>
    %add3A_48 = arith.addf %while3A_32#0, %mul3A_47 : vector<16xf32>
    %get3A_49 = arith.constant 256 : i32
    %get3A_50 = arith.index_cast %get3A_49 : i32 to index
    %get3A_51 = arith.constant 0 : index
    %get3A_52 = tpu.vector_load %arg4[%get3A_50, %get3A_51] {strides = array<i32>} : memref<257x128xf32, #tpu.memory_space<vmem>>, vector<1x16xf32>,
    %get3A_53 = vector.shape_cast %get3A_52 : vector<1x16xf32> to vector<16xf32>
    %mul3A_54 = vector.broadcast %convert_element_type3A_41 : f32 to vector<16xf32>
    %mul3A_55 = arith.mulf %mul3A_54, %get3A_53 : vector<16xf32>
    %add3A_56 = arith.addf %add3A_48, %mul3A_55 : vector<16xf32>
    %get3A_57 = arith.constant 0 : i32
    %get3A_58 = arith.index_cast %get3A_57 : i32 to index
    %get3A_59 = arith.constant 16 : index
    %get3A_60 = tpu.vector_load %arg4[%get3A_58, %get3A_59] {strides = array<i32>} : memref<257x128xf32, #tpu.memory_space<vmem>>, vector<1x16xf32>,
    %get3A_61 = vector.shape_cast %get3A_60 : vector<1x16xf32> to vector<16xf32>
    %mul3A_62 = vector.broadcast %convert_element_type3A : f32 to vector<16xf32>
    %mul3A_63 = arith.mulf %mul3A_62, %get3A_61 : vector<16xf32>
    %add3A_64 = arith.addf %while3A_32#1, %mul3A_63 : vector<16xf32>
    %get3A_65 = arith.constant 256 : i32
    %get3A_66 = arith.index_cast %get3A_65 : i32 to index
    %get3A_67 = arith.constant 16 : index
    %get3A_68 = tpu.vector_load %arg4[%get3A_66, %get3A_67] {strides = array<i32>} : memref<257x128xf32, #tpu.memory_space<vmem>>, vector<1x16xf32>,
    %get3A_69 = vector.shape_cast %get3A_68 : vector<1x16xf32> to vector<16xf32>
    %mul3A_70 = vector.broadcast %convert_element_type3A_41 : f32 to vector<16xf32>
    %mul3A_71 = arith.mulf %mul3A_70, %get3A_69 : vector<16xf32>
    %add3A_72 = arith.addf %add3A_64, %mul3A_71 : vector<16xf32>
    %get3A_73 = arith.constant 0 : i32
    %get3A_74 = arith.index_cast %get3A_73 : i32 to index
    %get3A_75 = arith.constant 32 : index
    %get3A_76 = tpu.vector_load %arg4[%get3A_74, %get3A_75] {strides = array<i32>} : memref<257x128xf32, #tpu.memory_space<vmem>>, vector<1x16xf32>,
    %get3A_77 = vector.shape_cast %get3A_76 : vector<1x16xf32> to vector<16xf32>
    %mul3A_78 = vector.broadcast %convert_element_type3A : f32 to vector<16xf32>
    %mul3A_79 = arith.mulf %mul3A_78, %get3A_77 : vector<16xf32>
    %add3A_80 = arith.addf %while3A_32#2, %mul3A_79 : vector<16xf32>
    %get3A_81 = arith.constant 256 : i32
    %get3A_82 = arith.index_cast %get3A_81 : i32 to index
    %get3A_83 = arith.constant 32 : index
    %get3A_84 = tpu.vector_load %arg4[%get3A_82, %get3A_83] {strides = array<i32>} : memref<257x128xf32, #tpu.memory_space<vmem>>, vector<1x16xf32>,
    %get3A_85 = vector.shape_cast %get3A_84 : vector<1x16xf32> to vector<16xf32>
    %mul3A_86 = vector.broadcast %convert_element_type3A_41 : f32 to vector<16xf32>
    %mul3A_87 = arith.mulf %mul3A_86, %get3A_85 : vector<16xf32>
    %add3A_88 = arith.addf %add3A_80, %mul3A_87 : vector<16xf32>
    %get3A_89 = arith.constant 0 : i32
    %get3A_90 = arith.index_cast %get3A_89 : i32 to index
    %get3A_91 = arith.constant 48 : index
    %get3A_92 = tpu.vector_load %arg4[%get3A_90, %get3A_91] {strides = array<i32>} : memref<257x128xf32, #tpu.memory_space<vmem>>, vector<1x16xf32>,
    %get3A_93 = vector.shape_cast %get3A_92 : vector<1x16xf32> to vector<16xf32>
    %mul3A_94 = vector.broadcast %convert_element_type3A : f32 to vector<16xf32>
    %mul3A_95 = arith.mulf %mul3A_94, %get3A_93 : vector<16xf32>
    %add3A_96 = arith.addf %while3A_32#3, %mul3A_95 : vector<16xf32>
    %get3A_97 = arith.constant 256 : i32
    %get3A_98 = arith.index_cast %get3A_97 : i32 to index
    %get3A_99 = arith.constant 48 : index
    %get3A_100 = tpu.vector_load %arg4[%get3A_98, %get3A_99] {strides = array<i32>} : memref<257x128xf32, #tpu.memory_space<vmem>>, vector<1x16xf32>,
    %get3A_101 = vector.shape_cast %get3A_100 : vector<1x16xf32> to vector<16xf32>
    %mul3A_102 = vector.broadcast %convert_element_type3A_41 : f32 to vector<16xf32>
    %mul3A_103 = arith.mulf %mul3A_102, %get3A_101 : vector<16xf32>
    %add3A_104 = arith.addf %add3A_96, %mul3A_103 : vector<16xf32>
    %get3A_105 = arith.constant 0 : i32
    %get3A_106 = arith.index_cast %get3A_105 : i32 to index
    %get3A_107 = arith.constant 64 : index
    %get3A_108 = tpu.vector_load %arg4[%get3A_106, %get3A_107] {strides = array<i32>} : memref<257x128xf32, #tpu.memory_space<vmem>>, vector<1x16xf32>,
    %get3A_109 = vector.shape_cast %get3A_108 : vector<1x16xf32> to vector<16xf32>
    %mul3A_110 = vector.broadcast %convert_element_type3A : f32 to vector<16xf32>
    %mul3A_111 = arith.mulf %mul3A_110, %get3A_109 : vector<16xf32>
    %add3A_112 = arith.addf %while3A_32#4, %mul3A_111 : vector<16xf32>
    %get3A_113 = arith.constant 256 : i32
    %get3A_114 = arith.index_cast %get3A_113 : i32 to index
    %get3A_115 = arith.constant 64 : index
    %get3A_116 = tpu.vector_load %arg4[%get3A_114, %get3A_115] {strides = array<i32>} : memref<257x128xf32, #tpu.memory_space<vmem>>, vector<1x16xf32>,
    %get3A_117 = vector.shape_cast %get3A_116 : vector<1x16xf32> to vector<16xf32>
    %mul3A_118 = vector.broadcast %convert_element_type3A_41 : f32 to vector<16xf32>
    %mul3A_119 = arith.mulf %mul3A_118, %get3A_117 : vector<16xf32>
    %add3A_120 = arith.addf %add3A_112, %mul3A_119 : vector<16xf32>
    %get3A_121 = arith.constant 0 : i32
    %get3A_122 = arith.index_cast %get3A_121 : i32 to index
    %get3A_123 = arith.constant 80 : index
    %get3A_124 = tpu.vector_load %arg4[%get3A_122, %get3A_123] {strides = array<i32>} : memref<257x128xf32, #tpu.memory_space<vmem>>, vector<1x16xf32>,
    %get3A_125 = vector.shape_cast %get3A_124 : vector<1x16xf32> to vector<16xf32>
    %mul3A_126 = vector.broadcast %convert_element_type3A : f32 to vector<16xf32>
    %mul3A_127 = arith.mulf %mul3A_126, %get3A_125 : vector<16xf32>
    %add3A_128 = arith.addf %while3A_32#5, %mul3A_127 : vector<16xf32>
    %get3A_129 = arith.constant 256 : i32
    %get3A_130 = arith.index_cast %get3A_129 : i32 to index
    %get3A_131 = arith.constant 80 : index
    %get3A_132 = tpu.vector_load %arg4[%get3A_130, %get3A_131] {strides = array<i32>} : memref<257x128xf32, #tpu.memory_space<vmem>>, vector<1x16xf32>,
    %get3A_133 = vector.shape_cast %get3A_132 : vector<1x16xf32> to vector<16xf32>
    %mul3A_134 = vector.broadcast %convert_element_type3A_41 : f32 to vector<16xf32>
    %mul3A_135 = arith.mulf %mul3A_134, %get3A_133 : vector<16xf32>
    %add3A_136 = arith.addf %add3A_128, %mul3A_135 : vector<16xf32>
    %get3A_137 = arith.constant 0 : i32
    %get3A_138 = arith.index_cast %get3A_137 : i32 to index
    %get3A_139 = arith.constant 96 : index
    %get3A_140 = tpu.vector_load %arg4[%get3A_138, %get3A_139] {strides = array<i32>} : memref<257x128xf32, #tpu.memory_space<vmem>>, vector<1x16xf32>,
    %get3A_141 = vector.shape_cast %get3A_140 : vector<1x16xf32> to vector<16xf32>
    %mul3A_142 = vector.broadcast %convert_element_type3A : f32 to vector<16xf32>
    %mul3A_143 = arith.mulf %mul3A_142, %get3A_141 : vector<16xf32>
    %add3A_144 = arith.addf %while3A_32#6, %mul3A_143 : vector<16xf32>
    %get3A_145 = arith.constant 256 : i32
    %get3A_146 = arith.index_cast %get3A_145 : i32 to index
    %get3A_147 = arith.constant 96 : index
    %get3A_148 = tpu.vector_load %arg4[%get3A_146, %get3A_147] {strides = array<i32>} : memref<257x128xf32, #tpu.memory_space<vmem>>, vector<1x16xf32>,
    %get3A_149 = vector.shape_cast %get3A_148 : vector<1x16xf32> to vector<16xf32>
    %mul3A_150 = vector.broadcast %convert_element_type3A_41 : f32 to vector<16xf32>
    %mul3A_151 = arith.mulf %mul3A_150, %get3A_149 : vector<16xf32>
    %add3A_152 = arith.addf %add3A_144, %mul3A_151 : vector<16xf32>
    %get3A_153 = arith.constant 0 : i32
    %get3A_154 = arith.index_cast %get3A_153 : i32 to index
    %get3A_155 = arith.constant 112 : index
    %get3A_156 = tpu.vector_load %arg4[%get3A_154, %get3A_155] {strides = array<i32>} : memref<257x128xf32, #tpu.memory_space<vmem>>, vector<1x16xf32>,
    %get3A_157 = vector.shape_cast %get3A_156 : vector<1x16xf32> to vector<16xf32>
    %mul3A_158 = vector.broadcast %convert_element_type3A : f32 to vector<16xf32>
    %mul3A_159 = arith.mulf %mul3A_158, %get3A_157 : vector<16xf32>
    %add3A_160 = arith.addf %while3A_32#7, %mul3A_159 : vector<16xf32>
    %get3A_161 = arith.constant 256 : i32
    %get3A_162 = arith.index_cast %get3A_161 : i32 to index
    %get3A_163 = arith.constant 112 : index
    %get3A_164 = tpu.vector_load %arg4[%get3A_162, %get3A_163] {strides = array<i32>} : memref<257x128xf32, #tpu.memory_space<vmem>>, vector<1x16xf32>,
    %get3A_165 = vector.shape_cast %get3A_164 : vector<1x16xf32> to vector<16xf32>
    %mul3A_166 = vector.broadcast %convert_element_type3A_41 : f32 to vector<16xf32>
    %mul3A_167 = arith.mulf %mul3A_166, %get3A_165 : vector<16xf32>
    %add3A_168 = arith.addf %add3A_160, %mul3A_167 : vector<16xf32>
    %swap3A = arith.constant 0 : i32
    %swap3A_169 = arith.index_cast %swap3A : i32 to index
    %swap3A_170 = arith.constant 0 : index
    %swap3A_171 = tpu.vector_load %arg5[%swap3A_169, %swap3A_170] {strides = array<i32>} : memref<16x128xf32, #tpu.memory_space<vmem>>, vector<1x16xf32>,
    %swap3A_172 = vector.shape_cast %swap3A_171 : vector<1x16xf32> to vector<16xf32>
    %swap3A_173 = vector.shape_cast %add3A_56 : vector<16xf32> to vector<1x16xf32>
    tpu.vector_store %arg5[%swap3A_169, %swap3A_170], %swap3A_173 {strides = array<i32>} : memref<16x128xf32, #tpu.memory_space<vmem>>, vector<1x16xf32>,
    %swap3A_174 = arith.constant 0 : i32
    %swap3A_175 = arith.index_cast %swap3A_174 : i32 to index
    %swap3A_176 = arith.constant 16 : index
    %swap3A_177 = tpu.vector_load %arg5[%swap3A_175, %swap3A_176] {strides = array<i32>} : memref<16x128xf32, #tpu.memory_space<vmem>>, vector<1x16xf32>,
    %swap3A_178 = vector.shape_cast %swap3A_177 : vector<1x16xf32> to vector<16xf32>
    %swap3A_179 = vector.shape_cast %add3A_72 : vector<16xf32> to vector<1x16xf32>
    tpu.vector_store %arg5[%swap3A_175, %swap3A_176], %swap3A_179 {strides = array<i32>} : memref<16x128xf32, #tpu.memory_space<vmem>>, vector<1x16xf32>,
    %swap3A_180 = arith.constant 0 : i32
    %swap3A_181 = arith.index_cast %swap3A_180 : i32 to index
    %swap3A_182 = arith.constant 32 : index
    %swap3A_183 = tpu.vector_load %arg5[%swap3A_181, %swap3A_182] {strides = array<i32>} : memref<16x128xf32, #tpu.memory_space<vmem>>, vector<1x16xf32>,
    %swap3A_184 = vector.shape_cast %swap3A_183 : vector<1x16xf32> to vector<16xf32>
    %swap3A_185 = vector.shape_cast %add3A_88 : vector<16xf32> to vector<1x16xf32>
    tpu.vector_store %arg5[%swap3A_181, %swap3A_182], %swap3A_185 {strides = array<i32>} : memref<16x128xf32, #tpu.memory_space<vmem>>, vector<1x16xf32>,
    %swap3A_186 = arith.constant 0 : i32
    %swap3A_187 = arith.index_cast %swap3A_186 : i32 to index
    %swap3A_188 = arith.constant 48 : index
    %swap3A_189 = tpu.vector_load %arg5[%swap3A_187, %swap3A_188] {strides = array<i32>} : memref<16x128xf32, #tpu.memory_space<vmem>>, vector<1x16xf32>,
    %swap3A_190 = vector.shape_cast %swap3A_189 : vector<1x16xf32> to vector<16xf32>
    %swap3A_191 = vector.shape_cast %add3A_104 : vector<16xf32> to vector<1x16xf32>
    tpu.vector_store %arg5[%swap3A_187, %swap3A_188], %swap3A_191 {strides = array<i32>} : memref<16x128xf32, #tpu.memory_space<vmem>>, vector<1x16xf32>,
    %swap3A_192 = arith.constant 0 : i32
    %swap3A_193 = arith.index_cast %swap3A_192 : i32 to index
    %swap3A_194 = arith.constant 64 : index
    %swap3A_195 = tpu.vector_load %arg5[%swap3A_193, %swap3A_194] {strides = array<i32>} : memref<16x128xf32, #tpu.memory_space<vmem>>, vector<1x16xf32>,
    %swap3A_196 = vector.shape_cast %swap3A_195 : vector<1x16xf32> to vector<16xf32>
    %swap3A_197 = vector.shape_cast %add3A_120 : vector<16xf32> to vector<1x16xf32>
    tpu.vector_store %arg5[%swap3A_193, %swap3A_194], %swap3A_197 {strides = array<i32>} : memref<16x128xf32, #tpu.memory_space<vmem>>, vector<1x16xf32>,
    %swap3A_198 = arith.constant 0 : i32
    %swap3A_199 = arith.index_cast %swap3A_198 : i32 to index
    %swap3A_200 = arith.constant 80 : index
    %swap3A_201 = tpu.vector_load %arg5[%swap3A_199, %swap3A_200] {strides = array<i32>} : memref<16x128xf32, #tpu.memory_space<vmem>>, vector<1x16xf32>,
    %swap3A_202 = vector.shape_cast %swap3A_201 : vector<1x16xf32> to vector<16xf32>
    %swap3A_203 = vector.shape_cast %add3A_136 : vector<16xf32> to vector<1x16xf32>
    tpu.vector_store %arg5[%swap3A_199, %swap3A_200], %swap3A_203 {strides = array<i32>} : memref<16x128xf32, #tpu.memory_space<vmem>>, vector<1x16xf32>,
    %swap3A_204 = arith.constant 0 : i32
    %swap3A_205 = arith.index_cast %swap3A_204 : i32 to index
    %swap3A_206 = arith.constant 96 : index
    %swap3A_207 = tpu.vector_load %arg5[%swap3A_205, %swap3A_206] {strides = array<i32>} : memref<16x128xf32, #tpu.memory_space<vmem>>, vector<1x16xf32>,
    %swap3A_208 = vector.shape_cast %swap3A_207 : vector<1x16xf32> to vector<16xf32>
    %swap3A_209 = vector.shape_cast %add3A_152 : vector<16xf32> to vector<1x16xf32>
    tpu.vector_store %arg5[%swap3A_205, %swap3A_206], %swap3A_209 {strides = array<i32>} : memref<16x128xf32, #tpu.memory_space<vmem>>, vector<1x16xf32>,
    %swap3A_210 = arith.constant 0 : i32
    %swap3A_211 = arith.index_cast %swap3A_210 : i32 to index
    %swap3A_212 = arith.constant 112 : index
    %swap3A_213 = tpu.vector_load %arg5[%swap3A_211, %swap3A_212] {strides = array<i32>} : memref<16x128xf32, #tpu.memory_space<vmem>>, vector<1x16xf32>,
    %swap3A_214 = vector.shape_cast %swap3A_213 : vector<1x16xf32> to vector<16xf32>
    %swap3A_215 = vector.shape_cast %add3A_168 : vector<16xf32> to vector<1x16xf32>
    tpu.vector_store %arg5[%swap3A_211, %swap3A_212], %swap3A_215 {strides = array<i32>} : memref<16x128xf32, #tpu.memory_space<vmem>>, vector<1x16xf32>,
    %add3A_216 = arith.constant 1 : i32
    %add3A_217 = arith.addi %min3A_1, %add3A_216 : i32
    %add3A_218 = arith.constant 128 : i32
    %add3A_219 = arith.addi %add3A_217, %add3A_218 : i32
    %min3A_220 = arith.constant 256 : i32
    %min3A_221 = arith.minsi %add3A_219, %min3A_220 : i32
    %sub3A_222 = arith.constant 71 : i32
    %sub3A_223 = arith.subi %add3A_217, %sub3A_222 : i32
    %sub3A_224 = arith.constant 1 : i32
    %sub3A_225 = arith.subi %sub3A_223, %sub3A_224 : i32
    %max3A_226 = arith.constant 0 : i32
    %max3A_227 = arith.maxsi %sub3A_225, %max3A_226 : i32
    %get3A_228 = arith.index_cast %min3A_221 : i32 to index
    %get3A_229 = arith.constant 0 : index
    %get3A_230 = tpu.vector_load %arg4[%get3A_228, %get3A_229] {strides = array<i32>} : memref<257x128xf32, #tpu.memory_space<vmem>>, vector<1x16xf32>,
    %get3A_231 = vector.shape_cast %get3A_230 : vector<1x16xf32> to vector<16xf32>
    %add3A_232 = arith.addf %add3A_56, %get3A_231 : vector<16xf32>
    %get3A_233 = arith.index_cast %max3A_227 : i32 to index
    %get3A_234 = arith.constant 0 : index
    %get3A_235 = tpu.vector_load %arg4[%get3A_233, %get3A_234] {strides = array<i32>} : memref<257x128xf32, #tpu.memory_space<vmem>>, vector<1x16xf32>,
    %get3A_236 = vector.shape_cast %get3A_235 : vector<1x16xf32> to vector<16xf32>
    %sub3A_237 = arith.subf %add3A_232, %get3A_236 : vector<16xf32>
    %get3A_238 = arith.index_cast %min3A_221 : i32 to index
    %get3A_239 = arith.constant 16 : index
    %get3A_240 = tpu.vector_load %arg4[%get3A_238, %get3A_239] {strides = array<i32>} : memref<257x128xf32, #tpu.memory_space<vmem>>, vector<1x16xf32>,
    %get3A_241 = vector.shape_cast %get3A_240 : vector<1x16xf32> to vector<16xf32>
    %add3A_242 = arith.addf %add3A_72, %get3A_241 : vector<16xf32>
    %get3A_243 = arith.index_cast %max3A_227 : i32 to index
    %get3A_244 = arith.constant 16 : index
    %get3A_245 = tpu.vector_load %arg4[%get3A_243, %get3A_244] {strides = array<i32>} : memref<257x128xf32, #tpu.memory_space<vmem>>, vector<1x16xf32>,
    %get3A_246 = vector.shape_cast %get3A_245 : vector<1x16xf32> to vector<16xf32>
    %sub3A_247 = arith.subf %add3A_242, %get3A_246 : vector<16xf32>
    %get3A_248 = arith.index_cast %min3A_221 : i32 to index
    %get3A_249 = arith.constant 32 : index
    %get3A_250 = tpu.vector_load %arg4[%get3A_248, %get3A_249] {strides = array<i32>} : memref<257x128xf32, #tpu.memory_space<vmem>>, vector<1x16xf32>,
    %get3A_251 = vector.shape_cast %get3A_250 : vector<1x16xf32> to vector<16xf32>
    %add3A_252 = arith.addf %add3A_88, %get3A_251 : vector<16xf32>
    %get3A_253 = arith.index_cast %max3A_227 : i32 to index
    %get3A_254 = arith.constant 32 : index
    %get3A_255 = tpu.vector_load %arg4[%get3A_253, %get3A_254] {strides = array<i32>} : memref<257x128xf32, #tpu.memory_space<vmem>>, vector<1x16xf32>,
    %get3A_256 = vector.shape_cast %get3A_255 : vector<1x16xf32> to vector<16xf32>
    %sub3A_257 = arith.subf %add3A_252, %get3A_256 : vector<16xf32>
    %get3A_258 = arith.index_cast %min3A_221 : i32 to index
    %get3A_259 = arith.constant 48 : index
    %get3A_260 = tpu.vector_load %arg4[%get3A_258, %get3A_259] {strides = array<i32>} : memref<257x128xf32, #tpu.memory_space<vmem>>, vector<1x16xf32>,
    %get3A_261 = vector.shape_cast %get3A_260 : vector<1x16xf32> to vector<16xf32>
    %add3A_262 = arith.addf %add3A_104, %get3A_261 : vector<16xf32>
    %get3A_263 = arith.index_cast %max3A_227 : i32 to index
    %get3A_264 = arith.constant 48 : index
    %get3A_265 = tpu.vector_load %arg4[%get3A_263, %get3A_264] {strides = array<i32>} : memref<257x128xf32, #tpu.memory_space<vmem>>, vector<1x16xf32>,
    %get3A_266 = vector.shape_cast %get3A_265 : vector<1x16xf32> to vector<16xf32>
    %sub3A_267 = arith.subf %add3A_262, %get3A_266 : vector<16xf32>
    %get3A_268 = arith.index_cast %min3A_221 : i32 to index
    %get3A_269 = arith.constant 64 : index
    %get3A_270 = tpu.vector_load %arg4[%get3A_268, %get3A_269] {strides = array<i32>} : memref<257x128xf32, #tpu.memory_space<vmem>>, vector<1x16xf32>,
    %get3A_271 = vector.shape_cast %get3A_270 : vector<1x16xf32> to vector<16xf32>
    %add3A_272 = arith.addf %add3A_120, %get3A_271 : vector<16xf32>
    %get3A_273 = arith.index_cast %max3A_227 : i32 to index
    %get3A_274 = arith.constant 64 : index
    %get3A_275 = tpu.vector_load %arg4[%get3A_273, %get3A_274] {strides = array<i32>} : memref<257x128xf32, #tpu.memory_space<vmem>>, vector<1x16xf32>,
    %get3A_276 = vector.shape_cast %get3A_275 : vector<1x16xf32> to vector<16xf32>
    %sub3A_277 = arith.subf %add3A_272, %get3A_276 : vector<16xf32>
    %get3A_278 = arith.index_cast %min3A_221 : i32 to index
    %get3A_279 = arith.constant 80 : index
    %get3A_280 = tpu.vector_load %arg4[%get3A_278, %get3A_279] {strides = array<i32>} : memref<257x128xf32, #tpu.memory_space<vmem>>, vector<1x16xf32>,
    %get3A_281 = vector.shape_cast %get3A_280 : vector<1x16xf32> to vector<16xf32>
    %add3A_282 = arith.addf %add3A_136, %get3A_281 : vector<16xf32>
    %get3A_283 = arith.index_cast %max3A_227 : i32 to index
    %get3A_284 = arith.constant 80 : index
    %get3A_285 = tpu.vector_load %arg4[%get3A_283, %get3A_284] {strides = array<i32>} : memref<257x128xf32, #tpu.memory_space<vmem>>, vector<1x16xf32>,
    %get3A_286 = vector.shape_cast %get3A_285 : vector<1x16xf32> to vector<16xf32>
    %sub3A_287 = arith.subf %add3A_282, %get3A_286 : vector<16xf32>
    %get3A_288 = arith.index_cast %min3A_221 : i32 to index
    %get3A_289 = arith.constant 96 : index
    %get3A_290 = tpu.vector_load %arg4[%get3A_288, %get3A_289] {strides = array<i32>} : memref<257x128xf32, #tpu.memory_space<vmem>>, vector<1x16xf32>,
    %get3A_291 = vector.shape_cast %get3A_290 : vector<1x16xf32> to vector<16xf32>
    %add3A_292 = arith.addf %add3A_152, %get3A_291 : vector<16xf32>
    %get3A_293 = arith.index_cast %max3A_227 : i32 to index
    %get3A_294 = arith.constant 96 : index
    %get3A_295 = tpu.vector_load %arg4[%get3A_293, %get3A_294] {strides = array<i32>} : memref<257x128xf32, #tpu.memory_space<vmem>>, vector<1x16xf32>,
    %get3A_296 = vector.shape_cast %get3A_295 : vector<1x16xf32> to vector<16xf32>
    %sub3A_297 = arith.subf %add3A_292, %get3A_296 : vector<16xf32>
    %get3A_298 = arith.index_cast %min3A_221 : i32 to index
    %get3A_299 = arith.constant 112 : index
    %get3A_300 = tpu.vector_load %arg4[%get3A_298, %get3A_299] {strides = array<i32>} : memref<257x128xf32, #tpu.memory_space<vmem>>, vector<1x16xf32>,
    %get3A_301 = vector.shape_cast %get3A_300 : vector<1x16xf32> to vector<16xf32>
    %add3A_302 = arith.addf %add3A_168, %get3A_301 : vector<16xf32>
    %get3A_303 = arith.index_cast %max3A_227 : i32 to index
    %get3A_304 = arith.constant 112 : index
    %get3A_305 = tpu.vector_load %arg4[%get3A_303, %get3A_304] {strides = array<i32>} : memref<257x128xf32, #tpu.memory_space<vmem>>, vector<1x16xf32>,
    %get3A_306 = vector.shape_cast %get3A_305 : vector<1x16xf32> to vector<16xf32>
    %sub3A_307 = arith.subf %add3A_302, %get3A_306 : vector<16xf32>
    %swap3A_308 = arith.constant 1 : i32
    %swap3A_309 = arith.index_cast %swap3A_308 : i32 to index
    %swap3A_310 = arith.constant 0 : index
    %swap3A_311 = tpu.vector_load %arg5[%swap3A_309, %swap3A_310] {strides = array<i32>} : memref<16x128xf32, #tpu.memory_space<vmem>>, vector<1x16xf32>,
    %swap3A_312 = vector.shape_cast %swap3A_311 : vector<1x16xf32> to vector<16xf32>
    %swap3A_313 = vector.shape_cast %sub3A_237 : vector<16xf32> to vector<1x16xf32>
    tpu.vector_store %arg5[%swap3A_309, %swap3A_310], %swap3A_313 {strides = array<i32>} : memref<16x128xf32, #tpu.memory_space<vmem>>, vector<1x16xf32>,
    %swap3A_314 = arith.constant 1 : i32
    %swap3A_315 = arith.index_cast %swap3A_314 : i32 to index
    %swap3A_316 = arith.constant 16 : index
    %swap3A_317 = tpu.vector_load %arg5[%swap3A_315, %swap3A_316] {strides = array<i32>} : memref<16x128xf32, #tpu.memory_space<vmem>>, vector<1x16xf32>,
    %swap3A_318 = vector.shape_cast %swap3A_317 : vector<1x16xf32> to vector<16xf32>
    %swap3A_319 = vector.shape_cast %sub3A_247 : vector<16xf32> to vector<1x16xf32>
    tpu.vector_store %arg5[%swap3A_315, %swap3A_316], %swap3A_319 {strides = array<i32>} : memref<16x128xf32, #tpu.memory_space<vmem>>, vector<1x16xf32>,
    %swap3A_320 = arith.constant 1 : i32
    %swap3A_321 = arith.index_cast %swap3A_320 : i32 to index
    %swap3A_322 = arith.constant 32 : index
    %swap3A_323 = tpu.vector_load %arg5[%swap3A_321, %swap3A_322] {strides = array<i32>} : memref<16x128xf32, #tpu.memory_space<vmem>>, vector<1x16xf32>,
    %swap3A_324 = vector.shape_cast %swap3A_323 : vector<1x16xf32> to vector<16xf32>
    %swap3A_325 = vector.shape_cast %sub3A_257 : vector<16xf32> to vector<1x16xf32>
    tpu.vector_store %arg5[%swap3A_321, %swap3A_322], %swap3A_325 {strides = array<i32>} : memref<16x128xf32, #tpu.memory_space<vmem>>, vector<1x16xf32>,
    %swap3A_326 = arith.constant 1 : i32
    %swap3A_327 = arith.index_cast %swap3A_326 : i32 to index
    %swap3A_328 = arith.constant 48 : index
    %swap3A_329 = tpu.vector_load %arg5[%swap3A_327, %swap3A_328] {strides = array<i32>} : memref<16x128xf32, #tpu.memory_space<vmem>>, vector<1x16xf32>,
    %swap3A_330 = vector.shape_cast %swap3A_329 : vector<1x16xf32> to vector<16xf32>
    %swap3A_331 = vector.shape_cast %sub3A_267 : vector<16xf32> to vector<1x16xf32>
    tpu.vector_store %arg5[%swap3A_327, %swap3A_328], %swap3A_331 {strides = array<i32>} : memref<16x128xf32, #tpu.memory_space<vmem>>, vector<1x16xf32>,
    %swap3A_332 = arith.constant 1 : i32
    %swap3A_333 = arith.index_cast %swap3A_332 : i32 to index
    %swap3A_334 = arith.constant 64 : index
    %swap3A_335 = tpu.vector_load %arg5[%swap3A_333, %swap3A_334] {strides = array<i32>} : memref<16x128xf32, #tpu.memory_space<vmem>>, vector<1x16xf32>,
    %swap3A_336 = vector.shape_cast %swap3A_335 : vector<1x16xf32> to vector<16xf32>
    %swap3A_337 = vector.shape_cast %sub3A_277 : vector<16xf32> to vector<1x16xf32>
    tpu.vector_store %arg5[%swap3A_333, %swap3A_334], %swap3A_337 {strides = array<i32>} : memref<16x128xf32, #tpu.memory_space<vmem>>, vector<1x16xf32>,
    %swap3A_338 = arith.constant 1 : i32
    %swap3A_339 = arith.index_cast %swap3A_338 : i32 to index
    %swap3A_340 = arith.constant 80 : index
    %swap3A_341 = tpu.vector_load %arg5[%swap3A_339, %swap3A_340] {strides = array<i32>} : memref<16x128xf32, #tpu.memory_space<vmem>>, vector<1x16xf32>,
    %swap3A_342 = vector.shape_cast %swap3A_341 : vector<1x16xf32> to vector<16xf32>
    %swap3A_343 = vector.shape_cast %sub3A_287 : vector<16xf32> to vector<1x16xf32>
    tpu.vector_store %arg5[%swap3A_339, %swap3A_340], %swap3A_343 {strides = array<i32>} : memref<16x128xf32, #tpu.memory_space<vmem>>, vector<1x16xf32>,
    %swap3A_344 = arith.constant 1 : i32
    %swap3A_345 = arith.index_cast %swap3A_344 : i32 to index
    %swap3A_346 = arith.constant 96 : index
    %swap3A_347 = tpu.vector_load %arg5[%swap3A_345, %swap3A_346] {strides = array<i32>} : memref<16x128xf32, #tpu.memory_space<vmem>>, vector<1x16xf32>,
    %swap3A_348 = vector.shape_cast %swap3A_347 : vector<1x16xf32> to vector<16xf32>
    %swap3A_349 = vector.shape_cast %sub3A_297 : vector<16xf32> to vector<1x16xf32>
    tpu.vector_store %arg5[%swap3A_345, %swap3A_346], %swap3A_349 {strides = array<i32>} : memref<16x128xf32, #tpu.memory_space<vmem>>, vector<1x16xf32>,
    %swap3A_350 = arith.constant 1 : i32
    %swap3A_351 = arith.index_cast %swap3A_350 : i32 to index
    %swap3A_352 = arith.constant 112 : index
    %swap3A_353 = tpu.vector_load %arg5[%swap3A_351, %swap3A_352] {strides = array<i32>} : memref<16x128xf32, #tpu.memory_space<vmem>>, vector<1x16xf32>,
    %swap3A_354 = vector.shape_cast %swap3A_353 : vector<1x16xf32> to vector<16xf32>
    %swap3A_355 = vector.shape_cast %sub3A_307 : vector<16xf32> to vector<1x16xf32>
    tpu.vector_store %arg5[%swap3A_351, %swap3A_352], %swap3A_355 {strides = array<i32>} : memref<16x128xf32, #tpu.memory_space<vmem>>, vector<1x16xf32>,
    %add3A_356 = arith.constant 2 : i32
    %add3A_357 = arith.addi %min3A_1, %add3A_356 : i32
    %add3A_358 = arith.constant 128 : i32
    %add3A_359 = arith.addi %add3A_357, %add3A_358 : i32
    %min3A_360 = arith.constant 256 : i32
    %min3A_361 = arith.minsi %add3A_359, %min3A_360 : i32
    %sub3A_362 = arith.constant 71 : i32
    %sub3A_363 = arith.subi %add3A_357, %sub3A_362 : i32
    %sub3A_364 = arith.constant 1 : i32
    %sub3A_365 = arith.subi %sub3A_363, %sub3A_364 : i32
    %max3A_366 = arith.constant 0 : i32
    %max3A_367 = arith.maxsi %sub3A_365, %max3A_366 : i32
    %get3A_368 = arith.index_cast %min3A_361 : i32 to index
    %get3A_369 = arith.constant 0 : index
    %get3A_370 = tpu.vector_load %arg4[%get3A_368, %get3A_369] {strides = array<i32>} : memref<257x128xf32, #tpu.memory_space<vmem>>, vector<1x16xf32>,
    %get3A_371 = vector.shape_cast %get3A_370 : vector<1x16xf32> to vector<16xf32>
    %add3A_372 = arith.addf %sub3A_237, %get3A_371 : vector<16xf32>
    %get3A_373 = arith.index_cast %max3A_367 : i32 to index
    %get3A_374 = arith.constant 0 : index
    %get3A_375 = tpu.vector_load %arg4[%get3A_373, %get3A_374] {strides = array<i32>} : memref<257x128xf32, #tpu.memory_space<vmem>>, vector<1x16xf32>,
    %get3A_376 = vector.shape_cast %get3A_375 : vector<1x16xf32> to vector<16xf32>
    %sub3A_377 = arith.subf %add3A_372, %get3A_376 : vector<16xf32>
    %get3A_378 = arith.index_cast %min3A_361 : i32 to index
    %get3A_379 = arith.constant 16 : index
    %get3A_380 = tpu.vector_load %arg4[%get3A_378, %get3A_379] {strides = array<i32>} : memref<257x128xf32, #tpu.memory_space<vmem>>, vector<1x16xf32>,
    %get3A_381 = vector.shape_cast %get3A_380 : vector<1x16xf32> to vector<16xf32>
    %add3A_382 = arith.addf %sub3A_247, %get3A_381 : vector<16xf32>
    %get3A_383 = arith.index_cast %max3A_367 : i32 to index
    %get3A_384 = arith.constant 16 : index
    %get3A_385 = tpu.vector_load %arg4[%get3A_383, %get3A_384] {strides = array<i32>} : memref<257x128xf32, #tpu.memory_space<vmem>>, vector<1x16xf32>,
    %get3A_386 = vector.shape_cast %get3A_385 : vector<1x16xf32> to vector<16xf32>
    %sub3A_387 = arith.subf %add3A_382, %get3A_386 : vector<16xf32>
    %get3A_388 = arith.index_cast %min3A_361 : i32 to index
    %get3A_389 = arith.constant 32 : index
    %get3A_390 = tpu.vector_load %arg4[%get3A_388, %get3A_389] {strides = array<i32>} : memref<257x128xf32, #tpu.memory_space<vmem>>, vector<1x16xf32>,
    %get3A_391 = vector.shape_cast %get3A_390 : vector<1x16xf32> to vector<16xf32>
    %add3A_392 = arith.addf %sub3A_257, %get3A_391 : vector<16xf32>
    %get3A_393 = arith.index_cast %max3A_367 : i32 to index
    %get3A_394 = arith.constant 32 : index
    %get3A_395 = tpu.vector_load %arg4[%get3A_393, %get3A_394] {strides = array<i32>} : memref<257x128xf32, #tpu.memory_space<vmem>>, vector<1x16xf32>,
    %get3A_396 = vector.shape_cast %get3A_395 : vector<1x16xf32> to vector<16xf32>
    %sub3A_397 = arith.subf %add3A_392, %get3A_396 : vector<16xf32>
    %get3A_398 = arith.index_cast %min3A_361 : i32 to index
    %get3A_399 = arith.constant 48 : index
    %get3A_400 = tpu.vector_load %arg4[%get3A_398, %get3A_399] {strides = array<i32>} : memref<257x128xf32, #tpu.memory_space<vmem>>, vector<1x16xf32>,
    %get3A_401 = vector.shape_cast %get3A_400 : vector<1x16xf32> to vector<16xf32>
    %add3A_402 = arith.addf %sub3A_267, %get3A_401 : vector<16xf32>
    %get3A_403 = arith.index_cast %max3A_367 : i32 to index
    %get3A_404 = arith.constant 48 : index
    %get3A_405 = tpu.vector_load %arg4[%get3A_403, %get3A_404] {strides = array<i32>} : memref<257x128xf32, #tpu.memory_space<vmem>>, vector<1x16xf32>,
    %get3A_406 = vector.shape_cast %get3A_405 : vector<1x16xf32> to vector<16xf32>
    %sub3A_407 = arith.subf %add3A_402, %get3A_406 : vector<16xf32>
    %get3A_408 = arith.index_cast %min3A_361 : i32 to index
    %get3A_409 = arith.constant 64 : index
    %get3A_410 = tpu.vector_load %arg4[%get3A_408, %get3A_409] {strides = array<i32>} : memref<257x128xf32, #tpu.memory_space<vmem>>, vector<1x16xf32>,
    %get3A_411 = vector.shape_cast %get3A_410 : vector<1x16xf32> to vector<16xf32>
    %add3A_412 = arith.addf %sub3A_277, %get3A_411 : vector<16xf32>
    %get3A_413 = arith.index_cast %max3A_367 : i32 to index
    %get3A_414 = arith.constant 64 : index
    %get3A_415 = tpu.vector_load %arg4[%get3A_413, %get3A_414] {strides = array<i32>} : memref<257x128xf32, #tpu.memory_space<vmem>>, vector<1x16xf32>,
    %get3A_416 = vector.shape_cast %get3A_415 : vector<1x16xf32> to vector<16xf32>
    %sub3A_417 = arith.subf %add3A_412, %get3A_416 : vector<16xf32>
    %get3A_418 = arith.index_cast %min3A_361 : i32 to index
    %get3A_419 = arith.constant 80 : index
    %get3A_420 = tpu.vector_load %arg4[%get3A_418, %get3A_419] {strides = array<i32>} : memref<257x128xf32, #tpu.memory_space<vmem>>, vector<1x16xf32>,
    %get3A_421 = vector.shape_cast %get3A_420 : vector<1x16xf32> to vector<16xf32>
    %add3A_422 = arith.addf %sub3A_287, %get3A_421 : vector<16xf32>
    %get3A_423 = arith.index_cast %max3A_367 : i32 to index
    %get3A_424 = arith.constant 80 : index
    %get3A_425 = tpu.vector_load %arg4[%get3A_423, %get3A_424] {strides = array<i32>} : memref<257x128xf32, #tpu.memory_space<vmem>>, vector<1x16xf32>,
    %get3A_426 = vector.shape_cast %get3A_425 : vector<1x16xf32> to vector<16xf32>
    %sub3A_427 = arith.subf %add3A_422, %get3A_426 : vector<16xf32>
    %get3A_428 = arith.index_cast %min3A_361 : i32 to index
    %get3A_429 = arith.constant 96 : index
    %get3A_430 = tpu.vector_load %arg4[%get3A_428, %get3A_429] {strides = array<i32>} : memref<257x128xf32, #tpu.memory_space<vmem>>, vector<1x16xf32>,
    %get3A_431 = vector.shape_cast %get3A_430 : vector<1x16xf32> to vector<16xf32>
    %add3A_432 = arith.addf %sub3A_297, %get3A_431 : vector<16xf32>
    %get3A_433 = arith.index_cast %max3A_367 : i32 to index
    %get3A_434 = arith.constant 96 : index
    %get3A_435 = tpu.vector_load %arg4[%get3A_433, %get3A_434] {strides = array<i32>} : memref<257x128xf32, #tpu.memory_space<vmem>>, vector<1x16xf32>,
    %get3A_436 = vector.shape_cast %get3A_435 : vector<1x16xf32> to vector<16xf32>
    %sub3A_437 = arith.subf %add3A_432, %get3A_436 : vector<16xf32>
    %get3A_438 = arith.index_cast %min3A_361 : i32 to index
    %get3A_439 = arith.constant 112 : index
    %get3A_440 = tpu.vector_load %arg4[%get3A_438, %get3A_439] {strides = array<i32>} : memref<257x128xf32, #tpu.memory_space<vmem>>, vector<1x16xf32>,
    %get3A_441 = vector.shape_cast %get3A_440 : vector<1x16xf32> to vector<16xf32>
    %add3A_442 = arith.addf %sub3A_307, %get3A_441 : vector<16xf32>
    %get3A_443 = arith.index_cast %max3A_367 : i32 to index
    %get3A_444 = arith.constant 112 : index
    %get3A_445 = tpu.vector_load %arg4[%get3A_443, %get3A_444] {strides = array<i32>} : memref<257x128xf32, #tpu.memory_space<vmem>>, vector<1x16xf32>,
    %get3A_446 = vector.shape_cast %get3A_445 : vector<1x16xf32> to vector<16xf32>
    %sub3A_447 = arith.subf %add3A_442, %get3A_446 : vector<16xf32>
    %swap3A_448 = arith.constant 2 : i32
    %swap3A_449 = arith.index_cast %swap3A_448 : i32 to index
    %swap3A_450 = arith.constant 0 : index
    %swap3A_451 = tpu.vector_load %arg5[%swap3A_449, %swap3A_450] {strides = array<i32>} : memref<16x128xf32, #tpu.memory_space<vmem>>, vector<1x16xf32>,
    %swap3A_452 = vector.shape_cast %swap3A_451 : vector<1x16xf32> to vector<16xf32>
    %swap3A_453 = vector.shape_cast %sub3A_377 : vector<16xf32> to vector<1x16xf32>
    tpu.vector_store %arg5[%swap3A_449, %swap3A_450], %swap3A_453 {strides = array<i32>} : memref<16x128xf32, #tpu.memory_space<vmem>>, vector<1x16xf32>,
    %swap3A_454 = arith.constant 2 : i32
    %swap3A_455 = arith.index_cast %swap3A_454 : i32 to index
    %swap3A_456 = arith.constant 16 : index
    %swap3A_457 = tpu.vector_load %arg5[%swap3A_455, %swap3A_456] {strides = array<i32>} : memref<16x128xf32, #tpu.memory_space<vmem>>, vector<1x16xf32>,
    %swap3A_458 = vector.shape_cast %swap3A_457 : vector<1x16xf32> to vector<16xf32>
    %swap3A_459 = vector.shape_cast %sub3A_387 : vector<16xf32> to vector<1x16xf32>
    tpu.vector_store %arg5[%swap3A_455, %swap3A_456], %swap3A_459 {strides = array<i32>} : memref<16x128xf32, #tpu.memory_space<vmem>>, vector<1x16xf32>,
    %swap3A_460 = arith.constant 2 : i32
    %swap3A_461 = arith.index_cast %swap3A_460 : i32 to index
    %swap3A_462 = arith.constant 32 : index
    %swap3A_463 = tpu.vector_load %arg5[%swap3A_461, %swap3A_462] {strides = array<i32>} : memref<16x128xf32, #tpu.memory_space<vmem>>, vector<1x16xf32>,
    %swap3A_464 = vector.shape_cast %swap3A_463 : vector<1x16xf32> to vector<16xf32>
    %swap3A_465 = vector.shape_cast %sub3A_397 : vector<16xf32> to vector<1x16xf32>
    tpu.vector_store %arg5[%swap3A_461, %swap3A_462], %swap3A_465 {strides = array<i32>} : memref<16x128xf32, #tpu.memory_space<vmem>>, vector<1x16xf32>,
    %swap3A_466 = arith.constant 2 : i32
    %swap3A_467 = arith.index_cast %swap3A_466 : i32 to index
    %swap3A_468 = arith.constant 48 : index
    %swap3A_469 = tpu.vector_load %arg5[%swap3A_467, %swap3A_468] {strides = array<i32>} : memref<16x128xf32, #tpu.memory_space<vmem>>, vector<1x16xf32>,
    %swap3A_470 = vector.shape_cast %swap3A_469 : vector<1x16xf32> to vector<16xf32>
    %swap3A_471 = vector.shape_cast %sub3A_407 : vector<16xf32> to vector<1x16xf32>
    tpu.vector_store %arg5[%swap3A_467, %swap3A_468], %swap3A_471 {strides = array<i32>} : memref<16x128xf32, #tpu.memory_space<vmem>>, vector<1x16xf32>,
    %swap3A_472 = arith.constant 2 : i32
    %swap3A_473 = arith.index_cast %swap3A_472 : i32 to index
    %swap3A_474 = arith.constant 64 : index
    %swap3A_475 = tpu.vector_load %arg5[%swap3A_473, %swap3A_474] {strides = array<i32>} : memref<16x128xf32, #tpu.memory_space<vmem>>, vector<1x16xf32>,
    %swap3A_476 = vector.shape_cast %swap3A_475 : vector<1x16xf32> to vector<16xf32>
    %swap3A_477 = vector.shape_cast %sub3A_417 : vector<16xf32> to vector<1x16xf32>
    tpu.vector_store %arg5[%swap3A_473, %swap3A_474], %swap3A_477 {strides = array<i32>} : memref<16x128xf32, #tpu.memory_space<vmem>>, vector<1x16xf32>,
    %swap3A_478 = arith.constant 2 : i32
    %swap3A_479 = arith.index_cast %swap3A_478 : i32 to index
    %swap3A_480 = arith.constant 80 : index
    %swap3A_481 = tpu.vector_load %arg5[%swap3A_479, %swap3A_480] {strides = array<i32>} : memref<16x128xf32, #tpu.memory_space<vmem>>, vector<1x16xf32>,
    %swap3A_482 = vector.shape_cast %swap3A_481 : vector<1x16xf32> to vector<16xf32>
    %swap3A_483 = vector.shape_cast %sub3A_427 : vector<16xf32> to vector<1x16xf32>
    tpu.vector_store %arg5[%swap3A_479, %swap3A_480], %swap3A_483 {strides = array<i32>} : memref<16x128xf32, #tpu.memory_space<vmem>>, vector<1x16xf32>,
    %swap3A_484 = arith.constant 2 : i32
    %swap3A_485 = arith.index_cast %swap3A_484 : i32 to index
    %swap3A_486 = arith.constant 96 : index
    %swap3A_487 = tpu.vector_load %arg5[%swap3A_485, %swap3A_486] {strides = array<i32>} : memref<16x128xf32, #tpu.memory_space<vmem>>, vector<1x16xf32>,
    %swap3A_488 = vector.shape_cast %swap3A_487 : vector<1x16xf32> to vector<16xf32>
    %swap3A_489 = vector.shape_cast %sub3A_437 : vector<16xf32> to vector<1x16xf32>
    tpu.vector_store %arg5[%swap3A_485, %swap3A_486], %swap3A_489 {strides = array<i32>} : memref<16x128xf32, #tpu.memory_space<vmem>>, vector<1x16xf32>,
    %swap3A_490 = arith.constant 2 : i32
    %swap3A_491 = arith.index_cast %swap3A_490 : i32 to index
    %swap3A_492 = arith.constant 112 : index
    %swap3A_493 = tpu.vector_load %arg5[%swap3A_491, %swap3A_492] {strides = array<i32>} : memref<16x128xf32, #tpu.memory_space<vmem>>, vector<1x16xf32>,
    %swap3A_494 = vector.shape_cast %swap3A_493 : vector<1x16xf32> to vector<16xf32>
    %swap3A_495 = vector.shape_cast %sub3A_447 : vector<16xf32> to vector<1x16xf32>
    tpu.vector_store %arg5[%swap3A_491, %swap3A_492], %swap3A_495 {strides = array<i32>} : memref<16x128xf32, #tpu.memory_space<vmem>>, vector<1x16xf32>,
    %add3A_496 = arith.constant 3 : i32
    %add3A_497 = arith.addi %min3A_1, %add3A_496 : i32
    %add3A_498 = arith.constant 128 : i32
    %add3A_499 = arith.addi %add3A_497, %add3A_498 : i32
    %min3A_500 = arith.constant 256 : i32
    %min3A_501 = arith.minsi %add3A_499, %min3A_500 : i32
    %sub3A_502 = arith.constant 71 : i32
    %sub3A_503 = arith.subi %add3A_497, %sub3A_502 : i32
    %sub3A_504 = arith.constant 1 : i32
    %sub3A_505 = arith.subi %sub3A_503, %sub3A_504 : i32
    %max3A_506 = arith.constant 0 : i32
    %max3A_507 = arith.maxsi %sub3A_505, %max3A_506 : i32
    %get3A_508 = arith.index_cast %min3A_501 : i32 to index
    %get3A_509 = arith.constant 0 : index
    %get3A_510 = tpu.vector_load %arg4[%get3A_508, %get3A_509] {strides = array<i32>} : memref<257x128xf32, #tpu.memory_space<vmem>>, vector<1x16xf32>,
    %get3A_511 = vector.shape_cast %get3A_510 : vector<1x16xf32> to vector<16xf32>
    %add3A_512 = arith.addf %sub3A_377, %get3A_511 : vector<16xf32>
    %get3A_513 = arith.index_cast %max3A_507 : i32 to index
    %get3A_514 = arith.constant 0 : index
    %get3A_515 = tpu.vector_load %arg4[%get3A_513, %get3A_514] {strides = array<i32>} : memref<257x128xf32, #tpu.memory_space<vmem>>, vector<1x16xf32>,
    %get3A_516 = vector.shape_cast %get3A_515 : vector<1x16xf32> to vector<16xf32>
    %sub3A_517 = arith.subf %add3A_512, %get3A_516 : vector<16xf32>
    %get3A_518 = arith.index_cast %min3A_501 : i32 to index
    %get3A_519 = arith.constant 16 : index
    %get3A_520 = tpu.vector_load %arg4[%get3A_518, %get3A_519] {strides = array<i32>} : memref<257x128xf32, #tpu.memory_space<vmem>>, vector<1x16xf32>,
    %get3A_521 = vector.shape_cast %get3A_520 : vector<1x16xf32> to vector<16xf32>
    %add3A_522 = arith.addf %sub3A_387, %get3A_521 : vector<16xf32>
    %get3A_523 = arith.index_cast %max3A_507 : i32 to index
    %get3A_524 = arith.constant 16 : index
    %get3A_525 = tpu.vector_load %arg4[%get3A_523, %get3A_524] {strides = array<i32>} : memref<257x128xf32, #tpu.memory_space<vmem>>, vector<1x16xf32>,
    %get3A_526 = vector.shape_cast %get3A_525 : vector<1x16xf32> to vector<16xf32>
    %sub3A_527 = arith.subf %add3A_522, %get3A_526 : vector<16xf32>
    %get3A_528 = arith.index_cast %min3A_501 : i32 to index
    %get3A_529 = arith.constant 32 : index
    %get3A_530 = tpu.vector_load %arg4[%get3A_528, %get3A_529] {strides = array<i32>} : memref<257x128xf32, #tpu.memory_space<vmem>>, vector<1x16xf32>,
    %get3A_531 = vector.shape_cast %get3A_530 : vector<1x16xf32> to vector<16xf32>
    %add3A_532 = arith.addf %sub3A_397, %get3A_531 : vector<16xf32>
    %get3A_533 = arith.index_cast %max3A_507 : i32 to index
    %get3A_534 = arith.constant 32 : index
    %get3A_535 = tpu.vector_load %arg4[%get3A_533, %get3A_534] {strides = array<i32>} : memref<257x128xf32, #tpu.memory_space<vmem>>, vector<1x16xf32>,
    %get3A_536 = vector.shape_cast %get3A_535 : vector<1x16xf32> to vector<16xf32>
    %sub3A_537 = arith.subf %add3A_532, %get3A_536 : vector<16xf32>
    %get3A_538 = arith.index_cast %min3A_501 : i32 to index
    %get3A_539 = arith.constant 48 : index
    %get3A_540 = tpu.vector_load %arg4[%get3A_538, %get3A_539] {strides = array<i32>} : memref<257x128xf32, #tpu.memory_space<vmem>>, vector<1x16xf32>,
    %get3A_541 = vector.shape_cast %get3A_540 : vector<1x16xf32> to vector<16xf32>
    %add3A_542 = arith.addf %sub3A_407, %get3A_541 : vector<16xf32>
    %get3A_543 = arith.index_cast %max3A_507 : i32 to index
    %get3A_544 = arith.constant 48 : index
    %get3A_545 = tpu.vector_load %arg4[%get3A_543, %get3A_544] {strides = array<i32>} : memref<257x128xf32, #tpu.memory_space<vmem>>, vector<1x16xf32>,
    %get3A_546 = vector.shape_cast %get3A_545 : vector<1x16xf32> to vector<16xf32>
    %sub3A_547 = arith.subf %add3A_542, %get3A_546 : vector<16xf32>
    %get3A_548 = arith.index_cast %min3A_501 : i32 to index
    %get3A_549 = arith.constant 64 : index
    %get3A_550 = tpu.vector_load %arg4[%get3A_548, %get3A_549] {strides = array<i32>} : memref<257x128xf32, #tpu.memory_space<vmem>>, vector<1x16xf32>,
    %get3A_551 = vector.shape_cast %get3A_550 : vector<1x16xf32> to vector<16xf32>
    %add3A_552 = arith.addf %sub3A_417, %get3A_551 : vector<16xf32>
    %get3A_553 = arith.index_cast %max3A_507 : i32 to index
    %get3A_554 = arith.constant 64 : index
    %get3A_555 = tpu.vector_load %arg4[%get3A_553, %get3A_554] {strides = array<i32>} : memref<257x128xf32, #tpu.memory_space<vmem>>, vector<1x16xf32>,
    %get3A_556 = vector.shape_cast %get3A_555 : vector<1x16xf32> to vector<16xf32>
    %sub3A_557 = arith.subf %add3A_552, %get3A_556 : vector<16xf32>
    %get3A_558 = arith.index_cast %min3A_501 : i32 to index
    %get3A_559 = arith.constant 80 : index
    %get3A_560 = tpu.vector_load %arg4[%get3A_558, %get3A_559] {strides = array<i32>} : memref<257x128xf32, #tpu.memory_space<vmem>>, vector<1x16xf32>,
    %get3A_561 = vector.shape_cast %get3A_560 : vector<1x16xf32> to vector<16xf32>
    %add3A_562 = arith.addf %sub3A_427, %get3A_561 : vector<16xf32>
    %get3A_563 = arith.index_cast %max3A_507 : i32 to index
    %get3A_564 = arith.constant 80 : index
    %get3A_565 = tpu.vector_load %arg4[%get3A_563, %get3A_564] {strides = array<i32>} : memref<257x128xf32, #tpu.memory_space<vmem>>, vector<1x16xf32>,
    %get3A_566 = vector.shape_cast %get3A_565 : vector<1x16xf32> to vector<16xf32>
    %sub3A_567 = arith.subf %add3A_562, %get3A_566 : vector<16xf32>
    %get3A_568 = arith.index_cast %min3A_501 : i32 to index
    %get3A_569 = arith.constant 96 : index
    %get3A_570 = tpu.vector_load %arg4[%get3A_568, %get3A_569] {strides = array<i32>} : memref<257x128xf32, #tpu.memory_space<vmem>>, vector<1x16xf32>,
    %get3A_571 = vector.shape_cast %get3A_570 : vector<1x16xf32> to vector<16xf32>
    %add3A_572 = arith.addf %sub3A_437, %get3A_571 : vector<16xf32>
    %get3A_573 = arith.index_cast %max3A_507 : i32 to index
    %get3A_574 = arith.constant 96 : index
    %get3A_575 = tpu.vector_load %arg4[%get3A_573, %get3A_574] {strides = array<i32>} : memref<257x128xf32, #tpu.memory_space<vmem>>, vector<1x16xf32>,
    %get3A_576 = vector.shape_cast %get3A_575 : vector<1x16xf32> to vector<16xf32>
    %sub3A_577 = arith.subf %add3A_572, %get3A_576 : vector<16xf32>
    %get3A_578 = arith.index_cast %min3A_501 : i32 to index
    %get3A_579 = arith.constant 112 : index
    %get3A_580 = tpu.vector_load %arg4[%get3A_578, %get3A_579] {strides = array<i32>} : memref<257x128xf32, #tpu.memory_space<vmem>>, vector<1x16xf32>,
    %get3A_581 = vector.shape_cast %get3A_580 : vector<1x16xf32> to vector<16xf32>
    %add3A_582 = arith.addf %sub3A_447, %get3A_581 : vector<16xf32>
    %get3A_583 = arith.index_cast %max3A_507 : i32 to index
    %get3A_584 = arith.constant 112 : index
    %get3A_585 = tpu.vector_load %arg4[%get3A_583, %get3A_584] {strides = array<i32>} : memref<257x128xf32, #tpu.memory_space<vmem>>, vector<1x16xf32>,
    %get3A_586 = vector.shape_cast %get3A_585 : vector<1x16xf32> to vector<16xf32>
    %sub3A_587 = arith.subf %add3A_582, %get3A_586 : vector<16xf32>
    %swap3A_588 = arith.constant 3 : i32
    %swap3A_589 = arith.index_cast %swap3A_588 : i32 to index
    %swap3A_590 = arith.constant 0 : index
    %swap3A_591 = tpu.vector_load %arg5[%swap3A_589, %swap3A_590] {strides = array<i32>} : memref<16x128xf32, #tpu.memory_space<vmem>>, vector<1x16xf32>,
    %swap3A_592 = vector.shape_cast %swap3A_591 : vector<1x16xf32> to vector<16xf32>
    %swap3A_593 = vector.shape_cast %sub3A_517 : vector<16xf32> to vector<1x16xf32>
    tpu.vector_store %arg5[%swap3A_589, %swap3A_590], %swap3A_593 {strides = array<i32>} : memref<16x128xf32, #tpu.memory_space<vmem>>, vector<1x16xf32>,
    %swap3A_594 = arith.constant 3 : i32
    %swap3A_595 = arith.index_cast %swap3A_594 : i32 to index
    %swap3A_596 = arith.constant 16 : index
    %swap3A_597 = tpu.vector_load %arg5[%swap3A_595, %swap3A_596] {strides = array<i32>} : memref<16x128xf32, #tpu.memory_space<vmem>>, vector<1x16xf32>,
    %swap3A_598 = vector.shape_cast %swap3A_597 : vector<1x16xf32> to vector<16xf32>
    %swap3A_599 = vector.shape_cast %sub3A_527 : vector<16xf32> to vector<1x16xf32>
    tpu.vector_store %arg5[%swap3A_595, %swap3A_596], %swap3A_599 {strides = array<i32>} : memref<16x128xf32, #tpu.memory_space<vmem>>, vector<1x16xf32>,
    %swap3A_600 = arith.constant 3 : i32
    %swap3A_601 = arith.index_cast %swap3A_600 : i32 to index
    %swap3A_602 = arith.constant 32 : index
    %swap3A_603 = tpu.vector_load %arg5[%swap3A_601, %swap3A_602] {strides = array<i32>} : memref<16x128xf32, #tpu.memory_space<vmem>>, vector<1x16xf32>,
    %swap3A_604 = vector.shape_cast %swap3A_603 : vector<1x16xf32> to vector<16xf32>
    %swap3A_605 = vector.shape_cast %sub3A_537 : vector<16xf32> to vector<1x16xf32>
    tpu.vector_store %arg5[%swap3A_601, %swap3A_602], %swap3A_605 {strides = array<i32>} : memref<16x128xf32, #tpu.memory_space<vmem>>, vector<1x16xf32>,
    %swap3A_606 = arith.constant 3 : i32
    %swap3A_607 = arith.index_cast %swap3A_606 : i32 to index
    %swap3A_608 = arith.constant 48 : index
    %swap3A_609 = tpu.vector_load %arg5[%swap3A_607, %swap3A_608] {strides = array<i32>} : memref<16x128xf32, #tpu.memory_space<vmem>>, vector<1x16xf32>,
    %swap3A_610 = vector.shape_cast %swap3A_609 : vector<1x16xf32> to vector<16xf32>
    %swap3A_611 = vector.shape_cast %sub3A_547 : vector<16xf32> to vector<1x16xf32>
    tpu.vector_store %arg5[%swap3A_607, %swap3A_608], %swap3A_611 {strides = array<i32>} : memref<16x128xf32, #tpu.memory_space<vmem>>, vector<1x16xf32>,
    %swap3A_612 = arith.constant 3 : i32
    %swap3A_613 = arith.index_cast %swap3A_612 : i32 to index
    %swap3A_614 = arith.constant 64 : index
    %swap3A_615 = tpu.vector_load %arg5[%swap3A_613, %swap3A_614] {strides = array<i32>} : memref<16x128xf32, #tpu.memory_space<vmem>>, vector<1x16xf32>,
    %swap3A_616 = vector.shape_cast %swap3A_615 : vector<1x16xf32> to vector<16xf32>
    %swap3A_617 = vector.shape_cast %sub3A_557 : vector<16xf32> to vector<1x16xf32>
    tpu.vector_store %arg5[%swap3A_613, %swap3A_614], %swap3A_617 {strides = array<i32>} : memref<16x128xf32, #tpu.memory_space<vmem>>, vector<1x16xf32>,
    %swap3A_618 = arith.constant 3 : i32
    %swap3A_619 = arith.index_cast %swap3A_618 : i32 to index
    %swap3A_620 = arith.constant 80 : index
    %swap3A_621 = tpu.vector_load %arg5[%swap3A_619, %swap3A_620] {strides = array<i32>} : memref<16x128xf32, #tpu.memory_space<vmem>>, vector<1x16xf32>,
    %swap3A_622 = vector.shape_cast %swap3A_621 : vector<1x16xf32> to vector<16xf32>
    %swap3A_623 = vector.shape_cast %sub3A_567 : vector<16xf32> to vector<1x16xf32>
    tpu.vector_store %arg5[%swap3A_619, %swap3A_620], %swap3A_623 {strides = array<i32>} : memref<16x128xf32, #tpu.memory_space<vmem>>, vector<1x16xf32>,
    %swap3A_624 = arith.constant 3 : i32
    %swap3A_625 = arith.index_cast %swap3A_624 : i32 to index
    %swap3A_626 = arith.constant 96 : index
    %swap3A_627 = tpu.vector_load %arg5[%swap3A_625, %swap3A_626] {strides = array<i32>} : memref<16x128xf32, #tpu.memory_space<vmem>>, vector<1x16xf32>,
    %swap3A_628 = vector.shape_cast %swap3A_627 : vector<1x16xf32> to vector<16xf32>
    %swap3A_629 = vector.shape_cast %sub3A_577 : vector<16xf32> to vector<1x16xf32>
    tpu.vector_store %arg5[%swap3A_625, %swap3A_626], %swap3A_629 {strides = array<i32>} : memref<16x128xf32, #tpu.memory_space<vmem>>, vector<1x16xf32>,
    %swap3A_630 = arith.constant 3 : i32
    %swap3A_631 = arith.index_cast %swap3A_630 : i32 to index
    %swap3A_632 = arith.constant 112 : index
    %swap3A_633 = tpu.vector_load %arg5[%swap3A_631, %swap3A_632] {strides = array<i32>} : memref<16x128xf32, #tpu.memory_space<vmem>>, vector<1x16xf32>,
    %swap3A_634 = vector.shape_cast %swap3A_633 : vector<1x16xf32> to vector<16xf32>
    %swap3A_635 = vector.shape_cast %sub3A_587 : vector<16xf32> to vector<1x16xf32>
    tpu.vector_store %arg5[%swap3A_631, %swap3A_632], %swap3A_635 {strides = array<i32>} : memref<16x128xf32, #tpu.memory_space<vmem>>, vector<1x16xf32>,
    %add3A_636 = arith.constant 4 : i32
    %add3A_637 = arith.addi %min3A_1, %add3A_636 : i32
    %add3A_638 = arith.constant 128 : i32
    %add3A_639 = arith.addi %add3A_637, %add3A_638 : i32
    %min3A_640 = arith.constant 256 : i32
    %min3A_641 = arith.minsi %add3A_639, %min3A_640 : i32
    %sub3A_642 = arith.constant 71 : i32
    %sub3A_643 = arith.subi %add3A_637, %sub3A_642 : i32
    %sub3A_644 = arith.constant 1 : i32
    %sub3A_645 = arith.subi %sub3A_643, %sub3A_644 : i32
    %max3A_646 = arith.constant 0 : i32
    %max3A_647 = arith.maxsi %sub3A_645, %max3A_646 : i32
    %get3A_648 = arith.index_cast %min3A_641 : i32 to index
    %get3A_649 = arith.constant 0 : index
    %get3A_650 = tpu.vector_load %arg4[%get3A_648, %get3A_649] {strides = array<i32>} : memref<257x128xf32, #tpu.memory_space<vmem>>, vector<1x16xf32>,
    %get3A_651 = vector.shape_cast %get3A_650 : vector<1x16xf32> to vector<16xf32>
    %add3A_652 = arith.addf %sub3A_517, %get3A_651 : vector<16xf32>
    %get3A_653 = arith.index_cast %max3A_647 : i32 to index
    %get3A_654 = arith.constant 0 : index
    %get3A_655 = tpu.vector_load %arg4[%get3A_653, %get3A_654] {strides = array<i32>} : memref<257x128xf32, #tpu.memory_space<vmem>>, vector<1x16xf32>,
    %get3A_656 = vector.shape_cast %get3A_655 : vector<1x16xf32> to vector<16xf32>
    %sub3A_657 = arith.subf %add3A_652, %get3A_656 : vector<16xf32>
    %get3A_658 = arith.index_cast %min3A_641 : i32 to index
    %get3A_659 = arith.constant 16 : index
    %get3A_660 = tpu.vector_load %arg4[%get3A_658, %get3A_659] {strides = array<i32>} : memref<257x128xf32, #tpu.memory_space<vmem>>, vector<1x16xf32>,
    %get3A_661 = vector.shape_cast %get3A_660 : vector<1x16xf32> to vector<16xf32>
    %add3A_662 = arith.addf %sub3A_527, %get3A_661 : vector<16xf32>
    %get3A_663 = arith.index_cast %max3A_647 : i32 to index
    %get3A_664 = arith.constant 16 : index
    %get3A_665 = tpu.vector_load %arg4[%get3A_663, %get3A_664] {strides = array<i32>} : memref<257x128xf32, #tpu.memory_space<vmem>>, vector<1x16xf32>,
    %get3A_666 = vector.shape_cast %get3A_665 : vector<1x16xf32> to vector<16xf32>
    %sub3A_667 = arith.subf %add3A_662, %get3A_666 : vector<16xf32>
    %get3A_668 = arith.index_cast %min3A_641 : i32 to index
    %get3A_669 = arith.constant 32 : index
    %get3A_670 = tpu.vector_load %arg4[%get3A_668, %get3A_669] {strides = array<i32>} : memref<257x128xf32, #tpu.memory_space<vmem>>, vector<1x16xf32>,
    %get3A_671 = vector.shape_cast %get3A_670 : vector<1x16xf32> to vector<16xf32>
    %add3A_672 = arith.addf %sub3A_537, %get3A_671 : vector<16xf32>
    %get3A_673 = arith.index_cast %max3A_647 : i32 to index
    %get3A_674 = arith.constant 32 : index
    %get3A_675 = tpu.vector_load %arg4[%get3A_673, %get3A_674] {strides = array<i32>} : memref<257x128xf32, #tpu.memory_space<vmem>>, vector<1x16xf32>,
    %get3A_676 = vector.shape_cast %get3A_675 : vector<1x16xf32> to vector<16xf32>
    %sub3A_677 = arith.subf %add3A_672, %get3A_676 : vector<16xf32>
    %get3A_678 = arith.index_cast %min3A_641 : i32 to index
    %get3A_679 = arith.constant 48 : index
    %get3A_680 = tpu.vector_load %arg4[%get3A_678, %get3A_679] {strides = array<i32>} : memref<257x128xf32, #tpu.memory_space<vmem>>, vector<1x16xf32>,
    %get3A_681 = vector.shape_cast %get3A_680 : vector<1x16xf32> to vector<16xf32>
    %add3A_682 = arith.addf %sub3A_547, %get3A_681 : vector<16xf32>
    %get3A_683 = arith.index_cast %max3A_647 : i32 to index
    %get3A_684 = arith.constant 48 : index
    %get3A_685 = tpu.vector_load %arg4[%get3A_683, %get3A_684] {strides = array<i32>} : memref<257x128xf32, #tpu.memory_space<vmem>>, vector<1x16xf32>,
    %get3A_686 = vector.shape_cast %get3A_685 : vector<1x16xf32> to vector<16xf32>
    %sub3A_687 = arith.subf %add3A_682, %get3A_686 : vector<16xf32>
    %get3A_688 = arith.index_cast %min3A_641 : i32 to index
    %get3A_689 = arith.constant 64 : index
    %get3A_690 = tpu.vector_load %arg4[%get3A_688, %get3A_689] {strides = array<i32>} : memref<257x128xf32, #tpu.memory_space<vmem>>, vector<1x16xf32>,
    %get3A_691 = vector.shape_cast %get3A_690 : vector<1x16xf32> to vector<16xf32>
    %add3A_692 = arith.addf %sub3A_557, %get3A_691 : vector<16xf32>
    %get3A_693 = arith.index_cast %max3A_647 : i32 to index
    %get3A_694 = arith.constant 64 : index
    %get3A_695 = tpu.vector_load %arg4[%get3A_693, %get3A_694] {strides = array<i32>} : memref<257x128xf32, #tpu.memory_space<vmem>>, vector<1x16xf32>,
    %get3A_696 = vector.shape_cast %get3A_695 : vector<1x16xf32> to vector<16xf32>
    %sub3A_697 = arith.subf %add3A_692, %get3A_696 : vector<16xf32>
    %get3A_698 = arith.index_cast %min3A_641 : i32 to index
    %get3A_699 = arith.constant 80 : index
    %get3A_700 = tpu.vector_load %arg4[%get3A_698, %get3A_699] {strides = array<i32>} : memref<257x128xf32, #tpu.memory_space<vmem>>, vector<1x16xf32>,
    %get3A_701 = vector.shape_cast %get3A_700 : vector<1x16xf32> to vector<16xf32>
    %add3A_702 = arith.addf %sub3A_567, %get3A_701 : vector<16xf32>
    %get3A_703 = arith.index_cast %max3A_647 : i32 to index
    %get3A_704 = arith.constant 80 : index
    %get3A_705 = tpu.vector_load %arg4[%get3A_703, %get3A_704] {strides = array<i32>} : memref<257x128xf32, #tpu.memory_space<vmem>>, vector<1x16xf32>,
    %get3A_706 = vector.shape_cast %get3A_705 : vector<1x16xf32> to vector<16xf32>
    %sub3A_707 = arith.subf %add3A_702, %get3A_706 : vector<16xf32>
    %get3A_708 = arith.index_cast %min3A_641 : i32 to index
    %get3A_709 = arith.constant 96 : index
    %get3A_710 = tpu.vector_load %arg4[%get3A_708, %get3A_709] {strides = array<i32>} : memref<257x128xf32, #tpu.memory_space<vmem>>, vector<1x16xf32>,
    %get3A_711 = vector.shape_cast %get3A_710 : vector<1x16xf32> to vector<16xf32>
    %add3A_712 = arith.addf %sub3A_577, %get3A_711 : vector<16xf32>
    %get3A_713 = arith.index_cast %max3A_647 : i32 to index
    %get3A_714 = arith.constant 96 : index
    %get3A_715 = tpu.vector_load %arg4[%get3A_713, %get3A_714] {strides = array<i32>} : memref<257x128xf32, #tpu.memory_space<vmem>>, vector<1x16xf32>,
    %get3A_716 = vector.shape_cast %get3A_715 : vector<1x16xf32> to vector<16xf32>
    %sub3A_717 = arith.subf %add3A_712, %get3A_716 : vector<16xf32>
    %get3A_718 = arith.index_cast %min3A_641 : i32 to index
    %get3A_719 = arith.constant 112 : index
    %get3A_720 = tpu.vector_load %arg4[%get3A_718, %get3A_719] {strides = array<i32>} : memref<257x128xf32, #tpu.memory_space<vmem>>, vector<1x16xf32>,
    %get3A_721 = vector.shape_cast %get3A_720 : vector<1x16xf32> to vector<16xf32>
    %add3A_722 = arith.addf %sub3A_587, %get3A_721 : vector<16xf32>
    %get3A_723 = arith.index_cast %max3A_647 : i32 to index
    %get3A_724 = arith.constant 112 : index
    %get3A_725 = tpu.vector_load %arg4[%get3A_723, %get3A_724] {strides = array<i32>} : memref<257x128xf32, #tpu.memory_space<vmem>>, vector<1x16xf32>,
    %get3A_726 = vector.shape_cast %get3A_725 : vector<1x16xf32> to vector<16xf32>
    %sub3A_727 = arith.subf %add3A_722, %get3A_726 : vector<16xf32>
    %swap3A_728 = arith.constant 4 : i32
    %swap3A_729 = arith.index_cast %swap3A_728 : i32 to index
    %swap3A_730 = arith.constant 0 : index
    %swap3A_731 = tpu.vector_load %arg5[%swap3A_729, %swap3A_730] {strides = array<i32>} : memref<16x128xf32, #tpu.memory_space<vmem>>, vector<1x16xf32>,
    %swap3A_732 = vector.shape_cast %swap3A_731 : vector<1x16xf32> to vector<16xf32>
    %swap3A_733 = vector.shape_cast %sub3A_657 : vector<16xf32> to vector<1x16xf32>
    tpu.vector_store %arg5[%swap3A_729, %swap3A_730], %swap3A_733 {strides = array<i32>} : memref<16x128xf32, #tpu.memory_space<vmem>>, vector<1x16xf32>,
    %swap3A_734 = arith.constant 4 : i32
    %swap3A_735 = arith.index_cast %swap3A_734 : i32 to index
    %swap3A_736 = arith.constant 16 : index
    %swap3A_737 = tpu.vector_load %arg5[%swap3A_735, %swap3A_736] {strides = array<i32>} : memref<16x128xf32, #tpu.memory_space<vmem>>, vector<1x16xf32>,
    %swap3A_738 = vector.shape_cast %swap3A_737 : vector<1x16xf32> to vector<16xf32>
    %swap3A_739 = vector.shape_cast %sub3A_667 : vector<16xf32> to vector<1x16xf32>
    tpu.vector_store %arg5[%swap3A_735, %swap3A_736], %swap3A_739 {strides = array<i32>} : memref<16x128xf32, #tpu.memory_space<vmem>>, vector<1x16xf32>,
    %swap3A_740 = arith.constant 4 : i32
    %swap3A_741 = arith.index_cast %swap3A_740 : i32 to index
    %swap3A_742 = arith.constant 32 : index
    %swap3A_743 = tpu.vector_load %arg5[%swap3A_741, %swap3A_742] {strides = array<i32>} : memref<16x128xf32, #tpu.memory_space<vmem>>, vector<1x16xf32>,
    %swap3A_744 = vector.shape_cast %swap3A_743 : vector<1x16xf32> to vector<16xf32>
    %swap3A_745 = vector.shape_cast %sub3A_677 : vector<16xf32> to vector<1x16xf32>
    tpu.vector_store %arg5[%swap3A_741, %swap3A_742], %swap3A_745 {strides = array<i32>} : memref<16x128xf32, #tpu.memory_space<vmem>>, vector<1x16xf32>,
    %swap3A_746 = arith.constant 4 : i32
    %swap3A_747 = arith.index_cast %swap3A_746 : i32 to index
    %swap3A_748 = arith.constant 48 : index
    %swap3A_749 = tpu.vector_load %arg5[%swap3A_747, %swap3A_748] {strides = array<i32>} : memref<16x128xf32, #tpu.memory_space<vmem>>, vector<1x16xf32>,
    %swap3A_750 = vector.shape_cast %swap3A_749 : vector<1x16xf32> to vector<16xf32>
    %swap3A_751 = vector.shape_cast %sub3A_687 : vector<16xf32> to vector<1x16xf32>
    tpu.vector_store %arg5[%swap3A_747, %swap3A_748], %swap3A_751 {strides = array<i32>} : memref<16x128xf32, #tpu.memory_space<vmem>>, vector<1x16xf32>,
    %swap3A_752 = arith.constant 4 : i32
    %swap3A_753 = arith.index_cast %swap3A_752 : i32 to index
    %swap3A_754 = arith.constant 64 : index
    %swap3A_755 = tpu.vector_load %arg5[%swap3A_753, %swap3A_754] {strides = array<i32>} : memref<16x128xf32, #tpu.memory_space<vmem>>, vector<1x16xf32>,
    %swap3A_756 = vector.shape_cast %swap3A_755 : vector<1x16xf32> to vector<16xf32>
    %swap3A_757 = vector.shape_cast %sub3A_697 : vector<16xf32> to vector<1x16xf32>
    tpu.vector_store %arg5[%swap3A_753, %swap3A_754], %swap3A_757 {strides = array<i32>} : memref<16x128xf32, #tpu.memory_space<vmem>>, vector<1x16xf32>,
    %swap3A_758 = arith.constant 4 : i32
    %swap3A_759 = arith.index_cast %swap3A_758 : i32 to index
    %swap3A_760 = arith.constant 80 : index
    %swap3A_761 = tpu.vector_load %arg5[%swap3A_759, %swap3A_760] {strides = array<i32>} : memref<16x128xf32, #tpu.memory_space<vmem>>, vector<1x16xf32>,
    %swap3A_762 = vector.shape_cast %swap3A_761 : vector<1x16xf32> to vector<16xf32>
    %swap3A_763 = vector.shape_cast %sub3A_707 : vector<16xf32> to vector<1x16xf32>
    tpu.vector_store %arg5[%swap3A_759, %swap3A_760], %swap3A_763 {strides = array<i32>} : memref<16x128xf32, #tpu.memory_space<vmem>>, vector<1x16xf32>,
    %swap3A_764 = arith.constant 4 : i32
    %swap3A_765 = arith.index_cast %swap3A_764 : i32 to index
    %swap3A_766 = arith.constant 96 : index
    %swap3A_767 = tpu.vector_load %arg5[%swap3A_765, %swap3A_766] {strides = array<i32>} : memref<16x128xf32, #tpu.memory_space<vmem>>, vector<1x16xf32>,
    %swap3A_768 = vector.shape_cast %swap3A_767 : vector<1x16xf32> to vector<16xf32>
    %swap3A_769 = vector.shape_cast %sub3A_717 : vector<16xf32> to vector<1x16xf32>
    tpu.vector_store %arg5[%swap3A_765, %swap3A_766], %swap3A_769 {strides = array<i32>} : memref<16x128xf32, #tpu.memory_space<vmem>>, vector<1x16xf32>,
    %swap3A_770 = arith.constant 4 : i32
    %swap3A_771 = arith.index_cast %swap3A_770 : i32 to index
    %swap3A_772 = arith.constant 112 : index
    %swap3A_773 = tpu.vector_load %arg5[%swap3A_771, %swap3A_772] {strides = array<i32>} : memref<16x128xf32, #tpu.memory_space<vmem>>, vector<1x16xf32>,
    %swap3A_774 = vector.shape_cast %swap3A_773 : vector<1x16xf32> to vector<16xf32>
    %swap3A_775 = vector.shape_cast %sub3A_727 : vector<16xf32> to vector<1x16xf32>
    tpu.vector_store %arg5[%swap3A_771, %swap3A_772], %swap3A_775 {strides = array<i32>} : memref<16x128xf32, #tpu.memory_space<vmem>>, vector<1x16xf32>,
    %add3A_776 = arith.constant 5 : i32
    %add3A_777 = arith.addi %min3A_1, %add3A_776 : i32
    %add3A_778 = arith.constant 128 : i32
    %add3A_779 = arith.addi %add3A_777, %add3A_778 : i32
    %min3A_780 = arith.constant 256 : i32
    %min3A_781 = arith.minsi %add3A_779, %min3A_780 : i32
    %sub3A_782 = arith.constant 71 : i32
    %sub3A_783 = arith.subi %add3A_777, %sub3A_782 : i32
    %sub3A_784 = arith.constant 1 : i32
    %sub3A_785 = arith.subi %sub3A_783, %sub3A_784 : i32
    %max3A_786 = arith.constant 0 : i32
    %max3A_787 = arith.maxsi %sub3A_785, %max3A_786 : i32
    %get3A_788 = arith.index_cast %min3A_781 : i32 to index
    %get3A_789 = arith.constant 0 : index
    %get3A_790 = tpu.vector_load %arg4[%get3A_788, %get3A_789] {strides = array<i32>} : memref<257x128xf32, #tpu.memory_space<vmem>>, vector<1x16xf32>,
    %get3A_791 = vector.shape_cast %get3A_790 : vector<1x16xf32> to vector<16xf32>
    %add3A_792 = arith.addf %sub3A_657, %get3A_791 : vector<16xf32>
    %get3A_793 = arith.index_cast %max3A_787 : i32 to index
    %get3A_794 = arith.constant 0 : index
    %get3A_795 = tpu.vector_load %arg4[%get3A_793, %get3A_794] {strides = array<i32>} : memref<257x128xf32, #tpu.memory_space<vmem>>, vector<1x16xf32>,
    %get3A_796 = vector.shape_cast %get3A_795 : vector<1x16xf32> to vector<16xf32>
    %sub3A_797 = arith.subf %add3A_792, %get3A_796 : vector<16xf32>
    %get3A_798 = arith.index_cast %min3A_781 : i32 to index
    %get3A_799 = arith.constant 16 : index
    %get3A_800 = tpu.vector_load %arg4[%get3A_798, %get3A_799] {strides = array<i32>} : memref<257x128xf32, #tpu.memory_space<vmem>>, vector<1x16xf32>,
    %get3A_801 = vector.shape_cast %get3A_800 : vector<1x16xf32> to vector<16xf32>
    %add3A_802 = arith.addf %sub3A_667, %get3A_801 : vector<16xf32>
    %get3A_803 = arith.index_cast %max3A_787 : i32 to index
    %get3A_804 = arith.constant 16 : index
    %get3A_805 = tpu.vector_load %arg4[%get3A_803, %get3A_804] {strides = array<i32>} : memref<257x128xf32, #tpu.memory_space<vmem>>, vector<1x16xf32>,
    %get3A_806 = vector.shape_cast %get3A_805 : vector<1x16xf32> to vector<16xf32>
    %sub3A_807 = arith.subf %add3A_802, %get3A_806 : vector<16xf32>
    %get3A_808 = arith.index_cast %min3A_781 : i32 to index
    %get3A_809 = arith.constant 32 : index
    %get3A_810 = tpu.vector_load %arg4[%get3A_808, %get3A_809] {strides = array<i32>} : memref<257x128xf32, #tpu.memory_space<vmem>>, vector<1x16xf32>,
    %get3A_811 = vector.shape_cast %get3A_810 : vector<1x16xf32> to vector<16xf32>
    %add3A_812 = arith.addf %sub3A_677, %get3A_811 : vector<16xf32>
    %get3A_813 = arith.index_cast %max3A_787 : i32 to index
    %get3A_814 = arith.constant 32 : index
    %get3A_815 = tpu.vector_load %arg4[%get3A_813, %get3A_814] {strides = array<i32>} : memref<257x128xf32, #tpu.memory_space<vmem>>, vector<1x16xf32>,
    %get3A_816 = vector.shape_cast %get3A_815 : vector<1x16xf32> to vector<16xf32>
    %sub3A_817 = arith.subf %add3A_812, %get3A_816 : vector<16xf32>
    %get3A_818 = arith.index_cast %min3A_781 : i32 to index
    %get3A_819 = arith.constant 48 : index
    %get3A_820 = tpu.vector_load %arg4[%get3A_818, %get3A_819] {strides = array<i32>} : memref<257x128xf32, #tpu.memory_space<vmem>>, vector<1x16xf32>,
    %get3A_821 = vector.shape_cast %get3A_820 : vector<1x16xf32> to vector<16xf32>
    %add3A_822 = arith.addf %sub3A_687, %get3A_821 : vector<16xf32>
    %get3A_823 = arith.index_cast %max3A_787 : i32 to index
    %get3A_824 = arith.constant 48 : index
    %get3A_825 = tpu.vector_load %arg4[%get3A_823, %get3A_824] {strides = array<i32>} : memref<257x128xf32, #tpu.memory_space<vmem>>, vector<1x16xf32>,
    %get3A_826 = vector.shape_cast %get3A_825 : vector<1x16xf32> to vector<16xf32>
    %sub3A_827 = arith.subf %add3A_822, %get3A_826 : vector<16xf32>
    %get3A_828 = arith.index_cast %min3A_781 : i32 to index
    %get3A_829 = arith.constant 64 : index
    %get3A_830 = tpu.vector_load %arg4[%get3A_828, %get3A_829] {strides = array<i32>} : memref<257x128xf32, #tpu.memory_space<vmem>>, vector<1x16xf32>,
    %get3A_831 = vector.shape_cast %get3A_830 : vector<1x16xf32> to vector<16xf32>
    %add3A_832 = arith.addf %sub3A_697, %get3A_831 : vector<16xf32>
    %get3A_833 = arith.index_cast %max3A_787 : i32 to index
    %get3A_834 = arith.constant 64 : index
    %get3A_835 = tpu.vector_load %arg4[%get3A_833, %get3A_834] {strides = array<i32>} : memref<257x128xf32, #tpu.memory_space<vmem>>, vector<1x16xf32>,
    %get3A_836 = vector.shape_cast %get3A_835 : vector<1x16xf32> to vector<16xf32>
    %sub3A_837 = arith.subf %add3A_832, %get3A_836 : vector<16xf32>
    %get3A_838 = arith.index_cast %min3A_781 : i32 to index
    %get3A_839 = arith.constant 80 : index
    %get3A_840 = tpu.vector_load %arg4[%get3A_838, %get3A_839] {strides = array<i32>} : memref<257x128xf32, #tpu.memory_space<vmem>>, vector<1x16xf32>,
    %get3A_841 = vector.shape_cast %get3A_840 : vector<1x16xf32> to vector<16xf32>
    %add3A_842 = arith.addf %sub3A_707, %get3A_841 : vector<16xf32>
    %get3A_843 = arith.index_cast %max3A_787 : i32 to index
    %get3A_844 = arith.constant 80 : index
    %get3A_845 = tpu.vector_load %arg4[%get3A_843, %get3A_844] {strides = array<i32>} : memref<257x128xf32, #tpu.memory_space<vmem>>, vector<1x16xf32>,
    %get3A_846 = vector.shape_cast %get3A_845 : vector<1x16xf32> to vector<16xf32>
    %sub3A_847 = arith.subf %add3A_842, %get3A_846 : vector<16xf32>
    %get3A_848 = arith.index_cast %min3A_781 : i32 to index
    %get3A_849 = arith.constant 96 : index
    %get3A_850 = tpu.vector_load %arg4[%get3A_848, %get3A_849] {strides = array<i32>} : memref<257x128xf32, #tpu.memory_space<vmem>>, vector<1x16xf32>,
    %get3A_851 = vector.shape_cast %get3A_850 : vector<1x16xf32> to vector<16xf32>
    %add3A_852 = arith.addf %sub3A_717, %get3A_851 : vector<16xf32>
    %get3A_853 = arith.index_cast %max3A_787 : i32 to index
    %get3A_854 = arith.constant 96 : index
    %get3A_855 = tpu.vector_load %arg4[%get3A_853, %get3A_854] {strides = array<i32>} : memref<257x128xf32, #tpu.memory_space<vmem>>, vector<1x16xf32>,
    %get3A_856 = vector.shape_cast %get3A_855 : vector<1x16xf32> to vector<16xf32>
    %sub3A_857 = arith.subf %add3A_852, %get3A_856 : vector<16xf32>
    %get3A_858 = arith.index_cast %min3A_781 : i32 to index
    %get3A_859 = arith.constant 112 : index
    %get3A_860 = tpu.vector_load %arg4[%get3A_858, %get3A_859] {strides = array<i32>} : memref<257x128xf32, #tpu.memory_space<vmem>>, vector<1x16xf32>,
    %get3A_861 = vector.shape_cast %get3A_860 : vector<1x16xf32> to vector<16xf32>
    %add3A_862 = arith.addf %sub3A_727, %get3A_861 : vector<16xf32>
    %get3A_863 = arith.index_cast %max3A_787 : i32 to index
    %get3A_864 = arith.constant 112 : index
    %get3A_865 = tpu.vector_load %arg4[%get3A_863, %get3A_864] {strides = array<i32>} : memref<257x128xf32, #tpu.memory_space<vmem>>, vector<1x16xf32>,
    %get3A_866 = vector.shape_cast %get3A_865 : vector<1x16xf32> to vector<16xf32>
    %sub3A_867 = arith.subf %add3A_862, %get3A_866 : vector<16xf32>
    %swap3A_868 = arith.constant 5 : i32
    %swap3A_869 = arith.index_cast %swap3A_868 : i32 to index
    %swap3A_870 = arith.constant 0 : index
    %swap3A_871 = tpu.vector_load %arg5[%swap3A_869, %swap3A_870] {strides = array<i32>} : memref<16x128xf32, #tpu.memory_space<vmem>>, vector<1x16xf32>,
    %swap3A_872 = vector.shape_cast %swap3A_871 : vector<1x16xf32> to vector<16xf32>
    %swap3A_873 = vector.shape_cast %sub3A_797 : vector<16xf32> to vector<1x16xf32>
    tpu.vector_store %arg5[%swap3A_869, %swap3A_870], %swap3A_873 {strides = array<i32>} : memref<16x128xf32, #tpu.memory_space<vmem>>, vector<1x16xf32>,
    %swap3A_874 = arith.constant 5 : i32
    %swap3A_875 = arith.index_cast %swap3A_874 : i32 to index
    %swap3A_876 = arith.constant 16 : index
    %swap3A_877 = tpu.vector_load %arg5[%swap3A_875, %swap3A_876] {strides = array<i32>} : memref<16x128xf32, #tpu.memory_space<vmem>>, vector<1x16xf32>,
    %swap3A_878 = vector.shape_cast %swap3A_877 : vector<1x16xf32> to vector<16xf32>
    %swap3A_879 = vector.shape_cast %sub3A_807 : vector<16xf32> to vector<1x16xf32>
    tpu.vector_store %arg5[%swap3A_875, %swap3A_876], %swap3A_879 {strides = array<i32>} : memref<16x128xf32, #tpu.memory_space<vmem>>, vector<1x16xf32>,
    %swap3A_880 = arith.constant 5 : i32
    %swap3A_881 = arith.index_cast %swap3A_880 : i32 to index
    %swap3A_882 = arith.constant 32 : index
    %swap3A_883 = tpu.vector_load %arg5[%swap3A_881, %swap3A_882] {strides = array<i32>} : memref<16x128xf32, #tpu.memory_space<vmem>>, vector<1x16xf32>,
    %swap3A_884 = vector.shape_cast %swap3A_883 : vector<1x16xf32> to vector<16xf32>
    %swap3A_885 = vector.shape_cast %sub3A_817 : vector<16xf32> to vector<1x16xf32>
    tpu.vector_store %arg5[%swap3A_881, %swap3A_882], %swap3A_885 {strides = array<i32>} : memref<16x128xf32, #tpu.memory_space<vmem>>, vector<1x16xf32>,
    %swap3A_886 = arith.constant 5 : i32
    %swap3A_887 = arith.index_cast %swap3A_886 : i32 to index
    %swap3A_888 = arith.constant 48 : index
    %swap3A_889 = tpu.vector_load %arg5[%swap3A_887, %swap3A_888] {strides = array<i32>} : memref<16x128xf32, #tpu.memory_space<vmem>>, vector<1x16xf32>,
    %swap3A_890 = vector.shape_cast %swap3A_889 : vector<1x16xf32> to vector<16xf32>
    %swap3A_891 = vector.shape_cast %sub3A_827 : vector<16xf32> to vector<1x16xf32>
    tpu.vector_store %arg5[%swap3A_887, %swap3A_888], %swap3A_891 {strides = array<i32>} : memref<16x128xf32, #tpu.memory_space<vmem>>, vector<1x16xf32>,
    %swap3A_892 = arith.constant 5 : i32
    %swap3A_893 = arith.index_cast %swap3A_892 : i32 to index
    %swap3A_894 = arith.constant 64 : index
    %swap3A_895 = tpu.vector_load %arg5[%swap3A_893, %swap3A_894] {strides = array<i32>} : memref<16x128xf32, #tpu.memory_space<vmem>>, vector<1x16xf32>,
    %swap3A_896 = vector.shape_cast %swap3A_895 : vector<1x16xf32> to vector<16xf32>
    %swap3A_897 = vector.shape_cast %sub3A_837 : vector<16xf32> to vector<1x16xf32>
    tpu.vector_store %arg5[%swap3A_893, %swap3A_894], %swap3A_897 {strides = array<i32>} : memref<16x128xf32, #tpu.memory_space<vmem>>, vector<1x16xf32>,
    %swap3A_898 = arith.constant 5 : i32
    %swap3A_899 = arith.index_cast %swap3A_898 : i32 to index
    %swap3A_900 = arith.constant 80 : index
    %swap3A_901 = tpu.vector_load %arg5[%swap3A_899, %swap3A_900] {strides = array<i32>} : memref<16x128xf32, #tpu.memory_space<vmem>>, vector<1x16xf32>,
    %swap3A_902 = vector.shape_cast %swap3A_901 : vector<1x16xf32> to vector<16xf32>
    %swap3A_903 = vector.shape_cast %sub3A_847 : vector<16xf32> to vector<1x16xf32>
    tpu.vector_store %arg5[%swap3A_899, %swap3A_900], %swap3A_903 {strides = array<i32>} : memref<16x128xf32, #tpu.memory_space<vmem>>, vector<1x16xf32>,
    %swap3A_904 = arith.constant 5 : i32
    %swap3A_905 = arith.index_cast %swap3A_904 : i32 to index
    %swap3A_906 = arith.constant 96 : index
    %swap3A_907 = tpu.vector_load %arg5[%swap3A_905, %swap3A_906] {strides = array<i32>} : memref<16x128xf32, #tpu.memory_space<vmem>>, vector<1x16xf32>,
    %swap3A_908 = vector.shape_cast %swap3A_907 : vector<1x16xf32> to vector<16xf32>
    %swap3A_909 = vector.shape_cast %sub3A_857 : vector<16xf32> to vector<1x16xf32>
    tpu.vector_store %arg5[%swap3A_905, %swap3A_906], %swap3A_909 {strides = array<i32>} : memref<16x128xf32, #tpu.memory_space<vmem>>, vector<1x16xf32>,
    %swap3A_910 = arith.constant 5 : i32
    %swap3A_911 = arith.index_cast %swap3A_910 : i32 to index
    %swap3A_912 = arith.constant 112 : index
    %swap3A_913 = tpu.vector_load %arg5[%swap3A_911, %swap3A_912] {strides = array<i32>} : memref<16x128xf32, #tpu.memory_space<vmem>>, vector<1x16xf32>,
    %swap3A_914 = vector.shape_cast %swap3A_913 : vector<1x16xf32> to vector<16xf32>
    %swap3A_915 = vector.shape_cast %sub3A_867 : vector<16xf32> to vector<1x16xf32>
    tpu.vector_store %arg5[%swap3A_911, %swap3A_912], %swap3A_915 {strides = array<i32>} : memref<16x128xf32, #tpu.memory_space<vmem>>, vector<1x16xf32>,
    %add3A_916 = arith.constant 6 : i32
    %add3A_917 = arith.addi %min3A_1, %add3A_916 : i32
    %add3A_918 = arith.constant 128 : i32
    %add3A_919 = arith.addi %add3A_917, %add3A_918 : i32
    %min3A_920 = arith.constant 256 : i32
    %min3A_921 = arith.minsi %add3A_919, %min3A_920 : i32
    %sub3A_922 = arith.constant 71 : i32
    %sub3A_923 = arith.subi %add3A_917, %sub3A_922 : i32
    %sub3A_924 = arith.constant 1 : i32
    %sub3A_925 = arith.subi %sub3A_923, %sub3A_924 : i32
    %max3A_926 = arith.constant 0 : i32
    %max3A_927 = arith.maxsi %sub3A_925, %max3A_926 : i32
    %get3A_928 = arith.index_cast %min3A_921 : i32 to index
    %get3A_929 = arith.constant 0 : index
    %get3A_930 = tpu.vector_load %arg4[%get3A_928, %get3A_929] {strides = array<i32>} : memref<257x128xf32, #tpu.memory_space<vmem>>, vector<1x16xf32>,
    %get3A_931 = vector.shape_cast %get3A_930 : vector<1x16xf32> to vector<16xf32>
    %add3A_932 = arith.addf %sub3A_797, %get3A_931 : vector<16xf32>
    %get3A_933 = arith.index_cast %max3A_927 : i32 to index
    %get3A_934 = arith.constant 0 : index
    %get3A_935 = tpu.vector_load %arg4[%get3A_933, %get3A_934] {strides = array<i32>} : memref<257x128xf32, #tpu.memory_space<vmem>>, vector<1x16xf32>,
    %get3A_936 = vector.shape_cast %get3A_935 : vector<1x16xf32> to vector<16xf32>
    %sub3A_937 = arith.subf %add3A_932, %get3A_936 : vector<16xf32>
    %get3A_938 = arith.index_cast %min3A_921 : i32 to index
    %get3A_939 = arith.constant 16 : index
    %get3A_940 = tpu.vector_load %arg4[%get3A_938, %get3A_939] {strides = array<i32>} : memref<257x128xf32, #tpu.memory_space<vmem>>, vector<1x16xf32>,
    %get3A_941 = vector.shape_cast %get3A_940 : vector<1x16xf32> to vector<16xf32>
    %add3A_942 = arith.addf %sub3A_807, %get3A_941 : vector<16xf32>
    %get3A_943 = arith.index_cast %max3A_927 : i32 to index
    %get3A_944 = arith.constant 16 : index
    %get3A_945 = tpu.vector_load %arg4[%get3A_943, %get3A_944] {strides = array<i32>} : memref<257x128xf32, #tpu.memory_space<vmem>>, vector<1x16xf32>,
    %get3A_946 = vector.shape_cast %get3A_945 : vector<1x16xf32> to vector<16xf32>
    %sub3A_947 = arith.subf %add3A_942, %get3A_946 : vector<16xf32>
    %get3A_948 = arith.index_cast %min3A_921 : i32 to index
    %get3A_949 = arith.constant 32 : index
    %get3A_950 = tpu.vector_load %arg4[%get3A_948, %get3A_949] {strides = array<i32>} : memref<257x128xf32, #tpu.memory_space<vmem>>, vector<1x16xf32>,
    %get3A_951 = vector.shape_cast %get3A_950 : vector<1x16xf32> to vector<16xf32>
    %add3A_952 = arith.addf %sub3A_817, %get3A_951 : vector<16xf32>
    %get3A_953 = arith.index_cast %max3A_927 : i32 to index
    %get3A_954 = arith.constant 32 : index
    %get3A_955 = tpu.vector_load %arg4[%get3A_953, %get3A_954] {strides = array<i32>} : memref<257x128xf32, #tpu.memory_space<vmem>>, vector<1x16xf32>,
    %get3A_956 = vector.shape_cast %get3A_955 : vector<1x16xf32> to vector<16xf32>
    %sub3A_957 = arith.subf %add3A_952, %get3A_956 : vector<16xf32>
    %get3A_958 = arith.index_cast %min3A_921 : i32 to index
    %get3A_959 = arith.constant 48 : index
    %get3A_960 = tpu.vector_load %arg4[%get3A_958, %get3A_959] {strides = array<i32>} : memref<257x128xf32, #tpu.memory_space<vmem>>, vector<1x16xf32>,
    %get3A_961 = vector.shape_cast %get3A_960 : vector<1x16xf32> to vector<16xf32>
    %add3A_962 = arith.addf %sub3A_827, %get3A_961 : vector<16xf32>
    %get3A_963 = arith.index_cast %max3A_927 : i32 to index
    %get3A_964 = arith.constant 48 : index
    %get3A_965 = tpu.vector_load %arg4[%get3A_963, %get3A_964] {strides = array<i32>} : memref<257x128xf32, #tpu.memory_space<vmem>>, vector<1x16xf32>,
    %get3A_966 = vector.shape_cast %get3A_965 : vector<1x16xf32> to vector<16xf32>
    %sub3A_967 = arith.subf %add3A_962, %get3A_966 : vector<16xf32>
    %get3A_968 = arith.index_cast %min3A_921 : i32 to index
    %get3A_969 = arith.constant 64 : index
    %get3A_970 = tpu.vector_load %arg4[%get3A_968, %get3A_969] {strides = array<i32>} : memref<257x128xf32, #tpu.memory_space<vmem>>, vector<1x16xf32>,
    %get3A_971 = vector.shape_cast %get3A_970 : vector<1x16xf32> to vector<16xf32>
    %add3A_972 = arith.addf %sub3A_837, %get3A_971 : vector<16xf32>
    %get3A_973 = arith.index_cast %max3A_927 : i32 to index
    %get3A_974 = arith.constant 64 : index
    %get3A_975 = tpu.vector_load %arg4[%get3A_973, %get3A_974] {strides = array<i32>} : memref<257x128xf32, #tpu.memory_space<vmem>>, vector<1x16xf32>,
    %get3A_976 = vector.shape_cast %get3A_975 : vector<1x16xf32> to vector<16xf32>
    %sub3A_977 = arith.subf %add3A_972, %get3A_976 : vector<16xf32>
    %get3A_978 = arith.index_cast %min3A_921 : i32 to index
    %get3A_979 = arith.constant 80 : index
    %get3A_980 = tpu.vector_load %arg4[%get3A_978, %get3A_979] {strides = array<i32>} : memref<257x128xf32, #tpu.memory_space<vmem>>, vector<1x16xf32>,
    %get3A_981 = vector.shape_cast %get3A_980 : vector<1x16xf32> to vector<16xf32>
    %add3A_982 = arith.addf %sub3A_847, %get3A_981 : vector<16xf32>
    %get3A_983 = arith.index_cast %max3A_927 : i32 to index
    %get3A_984 = arith.constant 80 : index
    %get3A_985 = tpu.vector_load %arg4[%get3A_983, %get3A_984] {strides = array<i32>} : memref<257x128xf32, #tpu.memory_space<vmem>>, vector<1x16xf32>,
    %get3A_986 = vector.shape_cast %get3A_985 : vector<1x16xf32> to vector<16xf32>
    %sub3A_987 = arith.subf %add3A_982, %get3A_986 : vector<16xf32>
    %get3A_988 = arith.index_cast %min3A_921 : i32 to index
    %get3A_989 = arith.constant 96 : index
    %get3A_990 = tpu.vector_load %arg4[%get3A_988, %get3A_989] {strides = array<i32>} : memref<257x128xf32, #tpu.memory_space<vmem>>, vector<1x16xf32>,
    %get3A_991 = vector.shape_cast %get3A_990 : vector<1x16xf32> to vector<16xf32>
    %add3A_992 = arith.addf %sub3A_857, %get3A_991 : vector<16xf32>
    %get3A_993 = arith.index_cast %max3A_927 : i32 to index
    %get3A_994 = arith.constant 96 : index
    %get3A_995 = tpu.vector_load %arg4[%get3A_993, %get3A_994] {strides = array<i32>} : memref<257x128xf32, #tpu.memory_space<vmem>>, vector<1x16xf32>,
    %get3A_996 = vector.shape_cast %get3A_995 : vector<1x16xf32> to vector<16xf32>
    %sub3A_997 = arith.subf %add3A_992, %get3A_996 : vector<16xf32>
    %get3A_998 = arith.index_cast %min3A_921 : i32 to index
    %get3A_999 = arith.constant 112 : index
    %get3A_1000 = tpu.vector_load %arg4[%get3A_998, %get3A_999] {strides = array<i32>} : memref<257x128xf32, #tpu.memory_space<vmem>>, vector<1x16xf32>,
    %get3A_1001 = vector.shape_cast %get3A_1000 : vector<1x16xf32> to vector<16xf32>
    %add3A_1002 = arith.addf %sub3A_867, %get3A_1001 : vector<16xf32>
    %get3A_1003 = arith.index_cast %max3A_927 : i32 to index
    %get3A_1004 = arith.constant 112 : index
    %get3A_1005 = tpu.vector_load %arg4[%get3A_1003, %get3A_1004] {strides = array<i32>} : memref<257x128xf32, #tpu.memory_space<vmem>>, vector<1x16xf32>,
    %get3A_1006 = vector.shape_cast %get3A_1005 : vector<1x16xf32> to vector<16xf32>
    %sub3A_1007 = arith.subf %add3A_1002, %get3A_1006 : vector<16xf32>
    %swap3A_1008 = arith.constant 6 : i32
    %swap3A_1009 = arith.index_cast %swap3A_1008 : i32 to index
    %swap3A_1010 = arith.constant 0 : index
    %swap3A_1011 = tpu.vector_load %arg5[%swap3A_1009, %swap3A_1010] {strides = array<i32>} : memref<16x128xf32, #tpu.memory_space<vmem>>, vector<1x16xf32>,
    %swap3A_1012 = vector.shape_cast %swap3A_1011 : vector<1x16xf32> to vector<16xf32>
    %swap3A_1013 = vector.shape_cast %sub3A_937 : vector<16xf32> to vector<1x16xf32>
    tpu.vector_store %arg5[%swap3A_1009, %swap3A_1010], %swap3A_1013 {strides = array<i32>} : memref<16x128xf32, #tpu.memory_space<vmem>>, vector<1x16xf32>,
    %swap3A_1014 = arith.constant 6 : i32
    %swap3A_1015 = arith.index_cast %swap3A_1014 : i32 to index
    %swap3A_1016 = arith.constant 16 : index
    %swap3A_1017 = tpu.vector_load %arg5[%swap3A_1015, %swap3A_1016] {strides = array<i32>} : memref<16x128xf32, #tpu.memory_space<vmem>>, vector<1x16xf32>,
    %swap3A_1018 = vector.shape_cast %swap3A_1017 : vector<1x16xf32> to vector<16xf32>
    %swap3A_1019 = vector.shape_cast %sub3A_947 : vector<16xf32> to vector<1x16xf32>
    tpu.vector_store %arg5[%swap3A_1015, %swap3A_1016], %swap3A_1019 {strides = array<i32>} : memref<16x128xf32, #tpu.memory_space<vmem>>, vector<1x16xf32>,
    %swap3A_1020 = arith.constant 6 : i32
    %swap3A_1021 = arith.index_cast %swap3A_1020 : i32 to index
    %swap3A_1022 = arith.constant 32 : index
    %swap3A_1023 = tpu.vector_load %arg5[%swap3A_1021, %swap3A_1022] {strides = array<i32>} : memref<16x128xf32, #tpu.memory_space<vmem>>, vector<1x16xf32>,
    %swap3A_1024 = vector.shape_cast %swap3A_1023 : vector<1x16xf32> to vector<16xf32>
    %swap3A_1025 = vector.shape_cast %sub3A_957 : vector<16xf32> to vector<1x16xf32>
    tpu.vector_store %arg5[%swap3A_1021, %swap3A_1022], %swap3A_1025 {strides = array<i32>} : memref<16x128xf32, #tpu.memory_space<vmem>>, vector<1x16xf32>,
    %swap3A_1026 = arith.constant 6 : i32
    %swap3A_1027 = arith.index_cast %swap3A_1026 : i32 to index
    %swap3A_1028 = arith.constant 48 : index
    %swap3A_1029 = tpu.vector_load %arg5[%swap3A_1027, %swap3A_1028] {strides = array<i32>} : memref<16x128xf32, #tpu.memory_space<vmem>>, vector<1x16xf32>,
    %swap3A_1030 = vector.shape_cast %swap3A_1029 : vector<1x16xf32> to vector<16xf32>
    %swap3A_1031 = vector.shape_cast %sub3A_967 : vector<16xf32> to vector<1x16xf32>
    tpu.vector_store %arg5[%swap3A_1027, %swap3A_1028], %swap3A_1031 {strides = array<i32>} : memref<16x128xf32, #tpu.memory_space<vmem>>, vector<1x16xf32>,
    %swap3A_1032 = arith.constant 6 : i32
    %swap3A_1033 = arith.index_cast %swap3A_1032 : i32 to index
    %swap3A_1034 = arith.constant 64 : index
    %swap3A_1035 = tpu.vector_load %arg5[%swap3A_1033, %swap3A_1034] {strides = array<i32>} : memref<16x128xf32, #tpu.memory_space<vmem>>, vector<1x16xf32>,
    %swap3A_1036 = vector.shape_cast %swap3A_1035 : vector<1x16xf32> to vector<16xf32>
    %swap3A_1037 = vector.shape_cast %sub3A_977 : vector<16xf32> to vector<1x16xf32>
    tpu.vector_store %arg5[%swap3A_1033, %swap3A_1034], %swap3A_1037 {strides = array<i32>} : memref<16x128xf32, #tpu.memory_space<vmem>>, vector<1x16xf32>,
    %swap3A_1038 = arith.constant 6 : i32
    %swap3A_1039 = arith.index_cast %swap3A_1038 : i32 to index
    %swap3A_1040 = arith.constant 80 : index
    %swap3A_1041 = tpu.vector_load %arg5[%swap3A_1039, %swap3A_1040] {strides = array<i32>} : memref<16x128xf32, #tpu.memory_space<vmem>>, vector<1x16xf32>,
    %swap3A_1042 = vector.shape_cast %swap3A_1041 : vector<1x16xf32> to vector<16xf32>
    %swap3A_1043 = vector.shape_cast %sub3A_987 : vector<16xf32> to vector<1x16xf32>
    tpu.vector_store %arg5[%swap3A_1039, %swap3A_1040], %swap3A_1043 {strides = array<i32>} : memref<16x128xf32, #tpu.memory_space<vmem>>, vector<1x16xf32>,
    %swap3A_1044 = arith.constant 6 : i32
    %swap3A_1045 = arith.index_cast %swap3A_1044 : i32 to index
    %swap3A_1046 = arith.constant 96 : index
    %swap3A_1047 = tpu.vector_load %arg5[%swap3A_1045, %swap3A_1046] {strides = array<i32>} : memref<16x128xf32, #tpu.memory_space<vmem>>, vector<1x16xf32>,
    %swap3A_1048 = vector.shape_cast %swap3A_1047 : vector<1x16xf32> to vector<16xf32>
    %swap3A_1049 = vector.shape_cast %sub3A_997 : vector<16xf32> to vector<1x16xf32>
    tpu.vector_store %arg5[%swap3A_1045, %swap3A_1046], %swap3A_1049 {strides = array<i32>} : memref<16x128xf32, #tpu.memory_space<vmem>>, vector<1x16xf32>,
    %swap3A_1050 = arith.constant 6 : i32
    %swap3A_1051 = arith.index_cast %swap3A_1050 : i32 to index
    %swap3A_1052 = arith.constant 112 : index
    %swap3A_1053 = tpu.vector_load %arg5[%swap3A_1051, %swap3A_1052] {strides = array<i32>} : memref<16x128xf32, #tpu.memory_space<vmem>>, vector<1x16xf32>,
    %swap3A_1054 = vector.shape_cast %swap3A_1053 : vector<1x16xf32> to vector<16xf32>
    %swap3A_1055 = vector.shape_cast %sub3A_1007 : vector<16xf32> to vector<1x16xf32>
    tpu.vector_store %arg5[%swap3A_1051, %swap3A_1052], %swap3A_1055 {strides = array<i32>} : memref<16x128xf32, #tpu.memory_space<vmem>>, vector<1x16xf32>,
    %add3A_1056 = arith.constant 7 : i32
    %add3A_1057 = arith.addi %min3A_1, %add3A_1056 : i32
    %add3A_1058 = arith.constant 128 : i32
    %add3A_1059 = arith.addi %add3A_1057, %add3A_1058 : i32
    %min3A_1060 = arith.constant 256 : i32
    %min3A_1061 = arith.minsi %add3A_1059, %min3A_1060 : i32
    %sub3A_1062 = arith.constant 71 : i32
    %sub3A_1063 = arith.subi %add3A_1057, %sub3A_1062 : i32
    %sub3A_1064 = arith.constant 1 : i32
    %sub3A_1065 = arith.subi %sub3A_1063, %sub3A_1064 : i32
    %max3A_1066 = arith.constant 0 : i32
    %max3A_1067 = arith.maxsi %sub3A_1065, %max3A_1066 : i32
    %get3A_1068 = arith.index_cast %min3A_1061 : i32 to index
    %get3A_1069 = arith.constant 0 : index
    %get3A_1070 = tpu.vector_load %arg4[%get3A_1068, %get3A_1069] {strides = array<i32>} : memref<257x128xf32, #tpu.memory_space<vmem>>, vector<1x16xf32>,
    %get3A_1071 = vector.shape_cast %get3A_1070 : vector<1x16xf32> to vector<16xf32>
    %add3A_1072 = arith.addf %sub3A_937, %get3A_1071 : vector<16xf32>
    %get3A_1073 = arith.index_cast %max3A_1067 : i32 to index
    %get3A_1074 = arith.constant 0 : index
    %get3A_1075 = tpu.vector_load %arg4[%get3A_1073, %get3A_1074] {strides = array<i32>} : memref<257x128xf32, #tpu.memory_space<vmem>>, vector<1x16xf32>,
    %get3A_1076 = vector.shape_cast %get3A_1075 : vector<1x16xf32> to vector<16xf32>
    %sub3A_1077 = arith.subf %add3A_1072, %get3A_1076 : vector<16xf32>
    %get3A_1078 = arith.index_cast %min3A_1061 : i32 to index
    %get3A_1079 = arith.constant 16 : index
    %get3A_1080 = tpu.vector_load %arg4[%get3A_1078, %get3A_1079] {strides = array<i32>} : memref<257x128xf32, #tpu.memory_space<vmem>>, vector<1x16xf32>,
    %get3A_1081 = vector.shape_cast %get3A_1080 : vector<1x16xf32> to vector<16xf32>
    %add3A_1082 = arith.addf %sub3A_947, %get3A_1081 : vector<16xf32>
    %get3A_1083 = arith.index_cast %max3A_1067 : i32 to index
    %get3A_1084 = arith.constant 16 : index
    %get3A_1085 = tpu.vector_load %arg4[%get3A_1083, %get3A_1084] {strides = array<i32>} : memref<257x128xf32, #tpu.memory_space<vmem>>, vector<1x16xf32>,
    %get3A_1086 = vector.shape_cast %get3A_1085 : vector<1x16xf32> to vector<16xf32>
    %sub3A_1087 = arith.subf %add3A_1082, %get3A_1086 : vector<16xf32>
    %get3A_1088 = arith.index_cast %min3A_1061 : i32 to index
    %get3A_1089 = arith.constant 32 : index
    %get3A_1090 = tpu.vector_load %arg4[%get3A_1088, %get3A_1089] {strides = array<i32>} : memref<257x128xf32, #tpu.memory_space<vmem>>, vector<1x16xf32>,
    %get3A_1091 = vector.shape_cast %get3A_1090 : vector<1x16xf32> to vector<16xf32>
    %add3A_1092 = arith.addf %sub3A_957, %get3A_1091 : vector<16xf32>
    %get3A_1093 = arith.index_cast %max3A_1067 : i32 to index
    %get3A_1094 = arith.constant 32 : index
    %get3A_1095 = tpu.vector_load %arg4[%get3A_1093, %get3A_1094] {strides = array<i32>} : memref<257x128xf32, #tpu.memory_space<vmem>>, vector<1x16xf32>,
    %get3A_1096 = vector.shape_cast %get3A_1095 : vector<1x16xf32> to vector<16xf32>
    %sub3A_1097 = arith.subf %add3A_1092, %get3A_1096 : vector<16xf32>
    %get3A_1098 = arith.index_cast %min3A_1061 : i32 to index
    %get3A_1099 = arith.constant 48 : index
    %get3A_1100 = tpu.vector_load %arg4[%get3A_1098, %get3A_1099] {strides = array<i32>} : memref<257x128xf32, #tpu.memory_space<vmem>>, vector<1x16xf32>,
    %get3A_1101 = vector.shape_cast %get3A_1100 : vector<1x16xf32> to vector<16xf32>
    %add3A_1102 = arith.addf %sub3A_967, %get3A_1101 : vector<16xf32>
    %get3A_1103 = arith.index_cast %max3A_1067 : i32 to index
    %get3A_1104 = arith.constant 48 : index
    %get3A_1105 = tpu.vector_load %arg4[%get3A_1103, %get3A_1104] {strides = array<i32>} : memref<257x128xf32, #tpu.memory_space<vmem>>, vector<1x16xf32>,
    %get3A_1106 = vector.shape_cast %get3A_1105 : vector<1x16xf32> to vector<16xf32>
    %sub3A_1107 = arith.subf %add3A_1102, %get3A_1106 : vector<16xf32>
    %get3A_1108 = arith.index_cast %min3A_1061 : i32 to index
    %get3A_1109 = arith.constant 64 : index
    %get3A_1110 = tpu.vector_load %arg4[%get3A_1108, %get3A_1109] {strides = array<i32>} : memref<257x128xf32, #tpu.memory_space<vmem>>, vector<1x16xf32>,
    %get3A_1111 = vector.shape_cast %get3A_1110 : vector<1x16xf32> to vector<16xf32>
    %add3A_1112 = arith.addf %sub3A_977, %get3A_1111 : vector<16xf32>
    %get3A_1113 = arith.index_cast %max3A_1067 : i32 to index
    %get3A_1114 = arith.constant 64 : index
    %get3A_1115 = tpu.vector_load %arg4[%get3A_1113, %get3A_1114] {strides = array<i32>} : memref<257x128xf32, #tpu.memory_space<vmem>>, vector<1x16xf32>,
    %get3A_1116 = vector.shape_cast %get3A_1115 : vector<1x16xf32> to vector<16xf32>
    %sub3A_1117 = arith.subf %add3A_1112, %get3A_1116 : vector<16xf32>
    %get3A_1118 = arith.index_cast %min3A_1061 : i32 to index
    %get3A_1119 = arith.constant 80 : index
    %get3A_1120 = tpu.vector_load %arg4[%get3A_1118, %get3A_1119] {strides = array<i32>} : memref<257x128xf32, #tpu.memory_space<vmem>>, vector<1x16xf32>,
    %get3A_1121 = vector.shape_cast %get3A_1120 : vector<1x16xf32> to vector<16xf32>
    %add3A_1122 = arith.addf %sub3A_987, %get3A_1121 : vector<16xf32>
    %get3A_1123 = arith.index_cast %max3A_1067 : i32 to index
    %get3A_1124 = arith.constant 80 : index
    %get3A_1125 = tpu.vector_load %arg4[%get3A_1123, %get3A_1124] {strides = array<i32>} : memref<257x128xf32, #tpu.memory_space<vmem>>, vector<1x16xf32>,
    %get3A_1126 = vector.shape_cast %get3A_1125 : vector<1x16xf32> to vector<16xf32>
    %sub3A_1127 = arith.subf %add3A_1122, %get3A_1126 : vector<16xf32>
    %get3A_1128 = arith.index_cast %min3A_1061 : i32 to index
    %get3A_1129 = arith.constant 96 : index
    %get3A_1130 = tpu.vector_load %arg4[%get3A_1128, %get3A_1129] {strides = array<i32>} : memref<257x128xf32, #tpu.memory_space<vmem>>, vector<1x16xf32>,
    %get3A_1131 = vector.shape_cast %get3A_1130 : vector<1x16xf32> to vector<16xf32>
    %add3A_1132 = arith.addf %sub3A_997, %get3A_1131 : vector<16xf32>
    %get3A_1133 = arith.index_cast %max3A_1067 : i32 to index
    %get3A_1134 = arith.constant 96 : index
    %get3A_1135 = tpu.vector_load %arg4[%get3A_1133, %get3A_1134] {strides = array<i32>} : memref<257x128xf32, #tpu.memory_space<vmem>>, vector<1x16xf32>,
    %get3A_1136 = vector.shape_cast %get3A_1135 : vector<1x16xf32> to vector<16xf32>
    %sub3A_1137 = arith.subf %add3A_1132, %get3A_1136 : vector<16xf32>
    %get3A_1138 = arith.index_cast %min3A_1061 : i32 to index
    %get3A_1139 = arith.constant 112 : index
    %get3A_1140 = tpu.vector_load %arg4[%get3A_1138, %get3A_1139] {strides = array<i32>} : memref<257x128xf32, #tpu.memory_space<vmem>>, vector<1x16xf32>,
    %get3A_1141 = vector.shape_cast %get3A_1140 : vector<1x16xf32> to vector<16xf32>
    %add3A_1142 = arith.addf %sub3A_1007, %get3A_1141 : vector<16xf32>
    %get3A_1143 = arith.index_cast %max3A_1067 : i32 to index
    %get3A_1144 = arith.constant 112 : index
    %get3A_1145 = tpu.vector_load %arg4[%get3A_1143, %get3A_1144] {strides = array<i32>} : memref<257x128xf32, #tpu.memory_space<vmem>>, vector<1x16xf32>,
    %get3A_1146 = vector.shape_cast %get3A_1145 : vector<1x16xf32> to vector<16xf32>
    %sub3A_1147 = arith.subf %add3A_1142, %get3A_1146 : vector<16xf32>
    %swap3A_1148 = arith.constant 7 : i32
    %swap3A_1149 = arith.index_cast %swap3A_1148 : i32 to index
    %swap3A_1150 = arith.constant 0 : index
    %swap3A_1151 = tpu.vector_load %arg5[%swap3A_1149, %swap3A_1150] {strides = array<i32>} : memref<16x128xf32, #tpu.memory_space<vmem>>, vector<1x16xf32>,
    %swap3A_1152 = vector.shape_cast %swap3A_1151 : vector<1x16xf32> to vector<16xf32>
    %swap3A_1153 = vector.shape_cast %sub3A_1077 : vector<16xf32> to vector<1x16xf32>
    tpu.vector_store %arg5[%swap3A_1149, %swap3A_1150], %swap3A_1153 {strides = array<i32>} : memref<16x128xf32, #tpu.memory_space<vmem>>, vector<1x16xf32>,
    %swap3A_1154 = arith.constant 7 : i32
    %swap3A_1155 = arith.index_cast %swap3A_1154 : i32 to index
    %swap3A_1156 = arith.constant 16 : index
    %swap3A_1157 = tpu.vector_load %arg5[%swap3A_1155, %swap3A_1156] {strides = array<i32>} : memref<16x128xf32, #tpu.memory_space<vmem>>, vector<1x16xf32>,
    %swap3A_1158 = vector.shape_cast %swap3A_1157 : vector<1x16xf32> to vector<16xf32>
    %swap3A_1159 = vector.shape_cast %sub3A_1087 : vector<16xf32> to vector<1x16xf32>
    tpu.vector_store %arg5[%swap3A_1155, %swap3A_1156], %swap3A_1159 {strides = array<i32>} : memref<16x128xf32, #tpu.memory_space<vmem>>, vector<1x16xf32>,
    %swap3A_1160 = arith.constant 7 : i32
    %swap3A_1161 = arith.index_cast %swap3A_1160 : i32 to index
    %swap3A_1162 = arith.constant 32 : index
    %swap3A_1163 = tpu.vector_load %arg5[%swap3A_1161, %swap3A_1162] {strides = array<i32>} : memref<16x128xf32, #tpu.memory_space<vmem>>, vector<1x16xf32>,
    %swap3A_1164 = vector.shape_cast %swap3A_1163 : vector<1x16xf32> to vector<16xf32>
    %swap3A_1165 = vector.shape_cast %sub3A_1097 : vector<16xf32> to vector<1x16xf32>
    tpu.vector_store %arg5[%swap3A_1161, %swap3A_1162], %swap3A_1165 {strides = array<i32>} : memref<16x128xf32, #tpu.memory_space<vmem>>, vector<1x16xf32>,
    %swap3A_1166 = arith.constant 7 : i32
    %swap3A_1167 = arith.index_cast %swap3A_1166 : i32 to index
    %swap3A_1168 = arith.constant 48 : index
    %swap3A_1169 = tpu.vector_load %arg5[%swap3A_1167, %swap3A_1168] {strides = array<i32>} : memref<16x128xf32, #tpu.memory_space<vmem>>, vector<1x16xf32>,
    %swap3A_1170 = vector.shape_cast %swap3A_1169 : vector<1x16xf32> to vector<16xf32>
    %swap3A_1171 = vector.shape_cast %sub3A_1107 : vector<16xf32> to vector<1x16xf32>
    tpu.vector_store %arg5[%swap3A_1167, %swap3A_1168], %swap3A_1171 {strides = array<i32>} : memref<16x128xf32, #tpu.memory_space<vmem>>, vector<1x16xf32>,
    %swap3A_1172 = arith.constant 7 : i32
    %swap3A_1173 = arith.index_cast %swap3A_1172 : i32 to index
    %swap3A_1174 = arith.constant 64 : index
    %swap3A_1175 = tpu.vector_load %arg5[%swap3A_1173, %swap3A_1174] {strides = array<i32>} : memref<16x128xf32, #tpu.memory_space<vmem>>, vector<1x16xf32>,
    %swap3A_1176 = vector.shape_cast %swap3A_1175 : vector<1x16xf32> to vector<16xf32>
    %swap3A_1177 = vector.shape_cast %sub3A_1117 : vector<16xf32> to vector<1x16xf32>
    tpu.vector_store %arg5[%swap3A_1173, %swap3A_1174], %swap3A_1177 {strides = array<i32>} : memref<16x128xf32, #tpu.memory_space<vmem>>, vector<1x16xf32>,
    %swap3A_1178 = arith.constant 7 : i32
    %swap3A_1179 = arith.index_cast %swap3A_1178 : i32 to index
    %swap3A_1180 = arith.constant 80 : index
    %swap3A_1181 = tpu.vector_load %arg5[%swap3A_1179, %swap3A_1180] {strides = array<i32>} : memref<16x128xf32, #tpu.memory_space<vmem>>, vector<1x16xf32>,
    %swap3A_1182 = vector.shape_cast %swap3A_1181 : vector<1x16xf32> to vector<16xf32>
    %swap3A_1183 = vector.shape_cast %sub3A_1127 : vector<16xf32> to vector<1x16xf32>
    tpu.vector_store %arg5[%swap3A_1179, %swap3A_1180], %swap3A_1183 {strides = array<i32>} : memref<16x128xf32, #tpu.memory_space<vmem>>, vector<1x16xf32>,
    %swap3A_1184 = arith.constant 7 : i32
    %swap3A_1185 = arith.index_cast %swap3A_1184 : i32 to index
    %swap3A_1186 = arith.constant 96 : index
    %swap3A_1187 = tpu.vector_load %arg5[%swap3A_1185, %swap3A_1186] {strides = array<i32>} : memref<16x128xf32, #tpu.memory_space<vmem>>, vector<1x16xf32>,
    %swap3A_1188 = vector.shape_cast %swap3A_1187 : vector<1x16xf32> to vector<16xf32>
    %swap3A_1189 = vector.shape_cast %sub3A_1137 : vector<16xf32> to vector<1x16xf32>
    tpu.vector_store %arg5[%swap3A_1185, %swap3A_1186], %swap3A_1189 {strides = array<i32>} : memref<16x128xf32, #tpu.memory_space<vmem>>, vector<1x16xf32>,
    %swap3A_1190 = arith.constant 7 : i32
    %swap3A_1191 = arith.index_cast %swap3A_1190 : i32 to index
    %swap3A_1192 = arith.constant 112 : index
    %swap3A_1193 = tpu.vector_load %arg5[%swap3A_1191, %swap3A_1192] {strides = array<i32>} : memref<16x128xf32, #tpu.memory_space<vmem>>, vector<1x16xf32>,
    %swap3A_1194 = vector.shape_cast %swap3A_1193 : vector<1x16xf32> to vector<16xf32>
    %swap3A_1195 = vector.shape_cast %sub3A_1147 : vector<16xf32> to vector<1x16xf32>
    tpu.vector_store %arg5[%swap3A_1191, %swap3A_1192], %swap3A_1195 {strides = array<i32>} : memref<16x128xf32, #tpu.memory_space<vmem>>, vector<1x16xf32>,
    %add3A_1196 = arith.constant 8 : i32
    %add3A_1197 = arith.addi %min3A_1, %add3A_1196 : i32
    %add3A_1198 = arith.constant 128 : i32
    %add3A_1199 = arith.addi %add3A_1197, %add3A_1198 : i32
    %min3A_1200 = arith.constant 256 : i32
    %min3A_1201 = arith.minsi %add3A_1199, %min3A_1200 : i32
    %sub3A_1202 = arith.constant 71 : i32
    %sub3A_1203 = arith.subi %add3A_1197, %sub3A_1202 : i32
    %sub3A_1204 = arith.constant 1 : i32
    %sub3A_1205 = arith.subi %sub3A_1203, %sub3A_1204 : i32
    %max3A_1206 = arith.constant 0 : i32
    %max3A_1207 = arith.maxsi %sub3A_1205, %max3A_1206 : i32
    %get3A_1208 = arith.index_cast %min3A_1201 : i32 to index
    %get3A_1209 = arith.constant 0 : index
    %get3A_1210 = tpu.vector_load %arg4[%get3A_1208, %get3A_1209] {strides = array<i32>} : memref<257x128xf32, #tpu.memory_space<vmem>>, vector<1x16xf32>,
    %get3A_1211 = vector.shape_cast %get3A_1210 : vector<1x16xf32> to vector<16xf32>
    %add3A_1212 = arith.addf %sub3A_1077, %get3A_1211 : vector<16xf32>
    %get3A_1213 = arith.index_cast %max3A_1207 : i32 to index
    %get3A_1214 = arith.constant 0 : index
    %get3A_1215 = tpu.vector_load %arg4[%get3A_1213, %get3A_1214] {strides = array<i32>} : memref<257x128xf32, #tpu.memory_space<vmem>>, vector<1x16xf32>,
    %get3A_1216 = vector.shape_cast %get3A_1215 : vector<1x16xf32> to vector<16xf32>
    %sub3A_1217 = arith.subf %add3A_1212, %get3A_1216 : vector<16xf32>
    %get3A_1218 = arith.index_cast %min3A_1201 : i32 to index
    %get3A_1219 = arith.constant 16 : index
    %get3A_1220 = tpu.vector_load %arg4[%get3A_1218, %get3A_1219] {strides = array<i32>} : memref<257x128xf32, #tpu.memory_space<vmem>>, vector<1x16xf32>,
    %get3A_1221 = vector.shape_cast %get3A_1220 : vector<1x16xf32> to vector<16xf32>
    %add3A_1222 = arith.addf %sub3A_1087, %get3A_1221 : vector<16xf32>
    %get3A_1223 = arith.index_cast %max3A_1207 : i32 to index
    %get3A_1224 = arith.constant 16 : index
    %get3A_1225 = tpu.vector_load %arg4[%get3A_1223, %get3A_1224] {strides = array<i32>} : memref<257x128xf32, #tpu.memory_space<vmem>>, vector<1x16xf32>,
    %get3A_1226 = vector.shape_cast %get3A_1225 : vector<1x16xf32> to vector<16xf32>
    %sub3A_1227 = arith.subf %add3A_1222, %get3A_1226 : vector<16xf32>
    %get3A_1228 = arith.index_cast %min3A_1201 : i32 to index
    %get3A_1229 = arith.constant 32 : index
    %get3A_1230 = tpu.vector_load %arg4[%get3A_1228, %get3A_1229] {strides = array<i32>} : memref<257x128xf32, #tpu.memory_space<vmem>>, vector<1x16xf32>,
    %get3A_1231 = vector.shape_cast %get3A_1230 : vector<1x16xf32> to vector<16xf32>
    %add3A_1232 = arith.addf %sub3A_1097, %get3A_1231 : vector<16xf32>
    %get3A_1233 = arith.index_cast %max3A_1207 : i32 to index
    %get3A_1234 = arith.constant 32 : index
    %get3A_1235 = tpu.vector_load %arg4[%get3A_1233, %get3A_1234] {strides = array<i32>} : memref<257x128xf32, #tpu.memory_space<vmem>>, vector<1x16xf32>,
    %get3A_1236 = vector.shape_cast %get3A_1235 : vector<1x16xf32> to vector<16xf32>
    %sub3A_1237 = arith.subf %add3A_1232, %get3A_1236 : vector<16xf32>
    %get3A_1238 = arith.index_cast %min3A_1201 : i32 to index
    %get3A_1239 = arith.constant 48 : index
    %get3A_1240 = tpu.vector_load %arg4[%get3A_1238, %get3A_1239] {strides = array<i32>} : memref<257x128xf32, #tpu.memory_space<vmem>>, vector<1x16xf32>,
    %get3A_1241 = vector.shape_cast %get3A_1240 : vector<1x16xf32> to vector<16xf32>
    %add3A_1242 = arith.addf %sub3A_1107, %get3A_1241 : vector<16xf32>
    %get3A_1243 = arith.index_cast %max3A_1207 : i32 to index
    %get3A_1244 = arith.constant 48 : index
    %get3A_1245 = tpu.vector_load %arg4[%get3A_1243, %get3A_1244] {strides = array<i32>} : memref<257x128xf32, #tpu.memory_space<vmem>>, vector<1x16xf32>,
    %get3A_1246 = vector.shape_cast %get3A_1245 : vector<1x16xf32> to vector<16xf32>
    %sub3A_1247 = arith.subf %add3A_1242, %get3A_1246 : vector<16xf32>
    %get3A_1248 = arith.index_cast %min3A_1201 : i32 to index
    %get3A_1249 = arith.constant 64 : index
    %get3A_1250 = tpu.vector_load %arg4[%get3A_1248, %get3A_1249] {strides = array<i32>} : memref<257x128xf32, #tpu.memory_space<vmem>>, vector<1x16xf32>,
    %get3A_1251 = vector.shape_cast %get3A_1250 : vector<1x16xf32> to vector<16xf32>
    %add3A_1252 = arith.addf %sub3A_1117, %get3A_1251 : vector<16xf32>
    %get3A_1253 = arith.index_cast %max3A_1207 : i32 to index
    %get3A_1254 = arith.constant 64 : index
    %get3A_1255 = tpu.vector_load %arg4[%get3A_1253, %get3A_1254] {strides = array<i32>} : memref<257x128xf32, #tpu.memory_space<vmem>>, vector<1x16xf32>,
    %get3A_1256 = vector.shape_cast %get3A_1255 : vector<1x16xf32> to vector<16xf32>
    %sub3A_1257 = arith.subf %add3A_1252, %get3A_1256 : vector<16xf32>
    %get3A_1258 = arith.index_cast %min3A_1201 : i32 to index
    %get3A_1259 = arith.constant 80 : index
    %get3A_1260 = tpu.vector_load %arg4[%get3A_1258, %get3A_1259] {strides = array<i32>} : memref<257x128xf32, #tpu.memory_space<vmem>>, vector<1x16xf32>,
    %get3A_1261 = vector.shape_cast %get3A_1260 : vector<1x16xf32> to vector<16xf32>
    %add3A_1262 = arith.addf %sub3A_1127, %get3A_1261 : vector<16xf32>
    %get3A_1263 = arith.index_cast %max3A_1207 : i32 to index
    %get3A_1264 = arith.constant 80 : index
    %get3A_1265 = tpu.vector_load %arg4[%get3A_1263, %get3A_1264] {strides = array<i32>} : memref<257x128xf32, #tpu.memory_space<vmem>>, vector<1x16xf32>,
    %get3A_1266 = vector.shape_cast %get3A_1265 : vector<1x16xf32> to vector<16xf32>
    %sub3A_1267 = arith.subf %add3A_1262, %get3A_1266 : vector<16xf32>
    %get3A_1268 = arith.index_cast %min3A_1201 : i32 to index
    %get3A_1269 = arith.constant 96 : index
    %get3A_1270 = tpu.vector_load %arg4[%get3A_1268, %get3A_1269] {strides = array<i32>} : memref<257x128xf32, #tpu.memory_space<vmem>>, vector<1x16xf32>,
    %get3A_1271 = vector.shape_cast %get3A_1270 : vector<1x16xf32> to vector<16xf32>
    %add3A_1272 = arith.addf %sub3A_1137, %get3A_1271 : vector<16xf32>
    %get3A_1273 = arith.index_cast %max3A_1207 : i32 to index
    %get3A_1274 = arith.constant 96 : index
    %get3A_1275 = tpu.vector_load %arg4[%get3A_1273, %get3A_1274] {strides = array<i32>} : memref<257x128xf32, #tpu.memory_space<vmem>>, vector<1x16xf32>,
    %get3A_1276 = vector.shape_cast %get3A_1275 : vector<1x16xf32> to vector<16xf32>
    %sub3A_1277 = arith.subf %add3A_1272, %get3A_1276 : vector<16xf32>
    %get3A_1278 = arith.index_cast %min3A_1201 : i32 to index
    %get3A_1279 = arith.constant 112 : index
    %get3A_1280 = tpu.vector_load %arg4[%get3A_1278, %get3A_1279] {strides = array<i32>} : memref<257x128xf32, #tpu.memory_space<vmem>>, vector<1x16xf32>,
    %get3A_1281 = vector.shape_cast %get3A_1280 : vector<1x16xf32> to vector<16xf32>
    %add3A_1282 = arith.addf %sub3A_1147, %get3A_1281 : vector<16xf32>
    %get3A_1283 = arith.index_cast %max3A_1207 : i32 to index
    %get3A_1284 = arith.constant 112 : index
    %get3A_1285 = tpu.vector_load %arg4[%get3A_1283, %get3A_1284] {strides = array<i32>} : memref<257x128xf32, #tpu.memory_space<vmem>>, vector<1x16xf32>,
    %get3A_1286 = vector.shape_cast %get3A_1285 : vector<1x16xf32> to vector<16xf32>
    %sub3A_1287 = arith.subf %add3A_1282, %get3A_1286 : vector<16xf32>
    %swap3A_1288 = arith.constant 8 : i32
    %swap3A_1289 = arith.index_cast %swap3A_1288 : i32 to index
    %swap3A_1290 = arith.constant 0 : index
    %swap3A_1291 = tpu.vector_load %arg5[%swap3A_1289, %swap3A_1290] {strides = array<i32>} : memref<16x128xf32, #tpu.memory_space<vmem>>, vector<1x16xf32>,
    %swap3A_1292 = vector.shape_cast %swap3A_1291 : vector<1x16xf32> to vector<16xf32>
    %swap3A_1293 = vector.shape_cast %sub3A_1217 : vector<16xf32> to vector<1x16xf32>
    tpu.vector_store %arg5[%swap3A_1289, %swap3A_1290], %swap3A_1293 {strides = array<i32>} : memref<16x128xf32, #tpu.memory_space<vmem>>, vector<1x16xf32>,
    %swap3A_1294 = arith.constant 8 : i32
    %swap3A_1295 = arith.index_cast %swap3A_1294 : i32 to index
    %swap3A_1296 = arith.constant 16 : index
    %swap3A_1297 = tpu.vector_load %arg5[%swap3A_1295, %swap3A_1296] {strides = array<i32>} : memref<16x128xf32, #tpu.memory_space<vmem>>, vector<1x16xf32>,
    %swap3A_1298 = vector.shape_cast %swap3A_1297 : vector<1x16xf32> to vector<16xf32>
    %swap3A_1299 = vector.shape_cast %sub3A_1227 : vector<16xf32> to vector<1x16xf32>
    tpu.vector_store %arg5[%swap3A_1295, %swap3A_1296], %swap3A_1299 {strides = array<i32>} : memref<16x128xf32, #tpu.memory_space<vmem>>, vector<1x16xf32>,
    %swap3A_1300 = arith.constant 8 : i32
    %swap3A_1301 = arith.index_cast %swap3A_1300 : i32 to index
    %swap3A_1302 = arith.constant 32 : index
    %swap3A_1303 = tpu.vector_load %arg5[%swap3A_1301, %swap3A_1302] {strides = array<i32>} : memref<16x128xf32, #tpu.memory_space<vmem>>, vector<1x16xf32>,
    %swap3A_1304 = vector.shape_cast %swap3A_1303 : vector<1x16xf32> to vector<16xf32>
    %swap3A_1305 = vector.shape_cast %sub3A_1237 : vector<16xf32> to vector<1x16xf32>
    tpu.vector_store %arg5[%swap3A_1301, %swap3A_1302], %swap3A_1305 {strides = array<i32>} : memref<16x128xf32, #tpu.memory_space<vmem>>, vector<1x16xf32>,
    %swap3A_1306 = arith.constant 8 : i32
    %swap3A_1307 = arith.index_cast %swap3A_1306 : i32 to index
    %swap3A_1308 = arith.constant 48 : index
    %swap3A_1309 = tpu.vector_load %arg5[%swap3A_1307, %swap3A_1308] {strides = array<i32>} : memref<16x128xf32, #tpu.memory_space<vmem>>, vector<1x16xf32>,
    %swap3A_1310 = vector.shape_cast %swap3A_1309 : vector<1x16xf32> to vector<16xf32>
    %swap3A_1311 = vector.shape_cast %sub3A_1247 : vector<16xf32> to vector<1x16xf32>
    tpu.vector_store %arg5[%swap3A_1307, %swap3A_1308], %swap3A_1311 {strides = array<i32>} : memref<16x128xf32, #tpu.memory_space<vmem>>, vector<1x16xf32>,
    %swap3A_1312 = arith.constant 8 : i32
    %swap3A_1313 = arith.index_cast %swap3A_1312 : i32 to index
    %swap3A_1314 = arith.constant 64 : index
    %swap3A_1315 = tpu.vector_load %arg5[%swap3A_1313, %swap3A_1314] {strides = array<i32>} : memref<16x128xf32, #tpu.memory_space<vmem>>, vector<1x16xf32>,
    %swap3A_1316 = vector.shape_cast %swap3A_1315 : vector<1x16xf32> to vector<16xf32>
    %swap3A_1317 = vector.shape_cast %sub3A_1257 : vector<16xf32> to vector<1x16xf32>
    tpu.vector_store %arg5[%swap3A_1313, %swap3A_1314], %swap3A_1317 {strides = array<i32>} : memref<16x128xf32, #tpu.memory_space<vmem>>, vector<1x16xf32>,
    %swap3A_1318 = arith.constant 8 : i32
    %swap3A_1319 = arith.index_cast %swap3A_1318 : i32 to index
    %swap3A_1320 = arith.constant 80 : index
    %swap3A_1321 = tpu.vector_load %arg5[%swap3A_1319, %swap3A_1320] {strides = array<i32>} : memref<16x128xf32, #tpu.memory_space<vmem>>, vector<1x16xf32>,
    %swap3A_1322 = vector.shape_cast %swap3A_1321 : vector<1x16xf32> to vector<16xf32>
    %swap3A_1323 = vector.shape_cast %sub3A_1267 : vector<16xf32> to vector<1x16xf32>
    tpu.vector_store %arg5[%swap3A_1319, %swap3A_1320], %swap3A_1323 {strides = array<i32>} : memref<16x128xf32, #tpu.memory_space<vmem>>, vector<1x16xf32>,
    %swap3A_1324 = arith.constant 8 : i32
    %swap3A_1325 = arith.index_cast %swap3A_1324 : i32 to index
    %swap3A_1326 = arith.constant 96 : index
    %swap3A_1327 = tpu.vector_load %arg5[%swap3A_1325, %swap3A_1326] {strides = array<i32>} : memref<16x128xf32, #tpu.memory_space<vmem>>, vector<1x16xf32>,
    %swap3A_1328 = vector.shape_cast %swap3A_1327 : vector<1x16xf32> to vector<16xf32>
    %swap3A_1329 = vector.shape_cast %sub3A_1277 : vector<16xf32> to vector<1x16xf32>
    tpu.vector_store %arg5[%swap3A_1325, %swap3A_1326], %swap3A_1329 {strides = array<i32>} : memref<16x128xf32, #tpu.memory_space<vmem>>, vector<1x16xf32>,
    %swap3A_1330 = arith.constant 8 : i32
    %swap3A_1331 = arith.index_cast %swap3A_1330 : i32 to index
    %swap3A_1332 = arith.constant 112 : index
    %swap3A_1333 = tpu.vector_load %arg5[%swap3A_1331, %swap3A_1332] {strides = array<i32>} : memref<16x128xf32, #tpu.memory_space<vmem>>, vector<1x16xf32>,
    %swap3A_1334 = vector.shape_cast %swap3A_1333 : vector<1x16xf32> to vector<16xf32>
    %swap3A_1335 = vector.shape_cast %sub3A_1287 : vector<16xf32> to vector<1x16xf32>
    tpu.vector_store %arg5[%swap3A_1331, %swap3A_1332], %swap3A_1335 {strides = array<i32>} : memref<16x128xf32, #tpu.memory_space<vmem>>, vector<1x16xf32>,
    %add3A_1336 = arith.constant 9 : i32
    %add3A_1337 = arith.addi %min3A_1, %add3A_1336 : i32
    %add3A_1338 = arith.constant 128 : i32
    %add3A_1339 = arith.addi %add3A_1337, %add3A_1338 : i32
    %min3A_1340 = arith.constant 256 : i32
    %min3A_1341 = arith.minsi %add3A_1339, %min3A_1340 : i32
    %sub3A_1342 = arith.constant 71 : i32
    %sub3A_1343 = arith.subi %add3A_1337, %sub3A_1342 : i32
    %sub3A_1344 = arith.constant 1 : i32
    %sub3A_1345 = arith.subi %sub3A_1343, %sub3A_1344 : i32
    %max3A_1346 = arith.constant 0 : i32
    %max3A_1347 = arith.maxsi %sub3A_1345, %max3A_1346 : i32
    %get3A_1348 = arith.index_cast %min3A_1341 : i32 to index
    %get3A_1349 = arith.constant 0 : index
    %get3A_1350 = tpu.vector_load %arg4[%get3A_1348, %get3A_1349] {strides = array<i32>} : memref<257x128xf32, #tpu.memory_space<vmem>>, vector<1x16xf32>,
    %get3A_1351 = vector.shape_cast %get3A_1350 : vector<1x16xf32> to vector<16xf32>
    %add3A_1352 = arith.addf %sub3A_1217, %get3A_1351 : vector<16xf32>
    %get3A_1353 = arith.index_cast %max3A_1347 : i32 to index
    %get3A_1354 = arith.constant 0 : index
    %get3A_1355 = tpu.vector_load %arg4[%get3A_1353, %get3A_1354] {strides = array<i32>} : memref<257x128xf32, #tpu.memory_space<vmem>>, vector<1x16xf32>,
    %get3A_1356 = vector.shape_cast %get3A_1355 : vector<1x16xf32> to vector<16xf32>
    %sub3A_1357 = arith.subf %add3A_1352, %get3A_1356 : vector<16xf32>
    %get3A_1358 = arith.index_cast %min3A_1341 : i32 to index
    %get3A_1359 = arith.constant 16 : index
    %get3A_1360 = tpu.vector_load %arg4[%get3A_1358, %get3A_1359] {strides = array<i32>} : memref<257x128xf32, #tpu.memory_space<vmem>>, vector<1x16xf32>,
    %get3A_1361 = vector.shape_cast %get3A_1360 : vector<1x16xf32> to vector<16xf32>
    %add3A_1362 = arith.addf %sub3A_1227, %get3A_1361 : vector<16xf32>
    %get3A_1363 = arith.index_cast %max3A_1347 : i32 to index
    %get3A_1364 = arith.constant 16 : index
    %get3A_1365 = tpu.vector_load %arg4[%get3A_1363, %get3A_1364] {strides = array<i32>} : memref<257x128xf32, #tpu.memory_space<vmem>>, vector<1x16xf32>,
    %get3A_1366 = vector.shape_cast %get3A_1365 : vector<1x16xf32> to vector<16xf32>
    %sub3A_1367 = arith.subf %add3A_1362, %get3A_1366 : vector<16xf32>
    %get3A_1368 = arith.index_cast %min3A_1341 : i32 to index
    %get3A_1369 = arith.constant 32 : index
    %get3A_1370 = tpu.vector_load %arg4[%get3A_1368, %get3A_1369] {strides = array<i32>} : memref<257x128xf32, #tpu.memory_space<vmem>>, vector<1x16xf32>,
    %get3A_1371 = vector.shape_cast %get3A_1370 : vector<1x16xf32> to vector<16xf32>
    %add3A_1372 = arith.addf %sub3A_1237, %get3A_1371 : vector<16xf32>
    %get3A_1373 = arith.index_cast %max3A_1347 : i32 to index
    %get3A_1374 = arith.constant 32 : index
    %get3A_1375 = tpu.vector_load %arg4[%get3A_1373, %get3A_1374] {strides = array<i32>} : memref<257x128xf32, #tpu.memory_space<vmem>>, vector<1x16xf32>,
    %get3A_1376 = vector.shape_cast %get3A_1375 : vector<1x16xf32> to vector<16xf32>
    %sub3A_1377 = arith.subf %add3A_1372, %get3A_1376 : vector<16xf32>
    %get3A_1378 = arith.index_cast %min3A_1341 : i32 to index
    %get3A_1379 = arith.constant 48 : index
    %get3A_1380 = tpu.vector_load %arg4[%get3A_1378, %get3A_1379] {strides = array<i32>} : memref<257x128xf32, #tpu.memory_space<vmem>>, vector<1x16xf32>,
    %get3A_1381 = vector.shape_cast %get3A_1380 : vector<1x16xf32> to vector<16xf32>
    %add3A_1382 = arith.addf %sub3A_1247, %get3A_1381 : vector<16xf32>
    %get3A_1383 = arith.index_cast %max3A_1347 : i32 to index
    %get3A_1384 = arith.constant 48 : index
    %get3A_1385 = tpu.vector_load %arg4[%get3A_1383, %get3A_1384] {strides = array<i32>} : memref<257x128xf32, #tpu.memory_space<vmem>>, vector<1x16xf32>,
    %get3A_1386 = vector.shape_cast %get3A_1385 : vector<1x16xf32> to vector<16xf32>
    %sub3A_1387 = arith.subf %add3A_1382, %get3A_1386 : vector<16xf32>
    %get3A_1388 = arith.index_cast %min3A_1341 : i32 to index
    %get3A_1389 = arith.constant 64 : index
    %get3A_1390 = tpu.vector_load %arg4[%get3A_1388, %get3A_1389] {strides = array<i32>} : memref<257x128xf32, #tpu.memory_space<vmem>>, vector<1x16xf32>,
    %get3A_1391 = vector.shape_cast %get3A_1390 : vector<1x16xf32> to vector<16xf32>
    %add3A_1392 = arith.addf %sub3A_1257, %get3A_1391 : vector<16xf32>
    %get3A_1393 = arith.index_cast %max3A_1347 : i32 to index
    %get3A_1394 = arith.constant 64 : index
    %get3A_1395 = tpu.vector_load %arg4[%get3A_1393, %get3A_1394] {strides = array<i32>} : memref<257x128xf32, #tpu.memory_space<vmem>>, vector<1x16xf32>,
    %get3A_1396 = vector.shape_cast %get3A_1395 : vector<1x16xf32> to vector<16xf32>
    %sub3A_1397 = arith.subf %add3A_1392, %get3A_1396 : vector<16xf32>
    %get3A_1398 = arith.index_cast %min3A_1341 : i32 to index
    %get3A_1399 = arith.constant 80 : index
    %get3A_1400 = tpu.vector_load %arg4[%get3A_1398, %get3A_1399] {strides = array<i32>} : memref<257x128xf32, #tpu.memory_space<vmem>>, vector<1x16xf32>,
    %get3A_1401 = vector.shape_cast %get3A_1400 : vector<1x16xf32> to vector<16xf32>
    %add3A_1402 = arith.addf %sub3A_1267, %get3A_1401 : vector<16xf32>
    %get3A_1403 = arith.index_cast %max3A_1347 : i32 to index
    %get3A_1404 = arith.constant 80 : index
    %get3A_1405 = tpu.vector_load %arg4[%get3A_1403, %get3A_1404] {strides = array<i32>} : memref<257x128xf32, #tpu.memory_space<vmem>>, vector<1x16xf32>,
    %get3A_1406 = vector.shape_cast %get3A_1405 : vector<1x16xf32> to vector<16xf32>
    %sub3A_1407 = arith.subf %add3A_1402, %get3A_1406 : vector<16xf32>
    %get3A_1408 = arith.index_cast %min3A_1341 : i32 to index
    %get3A_1409 = arith.constant 96 : index
    %get3A_1410 = tpu.vector_load %arg4[%get3A_1408, %get3A_1409] {strides = array<i32>} : memref<257x128xf32, #tpu.memory_space<vmem>>, vector<1x16xf32>,
    %get3A_1411 = vector.shape_cast %get3A_1410 : vector<1x16xf32> to vector<16xf32>
    %add3A_1412 = arith.addf %sub3A_1277, %get3A_1411 : vector<16xf32>
    %get3A_1413 = arith.index_cast %max3A_1347 : i32 to index
    %get3A_1414 = arith.constant 96 : index
    %get3A_1415 = tpu.vector_load %arg4[%get3A_1413, %get3A_1414] {strides = array<i32>} : memref<257x128xf32, #tpu.memory_space<vmem>>, vector<1x16xf32>,
    %get3A_1416 = vector.shape_cast %get3A_1415 : vector<1x16xf32> to vector<16xf32>
    %sub3A_1417 = arith.subf %add3A_1412, %get3A_1416 : vector<16xf32>
    %get3A_1418 = arith.index_cast %min3A_1341 : i32 to index
    %get3A_1419 = arith.constant 112 : index
    %get3A_1420 = tpu.vector_load %arg4[%get3A_1418, %get3A_1419] {strides = array<i32>} : memref<257x128xf32, #tpu.memory_space<vmem>>, vector<1x16xf32>,
    %get3A_1421 = vector.shape_cast %get3A_1420 : vector<1x16xf32> to vector<16xf32>
    %add3A_1422 = arith.addf %sub3A_1287, %get3A_1421 : vector<16xf32>
    %get3A_1423 = arith.index_cast %max3A_1347 : i32 to index
    %get3A_1424 = arith.constant 112 : index
    %get3A_1425 = tpu.vector_load %arg4[%get3A_1423, %get3A_1424] {strides = array<i32>} : memref<257x128xf32, #tpu.memory_space<vmem>>, vector<1x16xf32>,
    %get3A_1426 = vector.shape_cast %get3A_1425 : vector<1x16xf32> to vector<16xf32>
    %sub3A_1427 = arith.subf %add3A_1422, %get3A_1426 : vector<16xf32>
    %swap3A_1428 = arith.constant 9 : i32
    %swap3A_1429 = arith.index_cast %swap3A_1428 : i32 to index
    %swap3A_1430 = arith.constant 0 : index
    %swap3A_1431 = tpu.vector_load %arg5[%swap3A_1429, %swap3A_1430] {strides = array<i32>} : memref<16x128xf32, #tpu.memory_space<vmem>>, vector<1x16xf32>,
    %swap3A_1432 = vector.shape_cast %swap3A_1431 : vector<1x16xf32> to vector<16xf32>
    %swap3A_1433 = vector.shape_cast %sub3A_1357 : vector<16xf32> to vector<1x16xf32>
    tpu.vector_store %arg5[%swap3A_1429, %swap3A_1430], %swap3A_1433 {strides = array<i32>} : memref<16x128xf32, #tpu.memory_space<vmem>>, vector<1x16xf32>,
    %swap3A_1434 = arith.constant 9 : i32
    %swap3A_1435 = arith.index_cast %swap3A_1434 : i32 to index
    %swap3A_1436 = arith.constant 16 : index
    %swap3A_1437 = tpu.vector_load %arg5[%swap3A_1435, %swap3A_1436] {strides = array<i32>} : memref<16x128xf32, #tpu.memory_space<vmem>>, vector<1x16xf32>,
    %swap3A_1438 = vector.shape_cast %swap3A_1437 : vector<1x16xf32> to vector<16xf32>
    %swap3A_1439 = vector.shape_cast %sub3A_1367 : vector<16xf32> to vector<1x16xf32>
    tpu.vector_store %arg5[%swap3A_1435, %swap3A_1436], %swap3A_1439 {strides = array<i32>} : memref<16x128xf32, #tpu.memory_space<vmem>>, vector<1x16xf32>,
    %swap3A_1440 = arith.constant 9 : i32
    %swap3A_1441 = arith.index_cast %swap3A_1440 : i32 to index
    %swap3A_1442 = arith.constant 32 : index
    %swap3A_1443 = tpu.vector_load %arg5[%swap3A_1441, %swap3A_1442] {strides = array<i32>} : memref<16x128xf32, #tpu.memory_space<vmem>>, vector<1x16xf32>,
    %swap3A_1444 = vector.shape_cast %swap3A_1443 : vector<1x16xf32> to vector<16xf32>
    %swap3A_1445 = vector.shape_cast %sub3A_1377 : vector<16xf32> to vector<1x16xf32>
    tpu.vector_store %arg5[%swap3A_1441, %swap3A_1442], %swap3A_1445 {strides = array<i32>} : memref<16x128xf32, #tpu.memory_space<vmem>>, vector<1x16xf32>,
    %swap3A_1446 = arith.constant 9 : i32
    %swap3A_1447 = arith.index_cast %swap3A_1446 : i32 to index
    %swap3A_1448 = arith.constant 48 : index
    %swap3A_1449 = tpu.vector_load %arg5[%swap3A_1447, %swap3A_1448] {strides = array<i32>} : memref<16x128xf32, #tpu.memory_space<vmem>>, vector<1x16xf32>,
    %swap3A_1450 = vector.shape_cast %swap3A_1449 : vector<1x16xf32> to vector<16xf32>
    %swap3A_1451 = vector.shape_cast %sub3A_1387 : vector<16xf32> to vector<1x16xf32>
    tpu.vector_store %arg5[%swap3A_1447, %swap3A_1448], %swap3A_1451 {strides = array<i32>} : memref<16x128xf32, #tpu.memory_space<vmem>>, vector<1x16xf32>,
    %swap3A_1452 = arith.constant 9 : i32
    %swap3A_1453 = arith.index_cast %swap3A_1452 : i32 to index
    %swap3A_1454 = arith.constant 64 : index
    %swap3A_1455 = tpu.vector_load %arg5[%swap3A_1453, %swap3A_1454] {strides = array<i32>} : memref<16x128xf32, #tpu.memory_space<vmem>>, vector<1x16xf32>,
    %swap3A_1456 = vector.shape_cast %swap3A_1455 : vector<1x16xf32> to vector<16xf32>
    %swap3A_1457 = vector.shape_cast %sub3A_1397 : vector<16xf32> to vector<1x16xf32>
    tpu.vector_store %arg5[%swap3A_1453, %swap3A_1454], %swap3A_1457 {strides = array<i32>} : memref<16x128xf32, #tpu.memory_space<vmem>>, vector<1x16xf32>,
    %swap3A_1458 = arith.constant 9 : i32
    %swap3A_1459 = arith.index_cast %swap3A_1458 : i32 to index
    %swap3A_1460 = arith.constant 80 : index
    %swap3A_1461 = tpu.vector_load %arg5[%swap3A_1459, %swap3A_1460] {strides = array<i32>} : memref<16x128xf32, #tpu.memory_space<vmem>>, vector<1x16xf32>,
    %swap3A_1462 = vector.shape_cast %swap3A_1461 : vector<1x16xf32> to vector<16xf32>
    %swap3A_1463 = vector.shape_cast %sub3A_1407 : vector<16xf32> to vector<1x16xf32>
    tpu.vector_store %arg5[%swap3A_1459, %swap3A_1460], %swap3A_1463 {strides = array<i32>} : memref<16x128xf32, #tpu.memory_space<vmem>>, vector<1x16xf32>,
    %swap3A_1464 = arith.constant 9 : i32
    %swap3A_1465 = arith.index_cast %swap3A_1464 : i32 to index
    %swap3A_1466 = arith.constant 96 : index
    %swap3A_1467 = tpu.vector_load %arg5[%swap3A_1465, %swap3A_1466] {strides = array<i32>} : memref<16x128xf32, #tpu.memory_space<vmem>>, vector<1x16xf32>,
    %swap3A_1468 = vector.shape_cast %swap3A_1467 : vector<1x16xf32> to vector<16xf32>
    %swap3A_1469 = vector.shape_cast %sub3A_1417 : vector<16xf32> to vector<1x16xf32>
    tpu.vector_store %arg5[%swap3A_1465, %swap3A_1466], %swap3A_1469 {strides = array<i32>} : memref<16x128xf32, #tpu.memory_space<vmem>>, vector<1x16xf32>,
    %swap3A_1470 = arith.constant 9 : i32
    %swap3A_1471 = arith.index_cast %swap3A_1470 : i32 to index
    %swap3A_1472 = arith.constant 112 : index
    %swap3A_1473 = tpu.vector_load %arg5[%swap3A_1471, %swap3A_1472] {strides = array<i32>} : memref<16x128xf32, #tpu.memory_space<vmem>>, vector<1x16xf32>,
    %swap3A_1474 = vector.shape_cast %swap3A_1473 : vector<1x16xf32> to vector<16xf32>
    %swap3A_1475 = vector.shape_cast %sub3A_1427 : vector<16xf32> to vector<1x16xf32>
    tpu.vector_store %arg5[%swap3A_1471, %swap3A_1472], %swap3A_1475 {strides = array<i32>} : memref<16x128xf32, #tpu.memory_space<vmem>>, vector<1x16xf32>,
    %add3A_1476 = arith.constant 10 : i32
    %add3A_1477 = arith.addi %min3A_1, %add3A_1476 : i32
    %add3A_1478 = arith.constant 128 : i32
    %add3A_1479 = arith.addi %add3A_1477, %add3A_1478 : i32
    %min3A_1480 = arith.constant 256 : i32
    %min3A_1481 = arith.minsi %add3A_1479, %min3A_1480 : i32
    %sub3A_1482 = arith.constant 71 : i32
    %sub3A_1483 = arith.subi %add3A_1477, %sub3A_1482 : i32
    %sub3A_1484 = arith.constant 1 : i32
    %sub3A_1485 = arith.subi %sub3A_1483, %sub3A_1484 : i32
    %max3A_1486 = arith.constant 0 : i32
    %max3A_1487 = arith.maxsi %sub3A_1485, %max3A_1486 : i32
    %get3A_1488 = arith.index_cast %min3A_1481 : i32 to index
    %get3A_1489 = arith.constant 0 : index
    %get3A_1490 = tpu.vector_load %arg4[%get3A_1488, %get3A_1489] {strides = array<i32>} : memref<257x128xf32, #tpu.memory_space<vmem>>, vector<1x16xf32>,
    %get3A_1491 = vector.shape_cast %get3A_1490 : vector<1x16xf32> to vector<16xf32>
    %add3A_1492 = arith.addf %sub3A_1357, %get3A_1491 : vector<16xf32>
    %get3A_1493 = arith.index_cast %max3A_1487 : i32 to index
    %get3A_1494 = arith.constant 0 : index
    %get3A_1495 = tpu.vector_load %arg4[%get3A_1493, %get3A_1494] {strides = array<i32>} : memref<257x128xf32, #tpu.memory_space<vmem>>, vector<1x16xf32>,
    %get3A_1496 = vector.shape_cast %get3A_1495 : vector<1x16xf32> to vector<16xf32>
    %sub3A_1497 = arith.subf %add3A_1492, %get3A_1496 : vector<16xf32>
    %get3A_1498 = arith.index_cast %min3A_1481 : i32 to index
    %get3A_1499 = arith.constant 16 : index
    %get3A_1500 = tpu.vector_load %arg4[%get3A_1498, %get3A_1499] {strides = array<i32>} : memref<257x128xf32, #tpu.memory_space<vmem>>, vector<1x16xf32>,
    %get3A_1501 = vector.shape_cast %get3A_1500 : vector<1x16xf32> to vector<16xf32>
    %add3A_1502 = arith.addf %sub3A_1367, %get3A_1501 : vector<16xf32>
    %get3A_1503 = arith.index_cast %max3A_1487 : i32 to index
    %get3A_1504 = arith.constant 16 : index
    %get3A_1505 = tpu.vector_load %arg4[%get3A_1503, %get3A_1504] {strides = array<i32>} : memref<257x128xf32, #tpu.memory_space<vmem>>, vector<1x16xf32>,
    %get3A_1506 = vector.shape_cast %get3A_1505 : vector<1x16xf32> to vector<16xf32>
    %sub3A_1507 = arith.subf %add3A_1502, %get3A_1506 : vector<16xf32>
    %get3A_1508 = arith.index_cast %min3A_1481 : i32 to index
    %get3A_1509 = arith.constant 32 : index
    %get3A_1510 = tpu.vector_load %arg4[%get3A_1508, %get3A_1509] {strides = array<i32>} : memref<257x128xf32, #tpu.memory_space<vmem>>, vector<1x16xf32>,
    %get3A_1511 = vector.shape_cast %get3A_1510 : vector<1x16xf32> to vector<16xf32>
    %add3A_1512 = arith.addf %sub3A_1377, %get3A_1511 : vector<16xf32>
    %get3A_1513 = arith.index_cast %max3A_1487 : i32 to index
    %get3A_1514 = arith.constant 32 : index
    %get3A_1515 = tpu.vector_load %arg4[%get3A_1513, %get3A_1514] {strides = array<i32>} : memref<257x128xf32, #tpu.memory_space<vmem>>, vector<1x16xf32>,
    %get3A_1516 = vector.shape_cast %get3A_1515 : vector<1x16xf32> to vector<16xf32>
    %sub3A_1517 = arith.subf %add3A_1512, %get3A_1516 : vector<16xf32>
    %get3A_1518 = arith.index_cast %min3A_1481 : i32 to index
    %get3A_1519 = arith.constant 48 : index
    %get3A_1520 = tpu.vector_load %arg4[%get3A_1518, %get3A_1519] {strides = array<i32>} : memref<257x128xf32, #tpu.memory_space<vmem>>, vector<1x16xf32>,
    %get3A_1521 = vector.shape_cast %get3A_1520 : vector<1x16xf32> to vector<16xf32>
    %add3A_1522 = arith.addf %sub3A_1387, %get3A_1521 : vector<16xf32>
    %get3A_1523 = arith.index_cast %max3A_1487 : i32 to index
    %get3A_1524 = arith.constant 48 : index
    %get3A_1525 = tpu.vector_load %arg4[%get3A_1523, %get3A_1524] {strides = array<i32>} : memref<257x128xf32, #tpu.memory_space<vmem>>, vector<1x16xf32>,
    %get3A_1526 = vector.shape_cast %get3A_1525 : vector<1x16xf32> to vector<16xf32>
    %sub3A_1527 = arith.subf %add3A_1522, %get3A_1526 : vector<16xf32>
    %get3A_1528 = arith.index_cast %min3A_1481 : i32 to index
    %get3A_1529 = arith.constant 64 : index
    %get3A_1530 = tpu.vector_load %arg4[%get3A_1528, %get3A_1529] {strides = array<i32>} : memref<257x128xf32, #tpu.memory_space<vmem>>, vector<1x16xf32>,
    %get3A_1531 = vector.shape_cast %get3A_1530 : vector<1x16xf32> to vector<16xf32>
    %add3A_1532 = arith.addf %sub3A_1397, %get3A_1531 : vector<16xf32>
    %get3A_1533 = arith.index_cast %max3A_1487 : i32 to index
    %get3A_1534 = arith.constant 64 : index
    %get3A_1535 = tpu.vector_load %arg4[%get3A_1533, %get3A_1534] {strides = array<i32>} : memref<257x128xf32, #tpu.memory_space<vmem>>, vector<1x16xf32>,
    %get3A_1536 = vector.shape_cast %get3A_1535 : vector<1x16xf32> to vector<16xf32>
    %sub3A_1537 = arith.subf %add3A_1532, %get3A_1536 : vector<16xf32>
    %get3A_1538 = arith.index_cast %min3A_1481 : i32 to index
    %get3A_1539 = arith.constant 80 : index
    %get3A_1540 = tpu.vector_load %arg4[%get3A_1538, %get3A_1539] {strides = array<i32>} : memref<257x128xf32, #tpu.memory_space<vmem>>, vector<1x16xf32>,
    %get3A_1541 = vector.shape_cast %get3A_1540 : vector<1x16xf32> to vector<16xf32>
    %add3A_1542 = arith.addf %sub3A_1407, %get3A_1541 : vector<16xf32>
    %get3A_1543 = arith.index_cast %max3A_1487 : i32 to index
    %get3A_1544 = arith.constant 80 : index
    %get3A_1545 = tpu.vector_load %arg4[%get3A_1543, %get3A_1544] {strides = array<i32>} : memref<257x128xf32, #tpu.memory_space<vmem>>, vector<1x16xf32>,
    %get3A_1546 = vector.shape_cast %get3A_1545 : vector<1x16xf32> to vector<16xf32>
    %sub3A_1547 = arith.subf %add3A_1542, %get3A_1546 : vector<16xf32>
    %get3A_1548 = arith.index_cast %min3A_1481 : i32 to index
    %get3A_1549 = arith.constant 96 : index
    %get3A_1550 = tpu.vector_load %arg4[%get3A_1548, %get3A_1549] {strides = array<i32>} : memref<257x128xf32, #tpu.memory_space<vmem>>, vector<1x16xf32>,
    %get3A_1551 = vector.shape_cast %get3A_1550 : vector<1x16xf32> to vector<16xf32>
    %add3A_1552 = arith.addf %sub3A_1417, %get3A_1551 : vector<16xf32>
    %get3A_1553 = arith.index_cast %max3A_1487 : i32 to index
    %get3A_1554 = arith.constant 96 : index
    %get3A_1555 = tpu.vector_load %arg4[%get3A_1553, %get3A_1554] {strides = array<i32>} : memref<257x128xf32, #tpu.memory_space<vmem>>, vector<1x16xf32>,
    %get3A_1556 = vector.shape_cast %get3A_1555 : vector<1x16xf32> to vector<16xf32>
    %sub3A_1557 = arith.subf %add3A_1552, %get3A_1556 : vector<16xf32>
    %get3A_1558 = arith.index_cast %min3A_1481 : i32 to index
    %get3A_1559 = arith.constant 112 : index
    %get3A_1560 = tpu.vector_load %arg4[%get3A_1558, %get3A_1559] {strides = array<i32>} : memref<257x128xf32, #tpu.memory_space<vmem>>, vector<1x16xf32>,
    %get3A_1561 = vector.shape_cast %get3A_1560 : vector<1x16xf32> to vector<16xf32>
    %add3A_1562 = arith.addf %sub3A_1427, %get3A_1561 : vector<16xf32>
    %get3A_1563 = arith.index_cast %max3A_1487 : i32 to index
    %get3A_1564 = arith.constant 112 : index
    %get3A_1565 = tpu.vector_load %arg4[%get3A_1563, %get3A_1564] {strides = array<i32>} : memref<257x128xf32, #tpu.memory_space<vmem>>, vector<1x16xf32>,
    %get3A_1566 = vector.shape_cast %get3A_1565 : vector<1x16xf32> to vector<16xf32>
    %sub3A_1567 = arith.subf %add3A_1562, %get3A_1566 : vector<16xf32>
    %swap3A_1568 = arith.constant 10 : i32
    %swap3A_1569 = arith.index_cast %swap3A_1568 : i32 to index
    %swap3A_1570 = arith.constant 0 : index
    %swap3A_1571 = tpu.vector_load %arg5[%swap3A_1569, %swap3A_1570] {strides = array<i32>} : memref<16x128xf32, #tpu.memory_space<vmem>>, vector<1x16xf32>,
    %swap3A_1572 = vector.shape_cast %swap3A_1571 : vector<1x16xf32> to vector<16xf32>
    %swap3A_1573 = vector.shape_cast %sub3A_1497 : vector<16xf32> to vector<1x16xf32>
    tpu.vector_store %arg5[%swap3A_1569, %swap3A_1570], %swap3A_1573 {strides = array<i32>} : memref<16x128xf32, #tpu.memory_space<vmem>>, vector<1x16xf32>,
    %swap3A_1574 = arith.constant 10 : i32
    %swap3A_1575 = arith.index_cast %swap3A_1574 : i32 to index
    %swap3A_1576 = arith.constant 16 : index
    %swap3A_1577 = tpu.vector_load %arg5[%swap3A_1575, %swap3A_1576] {strides = array<i32>} : memref<16x128xf32, #tpu.memory_space<vmem>>, vector<1x16xf32>,
    %swap3A_1578 = vector.shape_cast %swap3A_1577 : vector<1x16xf32> to vector<16xf32>
    %swap3A_1579 = vector.shape_cast %sub3A_1507 : vector<16xf32> to vector<1x16xf32>
    tpu.vector_store %arg5[%swap3A_1575, %swap3A_1576], %swap3A_1579 {strides = array<i32>} : memref<16x128xf32, #tpu.memory_space<vmem>>, vector<1x16xf32>,
    %swap3A_1580 = arith.constant 10 : i32
    %swap3A_1581 = arith.index_cast %swap3A_1580 : i32 to index
    %swap3A_1582 = arith.constant 32 : index
    %swap3A_1583 = tpu.vector_load %arg5[%swap3A_1581, %swap3A_1582] {strides = array<i32>} : memref<16x128xf32, #tpu.memory_space<vmem>>, vector<1x16xf32>,
    %swap3A_1584 = vector.shape_cast %swap3A_1583 : vector<1x16xf32> to vector<16xf32>
    %swap3A_1585 = vector.shape_cast %sub3A_1517 : vector<16xf32> to vector<1x16xf32>
    tpu.vector_store %arg5[%swap3A_1581, %swap3A_1582], %swap3A_1585 {strides = array<i32>} : memref<16x128xf32, #tpu.memory_space<vmem>>, vector<1x16xf32>,
    %swap3A_1586 = arith.constant 10 : i32
    %swap3A_1587 = arith.index_cast %swap3A_1586 : i32 to index
    %swap3A_1588 = arith.constant 48 : index
    %swap3A_1589 = tpu.vector_load %arg5[%swap3A_1587, %swap3A_1588] {strides = array<i32>} : memref<16x128xf32, #tpu.memory_space<vmem>>, vector<1x16xf32>,
    %swap3A_1590 = vector.shape_cast %swap3A_1589 : vector<1x16xf32> to vector<16xf32>
    %swap3A_1591 = vector.shape_cast %sub3A_1527 : vector<16xf32> to vector<1x16xf32>
    tpu.vector_store %arg5[%swap3A_1587, %swap3A_1588], %swap3A_1591 {strides = array<i32>} : memref<16x128xf32, #tpu.memory_space<vmem>>, vector<1x16xf32>,
    %swap3A_1592 = arith.constant 10 : i32
    %swap3A_1593 = arith.index_cast %swap3A_1592 : i32 to index
    %swap3A_1594 = arith.constant 64 : index
    %swap3A_1595 = tpu.vector_load %arg5[%swap3A_1593, %swap3A_1594] {strides = array<i32>} : memref<16x128xf32, #tpu.memory_space<vmem>>, vector<1x16xf32>,
    %swap3A_1596 = vector.shape_cast %swap3A_1595 : vector<1x16xf32> to vector<16xf32>
    %swap3A_1597 = vector.shape_cast %sub3A_1537 : vector<16xf32> to vector<1x16xf32>
    tpu.vector_store %arg5[%swap3A_1593, %swap3A_1594], %swap3A_1597 {strides = array<i32>} : memref<16x128xf32, #tpu.memory_space<vmem>>, vector<1x16xf32>,
    %swap3A_1598 = arith.constant 10 : i32
    %swap3A_1599 = arith.index_cast %swap3A_1598 : i32 to index
    %swap3A_1600 = arith.constant 80 : index
    %swap3A_1601 = tpu.vector_load %arg5[%swap3A_1599, %swap3A_1600] {strides = array<i32>} : memref<16x128xf32, #tpu.memory_space<vmem>>, vector<1x16xf32>,
    %swap3A_1602 = vector.shape_cast %swap3A_1601 : vector<1x16xf32> to vector<16xf32>
    %swap3A_1603 = vector.shape_cast %sub3A_1547 : vector<16xf32> to vector<1x16xf32>
    tpu.vector_store %arg5[%swap3A_1599, %swap3A_1600], %swap3A_1603 {strides = array<i32>} : memref<16x128xf32, #tpu.memory_space<vmem>>, vector<1x16xf32>,
    %swap3A_1604 = arith.constant 10 : i32
    %swap3A_1605 = arith.index_cast %swap3A_1604 : i32 to index
    %swap3A_1606 = arith.constant 96 : index
    %swap3A_1607 = tpu.vector_load %arg5[%swap3A_1605, %swap3A_1606] {strides = array<i32>} : memref<16x128xf32, #tpu.memory_space<vmem>>, vector<1x16xf32>,
    %swap3A_1608 = vector.shape_cast %swap3A_1607 : vector<1x16xf32> to vector<16xf32>
    %swap3A_1609 = vector.shape_cast %sub3A_1557 : vector<16xf32> to vector<1x16xf32>
    tpu.vector_store %arg5[%swap3A_1605, %swap3A_1606], %swap3A_1609 {strides = array<i32>} : memref<16x128xf32, #tpu.memory_space<vmem>>, vector<1x16xf32>,
    %swap3A_1610 = arith.constant 10 : i32
    %swap3A_1611 = arith.index_cast %swap3A_1610 : i32 to index
    %swap3A_1612 = arith.constant 112 : index
    %swap3A_1613 = tpu.vector_load %arg5[%swap3A_1611, %swap3A_1612] {strides = array<i32>} : memref<16x128xf32, #tpu.memory_space<vmem>>, vector<1x16xf32>,
    %swap3A_1614 = vector.shape_cast %swap3A_1613 : vector<1x16xf32> to vector<16xf32>
    %swap3A_1615 = vector.shape_cast %sub3A_1567 : vector<16xf32> to vector<1x16xf32>
    tpu.vector_store %arg5[%swap3A_1611, %swap3A_1612], %swap3A_1615 {strides = array<i32>} : memref<16x128xf32, #tpu.memory_space<vmem>>, vector<1x16xf32>,
    %add3A_1616 = arith.constant 11 : i32
    %add3A_1617 = arith.addi %min3A_1, %add3A_1616 : i32
    %add3A_1618 = arith.constant 128 : i32
    %add3A_1619 = arith.addi %add3A_1617, %add3A_1618 : i32
    %min3A_1620 = arith.constant 256 : i32
    %min3A_1621 = arith.minsi %add3A_1619, %min3A_1620 : i32
    %sub3A_1622 = arith.constant 71 : i32
    %sub3A_1623 = arith.subi %add3A_1617, %sub3A_1622 : i32
    %sub3A_1624 = arith.constant 1 : i32
    %sub3A_1625 = arith.subi %sub3A_1623, %sub3A_1624 : i32
    %max3A_1626 = arith.constant 0 : i32
    %max3A_1627 = arith.maxsi %sub3A_1625, %max3A_1626 : i32
    %get3A_1628 = arith.index_cast %min3A_1621 : i32 to index
    %get3A_1629 = arith.constant 0 : index
    %get3A_1630 = tpu.vector_load %arg4[%get3A_1628, %get3A_1629] {strides = array<i32>} : memref<257x128xf32, #tpu.memory_space<vmem>>, vector<1x16xf32>,
    %get3A_1631 = vector.shape_cast %get3A_1630 : vector<1x16xf32> to vector<16xf32>
    %add3A_1632 = arith.addf %sub3A_1497, %get3A_1631 : vector<16xf32>
    %get3A_1633 = arith.index_cast %max3A_1627 : i32 to index
    %get3A_1634 = arith.constant 0 : index
    %get3A_1635 = tpu.vector_load %arg4[%get3A_1633, %get3A_1634] {strides = array<i32>} : memref<257x128xf32, #tpu.memory_space<vmem>>, vector<1x16xf32>,
    %get3A_1636 = vector.shape_cast %get3A_1635 : vector<1x16xf32> to vector<16xf32>
    %sub3A_1637 = arith.subf %add3A_1632, %get3A_1636 : vector<16xf32>
    %get3A_1638 = arith.index_cast %min3A_1621 : i32 to index
    %get3A_1639 = arith.constant 16 : index
    %get3A_1640 = tpu.vector_load %arg4[%get3A_1638, %get3A_1639] {strides = array<i32>} : memref<257x128xf32, #tpu.memory_space<vmem>>, vector<1x16xf32>,
    %get3A_1641 = vector.shape_cast %get3A_1640 : vector<1x16xf32> to vector<16xf32>
    %add3A_1642 = arith.addf %sub3A_1507, %get3A_1641 : vector<16xf32>
    %get3A_1643 = arith.index_cast %max3A_1627 : i32 to index
    %get3A_1644 = arith.constant 16 : index
    %get3A_1645 = tpu.vector_load %arg4[%get3A_1643, %get3A_1644] {strides = array<i32>} : memref<257x128xf32, #tpu.memory_space<vmem>>, vector<1x16xf32>,
    %get3A_1646 = vector.shape_cast %get3A_1645 : vector<1x16xf32> to vector<16xf32>
    %sub3A_1647 = arith.subf %add3A_1642, %get3A_1646 : vector<16xf32>
    %get3A_1648 = arith.index_cast %min3A_1621 : i32 to index
    %get3A_1649 = arith.constant 32 : index
    %get3A_1650 = tpu.vector_load %arg4[%get3A_1648, %get3A_1649] {strides = array<i32>} : memref<257x128xf32, #tpu.memory_space<vmem>>, vector<1x16xf32>,
    %get3A_1651 = vector.shape_cast %get3A_1650 : vector<1x16xf32> to vector<16xf32>
    %add3A_1652 = arith.addf %sub3A_1517, %get3A_1651 : vector<16xf32>
    %get3A_1653 = arith.index_cast %max3A_1627 : i32 to index
    %get3A_1654 = arith.constant 32 : index
    %get3A_1655 = tpu.vector_load %arg4[%get3A_1653, %get3A_1654] {strides = array<i32>} : memref<257x128xf32, #tpu.memory_space<vmem>>, vector<1x16xf32>,
    %get3A_1656 = vector.shape_cast %get3A_1655 : vector<1x16xf32> to vector<16xf32>
    %sub3A_1657 = arith.subf %add3A_1652, %get3A_1656 : vector<16xf32>
    %get3A_1658 = arith.index_cast %min3A_1621 : i32 to index
    %get3A_1659 = arith.constant 48 : index
    %get3A_1660 = tpu.vector_load %arg4[%get3A_1658, %get3A_1659] {strides = array<i32>} : memref<257x128xf32, #tpu.memory_space<vmem>>, vector<1x16xf32>,
    %get3A_1661 = vector.shape_cast %get3A_1660 : vector<1x16xf32> to vector<16xf32>
    %add3A_1662 = arith.addf %sub3A_1527, %get3A_1661 : vector<16xf32>
    %get3A_1663 = arith.index_cast %max3A_1627 : i32 to index
    %get3A_1664 = arith.constant 48 : index
    %get3A_1665 = tpu.vector_load %arg4[%get3A_1663, %get3A_1664] {strides = array<i32>} : memref<257x128xf32, #tpu.memory_space<vmem>>, vector<1x16xf32>,
    %get3A_1666 = vector.shape_cast %get3A_1665 : vector<1x16xf32> to vector<16xf32>
    %sub3A_1667 = arith.subf %add3A_1662, %get3A_1666 : vector<16xf32>
    %get3A_1668 = arith.index_cast %min3A_1621 : i32 to index
    %get3A_1669 = arith.constant 64 : index
    %get3A_1670 = tpu.vector_load %arg4[%get3A_1668, %get3A_1669] {strides = array<i32>} : memref<257x128xf32, #tpu.memory_space<vmem>>, vector<1x16xf32>,
    %get3A_1671 = vector.shape_cast %get3A_1670 : vector<1x16xf32> to vector<16xf32>
    %add3A_1672 = arith.addf %sub3A_1537, %get3A_1671 : vector<16xf32>
    %get3A_1673 = arith.index_cast %max3A_1627 : i32 to index
    %get3A_1674 = arith.constant 64 : index
    %get3A_1675 = tpu.vector_load %arg4[%get3A_1673, %get3A_1674] {strides = array<i32>} : memref<257x128xf32, #tpu.memory_space<vmem>>, vector<1x16xf32>,
    %get3A_1676 = vector.shape_cast %get3A_1675 : vector<1x16xf32> to vector<16xf32>
    %sub3A_1677 = arith.subf %add3A_1672, %get3A_1676 : vector<16xf32>
    %get3A_1678 = arith.index_cast %min3A_1621 : i32 to index
    %get3A_1679 = arith.constant 80 : index
    %get3A_1680 = tpu.vector_load %arg4[%get3A_1678, %get3A_1679] {strides = array<i32>} : memref<257x128xf32, #tpu.memory_space<vmem>>, vector<1x16xf32>,
    %get3A_1681 = vector.shape_cast %get3A_1680 : vector<1x16xf32> to vector<16xf32>
    %add3A_1682 = arith.addf %sub3A_1547, %get3A_1681 : vector<16xf32>
    %get3A_1683 = arith.index_cast %max3A_1627 : i32 to index
    %get3A_1684 = arith.constant 80 : index
    %get3A_1685 = tpu.vector_load %arg4[%get3A_1683, %get3A_1684] {strides = array<i32>} : memref<257x128xf32, #tpu.memory_space<vmem>>, vector<1x16xf32>,
    %get3A_1686 = vector.shape_cast %get3A_1685 : vector<1x16xf32> to vector<16xf32>
    %sub3A_1687 = arith.subf %add3A_1682, %get3A_1686 : vector<16xf32>
    %get3A_1688 = arith.index_cast %min3A_1621 : i32 to index
    %get3A_1689 = arith.constant 96 : index
    %get3A_1690 = tpu.vector_load %arg4[%get3A_1688, %get3A_1689] {strides = array<i32>} : memref<257x128xf32, #tpu.memory_space<vmem>>, vector<1x16xf32>,
    %get3A_1691 = vector.shape_cast %get3A_1690 : vector<1x16xf32> to vector<16xf32>
    %add3A_1692 = arith.addf %sub3A_1557, %get3A_1691 : vector<16xf32>
    %get3A_1693 = arith.index_cast %max3A_1627 : i32 to index
    %get3A_1694 = arith.constant 96 : index
    %get3A_1695 = tpu.vector_load %arg4[%get3A_1693, %get3A_1694] {strides = array<i32>} : memref<257x128xf32, #tpu.memory_space<vmem>>, vector<1x16xf32>,
    %get3A_1696 = vector.shape_cast %get3A_1695 : vector<1x16xf32> to vector<16xf32>
    %sub3A_1697 = arith.subf %add3A_1692, %get3A_1696 : vector<16xf32>
    %get3A_1698 = arith.index_cast %min3A_1621 : i32 to index
    %get3A_1699 = arith.constant 112 : index
    %get3A_1700 = tpu.vector_load %arg4[%get3A_1698, %get3A_1699] {strides = array<i32>} : memref<257x128xf32, #tpu.memory_space<vmem>>, vector<1x16xf32>,
    %get3A_1701 = vector.shape_cast %get3A_1700 : vector<1x16xf32> to vector<16xf32>
    %add3A_1702 = arith.addf %sub3A_1567, %get3A_1701 : vector<16xf32>
    %get3A_1703 = arith.index_cast %max3A_1627 : i32 to index
    %get3A_1704 = arith.constant 112 : index
    %get3A_1705 = tpu.vector_load %arg4[%get3A_1703, %get3A_1704] {strides = array<i32>} : memref<257x128xf32, #tpu.memory_space<vmem>>, vector<1x16xf32>,
    %get3A_1706 = vector.shape_cast %get3A_1705 : vector<1x16xf32> to vector<16xf32>
    %sub3A_1707 = arith.subf %add3A_1702, %get3A_1706 : vector<16xf32>
    %swap3A_1708 = arith.constant 11 : i32
    %swap3A_1709 = arith.index_cast %swap3A_1708 : i32 to index
    %swap3A_1710 = arith.constant 0 : index
    %swap3A_1711 = tpu.vector_load %arg5[%swap3A_1709, %swap3A_1710] {strides = array<i32>} : memref<16x128xf32, #tpu.memory_space<vmem>>, vector<1x16xf32>,
    %swap3A_1712 = vector.shape_cast %swap3A_1711 : vector<1x16xf32> to vector<16xf32>
    %swap3A_1713 = vector.shape_cast %sub3A_1637 : vector<16xf32> to vector<1x16xf32>
    tpu.vector_store %arg5[%swap3A_1709, %swap3A_1710], %swap3A_1713 {strides = array<i32>} : memref<16x128xf32, #tpu.memory_space<vmem>>, vector<1x16xf32>,
    %swap3A_1714 = arith.constant 11 : i32
    %swap3A_1715 = arith.index_cast %swap3A_1714 : i32 to index
    %swap3A_1716 = arith.constant 16 : index
    %swap3A_1717 = tpu.vector_load %arg5[%swap3A_1715, %swap3A_1716] {strides = array<i32>} : memref<16x128xf32, #tpu.memory_space<vmem>>, vector<1x16xf32>,
    %swap3A_1718 = vector.shape_cast %swap3A_1717 : vector<1x16xf32> to vector<16xf32>
    %swap3A_1719 = vector.shape_cast %sub3A_1647 : vector<16xf32> to vector<1x16xf32>
    tpu.vector_store %arg5[%swap3A_1715, %swap3A_1716], %swap3A_1719 {strides = array<i32>} : memref<16x128xf32, #tpu.memory_space<vmem>>, vector<1x16xf32>,
    %swap3A_1720 = arith.constant 11 : i32
    %swap3A_1721 = arith.index_cast %swap3A_1720 : i32 to index
    %swap3A_1722 = arith.constant 32 : index
    %swap3A_1723 = tpu.vector_load %arg5[%swap3A_1721, %swap3A_1722] {strides = array<i32>} : memref<16x128xf32, #tpu.memory_space<vmem>>, vector<1x16xf32>,
    %swap3A_1724 = vector.shape_cast %swap3A_1723 : vector<1x16xf32> to vector<16xf32>
    %swap3A_1725 = vector.shape_cast %sub3A_1657 : vector<16xf32> to vector<1x16xf32>
    tpu.vector_store %arg5[%swap3A_1721, %swap3A_1722], %swap3A_1725 {strides = array<i32>} : memref<16x128xf32, #tpu.memory_space<vmem>>, vector<1x16xf32>,
    %swap3A_1726 = arith.constant 11 : i32
    %swap3A_1727 = arith.index_cast %swap3A_1726 : i32 to index
    %swap3A_1728 = arith.constant 48 : index
    %swap3A_1729 = tpu.vector_load %arg5[%swap3A_1727, %swap3A_1728] {strides = array<i32>} : memref<16x128xf32, #tpu.memory_space<vmem>>, vector<1x16xf32>,
    %swap3A_1730 = vector.shape_cast %swap3A_1729 : vector<1x16xf32> to vector<16xf32>
    %swap3A_1731 = vector.shape_cast %sub3A_1667 : vector<16xf32> to vector<1x16xf32>
    tpu.vector_store %arg5[%swap3A_1727, %swap3A_1728], %swap3A_1731 {strides = array<i32>} : memref<16x128xf32, #tpu.memory_space<vmem>>, vector<1x16xf32>,
    %swap3A_1732 = arith.constant 11 : i32
    %swap3A_1733 = arith.index_cast %swap3A_1732 : i32 to index
    %swap3A_1734 = arith.constant 64 : index
    %swap3A_1735 = tpu.vector_load %arg5[%swap3A_1733, %swap3A_1734] {strides = array<i32>} : memref<16x128xf32, #tpu.memory_space<vmem>>, vector<1x16xf32>,
    %swap3A_1736 = vector.shape_cast %swap3A_1735 : vector<1x16xf32> to vector<16xf32>
    %swap3A_1737 = vector.shape_cast %sub3A_1677 : vector<16xf32> to vector<1x16xf32>
    tpu.vector_store %arg5[%swap3A_1733, %swap3A_1734], %swap3A_1737 {strides = array<i32>} : memref<16x128xf32, #tpu.memory_space<vmem>>, vector<1x16xf32>,
    %swap3A_1738 = arith.constant 11 : i32
    %swap3A_1739 = arith.index_cast %swap3A_1738 : i32 to index
    %swap3A_1740 = arith.constant 80 : index
    %swap3A_1741 = tpu.vector_load %arg5[%swap3A_1739, %swap3A_1740] {strides = array<i32>} : memref<16x128xf32, #tpu.memory_space<vmem>>, vector<1x16xf32>,
    %swap3A_1742 = vector.shape_cast %swap3A_1741 : vector<1x16xf32> to vector<16xf32>
    %swap3A_1743 = vector.shape_cast %sub3A_1687 : vector<16xf32> to vector<1x16xf32>
    tpu.vector_store %arg5[%swap3A_1739, %swap3A_1740], %swap3A_1743 {strides = array<i32>} : memref<16x128xf32, #tpu.memory_space<vmem>>, vector<1x16xf32>,
    %swap3A_1744 = arith.constant 11 : i32
    %swap3A_1745 = arith.index_cast %swap3A_1744 : i32 to index
    %swap3A_1746 = arith.constant 96 : index
    %swap3A_1747 = tpu.vector_load %arg5[%swap3A_1745, %swap3A_1746] {strides = array<i32>} : memref<16x128xf32, #tpu.memory_space<vmem>>, vector<1x16xf32>,
    %swap3A_1748 = vector.shape_cast %swap3A_1747 : vector<1x16xf32> to vector<16xf32>
    %swap3A_1749 = vector.shape_cast %sub3A_1697 : vector<16xf32> to vector<1x16xf32>
    tpu.vector_store %arg5[%swap3A_1745, %swap3A_1746], %swap3A_1749 {strides = array<i32>} : memref<16x128xf32, #tpu.memory_space<vmem>>, vector<1x16xf32>,
    %swap3A_1750 = arith.constant 11 : i32
    %swap3A_1751 = arith.index_cast %swap3A_1750 : i32 to index
    %swap3A_1752 = arith.constant 112 : index
    %swap3A_1753 = tpu.vector_load %arg5[%swap3A_1751, %swap3A_1752] {strides = array<i32>} : memref<16x128xf32, #tpu.memory_space<vmem>>, vector<1x16xf32>,
    %swap3A_1754 = vector.shape_cast %swap3A_1753 : vector<1x16xf32> to vector<16xf32>
    %swap3A_1755 = vector.shape_cast %sub3A_1707 : vector<16xf32> to vector<1x16xf32>
    tpu.vector_store %arg5[%swap3A_1751, %swap3A_1752], %swap3A_1755 {strides = array<i32>} : memref<16x128xf32, #tpu.memory_space<vmem>>, vector<1x16xf32>,
    %add3A_1756 = arith.constant 12 : i32
    %add3A_1757 = arith.addi %min3A_1, %add3A_1756 : i32
    %add3A_1758 = arith.constant 128 : i32
    %add3A_1759 = arith.addi %add3A_1757, %add3A_1758 : i32
    %min3A_1760 = arith.constant 256 : i32
    %min3A_1761 = arith.minsi %add3A_1759, %min3A_1760 : i32
    %sub3A_1762 = arith.constant 71 : i32
    %sub3A_1763 = arith.subi %add3A_1757, %sub3A_1762 : i32
    %sub3A_1764 = arith.constant 1 : i32
    %sub3A_1765 = arith.subi %sub3A_1763, %sub3A_1764 : i32
    %max3A_1766 = arith.constant 0 : i32
    %max3A_1767 = arith.maxsi %sub3A_1765, %max3A_1766 : i32
    %get3A_1768 = arith.index_cast %min3A_1761 : i32 to index
    %get3A_1769 = arith.constant 0 : index
    %get3A_1770 = tpu.vector_load %arg4[%get3A_1768, %get3A_1769] {strides = array<i32>} : memref<257x128xf32, #tpu.memory_space<vmem>>, vector<1x16xf32>,
    %get3A_1771 = vector.shape_cast %get3A_1770 : vector<1x16xf32> to vector<16xf32>
    %add3A_1772 = arith.addf %sub3A_1637, %get3A_1771 : vector<16xf32>
    %get3A_1773 = arith.index_cast %max3A_1767 : i32 to index
    %get3A_1774 = arith.constant 0 : index
    %get3A_1775 = tpu.vector_load %arg4[%get3A_1773, %get3A_1774] {strides = array<i32>} : memref<257x128xf32, #tpu.memory_space<vmem>>, vector<1x16xf32>,
    %get3A_1776 = vector.shape_cast %get3A_1775 : vector<1x16xf32> to vector<16xf32>
    %sub3A_1777 = arith.subf %add3A_1772, %get3A_1776 : vector<16xf32>
    %get3A_1778 = arith.index_cast %min3A_1761 : i32 to index
    %get3A_1779 = arith.constant 16 : index
    %get3A_1780 = tpu.vector_load %arg4[%get3A_1778, %get3A_1779] {strides = array<i32>} : memref<257x128xf32, #tpu.memory_space<vmem>>, vector<1x16xf32>,
    %get3A_1781 = vector.shape_cast %get3A_1780 : vector<1x16xf32> to vector<16xf32>
    %add3A_1782 = arith.addf %sub3A_1647, %get3A_1781 : vector<16xf32>
    %get3A_1783 = arith.index_cast %max3A_1767 : i32 to index
    %get3A_1784 = arith.constant 16 : index
    %get3A_1785 = tpu.vector_load %arg4[%get3A_1783, %get3A_1784] {strides = array<i32>} : memref<257x128xf32, #tpu.memory_space<vmem>>, vector<1x16xf32>,
    %get3A_1786 = vector.shape_cast %get3A_1785 : vector<1x16xf32> to vector<16xf32>
    %sub3A_1787 = arith.subf %add3A_1782, %get3A_1786 : vector<16xf32>
    %get3A_1788 = arith.index_cast %min3A_1761 : i32 to index
    %get3A_1789 = arith.constant 32 : index
    %get3A_1790 = tpu.vector_load %arg4[%get3A_1788, %get3A_1789] {strides = array<i32>} : memref<257x128xf32, #tpu.memory_space<vmem>>, vector<1x16xf32>,
    %get3A_1791 = vector.shape_cast %get3A_1790 : vector<1x16xf32> to vector<16xf32>
    %add3A_1792 = arith.addf %sub3A_1657, %get3A_1791 : vector<16xf32>
    %get3A_1793 = arith.index_cast %max3A_1767 : i32 to index
    %get3A_1794 = arith.constant 32 : index
    %get3A_1795 = tpu.vector_load %arg4[%get3A_1793, %get3A_1794] {strides = array<i32>} : memref<257x128xf32, #tpu.memory_space<vmem>>, vector<1x16xf32>,
    %get3A_1796 = vector.shape_cast %get3A_1795 : vector<1x16xf32> to vector<16xf32>
    %sub3A_1797 = arith.subf %add3A_1792, %get3A_1796 : vector<16xf32>
    %get3A_1798 = arith.index_cast %min3A_1761 : i32 to index
    %get3A_1799 = arith.constant 48 : index
    %get3A_1800 = tpu.vector_load %arg4[%get3A_1798, %get3A_1799] {strides = array<i32>} : memref<257x128xf32, #tpu.memory_space<vmem>>, vector<1x16xf32>,
    %get3A_1801 = vector.shape_cast %get3A_1800 : vector<1x16xf32> to vector<16xf32>
    %add3A_1802 = arith.addf %sub3A_1667, %get3A_1801 : vector<16xf32>
    %get3A_1803 = arith.index_cast %max3A_1767 : i32 to index
    %get3A_1804 = arith.constant 48 : index
    %get3A_1805 = tpu.vector_load %arg4[%get3A_1803, %get3A_1804] {strides = array<i32>} : memref<257x128xf32, #tpu.memory_space<vmem>>, vector<1x16xf32>,
    %get3A_1806 = vector.shape_cast %get3A_1805 : vector<1x16xf32> to vector<16xf32>
    %sub3A_1807 = arith.subf %add3A_1802, %get3A_1806 : vector<16xf32>
    %get3A_1808 = arith.index_cast %min3A_1761 : i32 to index
    %get3A_1809 = arith.constant 64 : index
    %get3A_1810 = tpu.vector_load %arg4[%get3A_1808, %get3A_1809] {strides = array<i32>} : memref<257x128xf32, #tpu.memory_space<vmem>>, vector<1x16xf32>,
    %get3A_1811 = vector.shape_cast %get3A_1810 : vector<1x16xf32> to vector<16xf32>
    %add3A_1812 = arith.addf %sub3A_1677, %get3A_1811 : vector<16xf32>
    %get3A_1813 = arith.index_cast %max3A_1767 : i32 to index
    %get3A_1814 = arith.constant 64 : index
    %get3A_1815 = tpu.vector_load %arg4[%get3A_1813, %get3A_1814] {strides = array<i32>} : memref<257x128xf32, #tpu.memory_space<vmem>>, vector<1x16xf32>,
    %get3A_1816 = vector.shape_cast %get3A_1815 : vector<1x16xf32> to vector<16xf32>
    %sub3A_1817 = arith.subf %add3A_1812, %get3A_1816 : vector<16xf32>
    %get3A_1818 = arith.index_cast %min3A_1761 : i32 to index
    %get3A_1819 = arith.constant 80 : index
    %get3A_1820 = tpu.vector_load %arg4[%get3A_1818, %get3A_1819] {strides = array<i32>} : memref<257x128xf32, #tpu.memory_space<vmem>>, vector<1x16xf32>,
    %get3A_1821 = vector.shape_cast %get3A_1820 : vector<1x16xf32> to vector<16xf32>
    %add3A_1822 = arith.addf %sub3A_1687, %get3A_1821 : vector<16xf32>
    %get3A_1823 = arith.index_cast %max3A_1767 : i32 to index
    %get3A_1824 = arith.constant 80 : index
    %get3A_1825 = tpu.vector_load %arg4[%get3A_1823, %get3A_1824] {strides = array<i32>} : memref<257x128xf32, #tpu.memory_space<vmem>>, vector<1x16xf32>,
    %get3A_1826 = vector.shape_cast %get3A_1825 : vector<1x16xf32> to vector<16xf32>
    %sub3A_1827 = arith.subf %add3A_1822, %get3A_1826 : vector<16xf32>
    %get3A_1828 = arith.index_cast %min3A_1761 : i32 to index
    %get3A_1829 = arith.constant 96 : index
    %get3A_1830 = tpu.vector_load %arg4[%get3A_1828, %get3A_1829] {strides = array<i32>} : memref<257x128xf32, #tpu.memory_space<vmem>>, vector<1x16xf32>,
    %get3A_1831 = vector.shape_cast %get3A_1830 : vector<1x16xf32> to vector<16xf32>
    %add3A_1832 = arith.addf %sub3A_1697, %get3A_1831 : vector<16xf32>
    %get3A_1833 = arith.index_cast %max3A_1767 : i32 to index
    %get3A_1834 = arith.constant 96 : index
    %get3A_1835 = tpu.vector_load %arg4[%get3A_1833, %get3A_1834] {strides = array<i32>} : memref<257x128xf32, #tpu.memory_space<vmem>>, vector<1x16xf32>,
    %get3A_1836 = vector.shape_cast %get3A_1835 : vector<1x16xf32> to vector<16xf32>
    %sub3A_1837 = arith.subf %add3A_1832, %get3A_1836 : vector<16xf32>
    %get3A_1838 = arith.index_cast %min3A_1761 : i32 to index
    %get3A_1839 = arith.constant 112 : index
    %get3A_1840 = tpu.vector_load %arg4[%get3A_1838, %get3A_1839] {strides = array<i32>} : memref<257x128xf32, #tpu.memory_space<vmem>>, vector<1x16xf32>,
    %get3A_1841 = vector.shape_cast %get3A_1840 : vector<1x16xf32> to vector<16xf32>
    %add3A_1842 = arith.addf %sub3A_1707, %get3A_1841 : vector<16xf32>
    %get3A_1843 = arith.index_cast %max3A_1767 : i32 to index
    %get3A_1844 = arith.constant 112 : index
    %get3A_1845 = tpu.vector_load %arg4[%get3A_1843, %get3A_1844] {strides = array<i32>} : memref<257x128xf32, #tpu.memory_space<vmem>>, vector<1x16xf32>,
    %get3A_1846 = vector.shape_cast %get3A_1845 : vector<1x16xf32> to vector<16xf32>
    %sub3A_1847 = arith.subf %add3A_1842, %get3A_1846 : vector<16xf32>
    %swap3A_1848 = arith.constant 12 : i32
    %swap3A_1849 = arith.index_cast %swap3A_1848 : i32 to index
    %swap3A_1850 = arith.constant 0 : index
    %swap3A_1851 = tpu.vector_load %arg5[%swap3A_1849, %swap3A_1850] {strides = array<i32>} : memref<16x128xf32, #tpu.memory_space<vmem>>, vector<1x16xf32>,
    %swap3A_1852 = vector.shape_cast %swap3A_1851 : vector<1x16xf32> to vector<16xf32>
    %swap3A_1853 = vector.shape_cast %sub3A_1777 : vector<16xf32> to vector<1x16xf32>
    tpu.vector_store %arg5[%swap3A_1849, %swap3A_1850], %swap3A_1853 {strides = array<i32>} : memref<16x128xf32, #tpu.memory_space<vmem>>, vector<1x16xf32>,
    %swap3A_1854 = arith.constant 12 : i32
    %swap3A_1855 = arith.index_cast %swap3A_1854 : i32 to index
    %swap3A_1856 = arith.constant 16 : index
    %swap3A_1857 = tpu.vector_load %arg5[%swap3A_1855, %swap3A_1856] {strides = array<i32>} : memref<16x128xf32, #tpu.memory_space<vmem>>, vector<1x16xf32>,
    %swap3A_1858 = vector.shape_cast %swap3A_1857 : vector<1x16xf32> to vector<16xf32>
    %swap3A_1859 = vector.shape_cast %sub3A_1787 : vector<16xf32> to vector<1x16xf32>
    tpu.vector_store %arg5[%swap3A_1855, %swap3A_1856], %swap3A_1859 {strides = array<i32>} : memref<16x128xf32, #tpu.memory_space<vmem>>, vector<1x16xf32>,
    %swap3A_1860 = arith.constant 12 : i32
    %swap3A_1861 = arith.index_cast %swap3A_1860 : i32 to index
    %swap3A_1862 = arith.constant 32 : index
    %swap3A_1863 = tpu.vector_load %arg5[%swap3A_1861, %swap3A_1862] {strides = array<i32>} : memref<16x128xf32, #tpu.memory_space<vmem>>, vector<1x16xf32>,
    %swap3A_1864 = vector.shape_cast %swap3A_1863 : vector<1x16xf32> to vector<16xf32>
    %swap3A_1865 = vector.shape_cast %sub3A_1797 : vector<16xf32> to vector<1x16xf32>
    tpu.vector_store %arg5[%swap3A_1861, %swap3A_1862], %swap3A_1865 {strides = array<i32>} : memref<16x128xf32, #tpu.memory_space<vmem>>, vector<1x16xf32>,
    %swap3A_1866 = arith.constant 12 : i32
    %swap3A_1867 = arith.index_cast %swap3A_1866 : i32 to index
    %swap3A_1868 = arith.constant 48 : index
    %swap3A_1869 = tpu.vector_load %arg5[%swap3A_1867, %swap3A_1868] {strides = array<i32>} : memref<16x128xf32, #tpu.memory_space<vmem>>, vector<1x16xf32>,
    %swap3A_1870 = vector.shape_cast %swap3A_1869 : vector<1x16xf32> to vector<16xf32>
    %swap3A_1871 = vector.shape_cast %sub3A_1807 : vector<16xf32> to vector<1x16xf32>
    tpu.vector_store %arg5[%swap3A_1867, %swap3A_1868], %swap3A_1871 {strides = array<i32>} : memref<16x128xf32, #tpu.memory_space<vmem>>, vector<1x16xf32>,
    %swap3A_1872 = arith.constant 12 : i32
    %swap3A_1873 = arith.index_cast %swap3A_1872 : i32 to index
    %swap3A_1874 = arith.constant 64 : index
    %swap3A_1875 = tpu.vector_load %arg5[%swap3A_1873, %swap3A_1874] {strides = array<i32>} : memref<16x128xf32, #tpu.memory_space<vmem>>, vector<1x16xf32>,
    %swap3A_1876 = vector.shape_cast %swap3A_1875 : vector<1x16xf32> to vector<16xf32>
    %swap3A_1877 = vector.shape_cast %sub3A_1817 : vector<16xf32> to vector<1x16xf32>
    tpu.vector_store %arg5[%swap3A_1873, %swap3A_1874], %swap3A_1877 {strides = array<i32>} : memref<16x128xf32, #tpu.memory_space<vmem>>, vector<1x16xf32>,
    %swap3A_1878 = arith.constant 12 : i32
    %swap3A_1879 = arith.index_cast %swap3A_1878 : i32 to index
    %swap3A_1880 = arith.constant 80 : index
    %swap3A_1881 = tpu.vector_load %arg5[%swap3A_1879, %swap3A_1880] {strides = array<i32>} : memref<16x128xf32, #tpu.memory_space<vmem>>, vector<1x16xf32>,
    %swap3A_1882 = vector.shape_cast %swap3A_1881 : vector<1x16xf32> to vector<16xf32>
    %swap3A_1883 = vector.shape_cast %sub3A_1827 : vector<16xf32> to vector<1x16xf32>
    tpu.vector_store %arg5[%swap3A_1879, %swap3A_1880], %swap3A_1883 {strides = array<i32>} : memref<16x128xf32, #tpu.memory_space<vmem>>, vector<1x16xf32>,
    %swap3A_1884 = arith.constant 12 : i32
    %swap3A_1885 = arith.index_cast %swap3A_1884 : i32 to index
    %swap3A_1886 = arith.constant 96 : index
    %swap3A_1887 = tpu.vector_load %arg5[%swap3A_1885, %swap3A_1886] {strides = array<i32>} : memref<16x128xf32, #tpu.memory_space<vmem>>, vector<1x16xf32>,
    %swap3A_1888 = vector.shape_cast %swap3A_1887 : vector<1x16xf32> to vector<16xf32>
    %swap3A_1889 = vector.shape_cast %sub3A_1837 : vector<16xf32> to vector<1x16xf32>
    tpu.vector_store %arg5[%swap3A_1885, %swap3A_1886], %swap3A_1889 {strides = array<i32>} : memref<16x128xf32, #tpu.memory_space<vmem>>, vector<1x16xf32>,
    %swap3A_1890 = arith.constant 12 : i32
    %swap3A_1891 = arith.index_cast %swap3A_1890 : i32 to index
    %swap3A_1892 = arith.constant 112 : index
    %swap3A_1893 = tpu.vector_load %arg5[%swap3A_1891, %swap3A_1892] {strides = array<i32>} : memref<16x128xf32, #tpu.memory_space<vmem>>, vector<1x16xf32>,
    %swap3A_1894 = vector.shape_cast %swap3A_1893 : vector<1x16xf32> to vector<16xf32>
    %swap3A_1895 = vector.shape_cast %sub3A_1847 : vector<16xf32> to vector<1x16xf32>
    tpu.vector_store %arg5[%swap3A_1891, %swap3A_1892], %swap3A_1895 {strides = array<i32>} : memref<16x128xf32, #tpu.memory_space<vmem>>, vector<1x16xf32>,
    %add3A_1896 = arith.constant 13 : i32
    %add3A_1897 = arith.addi %min3A_1, %add3A_1896 : i32
    %add3A_1898 = arith.constant 128 : i32
    %add3A_1899 = arith.addi %add3A_1897, %add3A_1898 : i32
    %min3A_1900 = arith.constant 256 : i32
    %min3A_1901 = arith.minsi %add3A_1899, %min3A_1900 : i32
    %sub3A_1902 = arith.constant 71 : i32
    %sub3A_1903 = arith.subi %add3A_1897, %sub3A_1902 : i32
    %sub3A_1904 = arith.constant 1 : i32
    %sub3A_1905 = arith.subi %sub3A_1903, %sub3A_1904 : i32
    %max3A_1906 = arith.constant 0 : i32
    %max3A_1907 = arith.maxsi %sub3A_1905, %max3A_1906 : i32
    %get3A_1908 = arith.index_cast %min3A_1901 : i32 to index
    %get3A_1909 = arith.constant 0 : index
    %get3A_1910 = tpu.vector_load %arg4[%get3A_1908, %get3A_1909] {strides = array<i32>} : memref<257x128xf32, #tpu.memory_space<vmem>>, vector<1x16xf32>,
    %get3A_1911 = vector.shape_cast %get3A_1910 : vector<1x16xf32> to vector<16xf32>
    %add3A_1912 = arith.addf %sub3A_1777, %get3A_1911 : vector<16xf32>
    %get3A_1913 = arith.index_cast %max3A_1907 : i32 to index
    %get3A_1914 = arith.constant 0 : index
    %get3A_1915 = tpu.vector_load %arg4[%get3A_1913, %get3A_1914] {strides = array<i32>} : memref<257x128xf32, #tpu.memory_space<vmem>>, vector<1x16xf32>,
    %get3A_1916 = vector.shape_cast %get3A_1915 : vector<1x16xf32> to vector<16xf32>
    %sub3A_1917 = arith.subf %add3A_1912, %get3A_1916 : vector<16xf32>
    %get3A_1918 = arith.index_cast %min3A_1901 : i32 to index
    %get3A_1919 = arith.constant 16 : index
    %get3A_1920 = tpu.vector_load %arg4[%get3A_1918, %get3A_1919] {strides = array<i32>} : memref<257x128xf32, #tpu.memory_space<vmem>>, vector<1x16xf32>,
    %get3A_1921 = vector.shape_cast %get3A_1920 : vector<1x16xf32> to vector<16xf32>
    %add3A_1922 = arith.addf %sub3A_1787, %get3A_1921 : vector<16xf32>
    %get3A_1923 = arith.index_cast %max3A_1907 : i32 to index
    %get3A_1924 = arith.constant 16 : index
    %get3A_1925 = tpu.vector_load %arg4[%get3A_1923, %get3A_1924] {strides = array<i32>} : memref<257x128xf32, #tpu.memory_space<vmem>>, vector<1x16xf32>,
    %get3A_1926 = vector.shape_cast %get3A_1925 : vector<1x16xf32> to vector<16xf32>
    %sub3A_1927 = arith.subf %add3A_1922, %get3A_1926 : vector<16xf32>
    %get3A_1928 = arith.index_cast %min3A_1901 : i32 to index
    %get3A_1929 = arith.constant 32 : index
    %get3A_1930 = tpu.vector_load %arg4[%get3A_1928, %get3A_1929] {strides = array<i32>} : memref<257x128xf32, #tpu.memory_space<vmem>>, vector<1x16xf32>,
    %get3A_1931 = vector.shape_cast %get3A_1930 : vector<1x16xf32> to vector<16xf32>
    %add3A_1932 = arith.addf %sub3A_1797, %get3A_1931 : vector<16xf32>
    %get3A_1933 = arith.index_cast %max3A_1907 : i32 to index
    %get3A_1934 = arith.constant 32 : index
    %get3A_1935 = tpu.vector_load %arg4[%get3A_1933, %get3A_1934] {strides = array<i32>} : memref<257x128xf32, #tpu.memory_space<vmem>>, vector<1x16xf32>,
    %get3A_1936 = vector.shape_cast %get3A_1935 : vector<1x16xf32> to vector<16xf32>
    %sub3A_1937 = arith.subf %add3A_1932, %get3A_1936 : vector<16xf32>
    %get3A_1938 = arith.index_cast %min3A_1901 : i32 to index
    %get3A_1939 = arith.constant 48 : index
    %get3A_1940 = tpu.vector_load %arg4[%get3A_1938, %get3A_1939] {strides = array<i32>} : memref<257x128xf32, #tpu.memory_space<vmem>>, vector<1x16xf32>,
    %get3A_1941 = vector.shape_cast %get3A_1940 : vector<1x16xf32> to vector<16xf32>
    %add3A_1942 = arith.addf %sub3A_1807, %get3A_1941 : vector<16xf32>
    %get3A_1943 = arith.index_cast %max3A_1907 : i32 to index
    %get3A_1944 = arith.constant 48 : index
    %get3A_1945 = tpu.vector_load %arg4[%get3A_1943, %get3A_1944] {strides = array<i32>} : memref<257x128xf32, #tpu.memory_space<vmem>>, vector<1x16xf32>,
    %get3A_1946 = vector.shape_cast %get3A_1945 : vector<1x16xf32> to vector<16xf32>
    %sub3A_1947 = arith.subf %add3A_1942, %get3A_1946 : vector<16xf32>
    %get3A_1948 = arith.index_cast %min3A_1901 : i32 to index
    %get3A_1949 = arith.constant 64 : index
    %get3A_1950 = tpu.vector_load %arg4[%get3A_1948, %get3A_1949] {strides = array<i32>} : memref<257x128xf32, #tpu.memory_space<vmem>>, vector<1x16xf32>,
    %get3A_1951 = vector.shape_cast %get3A_1950 : vector<1x16xf32> to vector<16xf32>
    %add3A_1952 = arith.addf %sub3A_1817, %get3A_1951 : vector<16xf32>
    %get3A_1953 = arith.index_cast %max3A_1907 : i32 to index
    %get3A_1954 = arith.constant 64 : index
    %get3A_1955 = tpu.vector_load %arg4[%get3A_1953, %get3A_1954] {strides = array<i32>} : memref<257x128xf32, #tpu.memory_space<vmem>>, vector<1x16xf32>,
    %get3A_1956 = vector.shape_cast %get3A_1955 : vector<1x16xf32> to vector<16xf32>
    %sub3A_1957 = arith.subf %add3A_1952, %get3A_1956 : vector<16xf32>
    %get3A_1958 = arith.index_cast %min3A_1901 : i32 to index
    %get3A_1959 = arith.constant 80 : index
    %get3A_1960 = tpu.vector_load %arg4[%get3A_1958, %get3A_1959] {strides = array<i32>} : memref<257x128xf32, #tpu.memory_space<vmem>>, vector<1x16xf32>,
    %get3A_1961 = vector.shape_cast %get3A_1960 : vector<1x16xf32> to vector<16xf32>
    %add3A_1962 = arith.addf %sub3A_1827, %get3A_1961 : vector<16xf32>
    %get3A_1963 = arith.index_cast %max3A_1907 : i32 to index
    %get3A_1964 = arith.constant 80 : index
    %get3A_1965 = tpu.vector_load %arg4[%get3A_1963, %get3A_1964] {strides = array<i32>} : memref<257x128xf32, #tpu.memory_space<vmem>>, vector<1x16xf32>,
    %get3A_1966 = vector.shape_cast %get3A_1965 : vector<1x16xf32> to vector<16xf32>
    %sub3A_1967 = arith.subf %add3A_1962, %get3A_1966 : vector<16xf32>
    %get3A_1968 = arith.index_cast %min3A_1901 : i32 to index
    %get3A_1969 = arith.constant 96 : index
    %get3A_1970 = tpu.vector_load %arg4[%get3A_1968, %get3A_1969] {strides = array<i32>} : memref<257x128xf32, #tpu.memory_space<vmem>>, vector<1x16xf32>,
    %get3A_1971 = vector.shape_cast %get3A_1970 : vector<1x16xf32> to vector<16xf32>
    %add3A_1972 = arith.addf %sub3A_1837, %get3A_1971 : vector<16xf32>
    %get3A_1973 = arith.index_cast %max3A_1907 : i32 to index
    %get3A_1974 = arith.constant 96 : index
    %get3A_1975 = tpu.vector_load %arg4[%get3A_1973, %get3A_1974] {strides = array<i32>} : memref<257x128xf32, #tpu.memory_space<vmem>>, vector<1x16xf32>,
    %get3A_1976 = vector.shape_cast %get3A_1975 : vector<1x16xf32> to vector<16xf32>
    %sub3A_1977 = arith.subf %add3A_1972, %get3A_1976 : vector<16xf32>
    %get3A_1978 = arith.index_cast %min3A_1901 : i32 to index
    %get3A_1979 = arith.constant 112 : index
    %get3A_1980 = tpu.vector_load %arg4[%get3A_1978, %get3A_1979] {strides = array<i32>} : memref<257x128xf32, #tpu.memory_space<vmem>>, vector<1x16xf32>,
    %get3A_1981 = vector.shape_cast %get3A_1980 : vector<1x16xf32> to vector<16xf32>
    %add3A_1982 = arith.addf %sub3A_1847, %get3A_1981 : vector<16xf32>
    %get3A_1983 = arith.index_cast %max3A_1907 : i32 to index
    %get3A_1984 = arith.constant 112 : index
    %get3A_1985 = tpu.vector_load %arg4[%get3A_1983, %get3A_1984] {strides = array<i32>} : memref<257x128xf32, #tpu.memory_space<vmem>>, vector<1x16xf32>,
    %get3A_1986 = vector.shape_cast %get3A_1985 : vector<1x16xf32> to vector<16xf32>
    %sub3A_1987 = arith.subf %add3A_1982, %get3A_1986 : vector<16xf32>
    %swap3A_1988 = arith.constant 13 : i32
    %swap3A_1989 = arith.index_cast %swap3A_1988 : i32 to index
    %swap3A_1990 = arith.constant 0 : index
    %swap3A_1991 = tpu.vector_load %arg5[%swap3A_1989, %swap3A_1990] {strides = array<i32>} : memref<16x128xf32, #tpu.memory_space<vmem>>, vector<1x16xf32>,
    %swap3A_1992 = vector.shape_cast %swap3A_1991 : vector<1x16xf32> to vector<16xf32>
    %swap3A_1993 = vector.shape_cast %sub3A_1917 : vector<16xf32> to vector<1x16xf32>
    tpu.vector_store %arg5[%swap3A_1989, %swap3A_1990], %swap3A_1993 {strides = array<i32>} : memref<16x128xf32, #tpu.memory_space<vmem>>, vector<1x16xf32>,
    %swap3A_1994 = arith.constant 13 : i32
    %swap3A_1995 = arith.index_cast %swap3A_1994 : i32 to index
    %swap3A_1996 = arith.constant 16 : index
    %swap3A_1997 = tpu.vector_load %arg5[%swap3A_1995, %swap3A_1996] {strides = array<i32>} : memref<16x128xf32, #tpu.memory_space<vmem>>, vector<1x16xf32>,
    %swap3A_1998 = vector.shape_cast %swap3A_1997 : vector<1x16xf32> to vector<16xf32>
    %swap3A_1999 = vector.shape_cast %sub3A_1927 : vector<16xf32> to vector<1x16xf32>
    tpu.vector_store %arg5[%swap3A_1995, %swap3A_1996], %swap3A_1999 {strides = array<i32>} : memref<16x128xf32, #tpu.memory_space<vmem>>, vector<1x16xf32>,
    %swap3A_2000 = arith.constant 13 : i32
    %swap3A_2001 = arith.index_cast %swap3A_2000 : i32 to index
    %swap3A_2002 = arith.constant 32 : index
    %swap3A_2003 = tpu.vector_load %arg5[%swap3A_2001, %swap3A_2002] {strides = array<i32>} : memref<16x128xf32, #tpu.memory_space<vmem>>, vector<1x16xf32>,
    %swap3A_2004 = vector.shape_cast %swap3A_2003 : vector<1x16xf32> to vector<16xf32>
    %swap3A_2005 = vector.shape_cast %sub3A_1937 : vector<16xf32> to vector<1x16xf32>
    tpu.vector_store %arg5[%swap3A_2001, %swap3A_2002], %swap3A_2005 {strides = array<i32>} : memref<16x128xf32, #tpu.memory_space<vmem>>, vector<1x16xf32>,
    %swap3A_2006 = arith.constant 13 : i32
    %swap3A_2007 = arith.index_cast %swap3A_2006 : i32 to index
    %swap3A_2008 = arith.constant 48 : index
    %swap3A_2009 = tpu.vector_load %arg5[%swap3A_2007, %swap3A_2008] {strides = array<i32>} : memref<16x128xf32, #tpu.memory_space<vmem>>, vector<1x16xf32>,
    %swap3A_2010 = vector.shape_cast %swap3A_2009 : vector<1x16xf32> to vector<16xf32>
    %swap3A_2011 = vector.shape_cast %sub3A_1947 : vector<16xf32> to vector<1x16xf32>
    tpu.vector_store %arg5[%swap3A_2007, %swap3A_2008], %swap3A_2011 {strides = array<i32>} : memref<16x128xf32, #tpu.memory_space<vmem>>, vector<1x16xf32>,
    %swap3A_2012 = arith.constant 13 : i32
    %swap3A_2013 = arith.index_cast %swap3A_2012 : i32 to index
    %swap3A_2014 = arith.constant 64 : index
    %swap3A_2015 = tpu.vector_load %arg5[%swap3A_2013, %swap3A_2014] {strides = array<i32>} : memref<16x128xf32, #tpu.memory_space<vmem>>, vector<1x16xf32>,
    %swap3A_2016 = vector.shape_cast %swap3A_2015 : vector<1x16xf32> to vector<16xf32>
    %swap3A_2017 = vector.shape_cast %sub3A_1957 : vector<16xf32> to vector<1x16xf32>
    tpu.vector_store %arg5[%swap3A_2013, %swap3A_2014], %swap3A_2017 {strides = array<i32>} : memref<16x128xf32, #tpu.memory_space<vmem>>, vector<1x16xf32>,
    %swap3A_2018 = arith.constant 13 : i32
    %swap3A_2019 = arith.index_cast %swap3A_2018 : i32 to index
    %swap3A_2020 = arith.constant 80 : index
    %swap3A_2021 = tpu.vector_load %arg5[%swap3A_2019, %swap3A_2020] {strides = array<i32>} : memref<16x128xf32, #tpu.memory_space<vmem>>, vector<1x16xf32>,
    %swap3A_2022 = vector.shape_cast %swap3A_2021 : vector<1x16xf32> to vector<16xf32>
    %swap3A_2023 = vector.shape_cast %sub3A_1967 : vector<16xf32> to vector<1x16xf32>
    tpu.vector_store %arg5[%swap3A_2019, %swap3A_2020], %swap3A_2023 {strides = array<i32>} : memref<16x128xf32, #tpu.memory_space<vmem>>, vector<1x16xf32>,
    %swap3A_2024 = arith.constant 13 : i32
    %swap3A_2025 = arith.index_cast %swap3A_2024 : i32 to index
    %swap3A_2026 = arith.constant 96 : index
    %swap3A_2027 = tpu.vector_load %arg5[%swap3A_2025, %swap3A_2026] {strides = array<i32>} : memref<16x128xf32, #tpu.memory_space<vmem>>, vector<1x16xf32>,
    %swap3A_2028 = vector.shape_cast %swap3A_2027 : vector<1x16xf32> to vector<16xf32>
    %swap3A_2029 = vector.shape_cast %sub3A_1977 : vector<16xf32> to vector<1x16xf32>
    tpu.vector_store %arg5[%swap3A_2025, %swap3A_2026], %swap3A_2029 {strides = array<i32>} : memref<16x128xf32, #tpu.memory_space<vmem>>, vector<1x16xf32>,
    %swap3A_2030 = arith.constant 13 : i32
    %swap3A_2031 = arith.index_cast %swap3A_2030 : i32 to index
    %swap3A_2032 = arith.constant 112 : index
    %swap3A_2033 = tpu.vector_load %arg5[%swap3A_2031, %swap3A_2032] {strides = array<i32>} : memref<16x128xf32, #tpu.memory_space<vmem>>, vector<1x16xf32>,
    %swap3A_2034 = vector.shape_cast %swap3A_2033 : vector<1x16xf32> to vector<16xf32>
    %swap3A_2035 = vector.shape_cast %sub3A_1987 : vector<16xf32> to vector<1x16xf32>
    tpu.vector_store %arg5[%swap3A_2031, %swap3A_2032], %swap3A_2035 {strides = array<i32>} : memref<16x128xf32, #tpu.memory_space<vmem>>, vector<1x16xf32>,
    %add3A_2036 = arith.constant 14 : i32
    %add3A_2037 = arith.addi %min3A_1, %add3A_2036 : i32
    %add3A_2038 = arith.constant 128 : i32
    %add3A_2039 = arith.addi %add3A_2037, %add3A_2038 : i32
    %min3A_2040 = arith.constant 256 : i32
    %min3A_2041 = arith.minsi %add3A_2039, %min3A_2040 : i32
    %sub3A_2042 = arith.constant 71 : i32
    %sub3A_2043 = arith.subi %add3A_2037, %sub3A_2042 : i32
    %sub3A_2044 = arith.constant 1 : i32
    %sub3A_2045 = arith.subi %sub3A_2043, %sub3A_2044 : i32
    %max3A_2046 = arith.constant 0 : i32
    %max3A_2047 = arith.maxsi %sub3A_2045, %max3A_2046 : i32
    %get3A_2048 = arith.index_cast %min3A_2041 : i32 to index
    %get3A_2049 = arith.constant 0 : index
    %get3A_2050 = tpu.vector_load %arg4[%get3A_2048, %get3A_2049] {strides = array<i32>} : memref<257x128xf32, #tpu.memory_space<vmem>>, vector<1x16xf32>,
    %get3A_2051 = vector.shape_cast %get3A_2050 : vector<1x16xf32> to vector<16xf32>
    %add3A_2052 = arith.addf %sub3A_1917, %get3A_2051 : vector<16xf32>
    %get3A_2053 = arith.index_cast %max3A_2047 : i32 to index
    %get3A_2054 = arith.constant 0 : index
    %get3A_2055 = tpu.vector_load %arg4[%get3A_2053, %get3A_2054] {strides = array<i32>} : memref<257x128xf32, #tpu.memory_space<vmem>>, vector<1x16xf32>,
    %get3A_2056 = vector.shape_cast %get3A_2055 : vector<1x16xf32> to vector<16xf32>
    %sub3A_2057 = arith.subf %add3A_2052, %get3A_2056 : vector<16xf32>
    %get3A_2058 = arith.index_cast %min3A_2041 : i32 to index
    %get3A_2059 = arith.constant 16 : index
    %get3A_2060 = tpu.vector_load %arg4[%get3A_2058, %get3A_2059] {strides = array<i32>} : memref<257x128xf32, #tpu.memory_space<vmem>>, vector<1x16xf32>,
    %get3A_2061 = vector.shape_cast %get3A_2060 : vector<1x16xf32> to vector<16xf32>
    %add3A_2062 = arith.addf %sub3A_1927, %get3A_2061 : vector<16xf32>
    %get3A_2063 = arith.index_cast %max3A_2047 : i32 to index
    %get3A_2064 = arith.constant 16 : index
    %get3A_2065 = tpu.vector_load %arg4[%get3A_2063, %get3A_2064] {strides = array<i32>} : memref<257x128xf32, #tpu.memory_space<vmem>>, vector<1x16xf32>,
    %get3A_2066 = vector.shape_cast %get3A_2065 : vector<1x16xf32> to vector<16xf32>
    %sub3A_2067 = arith.subf %add3A_2062, %get3A_2066 : vector<16xf32>
    %get3A_2068 = arith.index_cast %min3A_2041 : i32 to index
    %get3A_2069 = arith.constant 32 : index
    %get3A_2070 = tpu.vector_load %arg4[%get3A_2068, %get3A_2069] {strides = array<i32>} : memref<257x128xf32, #tpu.memory_space<vmem>>, vector<1x16xf32>,
    %get3A_2071 = vector.shape_cast %get3A_2070 : vector<1x16xf32> to vector<16xf32>
    %add3A_2072 = arith.addf %sub3A_1937, %get3A_2071 : vector<16xf32>
    %get3A_2073 = arith.index_cast %max3A_2047 : i32 to index
    %get3A_2074 = arith.constant 32 : index
    %get3A_2075 = tpu.vector_load %arg4[%get3A_2073, %get3A_2074] {strides = array<i32>} : memref<257x128xf32, #tpu.memory_space<vmem>>, vector<1x16xf32>,
    %get3A_2076 = vector.shape_cast %get3A_2075 : vector<1x16xf32> to vector<16xf32>
    %sub3A_2077 = arith.subf %add3A_2072, %get3A_2076 : vector<16xf32>
    %get3A_2078 = arith.index_cast %min3A_2041 : i32 to index
    %get3A_2079 = arith.constant 48 : index
    %get3A_2080 = tpu.vector_load %arg4[%get3A_2078, %get3A_2079] {strides = array<i32>} : memref<257x128xf32, #tpu.memory_space<vmem>>, vector<1x16xf32>,
    %get3A_2081 = vector.shape_cast %get3A_2080 : vector<1x16xf32> to vector<16xf32>
    %add3A_2082 = arith.addf %sub3A_1947, %get3A_2081 : vector<16xf32>
    %get3A_2083 = arith.index_cast %max3A_2047 : i32 to index
    %get3A_2084 = arith.constant 48 : index
    %get3A_2085 = tpu.vector_load %arg4[%get3A_2083, %get3A_2084] {strides = array<i32>} : memref<257x128xf32, #tpu.memory_space<vmem>>, vector<1x16xf32>,
    %get3A_2086 = vector.shape_cast %get3A_2085 : vector<1x16xf32> to vector<16xf32>
    %sub3A_2087 = arith.subf %add3A_2082, %get3A_2086 : vector<16xf32>
    %get3A_2088 = arith.index_cast %min3A_2041 : i32 to index
    %get3A_2089 = arith.constant 64 : index
    %get3A_2090 = tpu.vector_load %arg4[%get3A_2088, %get3A_2089] {strides = array<i32>} : memref<257x128xf32, #tpu.memory_space<vmem>>, vector<1x16xf32>,
    %get3A_2091 = vector.shape_cast %get3A_2090 : vector<1x16xf32> to vector<16xf32>
    %add3A_2092 = arith.addf %sub3A_1957, %get3A_2091 : vector<16xf32>
    %get3A_2093 = arith.index_cast %max3A_2047 : i32 to index
    %get3A_2094 = arith.constant 64 : index
    %get3A_2095 = tpu.vector_load %arg4[%get3A_2093, %get3A_2094] {strides = array<i32>} : memref<257x128xf32, #tpu.memory_space<vmem>>, vector<1x16xf32>,
    %get3A_2096 = vector.shape_cast %get3A_2095 : vector<1x16xf32> to vector<16xf32>
    %sub3A_2097 = arith.subf %add3A_2092, %get3A_2096 : vector<16xf32>
    %get3A_2098 = arith.index_cast %min3A_2041 : i32 to index
    %get3A_2099 = arith.constant 80 : index
    %get3A_2100 = tpu.vector_load %arg4[%get3A_2098, %get3A_2099] {strides = array<i32>} : memref<257x128xf32, #tpu.memory_space<vmem>>, vector<1x16xf32>,
    %get3A_2101 = vector.shape_cast %get3A_2100 : vector<1x16xf32> to vector<16xf32>
    %add3A_2102 = arith.addf %sub3A_1967, %get3A_2101 : vector<16xf32>
    %get3A_2103 = arith.index_cast %max3A_2047 : i32 to index
    %get3A_2104 = arith.constant 80 : index
    %get3A_2105 = tpu.vector_load %arg4[%get3A_2103, %get3A_2104] {strides = array<i32>} : memref<257x128xf32, #tpu.memory_space<vmem>>, vector<1x16xf32>,
    %get3A_2106 = vector.shape_cast %get3A_2105 : vector<1x16xf32> to vector<16xf32>
    %sub3A_2107 = arith.subf %add3A_2102, %get3A_2106 : vector<16xf32>
    %get3A_2108 = arith.index_cast %min3A_2041 : i32 to index
    %get3A_2109 = arith.constant 96 : index
    %get3A_2110 = tpu.vector_load %arg4[%get3A_2108, %get3A_2109] {strides = array<i32>} : memref<257x128xf32, #tpu.memory_space<vmem>>, vector<1x16xf32>,
    %get3A_2111 = vector.shape_cast %get3A_2110 : vector<1x16xf32> to vector<16xf32>
    %add3A_2112 = arith.addf %sub3A_1977, %get3A_2111 : vector<16xf32>
    %get3A_2113 = arith.index_cast %max3A_2047 : i32 to index
    %get3A_2114 = arith.constant 96 : index
    %get3A_2115 = tpu.vector_load %arg4[%get3A_2113, %get3A_2114] {strides = array<i32>} : memref<257x128xf32, #tpu.memory_space<vmem>>, vector<1x16xf32>,
    %get3A_2116 = vector.shape_cast %get3A_2115 : vector<1x16xf32> to vector<16xf32>
    %sub3A_2117 = arith.subf %add3A_2112, %get3A_2116 : vector<16xf32>
    %get3A_2118 = arith.index_cast %min3A_2041 : i32 to index
    %get3A_2119 = arith.constant 112 : index
    %get3A_2120 = tpu.vector_load %arg4[%get3A_2118, %get3A_2119] {strides = array<i32>} : memref<257x128xf32, #tpu.memory_space<vmem>>, vector<1x16xf32>,
    %get3A_2121 = vector.shape_cast %get3A_2120 : vector<1x16xf32> to vector<16xf32>
    %add3A_2122 = arith.addf %sub3A_1987, %get3A_2121 : vector<16xf32>
    %get3A_2123 = arith.index_cast %max3A_2047 : i32 to index
    %get3A_2124 = arith.constant 112 : index
    %get3A_2125 = tpu.vector_load %arg4[%get3A_2123, %get3A_2124] {strides = array<i32>} : memref<257x128xf32, #tpu.memory_space<vmem>>, vector<1x16xf32>,
    %get3A_2126 = vector.shape_cast %get3A_2125 : vector<1x16xf32> to vector<16xf32>
    %sub3A_2127 = arith.subf %add3A_2122, %get3A_2126 : vector<16xf32>
    %swap3A_2128 = arith.constant 14 : i32
    %swap3A_2129 = arith.index_cast %swap3A_2128 : i32 to index
    %swap3A_2130 = arith.constant 0 : index
    %swap3A_2131 = tpu.vector_load %arg5[%swap3A_2129, %swap3A_2130] {strides = array<i32>} : memref<16x128xf32, #tpu.memory_space<vmem>>, vector<1x16xf32>,
    %swap3A_2132 = vector.shape_cast %swap3A_2131 : vector<1x16xf32> to vector<16xf32>
    %swap3A_2133 = vector.shape_cast %sub3A_2057 : vector<16xf32> to vector<1x16xf32>
    tpu.vector_store %arg5[%swap3A_2129, %swap3A_2130], %swap3A_2133 {strides = array<i32>} : memref<16x128xf32, #tpu.memory_space<vmem>>, vector<1x16xf32>,
    %swap3A_2134 = arith.constant 14 : i32
    %swap3A_2135 = arith.index_cast %swap3A_2134 : i32 to index
    %swap3A_2136 = arith.constant 16 : index
    %swap3A_2137 = tpu.vector_load %arg5[%swap3A_2135, %swap3A_2136] {strides = array<i32>} : memref<16x128xf32, #tpu.memory_space<vmem>>, vector<1x16xf32>,
    %swap3A_2138 = vector.shape_cast %swap3A_2137 : vector<1x16xf32> to vector<16xf32>
    %swap3A_2139 = vector.shape_cast %sub3A_2067 : vector<16xf32> to vector<1x16xf32>
    tpu.vector_store %arg5[%swap3A_2135, %swap3A_2136], %swap3A_2139 {strides = array<i32>} : memref<16x128xf32, #tpu.memory_space<vmem>>, vector<1x16xf32>,
    %swap3A_2140 = arith.constant 14 : i32
    %swap3A_2141 = arith.index_cast %swap3A_2140 : i32 to index
    %swap3A_2142 = arith.constant 32 : index
    %swap3A_2143 = tpu.vector_load %arg5[%swap3A_2141, %swap3A_2142] {strides = array<i32>} : memref<16x128xf32, #tpu.memory_space<vmem>>, vector<1x16xf32>,
    %swap3A_2144 = vector.shape_cast %swap3A_2143 : vector<1x16xf32> to vector<16xf32>
    %swap3A_2145 = vector.shape_cast %sub3A_2077 : vector<16xf32> to vector<1x16xf32>
    tpu.vector_store %arg5[%swap3A_2141, %swap3A_2142], %swap3A_2145 {strides = array<i32>} : memref<16x128xf32, #tpu.memory_space<vmem>>, vector<1x16xf32>,
    %swap3A_2146 = arith.constant 14 : i32
    %swap3A_2147 = arith.index_cast %swap3A_2146 : i32 to index
    %swap3A_2148 = arith.constant 48 : index
    %swap3A_2149 = tpu.vector_load %arg5[%swap3A_2147, %swap3A_2148] {strides = array<i32>} : memref<16x128xf32, #tpu.memory_space<vmem>>, vector<1x16xf32>,
    %swap3A_2150 = vector.shape_cast %swap3A_2149 : vector<1x16xf32> to vector<16xf32>
    %swap3A_2151 = vector.shape_cast %sub3A_2087 : vector<16xf32> to vector<1x16xf32>
    tpu.vector_store %arg5[%swap3A_2147, %swap3A_2148], %swap3A_2151 {strides = array<i32>} : memref<16x128xf32, #tpu.memory_space<vmem>>, vector<1x16xf32>,
    %swap3A_2152 = arith.constant 14 : i32
    %swap3A_2153 = arith.index_cast %swap3A_2152 : i32 to index
    %swap3A_2154 = arith.constant 64 : index
    %swap3A_2155 = tpu.vector_load %arg5[%swap3A_2153, %swap3A_2154] {strides = array<i32>} : memref<16x128xf32, #tpu.memory_space<vmem>>, vector<1x16xf32>,
    %swap3A_2156 = vector.shape_cast %swap3A_2155 : vector<1x16xf32> to vector<16xf32>
    %swap3A_2157 = vector.shape_cast %sub3A_2097 : vector<16xf32> to vector<1x16xf32>
    tpu.vector_store %arg5[%swap3A_2153, %swap3A_2154], %swap3A_2157 {strides = array<i32>} : memref<16x128xf32, #tpu.memory_space<vmem>>, vector<1x16xf32>,
    %swap3A_2158 = arith.constant 14 : i32
    %swap3A_2159 = arith.index_cast %swap3A_2158 : i32 to index
    %swap3A_2160 = arith.constant 80 : index
    %swap3A_2161 = tpu.vector_load %arg5[%swap3A_2159, %swap3A_2160] {strides = array<i32>} : memref<16x128xf32, #tpu.memory_space<vmem>>, vector<1x16xf32>,
    %swap3A_2162 = vector.shape_cast %swap3A_2161 : vector<1x16xf32> to vector<16xf32>
    %swap3A_2163 = vector.shape_cast %sub3A_2107 : vector<16xf32> to vector<1x16xf32>
    tpu.vector_store %arg5[%swap3A_2159, %swap3A_2160], %swap3A_2163 {strides = array<i32>} : memref<16x128xf32, #tpu.memory_space<vmem>>, vector<1x16xf32>,
    %swap3A_2164 = arith.constant 14 : i32
    %swap3A_2165 = arith.index_cast %swap3A_2164 : i32 to index
    %swap3A_2166 = arith.constant 96 : index
    %swap3A_2167 = tpu.vector_load %arg5[%swap3A_2165, %swap3A_2166] {strides = array<i32>} : memref<16x128xf32, #tpu.memory_space<vmem>>, vector<1x16xf32>,
    %swap3A_2168 = vector.shape_cast %swap3A_2167 : vector<1x16xf32> to vector<16xf32>
    %swap3A_2169 = vector.shape_cast %sub3A_2117 : vector<16xf32> to vector<1x16xf32>
    tpu.vector_store %arg5[%swap3A_2165, %swap3A_2166], %swap3A_2169 {strides = array<i32>} : memref<16x128xf32, #tpu.memory_space<vmem>>, vector<1x16xf32>,
    %swap3A_2170 = arith.constant 14 : i32
    %swap3A_2171 = arith.index_cast %swap3A_2170 : i32 to index
    %swap3A_2172 = arith.constant 112 : index
    %swap3A_2173 = tpu.vector_load %arg5[%swap3A_2171, %swap3A_2172] {strides = array<i32>} : memref<16x128xf32, #tpu.memory_space<vmem>>, vector<1x16xf32>,
    %swap3A_2174 = vector.shape_cast %swap3A_2173 : vector<1x16xf32> to vector<16xf32>
    %swap3A_2175 = vector.shape_cast %sub3A_2127 : vector<16xf32> to vector<1x16xf32>
    tpu.vector_store %arg5[%swap3A_2171, %swap3A_2172], %swap3A_2175 {strides = array<i32>} : memref<16x128xf32, #tpu.memory_space<vmem>>, vector<1x16xf32>,
    %add3A_2176 = arith.constant 15 : i32
    %add3A_2177 = arith.addi %min3A_1, %add3A_2176 : i32
    %add3A_2178 = arith.constant 128 : i32
    %add3A_2179 = arith.addi %add3A_2177, %add3A_2178 : i32
    %min3A_2180 = arith.constant 256 : i32
    %min3A_2181 = arith.minsi %add3A_2179, %min3A_2180 : i32
    %sub3A_2182 = arith.constant 71 : i32
    %sub3A_2183 = arith.subi %add3A_2177, %sub3A_2182 : i32
    %sub3A_2184 = arith.constant 1 : i32
    %sub3A_2185 = arith.subi %sub3A_2183, %sub3A_2184 : i32
    %max3A_2186 = arith.constant 0 : i32
    %max3A_2187 = arith.maxsi %sub3A_2185, %max3A_2186 : i32
    %get3A_2188 = arith.index_cast %min3A_2181 : i32 to index
    %get3A_2189 = arith.constant 0 : index
    %get3A_2190 = tpu.vector_load %arg4[%get3A_2188, %get3A_2189] {strides = array<i32>} : memref<257x128xf32, #tpu.memory_space<vmem>>, vector<1x16xf32>,
    %get3A_2191 = vector.shape_cast %get3A_2190 : vector<1x16xf32> to vector<16xf32>
    %add3A_2192 = arith.addf %sub3A_2057, %get3A_2191 : vector<16xf32>
    %get3A_2193 = arith.index_cast %max3A_2187 : i32 to index
    %get3A_2194 = arith.constant 0 : index
    %get3A_2195 = tpu.vector_load %arg4[%get3A_2193, %get3A_2194] {strides = array<i32>} : memref<257x128xf32, #tpu.memory_space<vmem>>, vector<1x16xf32>,
    %get3A_2196 = vector.shape_cast %get3A_2195 : vector<1x16xf32> to vector<16xf32>
    %sub3A_2197 = arith.subf %add3A_2192, %get3A_2196 : vector<16xf32>
    %get3A_2198 = arith.index_cast %min3A_2181 : i32 to index
    %get3A_2199 = arith.constant 16 : index
    %get3A_2200 = tpu.vector_load %arg4[%get3A_2198, %get3A_2199] {strides = array<i32>} : memref<257x128xf32, #tpu.memory_space<vmem>>, vector<1x16xf32>,
    %get3A_2201 = vector.shape_cast %get3A_2200 : vector<1x16xf32> to vector<16xf32>
    %add3A_2202 = arith.addf %sub3A_2067, %get3A_2201 : vector<16xf32>
    %get3A_2203 = arith.index_cast %max3A_2187 : i32 to index
    %get3A_2204 = arith.constant 16 : index
    %get3A_2205 = tpu.vector_load %arg4[%get3A_2203, %get3A_2204] {strides = array<i32>} : memref<257x128xf32, #tpu.memory_space<vmem>>, vector<1x16xf32>,
    %get3A_2206 = vector.shape_cast %get3A_2205 : vector<1x16xf32> to vector<16xf32>
    %sub3A_2207 = arith.subf %add3A_2202, %get3A_2206 : vector<16xf32>
    %get3A_2208 = arith.index_cast %min3A_2181 : i32 to index
    %get3A_2209 = arith.constant 32 : index
    %get3A_2210 = tpu.vector_load %arg4[%get3A_2208, %get3A_2209] {strides = array<i32>} : memref<257x128xf32, #tpu.memory_space<vmem>>, vector<1x16xf32>,
    %get3A_2211 = vector.shape_cast %get3A_2210 : vector<1x16xf32> to vector<16xf32>
    %add3A_2212 = arith.addf %sub3A_2077, %get3A_2211 : vector<16xf32>
    %get3A_2213 = arith.index_cast %max3A_2187 : i32 to index
    %get3A_2214 = arith.constant 32 : index
    %get3A_2215 = tpu.vector_load %arg4[%get3A_2213, %get3A_2214] {strides = array<i32>} : memref<257x128xf32, #tpu.memory_space<vmem>>, vector<1x16xf32>,
    %get3A_2216 = vector.shape_cast %get3A_2215 : vector<1x16xf32> to vector<16xf32>
    %sub3A_2217 = arith.subf %add3A_2212, %get3A_2216 : vector<16xf32>
    %get3A_2218 = arith.index_cast %min3A_2181 : i32 to index
    %get3A_2219 = arith.constant 48 : index
    %get3A_2220 = tpu.vector_load %arg4[%get3A_2218, %get3A_2219] {strides = array<i32>} : memref<257x128xf32, #tpu.memory_space<vmem>>, vector<1x16xf32>,
    %get3A_2221 = vector.shape_cast %get3A_2220 : vector<1x16xf32> to vector<16xf32>
    %add3A_2222 = arith.addf %sub3A_2087, %get3A_2221 : vector<16xf32>
    %get3A_2223 = arith.index_cast %max3A_2187 : i32 to index
    %get3A_2224 = arith.constant 48 : index
    %get3A_2225 = tpu.vector_load %arg4[%get3A_2223, %get3A_2224] {strides = array<i32>} : memref<257x128xf32, #tpu.memory_space<vmem>>, vector<1x16xf32>,
    %get3A_2226 = vector.shape_cast %get3A_2225 : vector<1x16xf32> to vector<16xf32>
    %sub3A_2227 = arith.subf %add3A_2222, %get3A_2226 : vector<16xf32>
    %get3A_2228 = arith.index_cast %min3A_2181 : i32 to index
    %get3A_2229 = arith.constant 64 : index
    %get3A_2230 = tpu.vector_load %arg4[%get3A_2228, %get3A_2229] {strides = array<i32>} : memref<257x128xf32, #tpu.memory_space<vmem>>, vector<1x16xf32>,
    %get3A_2231 = vector.shape_cast %get3A_2230 : vector<1x16xf32> to vector<16xf32>
    %add3A_2232 = arith.addf %sub3A_2097, %get3A_2231 : vector<16xf32>
    %get3A_2233 = arith.index_cast %max3A_2187 : i32 to index
    %get3A_2234 = arith.constant 64 : index
    %get3A_2235 = tpu.vector_load %arg4[%get3A_2233, %get3A_2234] {strides = array<i32>} : memref<257x128xf32, #tpu.memory_space<vmem>>, vector<1x16xf32>,
    %get3A_2236 = vector.shape_cast %get3A_2235 : vector<1x16xf32> to vector<16xf32>
    %sub3A_2237 = arith.subf %add3A_2232, %get3A_2236 : vector<16xf32>
    %get3A_2238 = arith.index_cast %min3A_2181 : i32 to index
    %get3A_2239 = arith.constant 80 : index
    %get3A_2240 = tpu.vector_load %arg4[%get3A_2238, %get3A_2239] {strides = array<i32>} : memref<257x128xf32, #tpu.memory_space<vmem>>, vector<1x16xf32>,
    %get3A_2241 = vector.shape_cast %get3A_2240 : vector<1x16xf32> to vector<16xf32>
    %add3A_2242 = arith.addf %sub3A_2107, %get3A_2241 : vector<16xf32>
    %get3A_2243 = arith.index_cast %max3A_2187 : i32 to index
    %get3A_2244 = arith.constant 80 : index
    %get3A_2245 = tpu.vector_load %arg4[%get3A_2243, %get3A_2244] {strides = array<i32>} : memref<257x128xf32, #tpu.memory_space<vmem>>, vector<1x16xf32>,
    %get3A_2246 = vector.shape_cast %get3A_2245 : vector<1x16xf32> to vector<16xf32>
    %sub3A_2247 = arith.subf %add3A_2242, %get3A_2246 : vector<16xf32>
    %get3A_2248 = arith.index_cast %min3A_2181 : i32 to index
    %get3A_2249 = arith.constant 96 : index
    %get3A_2250 = tpu.vector_load %arg4[%get3A_2248, %get3A_2249] {strides = array<i32>} : memref<257x128xf32, #tpu.memory_space<vmem>>, vector<1x16xf32>,
    %get3A_2251 = vector.shape_cast %get3A_2250 : vector<1x16xf32> to vector<16xf32>
    %add3A_2252 = arith.addf %sub3A_2117, %get3A_2251 : vector<16xf32>
    %get3A_2253 = arith.index_cast %max3A_2187 : i32 to index
    %get3A_2254 = arith.constant 96 : index
    %get3A_2255 = tpu.vector_load %arg4[%get3A_2253, %get3A_2254] {strides = array<i32>} : memref<257x128xf32, #tpu.memory_space<vmem>>, vector<1x16xf32>,
    %get3A_2256 = vector.shape_cast %get3A_2255 : vector<1x16xf32> to vector<16xf32>
    %sub3A_2257 = arith.subf %add3A_2252, %get3A_2256 : vector<16xf32>
    %get3A_2258 = arith.index_cast %min3A_2181 : i32 to index
    %get3A_2259 = arith.constant 112 : index
    %get3A_2260 = tpu.vector_load %arg4[%get3A_2258, %get3A_2259] {strides = array<i32>} : memref<257x128xf32, #tpu.memory_space<vmem>>, vector<1x16xf32>,
    %get3A_2261 = vector.shape_cast %get3A_2260 : vector<1x16xf32> to vector<16xf32>
    %add3A_2262 = arith.addf %sub3A_2127, %get3A_2261 : vector<16xf32>
    %get3A_2263 = arith.index_cast %max3A_2187 : i32 to index
    %get3A_2264 = arith.constant 112 : index
    %get3A_2265 = tpu.vector_load %arg4[%get3A_2263, %get3A_2264] {strides = array<i32>} : memref<257x128xf32, #tpu.memory_space<vmem>>, vector<1x16xf32>,
    %get3A_2266 = vector.shape_cast %get3A_2265 : vector<1x16xf32> to vector<16xf32>
    %sub3A_2267 = arith.subf %add3A_2262, %get3A_2266 : vector<16xf32>
    %swap3A_2268 = arith.constant 15 : i32
    %swap3A_2269 = arith.index_cast %swap3A_2268 : i32 to index
    %swap3A_2270 = arith.constant 0 : index
    %swap3A_2271 = tpu.vector_load %arg5[%swap3A_2269, %swap3A_2270] {strides = array<i32>} : memref<16x128xf32, #tpu.memory_space<vmem>>, vector<1x16xf32>,
    %swap3A_2272 = vector.shape_cast %swap3A_2271 : vector<1x16xf32> to vector<16xf32>
    %swap3A_2273 = vector.shape_cast %sub3A_2197 : vector<16xf32> to vector<1x16xf32>
    tpu.vector_store %arg5[%swap3A_2269, %swap3A_2270], %swap3A_2273 {strides = array<i32>} : memref<16x128xf32, #tpu.memory_space<vmem>>, vector<1x16xf32>,
    %swap3A_2274 = arith.constant 15 : i32
    %swap3A_2275 = arith.index_cast %swap3A_2274 : i32 to index
    %swap3A_2276 = arith.constant 16 : index
    %swap3A_2277 = tpu.vector_load %arg5[%swap3A_2275, %swap3A_2276] {strides = array<i32>} : memref<16x128xf32, #tpu.memory_space<vmem>>, vector<1x16xf32>,
    %swap3A_2278 = vector.shape_cast %swap3A_2277 : vector<1x16xf32> to vector<16xf32>
    %swap3A_2279 = vector.shape_cast %sub3A_2207 : vector<16xf32> to vector<1x16xf32>
    tpu.vector_store %arg5[%swap3A_2275, %swap3A_2276], %swap3A_2279 {strides = array<i32>} : memref<16x128xf32, #tpu.memory_space<vmem>>, vector<1x16xf32>,
    %swap3A_2280 = arith.constant 15 : i32
    %swap3A_2281 = arith.index_cast %swap3A_2280 : i32 to index
    %swap3A_2282 = arith.constant 32 : index
    %swap3A_2283 = tpu.vector_load %arg5[%swap3A_2281, %swap3A_2282] {strides = array<i32>} : memref<16x128xf32, #tpu.memory_space<vmem>>, vector<1x16xf32>,
    %swap3A_2284 = vector.shape_cast %swap3A_2283 : vector<1x16xf32> to vector<16xf32>
    %swap3A_2285 = vector.shape_cast %sub3A_2217 : vector<16xf32> to vector<1x16xf32>
    tpu.vector_store %arg5[%swap3A_2281, %swap3A_2282], %swap3A_2285 {strides = array<i32>} : memref<16x128xf32, #tpu.memory_space<vmem>>, vector<1x16xf32>,
    %swap3A_2286 = arith.constant 15 : i32
    %swap3A_2287 = arith.index_cast %swap3A_2286 : i32 to index
    %swap3A_2288 = arith.constant 48 : index
    %swap3A_2289 = tpu.vector_load %arg5[%swap3A_2287, %swap3A_2288] {strides = array<i32>} : memref<16x128xf32, #tpu.memory_space<vmem>>, vector<1x16xf32>,
    %swap3A_2290 = vector.shape_cast %swap3A_2289 : vector<1x16xf32> to vector<16xf32>
    %swap3A_2291 = vector.shape_cast %sub3A_2227 : vector<16xf32> to vector<1x16xf32>
    tpu.vector_store %arg5[%swap3A_2287, %swap3A_2288], %swap3A_2291 {strides = array<i32>} : memref<16x128xf32, #tpu.memory_space<vmem>>, vector<1x16xf32>,
    %swap3A_2292 = arith.constant 15 : i32
    %swap3A_2293 = arith.index_cast %swap3A_2292 : i32 to index
    %swap3A_2294 = arith.constant 64 : index
    %swap3A_2295 = tpu.vector_load %arg5[%swap3A_2293, %swap3A_2294] {strides = array<i32>} : memref<16x128xf32, #tpu.memory_space<vmem>>, vector<1x16xf32>,
    %swap3A_2296 = vector.shape_cast %swap3A_2295 : vector<1x16xf32> to vector<16xf32>
    %swap3A_2297 = vector.shape_cast %sub3A_2237 : vector<16xf32> to vector<1x16xf32>
    tpu.vector_store %arg5[%swap3A_2293, %swap3A_2294], %swap3A_2297 {strides = array<i32>} : memref<16x128xf32, #tpu.memory_space<vmem>>, vector<1x16xf32>,
    %swap3A_2298 = arith.constant 15 : i32
    %swap3A_2299 = arith.index_cast %swap3A_2298 : i32 to index
    %swap3A_2300 = arith.constant 80 : index
    %swap3A_2301 = tpu.vector_load %arg5[%swap3A_2299, %swap3A_2300] {strides = array<i32>} : memref<16x128xf32, #tpu.memory_space<vmem>>, vector<1x16xf32>,
    %swap3A_2302 = vector.shape_cast %swap3A_2301 : vector<1x16xf32> to vector<16xf32>
    %swap3A_2303 = vector.shape_cast %sub3A_2247 : vector<16xf32> to vector<1x16xf32>
    tpu.vector_store %arg5[%swap3A_2299, %swap3A_2300], %swap3A_2303 {strides = array<i32>} : memref<16x128xf32, #tpu.memory_space<vmem>>, vector<1x16xf32>,
    %swap3A_2304 = arith.constant 15 : i32
    %swap3A_2305 = arith.index_cast %swap3A_2304 : i32 to index
    %swap3A_2306 = arith.constant 96 : index
    %swap3A_2307 = tpu.vector_load %arg5[%swap3A_2305, %swap3A_2306] {strides = array<i32>} : memref<16x128xf32, #tpu.memory_space<vmem>>, vector<1x16xf32>,
    %swap3A_2308 = vector.shape_cast %swap3A_2307 : vector<1x16xf32> to vector<16xf32>
    %swap3A_2309 = vector.shape_cast %sub3A_2257 : vector<16xf32> to vector<1x16xf32>
    tpu.vector_store %arg5[%swap3A_2305, %swap3A_2306], %swap3A_2309 {strides = array<i32>} : memref<16x128xf32, #tpu.memory_space<vmem>>, vector<1x16xf32>,
    %swap3A_2310 = arith.constant 15 : i32
    %swap3A_2311 = arith.index_cast %swap3A_2310 : i32 to index
    %swap3A_2312 = arith.constant 112 : index
    %swap3A_2313 = tpu.vector_load %arg5[%swap3A_2311, %swap3A_2312] {strides = array<i32>} : memref<16x128xf32, #tpu.memory_space<vmem>>, vector<1x16xf32>,
    %swap3A_2314 = vector.shape_cast %swap3A_2313 : vector<1x16xf32> to vector<16xf32>
    %swap3A_2315 = vector.shape_cast %sub3A_2267 : vector<16xf32> to vector<1x16xf32>
    tpu.vector_store %arg5[%swap3A_2311, %swap3A_2312], %swap3A_2315 {strides = array<i32>} : memref<16x128xf32, #tpu.memory_space<vmem>>, vector<1x16xf32>,
    "tpu.region"() ({
      %run_scoped3A = tpu.sem_alloc : memref<!tpu.dma_semaphore, #tpu.memory_space<semaphore_mem>>
      %dma_start3A = arith.constant 0 : i32
      %dma_start3A_2316 = tpu.memref_slice %arg3[%min3A_1, %dma_start3A] : memref<200x128xf32, #tpu.memory_space<hbm>> -> memref<16x128xf32, #tpu.memory_space<hbm>>
      %dma_start3A_2317 = arith.constant 0 : i32
      %dma_start3A_2318 = tpu.memref_slice %arg3[%min3A_1, %dma_start3A_2317] : memref<200x128xf32, #tpu.memory_space<hbm>> -> memref<16x128xf32, #tpu.memory_space<hbm>>
      tpu.enqueue_dma source(%arg5 : memref<16x128xf32, #tpu.memory_space<vmem>>) target(%dma_start3A_2318 : memref<16x128xf32, #tpu.memory_space<hbm>>) target_semaphore(%run_scoped3A : memref<!tpu.dma_semaphore, #tpu.memory_space<semaphore_mem>>)
      %dma_wait3A = arith.constant 0 : i32
      %dma_wait3A_2319 = tpu.memref_slice %arg3[%min3A_1, %dma_wait3A] : memref<200x128xf32, #tpu.memory_space<hbm>> -> memref<16x128xf32, #tpu.memory_space<hbm>>
      %dma_wait3A_2320 = arith.constant 0 : i32
      %dma_wait3A_2321 = tpu.memref_slice %arg3[%min3A_1, %dma_wait3A_2320] : memref<200x128xf32, #tpu.memory_space<hbm>> -> memref<16x128xf32, #tpu.memory_space<hbm>>
      tpu.wait_dma2 semaphore(%run_scoped3A : memref<!tpu.dma_semaphore, #tpu.memory_space<semaphore_mem>>) src(%arg5 : memref<16x128xf32, #tpu.memory_space<vmem>>) dst(%dma_wait3A_2321 : memref<16x128xf32, #tpu.memory_space<hbm>>)
      tpu.yield
    }) : () -> ()
    return
  }
}

module attributes {stable_mosaic.version = 14 : i64} {
  func.func @_tc_body(%arg0: memref<200x128xf32, #tpu.memory_space<vmem>>, %arg1: memref<1024x200x128xf32, #tpu.memory_space<any>>, %arg2: memref<8x200x128xf32, #tpu.memory_space<vmem>>, %arg3: memref<32x!tpu.dma_semaphore, #tpu.memory_space<semaphore_mem>>) attributes {dimension_semantics = [], scalar_prefetch = 0 : i64, scratch_operands = 2 : i64, tpu.core_type = #tpu.core_type<tc>} {
    %get3A = arith.constant 0 : index
    %get3A_0 = arith.constant 0 : index
    %get3A_1 = vector.load %arg0[%get3A, %get3A_0] : memref<200x128xf32, #tpu.memory_space<vmem>>, vector<200x128xf32>
    %broadcast_in_dim3A = vector.shape_cast %get3A_1 : vector<200x128xf32> to vector<1x200x128xf32>
    %broadcast_in_dim3A_2 = vector.shape_cast %broadcast_in_dim3A : vector<1x200x128xf32> to vector<1x200x128xf32>
    %broadcast_in_dim3A_3 = vector.broadcast %broadcast_in_dim3A_2 : vector<1x200x128xf32> to vector<8x200x128xf32>
    %swap3A = arith.constant 0 : index
    %swap3A_4 = arith.constant 0 : index
    %swap3A_5 = arith.constant 0 : index
    %swap3A_6 = vector.load %arg2[%swap3A, %swap3A_4, %swap3A_5] : memref<8x200x128xf32, #tpu.memory_space<vmem>>, vector<8x200x128xf32>
    tpu.vector_store %arg2[%swap3A, %swap3A_4, %swap3A_5], %broadcast_in_dim3A_3 {strides = array<i32>} : memref<8x200x128xf32, #tpu.memory_space<vmem>>, vector<8x200x128xf32>,
    %dma_start3A = arith.constant 0 : i32
    %dma_start3A_7 = tpu.memref_slice %arg3[%dma_start3A] : memref<32x!tpu.dma_semaphore, #tpu.memory_space<semaphore_mem>> -> memref<1x!tpu.dma_semaphore, #tpu.memory_space<semaphore_mem>>
    %dma_start3A_8 = tpu.memref_squeeze %dma_start3A_7 : memref<1x!tpu.dma_semaphore, #tpu.memory_space<semaphore_mem>> -> memref<!tpu.dma_semaphore, #tpu.memory_space<semaphore_mem>>
    %dma_start3A_9 = arith.constant 0 : i32
    %dma_start3A_10 = arith.constant 0 : i32
    %dma_start3A_11 = arith.constant 0 : i32
    %dma_start3A_12 = tpu.memref_slice %arg1[%dma_start3A_9, %dma_start3A_10, %dma_start3A_11] : memref<1024x200x128xf32, #tpu.memory_space<any>> -> memref<8x200x128xf32, #tpu.memory_space<any>>
    tpu.enqueue_dma source(%arg2 : memref<8x200x128xf32, #tpu.memory_space<vmem>>) target(%dma_start3A_12 : memref<8x200x128xf32, #tpu.memory_space<any>>) target_semaphore(%dma_start3A_8 : memref<!tpu.dma_semaphore, #tpu.memory_space<semaphore_mem>>)
    %dma_start3A_13 = arith.constant 1 : i32
    %dma_start3A_14 = tpu.memref_slice %arg3[%dma_start3A_13] : memref<32x!tpu.dma_semaphore, #tpu.memory_space<semaphore_mem>> -> memref<1x!tpu.dma_semaphore, #tpu.memory_space<semaphore_mem>>
    %dma_start3A_15 = tpu.memref_squeeze %dma_start3A_14 : memref<1x!tpu.dma_semaphore, #tpu.memory_space<semaphore_mem>> -> memref<!tpu.dma_semaphore, #tpu.memory_space<semaphore_mem>>
    %dma_start3A_16 = arith.constant 8 : i32
    %dma_start3A_17 = arith.constant 0 : i32
    %dma_start3A_18 = arith.constant 0 : i32
    %dma_start3A_19 = tpu.memref_slice %arg1[%dma_start3A_16, %dma_start3A_17, %dma_start3A_18] : memref<1024x200x128xf32, #tpu.memory_space<any>> -> memref<8x200x128xf32, #tpu.memory_space<any>>
    tpu.enqueue_dma source(%arg2 : memref<8x200x128xf32, #tpu.memory_space<vmem>>) target(%dma_start3A_19 : memref<8x200x128xf32, #tpu.memory_space<any>>) target_semaphore(%dma_start3A_15 : memref<!tpu.dma_semaphore, #tpu.memory_space<semaphore_mem>>)
    %dma_start3A_20 = arith.constant 2 : i32
    %dma_start3A_21 = tpu.memref_slice %arg3[%dma_start3A_20] : memref<32x!tpu.dma_semaphore, #tpu.memory_space<semaphore_mem>> -> memref<1x!tpu.dma_semaphore, #tpu.memory_space<semaphore_mem>>
    %dma_start3A_22 = tpu.memref_squeeze %dma_start3A_21 : memref<1x!tpu.dma_semaphore, #tpu.memory_space<semaphore_mem>> -> memref<!tpu.dma_semaphore, #tpu.memory_space<semaphore_mem>>
    %dma_start3A_23 = arith.constant 16 : i32
    %dma_start3A_24 = arith.constant 0 : i32
    %dma_start3A_25 = arith.constant 0 : i32
    %dma_start3A_26 = tpu.memref_slice %arg1[%dma_start3A_23, %dma_start3A_24, %dma_start3A_25] : memref<1024x200x128xf32, #tpu.memory_space<any>> -> memref<8x200x128xf32, #tpu.memory_space<any>>
    tpu.enqueue_dma source(%arg2 : memref<8x200x128xf32, #tpu.memory_space<vmem>>) target(%dma_start3A_26 : memref<8x200x128xf32, #tpu.memory_space<any>>) target_semaphore(%dma_start3A_22 : memref<!tpu.dma_semaphore, #tpu.memory_space<semaphore_mem>>)
    %dma_start3A_27 = arith.constant 3 : i32
    %dma_start3A_28 = tpu.memref_slice %arg3[%dma_start3A_27] : memref<32x!tpu.dma_semaphore, #tpu.memory_space<semaphore_mem>> -> memref<1x!tpu.dma_semaphore, #tpu.memory_space<semaphore_mem>>
    %dma_start3A_29 = tpu.memref_squeeze %dma_start3A_28 : memref<1x!tpu.dma_semaphore, #tpu.memory_space<semaphore_mem>> -> memref<!tpu.dma_semaphore, #tpu.memory_space<semaphore_mem>>
    %dma_start3A_30 = arith.constant 24 : i32
    %dma_start3A_31 = arith.constant 0 : i32
    %dma_start3A_32 = arith.constant 0 : i32
    %dma_start3A_33 = tpu.memref_slice %arg1[%dma_start3A_30, %dma_start3A_31, %dma_start3A_32] : memref<1024x200x128xf32, #tpu.memory_space<any>> -> memref<8x200x128xf32, #tpu.memory_space<any>>
    tpu.enqueue_dma source(%arg2 : memref<8x200x128xf32, #tpu.memory_space<vmem>>) target(%dma_start3A_33 : memref<8x200x128xf32, #tpu.memory_space<any>>) target_semaphore(%dma_start3A_29 : memref<!tpu.dma_semaphore, #tpu.memory_space<semaphore_mem>>)
    %dma_start3A_34 = arith.constant 4 : i32
    %dma_start3A_35 = tpu.memref_slice %arg3[%dma_start3A_34] : memref<32x!tpu.dma_semaphore, #tpu.memory_space<semaphore_mem>> -> memref<1x!tpu.dma_semaphore, #tpu.memory_space<semaphore_mem>>
    %dma_start3A_36 = tpu.memref_squeeze %dma_start3A_35 : memref<1x!tpu.dma_semaphore, #tpu.memory_space<semaphore_mem>> -> memref<!tpu.dma_semaphore, #tpu.memory_space<semaphore_mem>>
    %dma_start3A_37 = arith.constant 32 : i32
    %dma_start3A_38 = arith.constant 0 : i32
    %dma_start3A_39 = arith.constant 0 : i32
    %dma_start3A_40 = tpu.memref_slice %arg1[%dma_start3A_37, %dma_start3A_38, %dma_start3A_39] : memref<1024x200x128xf32, #tpu.memory_space<any>> -> memref<8x200x128xf32, #tpu.memory_space<any>>
    tpu.enqueue_dma source(%arg2 : memref<8x200x128xf32, #tpu.memory_space<vmem>>) target(%dma_start3A_40 : memref<8x200x128xf32, #tpu.memory_space<any>>) target_semaphore(%dma_start3A_36 : memref<!tpu.dma_semaphore, #tpu.memory_space<semaphore_mem>>)
    %dma_start3A_41 = arith.constant 5 : i32
    %dma_start3A_42 = tpu.memref_slice %arg3[%dma_start3A_41] : memref<32x!tpu.dma_semaphore, #tpu.memory_space<semaphore_mem>> -> memref<1x!tpu.dma_semaphore, #tpu.memory_space<semaphore_mem>>
    %dma_start3A_43 = tpu.memref_squeeze %dma_start3A_42 : memref<1x!tpu.dma_semaphore, #tpu.memory_space<semaphore_mem>> -> memref<!tpu.dma_semaphore, #tpu.memory_space<semaphore_mem>>
    %dma_start3A_44 = arith.constant 40 : i32
    %dma_start3A_45 = arith.constant 0 : i32
    %dma_start3A_46 = arith.constant 0 : i32
    %dma_start3A_47 = tpu.memref_slice %arg1[%dma_start3A_44, %dma_start3A_45, %dma_start3A_46] : memref<1024x200x128xf32, #tpu.memory_space<any>> -> memref<8x200x128xf32, #tpu.memory_space<any>>
    tpu.enqueue_dma source(%arg2 : memref<8x200x128xf32, #tpu.memory_space<vmem>>) target(%dma_start3A_47 : memref<8x200x128xf32, #tpu.memory_space<any>>) target_semaphore(%dma_start3A_43 : memref<!tpu.dma_semaphore, #tpu.memory_space<semaphore_mem>>)
    %dma_start3A_48 = arith.constant 6 : i32
    %dma_start3A_49 = tpu.memref_slice %arg3[%dma_start3A_48] : memref<32x!tpu.dma_semaphore, #tpu.memory_space<semaphore_mem>> -> memref<1x!tpu.dma_semaphore, #tpu.memory_space<semaphore_mem>>
    %dma_start3A_50 = tpu.memref_squeeze %dma_start3A_49 : memref<1x!tpu.dma_semaphore, #tpu.memory_space<semaphore_mem>> -> memref<!tpu.dma_semaphore, #tpu.memory_space<semaphore_mem>>
    %dma_start3A_51 = arith.constant 48 : i32
    %dma_start3A_52 = arith.constant 0 : i32
    %dma_start3A_53 = arith.constant 0 : i32
    %dma_start3A_54 = tpu.memref_slice %arg1[%dma_start3A_51, %dma_start3A_52, %dma_start3A_53] : memref<1024x200x128xf32, #tpu.memory_space<any>> -> memref<8x200x128xf32, #tpu.memory_space<any>>
    tpu.enqueue_dma source(%arg2 : memref<8x200x128xf32, #tpu.memory_space<vmem>>) target(%dma_start3A_54 : memref<8x200x128xf32, #tpu.memory_space<any>>) target_semaphore(%dma_start3A_50 : memref<!tpu.dma_semaphore, #tpu.memory_space<semaphore_mem>>)
    %dma_start3A_55 = arith.constant 7 : i32
    %dma_start3A_56 = tpu.memref_slice %arg3[%dma_start3A_55] : memref<32x!tpu.dma_semaphore, #tpu.memory_space<semaphore_mem>> -> memref<1x!tpu.dma_semaphore, #tpu.memory_space<semaphore_mem>>
    %dma_start3A_57 = tpu.memref_squeeze %dma_start3A_56 : memref<1x!tpu.dma_semaphore, #tpu.memory_space<semaphore_mem>> -> memref<!tpu.dma_semaphore, #tpu.memory_space<semaphore_mem>>
    %dma_start3A_58 = arith.constant 56 : i32
    %dma_start3A_59 = arith.constant 0 : i32
    %dma_start3A_60 = arith.constant 0 : i32
    %dma_start3A_61 = tpu.memref_slice %arg1[%dma_start3A_58, %dma_start3A_59, %dma_start3A_60] : memref<1024x200x128xf32, #tpu.memory_space<any>> -> memref<8x200x128xf32, #tpu.memory_space<any>>
    tpu.enqueue_dma source(%arg2 : memref<8x200x128xf32, #tpu.memory_space<vmem>>) target(%dma_start3A_61 : memref<8x200x128xf32, #tpu.memory_space<any>>) target_semaphore(%dma_start3A_57 : memref<!tpu.dma_semaphore, #tpu.memory_space<semaphore_mem>>)
    %dma_start3A_62 = arith.constant 8 : i32
    %dma_start3A_63 = tpu.memref_slice %arg3[%dma_start3A_62] : memref<32x!tpu.dma_semaphore, #tpu.memory_space<semaphore_mem>> -> memref<1x!tpu.dma_semaphore, #tpu.memory_space<semaphore_mem>>
    %dma_start3A_64 = tpu.memref_squeeze %dma_start3A_63 : memref<1x!tpu.dma_semaphore, #tpu.memory_space<semaphore_mem>> -> memref<!tpu.dma_semaphore, #tpu.memory_space<semaphore_mem>>
    %dma_start3A_65 = arith.constant 64 : i32
    %dma_start3A_66 = arith.constant 0 : i32
    %dma_start3A_67 = arith.constant 0 : i32
    %dma_start3A_68 = tpu.memref_slice %arg1[%dma_start3A_65, %dma_start3A_66, %dma_start3A_67] : memref<1024x200x128xf32, #tpu.memory_space<any>> -> memref<8x200x128xf32, #tpu.memory_space<any>>
    tpu.enqueue_dma source(%arg2 : memref<8x200x128xf32, #tpu.memory_space<vmem>>) target(%dma_start3A_68 : memref<8x200x128xf32, #tpu.memory_space<any>>) target_semaphore(%dma_start3A_64 : memref<!tpu.dma_semaphore, #tpu.memory_space<semaphore_mem>>)
    %dma_start3A_69 = arith.constant 9 : i32
    %dma_start3A_70 = tpu.memref_slice %arg3[%dma_start3A_69] : memref<32x!tpu.dma_semaphore, #tpu.memory_space<semaphore_mem>> -> memref<1x!tpu.dma_semaphore, #tpu.memory_space<semaphore_mem>>
    %dma_start3A_71 = tpu.memref_squeeze %dma_start3A_70 : memref<1x!tpu.dma_semaphore, #tpu.memory_space<semaphore_mem>> -> memref<!tpu.dma_semaphore, #tpu.memory_space<semaphore_mem>>
    %dma_start3A_72 = arith.constant 72 : i32
    %dma_start3A_73 = arith.constant 0 : i32
    %dma_start3A_74 = arith.constant 0 : i32
    %dma_start3A_75 = tpu.memref_slice %arg1[%dma_start3A_72, %dma_start3A_73, %dma_start3A_74] : memref<1024x200x128xf32, #tpu.memory_space<any>> -> memref<8x200x128xf32, #tpu.memory_space<any>>
    tpu.enqueue_dma source(%arg2 : memref<8x200x128xf32, #tpu.memory_space<vmem>>) target(%dma_start3A_75 : memref<8x200x128xf32, #tpu.memory_space<any>>) target_semaphore(%dma_start3A_71 : memref<!tpu.dma_semaphore, #tpu.memory_space<semaphore_mem>>)
    %dma_start3A_76 = arith.constant 10 : i32
    %dma_start3A_77 = tpu.memref_slice %arg3[%dma_start3A_76] : memref<32x!tpu.dma_semaphore, #tpu.memory_space<semaphore_mem>> -> memref<1x!tpu.dma_semaphore, #tpu.memory_space<semaphore_mem>>
    %dma_start3A_78 = tpu.memref_squeeze %dma_start3A_77 : memref<1x!tpu.dma_semaphore, #tpu.memory_space<semaphore_mem>> -> memref<!tpu.dma_semaphore, #tpu.memory_space<semaphore_mem>>
    %dma_start3A_79 = arith.constant 80 : i32
    %dma_start3A_80 = arith.constant 0 : i32
    %dma_start3A_81 = arith.constant 0 : i32
    %dma_start3A_82 = tpu.memref_slice %arg1[%dma_start3A_79, %dma_start3A_80, %dma_start3A_81] : memref<1024x200x128xf32, #tpu.memory_space<any>> -> memref<8x200x128xf32, #tpu.memory_space<any>>
    tpu.enqueue_dma source(%arg2 : memref<8x200x128xf32, #tpu.memory_space<vmem>>) target(%dma_start3A_82 : memref<8x200x128xf32, #tpu.memory_space<any>>) target_semaphore(%dma_start3A_78 : memref<!tpu.dma_semaphore, #tpu.memory_space<semaphore_mem>>)
    %dma_start3A_83 = arith.constant 11 : i32
    %dma_start3A_84 = tpu.memref_slice %arg3[%dma_start3A_83] : memref<32x!tpu.dma_semaphore, #tpu.memory_space<semaphore_mem>> -> memref<1x!tpu.dma_semaphore, #tpu.memory_space<semaphore_mem>>
    %dma_start3A_85 = tpu.memref_squeeze %dma_start3A_84 : memref<1x!tpu.dma_semaphore, #tpu.memory_space<semaphore_mem>> -> memref<!tpu.dma_semaphore, #tpu.memory_space<semaphore_mem>>
    %dma_start3A_86 = arith.constant 88 : i32
    %dma_start3A_87 = arith.constant 0 : i32
    %dma_start3A_88 = arith.constant 0 : i32
    %dma_start3A_89 = tpu.memref_slice %arg1[%dma_start3A_86, %dma_start3A_87, %dma_start3A_88] : memref<1024x200x128xf32, #tpu.memory_space<any>> -> memref<8x200x128xf32, #tpu.memory_space<any>>
    tpu.enqueue_dma source(%arg2 : memref<8x200x128xf32, #tpu.memory_space<vmem>>) target(%dma_start3A_89 : memref<8x200x128xf32, #tpu.memory_space<any>>) target_semaphore(%dma_start3A_85 : memref<!tpu.dma_semaphore, #tpu.memory_space<semaphore_mem>>)
    %dma_start3A_90 = arith.constant 12 : i32
    %dma_start3A_91 = tpu.memref_slice %arg3[%dma_start3A_90] : memref<32x!tpu.dma_semaphore, #tpu.memory_space<semaphore_mem>> -> memref<1x!tpu.dma_semaphore, #tpu.memory_space<semaphore_mem>>
    %dma_start3A_92 = tpu.memref_squeeze %dma_start3A_91 : memref<1x!tpu.dma_semaphore, #tpu.memory_space<semaphore_mem>> -> memref<!tpu.dma_semaphore, #tpu.memory_space<semaphore_mem>>
    %dma_start3A_93 = arith.constant 96 : i32
    %dma_start3A_94 = arith.constant 0 : i32
    %dma_start3A_95 = arith.constant 0 : i32
    %dma_start3A_96 = tpu.memref_slice %arg1[%dma_start3A_93, %dma_start3A_94, %dma_start3A_95] : memref<1024x200x128xf32, #tpu.memory_space<any>> -> memref<8x200x128xf32, #tpu.memory_space<any>>
    tpu.enqueue_dma source(%arg2 : memref<8x200x128xf32, #tpu.memory_space<vmem>>) target(%dma_start3A_96 : memref<8x200x128xf32, #tpu.memory_space<any>>) target_semaphore(%dma_start3A_92 : memref<!tpu.dma_semaphore, #tpu.memory_space<semaphore_mem>>)
    %dma_start3A_97 = arith.constant 13 : i32
    %dma_start3A_98 = tpu.memref_slice %arg3[%dma_start3A_97] : memref<32x!tpu.dma_semaphore, #tpu.memory_space<semaphore_mem>> -> memref<1x!tpu.dma_semaphore, #tpu.memory_space<semaphore_mem>>
    %dma_start3A_99 = tpu.memref_squeeze %dma_start3A_98 : memref<1x!tpu.dma_semaphore, #tpu.memory_space<semaphore_mem>> -> memref<!tpu.dma_semaphore, #tpu.memory_space<semaphore_mem>>
    %dma_start3A_100 = arith.constant 104 : i32
    %dma_start3A_101 = arith.constant 0 : i32
    %dma_start3A_102 = arith.constant 0 : i32
    %dma_start3A_103 = tpu.memref_slice %arg1[%dma_start3A_100, %dma_start3A_101, %dma_start3A_102] : memref<1024x200x128xf32, #tpu.memory_space<any>> -> memref<8x200x128xf32, #tpu.memory_space<any>>
    tpu.enqueue_dma source(%arg2 : memref<8x200x128xf32, #tpu.memory_space<vmem>>) target(%dma_start3A_103 : memref<8x200x128xf32, #tpu.memory_space<any>>) target_semaphore(%dma_start3A_99 : memref<!tpu.dma_semaphore, #tpu.memory_space<semaphore_mem>>)
    %dma_start3A_104 = arith.constant 14 : i32
    %dma_start3A_105 = tpu.memref_slice %arg3[%dma_start3A_104] : memref<32x!tpu.dma_semaphore, #tpu.memory_space<semaphore_mem>> -> memref<1x!tpu.dma_semaphore, #tpu.memory_space<semaphore_mem>>
    %dma_start3A_106 = tpu.memref_squeeze %dma_start3A_105 : memref<1x!tpu.dma_semaphore, #tpu.memory_space<semaphore_mem>> -> memref<!tpu.dma_semaphore, #tpu.memory_space<semaphore_mem>>
    %dma_start3A_107 = arith.constant 112 : i32
    %dma_start3A_108 = arith.constant 0 : i32
    %dma_start3A_109 = arith.constant 0 : i32
    %dma_start3A_110 = tpu.memref_slice %arg1[%dma_start3A_107, %dma_start3A_108, %dma_start3A_109] : memref<1024x200x128xf32, #tpu.memory_space<any>> -> memref<8x200x128xf32, #tpu.memory_space<any>>
    tpu.enqueue_dma source(%arg2 : memref<8x200x128xf32, #tpu.memory_space<vmem>>) target(%dma_start3A_110 : memref<8x200x128xf32, #tpu.memory_space<any>>) target_semaphore(%dma_start3A_106 : memref<!tpu.dma_semaphore, #tpu.memory_space<semaphore_mem>>)
    %dma_start3A_111 = arith.constant 15 : i32
    %dma_start3A_112 = tpu.memref_slice %arg3[%dma_start3A_111] : memref<32x!tpu.dma_semaphore, #tpu.memory_space<semaphore_mem>> -> memref<1x!tpu.dma_semaphore, #tpu.memory_space<semaphore_mem>>
    %dma_start3A_113 = tpu.memref_squeeze %dma_start3A_112 : memref<1x!tpu.dma_semaphore, #tpu.memory_space<semaphore_mem>> -> memref<!tpu.dma_semaphore, #tpu.memory_space<semaphore_mem>>
    %dma_start3A_114 = arith.constant 120 : i32
    %dma_start3A_115 = arith.constant 0 : i32
    %dma_start3A_116 = arith.constant 0 : i32
    %dma_start3A_117 = tpu.memref_slice %arg1[%dma_start3A_114, %dma_start3A_115, %dma_start3A_116] : memref<1024x200x128xf32, #tpu.memory_space<any>> -> memref<8x200x128xf32, #tpu.memory_space<any>>
    tpu.enqueue_dma source(%arg2 : memref<8x200x128xf32, #tpu.memory_space<vmem>>) target(%dma_start3A_117 : memref<8x200x128xf32, #tpu.memory_space<any>>) target_semaphore(%dma_start3A_113 : memref<!tpu.dma_semaphore, #tpu.memory_space<semaphore_mem>>)
    %dma_start3A_118 = arith.constant 16 : i32
    %dma_start3A_119 = tpu.memref_slice %arg3[%dma_start3A_118] : memref<32x!tpu.dma_semaphore, #tpu.memory_space<semaphore_mem>> -> memref<1x!tpu.dma_semaphore, #tpu.memory_space<semaphore_mem>>
    %dma_start3A_120 = tpu.memref_squeeze %dma_start3A_119 : memref<1x!tpu.dma_semaphore, #tpu.memory_space<semaphore_mem>> -> memref<!tpu.dma_semaphore, #tpu.memory_space<semaphore_mem>>
    %dma_start3A_121 = arith.constant 128 : i32
    %dma_start3A_122 = arith.constant 0 : i32
    %dma_start3A_123 = arith.constant 0 : i32
    %dma_start3A_124 = tpu.memref_slice %arg1[%dma_start3A_121, %dma_start3A_122, %dma_start3A_123] : memref<1024x200x128xf32, #tpu.memory_space<any>> -> memref<8x200x128xf32, #tpu.memory_space<any>>
    tpu.enqueue_dma source(%arg2 : memref<8x200x128xf32, #tpu.memory_space<vmem>>) target(%dma_start3A_124 : memref<8x200x128xf32, #tpu.memory_space<any>>) target_semaphore(%dma_start3A_120 : memref<!tpu.dma_semaphore, #tpu.memory_space<semaphore_mem>>)
    %dma_start3A_125 = arith.constant 17 : i32
    %dma_start3A_126 = tpu.memref_slice %arg3[%dma_start3A_125] : memref<32x!tpu.dma_semaphore, #tpu.memory_space<semaphore_mem>> -> memref<1x!tpu.dma_semaphore, #tpu.memory_space<semaphore_mem>>
    %dma_start3A_127 = tpu.memref_squeeze %dma_start3A_126 : memref<1x!tpu.dma_semaphore, #tpu.memory_space<semaphore_mem>> -> memref<!tpu.dma_semaphore, #tpu.memory_space<semaphore_mem>>
    %dma_start3A_128 = arith.constant 136 : i32
    %dma_start3A_129 = arith.constant 0 : i32
    %dma_start3A_130 = arith.constant 0 : i32
    %dma_start3A_131 = tpu.memref_slice %arg1[%dma_start3A_128, %dma_start3A_129, %dma_start3A_130] : memref<1024x200x128xf32, #tpu.memory_space<any>> -> memref<8x200x128xf32, #tpu.memory_space<any>>
    tpu.enqueue_dma source(%arg2 : memref<8x200x128xf32, #tpu.memory_space<vmem>>) target(%dma_start3A_131 : memref<8x200x128xf32, #tpu.memory_space<any>>) target_semaphore(%dma_start3A_127 : memref<!tpu.dma_semaphore, #tpu.memory_space<semaphore_mem>>)
    %dma_start3A_132 = arith.constant 18 : i32
    %dma_start3A_133 = tpu.memref_slice %arg3[%dma_start3A_132] : memref<32x!tpu.dma_semaphore, #tpu.memory_space<semaphore_mem>> -> memref<1x!tpu.dma_semaphore, #tpu.memory_space<semaphore_mem>>
    %dma_start3A_134 = tpu.memref_squeeze %dma_start3A_133 : memref<1x!tpu.dma_semaphore, #tpu.memory_space<semaphore_mem>> -> memref<!tpu.dma_semaphore, #tpu.memory_space<semaphore_mem>>
    %dma_start3A_135 = arith.constant 144 : i32
    %dma_start3A_136 = arith.constant 0 : i32
    %dma_start3A_137 = arith.constant 0 : i32
    %dma_start3A_138 = tpu.memref_slice %arg1[%dma_start3A_135, %dma_start3A_136, %dma_start3A_137] : memref<1024x200x128xf32, #tpu.memory_space<any>> -> memref<8x200x128xf32, #tpu.memory_space<any>>
    tpu.enqueue_dma source(%arg2 : memref<8x200x128xf32, #tpu.memory_space<vmem>>) target(%dma_start3A_138 : memref<8x200x128xf32, #tpu.memory_space<any>>) target_semaphore(%dma_start3A_134 : memref<!tpu.dma_semaphore, #tpu.memory_space<semaphore_mem>>)
    %dma_start3A_139 = arith.constant 19 : i32
    %dma_start3A_140 = tpu.memref_slice %arg3[%dma_start3A_139] : memref<32x!tpu.dma_semaphore, #tpu.memory_space<semaphore_mem>> -> memref<1x!tpu.dma_semaphore, #tpu.memory_space<semaphore_mem>>
    %dma_start3A_141 = tpu.memref_squeeze %dma_start3A_140 : memref<1x!tpu.dma_semaphore, #tpu.memory_space<semaphore_mem>> -> memref<!tpu.dma_semaphore, #tpu.memory_space<semaphore_mem>>
    %dma_start3A_142 = arith.constant 152 : i32
    %dma_start3A_143 = arith.constant 0 : i32
    %dma_start3A_144 = arith.constant 0 : i32
    %dma_start3A_145 = tpu.memref_slice %arg1[%dma_start3A_142, %dma_start3A_143, %dma_start3A_144] : memref<1024x200x128xf32, #tpu.memory_space<any>> -> memref<8x200x128xf32, #tpu.memory_space<any>>
    tpu.enqueue_dma source(%arg2 : memref<8x200x128xf32, #tpu.memory_space<vmem>>) target(%dma_start3A_145 : memref<8x200x128xf32, #tpu.memory_space<any>>) target_semaphore(%dma_start3A_141 : memref<!tpu.dma_semaphore, #tpu.memory_space<semaphore_mem>>)
    %dma_start3A_146 = arith.constant 20 : i32
    %dma_start3A_147 = tpu.memref_slice %arg3[%dma_start3A_146] : memref<32x!tpu.dma_semaphore, #tpu.memory_space<semaphore_mem>> -> memref<1x!tpu.dma_semaphore, #tpu.memory_space<semaphore_mem>>
    %dma_start3A_148 = tpu.memref_squeeze %dma_start3A_147 : memref<1x!tpu.dma_semaphore, #tpu.memory_space<semaphore_mem>> -> memref<!tpu.dma_semaphore, #tpu.memory_space<semaphore_mem>>
    %dma_start3A_149 = arith.constant 160 : i32
    %dma_start3A_150 = arith.constant 0 : i32
    %dma_start3A_151 = arith.constant 0 : i32
    %dma_start3A_152 = tpu.memref_slice %arg1[%dma_start3A_149, %dma_start3A_150, %dma_start3A_151] : memref<1024x200x128xf32, #tpu.memory_space<any>> -> memref<8x200x128xf32, #tpu.memory_space<any>>
    tpu.enqueue_dma source(%arg2 : memref<8x200x128xf32, #tpu.memory_space<vmem>>) target(%dma_start3A_152 : memref<8x200x128xf32, #tpu.memory_space<any>>) target_semaphore(%dma_start3A_148 : memref<!tpu.dma_semaphore, #tpu.memory_space<semaphore_mem>>)
    %dma_start3A_153 = arith.constant 21 : i32
    %dma_start3A_154 = tpu.memref_slice %arg3[%dma_start3A_153] : memref<32x!tpu.dma_semaphore, #tpu.memory_space<semaphore_mem>> -> memref<1x!tpu.dma_semaphore, #tpu.memory_space<semaphore_mem>>
    %dma_start3A_155 = tpu.memref_squeeze %dma_start3A_154 : memref<1x!tpu.dma_semaphore, #tpu.memory_space<semaphore_mem>> -> memref<!tpu.dma_semaphore, #tpu.memory_space<semaphore_mem>>
    %dma_start3A_156 = arith.constant 168 : i32
    %dma_start3A_157 = arith.constant 0 : i32
    %dma_start3A_158 = arith.constant 0 : i32
    %dma_start3A_159 = tpu.memref_slice %arg1[%dma_start3A_156, %dma_start3A_157, %dma_start3A_158] : memref<1024x200x128xf32, #tpu.memory_space<any>> -> memref<8x200x128xf32, #tpu.memory_space<any>>
    tpu.enqueue_dma source(%arg2 : memref<8x200x128xf32, #tpu.memory_space<vmem>>) target(%dma_start3A_159 : memref<8x200x128xf32, #tpu.memory_space<any>>) target_semaphore(%dma_start3A_155 : memref<!tpu.dma_semaphore, #tpu.memory_space<semaphore_mem>>)
    %dma_start3A_160 = arith.constant 22 : i32
    %dma_start3A_161 = tpu.memref_slice %arg3[%dma_start3A_160] : memref<32x!tpu.dma_semaphore, #tpu.memory_space<semaphore_mem>> -> memref<1x!tpu.dma_semaphore, #tpu.memory_space<semaphore_mem>>
    %dma_start3A_162 = tpu.memref_squeeze %dma_start3A_161 : memref<1x!tpu.dma_semaphore, #tpu.memory_space<semaphore_mem>> -> memref<!tpu.dma_semaphore, #tpu.memory_space<semaphore_mem>>
    %dma_start3A_163 = arith.constant 176 : i32
    %dma_start3A_164 = arith.constant 0 : i32
    %dma_start3A_165 = arith.constant 0 : i32
    %dma_start3A_166 = tpu.memref_slice %arg1[%dma_start3A_163, %dma_start3A_164, %dma_start3A_165] : memref<1024x200x128xf32, #tpu.memory_space<any>> -> memref<8x200x128xf32, #tpu.memory_space<any>>
    tpu.enqueue_dma source(%arg2 : memref<8x200x128xf32, #tpu.memory_space<vmem>>) target(%dma_start3A_166 : memref<8x200x128xf32, #tpu.memory_space<any>>) target_semaphore(%dma_start3A_162 : memref<!tpu.dma_semaphore, #tpu.memory_space<semaphore_mem>>)
    %dma_start3A_167 = arith.constant 23 : i32
    %dma_start3A_168 = tpu.memref_slice %arg3[%dma_start3A_167] : memref<32x!tpu.dma_semaphore, #tpu.memory_space<semaphore_mem>> -> memref<1x!tpu.dma_semaphore, #tpu.memory_space<semaphore_mem>>
    %dma_start3A_169 = tpu.memref_squeeze %dma_start3A_168 : memref<1x!tpu.dma_semaphore, #tpu.memory_space<semaphore_mem>> -> memref<!tpu.dma_semaphore, #tpu.memory_space<semaphore_mem>>
    %dma_start3A_170 = arith.constant 184 : i32
    %dma_start3A_171 = arith.constant 0 : i32
    %dma_start3A_172 = arith.constant 0 : i32
    %dma_start3A_173 = tpu.memref_slice %arg1[%dma_start3A_170, %dma_start3A_171, %dma_start3A_172] : memref<1024x200x128xf32, #tpu.memory_space<any>> -> memref<8x200x128xf32, #tpu.memory_space<any>>
    tpu.enqueue_dma source(%arg2 : memref<8x200x128xf32, #tpu.memory_space<vmem>>) target(%dma_start3A_173 : memref<8x200x128xf32, #tpu.memory_space<any>>) target_semaphore(%dma_start3A_169 : memref<!tpu.dma_semaphore, #tpu.memory_space<semaphore_mem>>)
    %dma_start3A_174 = arith.constant 24 : i32
    %dma_start3A_175 = tpu.memref_slice %arg3[%dma_start3A_174] : memref<32x!tpu.dma_semaphore, #tpu.memory_space<semaphore_mem>> -> memref<1x!tpu.dma_semaphore, #tpu.memory_space<semaphore_mem>>
    %dma_start3A_176 = tpu.memref_squeeze %dma_start3A_175 : memref<1x!tpu.dma_semaphore, #tpu.memory_space<semaphore_mem>> -> memref<!tpu.dma_semaphore, #tpu.memory_space<semaphore_mem>>
    %dma_start3A_177 = arith.constant 192 : i32
    %dma_start3A_178 = arith.constant 0 : i32
    %dma_start3A_179 = arith.constant 0 : i32
    %dma_start3A_180 = tpu.memref_slice %arg1[%dma_start3A_177, %dma_start3A_178, %dma_start3A_179] : memref<1024x200x128xf32, #tpu.memory_space<any>> -> memref<8x200x128xf32, #tpu.memory_space<any>>
    tpu.enqueue_dma source(%arg2 : memref<8x200x128xf32, #tpu.memory_space<vmem>>) target(%dma_start3A_180 : memref<8x200x128xf32, #tpu.memory_space<any>>) target_semaphore(%dma_start3A_176 : memref<!tpu.dma_semaphore, #tpu.memory_space<semaphore_mem>>)
    %dma_start3A_181 = arith.constant 25 : i32
    %dma_start3A_182 = tpu.memref_slice %arg3[%dma_start3A_181] : memref<32x!tpu.dma_semaphore, #tpu.memory_space<semaphore_mem>> -> memref<1x!tpu.dma_semaphore, #tpu.memory_space<semaphore_mem>>
    %dma_start3A_183 = tpu.memref_squeeze %dma_start3A_182 : memref<1x!tpu.dma_semaphore, #tpu.memory_space<semaphore_mem>> -> memref<!tpu.dma_semaphore, #tpu.memory_space<semaphore_mem>>
    %dma_start3A_184 = arith.constant 200 : i32
    %dma_start3A_185 = arith.constant 0 : i32
    %dma_start3A_186 = arith.constant 0 : i32
    %dma_start3A_187 = tpu.memref_slice %arg1[%dma_start3A_184, %dma_start3A_185, %dma_start3A_186] : memref<1024x200x128xf32, #tpu.memory_space<any>> -> memref<8x200x128xf32, #tpu.memory_space<any>>
    tpu.enqueue_dma source(%arg2 : memref<8x200x128xf32, #tpu.memory_space<vmem>>) target(%dma_start3A_187 : memref<8x200x128xf32, #tpu.memory_space<any>>) target_semaphore(%dma_start3A_183 : memref<!tpu.dma_semaphore, #tpu.memory_space<semaphore_mem>>)
    %dma_start3A_188 = arith.constant 26 : i32
    %dma_start3A_189 = tpu.memref_slice %arg3[%dma_start3A_188] : memref<32x!tpu.dma_semaphore, #tpu.memory_space<semaphore_mem>> -> memref<1x!tpu.dma_semaphore, #tpu.memory_space<semaphore_mem>>
    %dma_start3A_190 = tpu.memref_squeeze %dma_start3A_189 : memref<1x!tpu.dma_semaphore, #tpu.memory_space<semaphore_mem>> -> memref<!tpu.dma_semaphore, #tpu.memory_space<semaphore_mem>>
    %dma_start3A_191 = arith.constant 208 : i32
    %dma_start3A_192 = arith.constant 0 : i32
    %dma_start3A_193 = arith.constant 0 : i32
    %dma_start3A_194 = tpu.memref_slice %arg1[%dma_start3A_191, %dma_start3A_192, %dma_start3A_193] : memref<1024x200x128xf32, #tpu.memory_space<any>> -> memref<8x200x128xf32, #tpu.memory_space<any>>
    tpu.enqueue_dma source(%arg2 : memref<8x200x128xf32, #tpu.memory_space<vmem>>) target(%dma_start3A_194 : memref<8x200x128xf32, #tpu.memory_space<any>>) target_semaphore(%dma_start3A_190 : memref<!tpu.dma_semaphore, #tpu.memory_space<semaphore_mem>>)
    %dma_start3A_195 = arith.constant 27 : i32
    %dma_start3A_196 = tpu.memref_slice %arg3[%dma_start3A_195] : memref<32x!tpu.dma_semaphore, #tpu.memory_space<semaphore_mem>> -> memref<1x!tpu.dma_semaphore, #tpu.memory_space<semaphore_mem>>
    %dma_start3A_197 = tpu.memref_squeeze %dma_start3A_196 : memref<1x!tpu.dma_semaphore, #tpu.memory_space<semaphore_mem>> -> memref<!tpu.dma_semaphore, #tpu.memory_space<semaphore_mem>>
    %dma_start3A_198 = arith.constant 216 : i32
    %dma_start3A_199 = arith.constant 0 : i32
    %dma_start3A_200 = arith.constant 0 : i32
    %dma_start3A_201 = tpu.memref_slice %arg1[%dma_start3A_198, %dma_start3A_199, %dma_start3A_200] : memref<1024x200x128xf32, #tpu.memory_space<any>> -> memref<8x200x128xf32, #tpu.memory_space<any>>
    tpu.enqueue_dma source(%arg2 : memref<8x200x128xf32, #tpu.memory_space<vmem>>) target(%dma_start3A_201 : memref<8x200x128xf32, #tpu.memory_space<any>>) target_semaphore(%dma_start3A_197 : memref<!tpu.dma_semaphore, #tpu.memory_space<semaphore_mem>>)
    %dma_start3A_202 = arith.constant 28 : i32
    %dma_start3A_203 = tpu.memref_slice %arg3[%dma_start3A_202] : memref<32x!tpu.dma_semaphore, #tpu.memory_space<semaphore_mem>> -> memref<1x!tpu.dma_semaphore, #tpu.memory_space<semaphore_mem>>
    %dma_start3A_204 = tpu.memref_squeeze %dma_start3A_203 : memref<1x!tpu.dma_semaphore, #tpu.memory_space<semaphore_mem>> -> memref<!tpu.dma_semaphore, #tpu.memory_space<semaphore_mem>>
    %dma_start3A_205 = arith.constant 224 : i32
    %dma_start3A_206 = arith.constant 0 : i32
    %dma_start3A_207 = arith.constant 0 : i32
    %dma_start3A_208 = tpu.memref_slice %arg1[%dma_start3A_205, %dma_start3A_206, %dma_start3A_207] : memref<1024x200x128xf32, #tpu.memory_space<any>> -> memref<8x200x128xf32, #tpu.memory_space<any>>
    tpu.enqueue_dma source(%arg2 : memref<8x200x128xf32, #tpu.memory_space<vmem>>) target(%dma_start3A_208 : memref<8x200x128xf32, #tpu.memory_space<any>>) target_semaphore(%dma_start3A_204 : memref<!tpu.dma_semaphore, #tpu.memory_space<semaphore_mem>>)
    %dma_start3A_209 = arith.constant 29 : i32
    %dma_start3A_210 = tpu.memref_slice %arg3[%dma_start3A_209] : memref<32x!tpu.dma_semaphore, #tpu.memory_space<semaphore_mem>> -> memref<1x!tpu.dma_semaphore, #tpu.memory_space<semaphore_mem>>
    %dma_start3A_211 = tpu.memref_squeeze %dma_start3A_210 : memref<1x!tpu.dma_semaphore, #tpu.memory_space<semaphore_mem>> -> memref<!tpu.dma_semaphore, #tpu.memory_space<semaphore_mem>>
    %dma_start3A_212 = arith.constant 232 : i32
    %dma_start3A_213 = arith.constant 0 : i32
    %dma_start3A_214 = arith.constant 0 : i32
    %dma_start3A_215 = tpu.memref_slice %arg1[%dma_start3A_212, %dma_start3A_213, %dma_start3A_214] : memref<1024x200x128xf32, #tpu.memory_space<any>> -> memref<8x200x128xf32, #tpu.memory_space<any>>
    tpu.enqueue_dma source(%arg2 : memref<8x200x128xf32, #tpu.memory_space<vmem>>) target(%dma_start3A_215 : memref<8x200x128xf32, #tpu.memory_space<any>>) target_semaphore(%dma_start3A_211 : memref<!tpu.dma_semaphore, #tpu.memory_space<semaphore_mem>>)
    %dma_start3A_216 = arith.constant 30 : i32
    %dma_start3A_217 = tpu.memref_slice %arg3[%dma_start3A_216] : memref<32x!tpu.dma_semaphore, #tpu.memory_space<semaphore_mem>> -> memref<1x!tpu.dma_semaphore, #tpu.memory_space<semaphore_mem>>
    %dma_start3A_218 = tpu.memref_squeeze %dma_start3A_217 : memref<1x!tpu.dma_semaphore, #tpu.memory_space<semaphore_mem>> -> memref<!tpu.dma_semaphore, #tpu.memory_space<semaphore_mem>>
    %dma_start3A_219 = arith.constant 240 : i32
    %dma_start3A_220 = arith.constant 0 : i32
    %dma_start3A_221 = arith.constant 0 : i32
    %dma_start3A_222 = tpu.memref_slice %arg1[%dma_start3A_219, %dma_start3A_220, %dma_start3A_221] : memref<1024x200x128xf32, #tpu.memory_space<any>> -> memref<8x200x128xf32, #tpu.memory_space<any>>
    tpu.enqueue_dma source(%arg2 : memref<8x200x128xf32, #tpu.memory_space<vmem>>) target(%dma_start3A_222 : memref<8x200x128xf32, #tpu.memory_space<any>>) target_semaphore(%dma_start3A_218 : memref<!tpu.dma_semaphore, #tpu.memory_space<semaphore_mem>>)
    %dma_start3A_223 = arith.constant 31 : i32
    %dma_start3A_224 = tpu.memref_slice %arg3[%dma_start3A_223] : memref<32x!tpu.dma_semaphore, #tpu.memory_space<semaphore_mem>> -> memref<1x!tpu.dma_semaphore, #tpu.memory_space<semaphore_mem>>
    %dma_start3A_225 = tpu.memref_squeeze %dma_start3A_224 : memref<1x!tpu.dma_semaphore, #tpu.memory_space<semaphore_mem>> -> memref<!tpu.dma_semaphore, #tpu.memory_space<semaphore_mem>>
    %dma_start3A_226 = arith.constant 248 : i32
    %dma_start3A_227 = arith.constant 0 : i32
    %dma_start3A_228 = arith.constant 0 : i32
    %dma_start3A_229 = tpu.memref_slice %arg1[%dma_start3A_226, %dma_start3A_227, %dma_start3A_228] : memref<1024x200x128xf32, #tpu.memory_space<any>> -> memref<8x200x128xf32, #tpu.memory_space<any>>
    tpu.enqueue_dma source(%arg2 : memref<8x200x128xf32, #tpu.memory_space<vmem>>) target(%dma_start3A_229 : memref<8x200x128xf32, #tpu.memory_space<any>>) target_semaphore(%dma_start3A_225 : memref<!tpu.dma_semaphore, #tpu.memory_space<semaphore_mem>>)
    %dma_wait3A = arith.constant 0 : i32
    %dma_wait3A_230 = tpu.memref_slice %arg3[%dma_wait3A] : memref<32x!tpu.dma_semaphore, #tpu.memory_space<semaphore_mem>> -> memref<1x!tpu.dma_semaphore, #tpu.memory_space<semaphore_mem>>
    %dma_wait3A_231 = tpu.memref_squeeze %dma_wait3A_230 : memref<1x!tpu.dma_semaphore, #tpu.memory_space<semaphore_mem>> -> memref<!tpu.dma_semaphore, #tpu.memory_space<semaphore_mem>>
    %dma_wait3A_232 = arith.constant 0 : i32
    %dma_wait3A_233 = arith.constant 0 : i32
    %dma_wait3A_234 = arith.constant 0 : i32
    %dma_wait3A_235 = tpu.memref_slice %arg1[%dma_wait3A_232, %dma_wait3A_233, %dma_wait3A_234] : memref<1024x200x128xf32, #tpu.memory_space<any>> -> memref<8x200x128xf32, #tpu.memory_space<any>>
    tpu.wait_dma2 semaphore(%dma_wait3A_231 : memref<!tpu.dma_semaphore, #tpu.memory_space<semaphore_mem>>) src(%arg2 : memref<8x200x128xf32, #tpu.memory_space<vmem>>) dst(%dma_wait3A_235 : memref<8x200x128xf32, #tpu.memory_space<any>>)
    %dma_start3A_236 = arith.constant 0 : i32
    %dma_start3A_237 = tpu.memref_slice %arg3[%dma_start3A_236] : memref<32x!tpu.dma_semaphore, #tpu.memory_space<semaphore_mem>> -> memref<1x!tpu.dma_semaphore, #tpu.memory_space<semaphore_mem>>
    %dma_start3A_238 = tpu.memref_squeeze %dma_start3A_237 : memref<1x!tpu.dma_semaphore, #tpu.memory_space<semaphore_mem>> -> memref<!tpu.dma_semaphore, #tpu.memory_space<semaphore_mem>>
    %dma_start3A_239 = arith.constant 256 : i32
    %dma_start3A_240 = arith.constant 0 : i32
    %dma_start3A_241 = arith.constant 0 : i32
    %dma_start3A_242 = tpu.memref_slice %arg1[%dma_start3A_239, %dma_start3A_240, %dma_start3A_241] : memref<1024x200x128xf32, #tpu.memory_space<any>> -> memref<8x200x128xf32, #tpu.memory_space<any>>
    tpu.enqueue_dma source(%arg2 : memref<8x200x128xf32, #tpu.memory_space<vmem>>) target(%dma_start3A_242 : memref<8x200x128xf32, #tpu.memory_space<any>>) target_semaphore(%dma_start3A_238 : memref<!tpu.dma_semaphore, #tpu.memory_space<semaphore_mem>>)
    %dma_wait3A_243 = arith.constant 1 : i32
    %dma_wait3A_244 = tpu.memref_slice %arg3[%dma_wait3A_243] : memref<32x!tpu.dma_semaphore, #tpu.memory_space<semaphore_mem>> -> memref<1x!tpu.dma_semaphore, #tpu.memory_space<semaphore_mem>>
    %dma_wait3A_245 = tpu.memref_squeeze %dma_wait3A_244 : memref<1x!tpu.dma_semaphore, #tpu.memory_space<semaphore_mem>> -> memref<!tpu.dma_semaphore, #tpu.memory_space<semaphore_mem>>
    %dma_wait3A_246 = arith.constant 8 : i32
    %dma_wait3A_247 = arith.constant 0 : i32
    %dma_wait3A_248 = arith.constant 0 : i32
    %dma_wait3A_249 = tpu.memref_slice %arg1[%dma_wait3A_246, %dma_wait3A_247, %dma_wait3A_248] : memref<1024x200x128xf32, #tpu.memory_space<any>> -> memref<8x200x128xf32, #tpu.memory_space<any>>
    tpu.wait_dma2 semaphore(%dma_wait3A_245 : memref<!tpu.dma_semaphore, #tpu.memory_space<semaphore_mem>>) src(%arg2 : memref<8x200x128xf32, #tpu.memory_space<vmem>>) dst(%dma_wait3A_249 : memref<8x200x128xf32, #tpu.memory_space<any>>)
    %dma_start3A_250 = arith.constant 1 : i32
    %dma_start3A_251 = tpu.memref_slice %arg3[%dma_start3A_250] : memref<32x!tpu.dma_semaphore, #tpu.memory_space<semaphore_mem>> -> memref<1x!tpu.dma_semaphore, #tpu.memory_space<semaphore_mem>>
    %dma_start3A_252 = tpu.memref_squeeze %dma_start3A_251 : memref<1x!tpu.dma_semaphore, #tpu.memory_space<semaphore_mem>> -> memref<!tpu.dma_semaphore, #tpu.memory_space<semaphore_mem>>
    %dma_start3A_253 = arith.constant 264 : i32
    %dma_start3A_254 = arith.constant 0 : i32
    %dma_start3A_255 = arith.constant 0 : i32
    %dma_start3A_256 = tpu.memref_slice %arg1[%dma_start3A_253, %dma_start3A_254, %dma_start3A_255] : memref<1024x200x128xf32, #tpu.memory_space<any>> -> memref<8x200x128xf32, #tpu.memory_space<any>>
    tpu.enqueue_dma source(%arg2 : memref<8x200x128xf32, #tpu.memory_space<vmem>>) target(%dma_start3A_256 : memref<8x200x128xf32, #tpu.memory_space<any>>) target_semaphore(%dma_start3A_252 : memref<!tpu.dma_semaphore, #tpu.memory_space<semaphore_mem>>)
    %dma_wait3A_257 = arith.constant 2 : i32
    %dma_wait3A_258 = tpu.memref_slice %arg3[%dma_wait3A_257] : memref<32x!tpu.dma_semaphore, #tpu.memory_space<semaphore_mem>> -> memref<1x!tpu.dma_semaphore, #tpu.memory_space<semaphore_mem>>
    %dma_wait3A_259 = tpu.memref_squeeze %dma_wait3A_258 : memref<1x!tpu.dma_semaphore, #tpu.memory_space<semaphore_mem>> -> memref<!tpu.dma_semaphore, #tpu.memory_space<semaphore_mem>>
    %dma_wait3A_260 = arith.constant 16 : i32
    %dma_wait3A_261 = arith.constant 0 : i32
    %dma_wait3A_262 = arith.constant 0 : i32
    %dma_wait3A_263 = tpu.memref_slice %arg1[%dma_wait3A_260, %dma_wait3A_261, %dma_wait3A_262] : memref<1024x200x128xf32, #tpu.memory_space<any>> -> memref<8x200x128xf32, #tpu.memory_space<any>>
    tpu.wait_dma2 semaphore(%dma_wait3A_259 : memref<!tpu.dma_semaphore, #tpu.memory_space<semaphore_mem>>) src(%arg2 : memref<8x200x128xf32, #tpu.memory_space<vmem>>) dst(%dma_wait3A_263 : memref<8x200x128xf32, #tpu.memory_space<any>>)
    %dma_start3A_264 = arith.constant 2 : i32
    %dma_start3A_265 = tpu.memref_slice %arg3[%dma_start3A_264] : memref<32x!tpu.dma_semaphore, #tpu.memory_space<semaphore_mem>> -> memref<1x!tpu.dma_semaphore, #tpu.memory_space<semaphore_mem>>
    %dma_start3A_266 = tpu.memref_squeeze %dma_start3A_265 : memref<1x!tpu.dma_semaphore, #tpu.memory_space<semaphore_mem>> -> memref<!tpu.dma_semaphore, #tpu.memory_space<semaphore_mem>>
    %dma_start3A_267 = arith.constant 272 : i32
    %dma_start3A_268 = arith.constant 0 : i32
    %dma_start3A_269 = arith.constant 0 : i32
    %dma_start3A_270 = tpu.memref_slice %arg1[%dma_start3A_267, %dma_start3A_268, %dma_start3A_269] : memref<1024x200x128xf32, #tpu.memory_space<any>> -> memref<8x200x128xf32, #tpu.memory_space<any>>
    tpu.enqueue_dma source(%arg2 : memref<8x200x128xf32, #tpu.memory_space<vmem>>) target(%dma_start3A_270 : memref<8x200x128xf32, #tpu.memory_space<any>>) target_semaphore(%dma_start3A_266 : memref<!tpu.dma_semaphore, #tpu.memory_space<semaphore_mem>>)
    %dma_wait3A_271 = arith.constant 3 : i32
    %dma_wait3A_272 = tpu.memref_slice %arg3[%dma_wait3A_271] : memref<32x!tpu.dma_semaphore, #tpu.memory_space<semaphore_mem>> -> memref<1x!tpu.dma_semaphore, #tpu.memory_space<semaphore_mem>>
    %dma_wait3A_273 = tpu.memref_squeeze %dma_wait3A_272 : memref<1x!tpu.dma_semaphore, #tpu.memory_space<semaphore_mem>> -> memref<!tpu.dma_semaphore, #tpu.memory_space<semaphore_mem>>
    %dma_wait3A_274 = arith.constant 24 : i32
    %dma_wait3A_275 = arith.constant 0 : i32
    %dma_wait3A_276 = arith.constant 0 : i32
    %dma_wait3A_277 = tpu.memref_slice %arg1[%dma_wait3A_274, %dma_wait3A_275, %dma_wait3A_276] : memref<1024x200x128xf32, #tpu.memory_space<any>> -> memref<8x200x128xf32, #tpu.memory_space<any>>
    tpu.wait_dma2 semaphore(%dma_wait3A_273 : memref<!tpu.dma_semaphore, #tpu.memory_space<semaphore_mem>>) src(%arg2 : memref<8x200x128xf32, #tpu.memory_space<vmem>>) dst(%dma_wait3A_277 : memref<8x200x128xf32, #tpu.memory_space<any>>)
    %dma_start3A_278 = arith.constant 3 : i32
    %dma_start3A_279 = tpu.memref_slice %arg3[%dma_start3A_278] : memref<32x!tpu.dma_semaphore, #tpu.memory_space<semaphore_mem>> -> memref<1x!tpu.dma_semaphore, #tpu.memory_space<semaphore_mem>>
    %dma_start3A_280 = tpu.memref_squeeze %dma_start3A_279 : memref<1x!tpu.dma_semaphore, #tpu.memory_space<semaphore_mem>> -> memref<!tpu.dma_semaphore, #tpu.memory_space<semaphore_mem>>
    %dma_start3A_281 = arith.constant 280 : i32
    %dma_start3A_282 = arith.constant 0 : i32
    %dma_start3A_283 = arith.constant 0 : i32
    %dma_start3A_284 = tpu.memref_slice %arg1[%dma_start3A_281, %dma_start3A_282, %dma_start3A_283] : memref<1024x200x128xf32, #tpu.memory_space<any>> -> memref<8x200x128xf32, #tpu.memory_space<any>>
    tpu.enqueue_dma source(%arg2 : memref<8x200x128xf32, #tpu.memory_space<vmem>>) target(%dma_start3A_284 : memref<8x200x128xf32, #tpu.memory_space<any>>) target_semaphore(%dma_start3A_280 : memref<!tpu.dma_semaphore, #tpu.memory_space<semaphore_mem>>)
    %dma_wait3A_285 = arith.constant 4 : i32
    %dma_wait3A_286 = tpu.memref_slice %arg3[%dma_wait3A_285] : memref<32x!tpu.dma_semaphore, #tpu.memory_space<semaphore_mem>> -> memref<1x!tpu.dma_semaphore, #tpu.memory_space<semaphore_mem>>
    %dma_wait3A_287 = tpu.memref_squeeze %dma_wait3A_286 : memref<1x!tpu.dma_semaphore, #tpu.memory_space<semaphore_mem>> -> memref<!tpu.dma_semaphore, #tpu.memory_space<semaphore_mem>>
    %dma_wait3A_288 = arith.constant 32 : i32
    %dma_wait3A_289 = arith.constant 0 : i32
    %dma_wait3A_290 = arith.constant 0 : i32
    %dma_wait3A_291 = tpu.memref_slice %arg1[%dma_wait3A_288, %dma_wait3A_289, %dma_wait3A_290] : memref<1024x200x128xf32, #tpu.memory_space<any>> -> memref<8x200x128xf32, #tpu.memory_space<any>>
    tpu.wait_dma2 semaphore(%dma_wait3A_287 : memref<!tpu.dma_semaphore, #tpu.memory_space<semaphore_mem>>) src(%arg2 : memref<8x200x128xf32, #tpu.memory_space<vmem>>) dst(%dma_wait3A_291 : memref<8x200x128xf32, #tpu.memory_space<any>>)
    %dma_start3A_292 = arith.constant 4 : i32
    %dma_start3A_293 = tpu.memref_slice %arg3[%dma_start3A_292] : memref<32x!tpu.dma_semaphore, #tpu.memory_space<semaphore_mem>> -> memref<1x!tpu.dma_semaphore, #tpu.memory_space<semaphore_mem>>
    %dma_start3A_294 = tpu.memref_squeeze %dma_start3A_293 : memref<1x!tpu.dma_semaphore, #tpu.memory_space<semaphore_mem>> -> memref<!tpu.dma_semaphore, #tpu.memory_space<semaphore_mem>>
    %dma_start3A_295 = arith.constant 288 : i32
    %dma_start3A_296 = arith.constant 0 : i32
    %dma_start3A_297 = arith.constant 0 : i32
    %dma_start3A_298 = tpu.memref_slice %arg1[%dma_start3A_295, %dma_start3A_296, %dma_start3A_297] : memref<1024x200x128xf32, #tpu.memory_space<any>> -> memref<8x200x128xf32, #tpu.memory_space<any>>
    tpu.enqueue_dma source(%arg2 : memref<8x200x128xf32, #tpu.memory_space<vmem>>) target(%dma_start3A_298 : memref<8x200x128xf32, #tpu.memory_space<any>>) target_semaphore(%dma_start3A_294 : memref<!tpu.dma_semaphore, #tpu.memory_space<semaphore_mem>>)
    %dma_wait3A_299 = arith.constant 5 : i32
    %dma_wait3A_300 = tpu.memref_slice %arg3[%dma_wait3A_299] : memref<32x!tpu.dma_semaphore, #tpu.memory_space<semaphore_mem>> -> memref<1x!tpu.dma_semaphore, #tpu.memory_space<semaphore_mem>>
    %dma_wait3A_301 = tpu.memref_squeeze %dma_wait3A_300 : memref<1x!tpu.dma_semaphore, #tpu.memory_space<semaphore_mem>> -> memref<!tpu.dma_semaphore, #tpu.memory_space<semaphore_mem>>
    %dma_wait3A_302 = arith.constant 40 : i32
    %dma_wait3A_303 = arith.constant 0 : i32
    %dma_wait3A_304 = arith.constant 0 : i32
    %dma_wait3A_305 = tpu.memref_slice %arg1[%dma_wait3A_302, %dma_wait3A_303, %dma_wait3A_304] : memref<1024x200x128xf32, #tpu.memory_space<any>> -> memref<8x200x128xf32, #tpu.memory_space<any>>
    tpu.wait_dma2 semaphore(%dma_wait3A_301 : memref<!tpu.dma_semaphore, #tpu.memory_space<semaphore_mem>>) src(%arg2 : memref<8x200x128xf32, #tpu.memory_space<vmem>>) dst(%dma_wait3A_305 : memref<8x200x128xf32, #tpu.memory_space<any>>)
    %dma_start3A_306 = arith.constant 5 : i32
    %dma_start3A_307 = tpu.memref_slice %arg3[%dma_start3A_306] : memref<32x!tpu.dma_semaphore, #tpu.memory_space<semaphore_mem>> -> memref<1x!tpu.dma_semaphore, #tpu.memory_space<semaphore_mem>>
    %dma_start3A_308 = tpu.memref_squeeze %dma_start3A_307 : memref<1x!tpu.dma_semaphore, #tpu.memory_space<semaphore_mem>> -> memref<!tpu.dma_semaphore, #tpu.memory_space<semaphore_mem>>
    %dma_start3A_309 = arith.constant 296 : i32
    %dma_start3A_310 = arith.constant 0 : i32
    %dma_start3A_311 = arith.constant 0 : i32
    %dma_start3A_312 = tpu.memref_slice %arg1[%dma_start3A_309, %dma_start3A_310, %dma_start3A_311] : memref<1024x200x128xf32, #tpu.memory_space<any>> -> memref<8x200x128xf32, #tpu.memory_space<any>>
    tpu.enqueue_dma source(%arg2 : memref<8x200x128xf32, #tpu.memory_space<vmem>>) target(%dma_start3A_312 : memref<8x200x128xf32, #tpu.memory_space<any>>) target_semaphore(%dma_start3A_308 : memref<!tpu.dma_semaphore, #tpu.memory_space<semaphore_mem>>)
    %dma_wait3A_313 = arith.constant 6 : i32
    %dma_wait3A_314 = tpu.memref_slice %arg3[%dma_wait3A_313] : memref<32x!tpu.dma_semaphore, #tpu.memory_space<semaphore_mem>> -> memref<1x!tpu.dma_semaphore, #tpu.memory_space<semaphore_mem>>
    %dma_wait3A_315 = tpu.memref_squeeze %dma_wait3A_314 : memref<1x!tpu.dma_semaphore, #tpu.memory_space<semaphore_mem>> -> memref<!tpu.dma_semaphore, #tpu.memory_space<semaphore_mem>>
    %dma_wait3A_316 = arith.constant 48 : i32
    %dma_wait3A_317 = arith.constant 0 : i32
    %dma_wait3A_318 = arith.constant 0 : i32
    %dma_wait3A_319 = tpu.memref_slice %arg1[%dma_wait3A_316, %dma_wait3A_317, %dma_wait3A_318] : memref<1024x200x128xf32, #tpu.memory_space<any>> -> memref<8x200x128xf32, #tpu.memory_space<any>>
    tpu.wait_dma2 semaphore(%dma_wait3A_315 : memref<!tpu.dma_semaphore, #tpu.memory_space<semaphore_mem>>) src(%arg2 : memref<8x200x128xf32, #tpu.memory_space<vmem>>) dst(%dma_wait3A_319 : memref<8x200x128xf32, #tpu.memory_space<any>>)
    %dma_start3A_320 = arith.constant 6 : i32
    %dma_start3A_321 = tpu.memref_slice %arg3[%dma_start3A_320] : memref<32x!tpu.dma_semaphore, #tpu.memory_space<semaphore_mem>> -> memref<1x!tpu.dma_semaphore, #tpu.memory_space<semaphore_mem>>
    %dma_start3A_322 = tpu.memref_squeeze %dma_start3A_321 : memref<1x!tpu.dma_semaphore, #tpu.memory_space<semaphore_mem>> -> memref<!tpu.dma_semaphore, #tpu.memory_space<semaphore_mem>>
    %dma_start3A_323 = arith.constant 304 : i32
    %dma_start3A_324 = arith.constant 0 : i32
    %dma_start3A_325 = arith.constant 0 : i32
    %dma_start3A_326 = tpu.memref_slice %arg1[%dma_start3A_323, %dma_start3A_324, %dma_start3A_325] : memref<1024x200x128xf32, #tpu.memory_space<any>> -> memref<8x200x128xf32, #tpu.memory_space<any>>
    tpu.enqueue_dma source(%arg2 : memref<8x200x128xf32, #tpu.memory_space<vmem>>) target(%dma_start3A_326 : memref<8x200x128xf32, #tpu.memory_space<any>>) target_semaphore(%dma_start3A_322 : memref<!tpu.dma_semaphore, #tpu.memory_space<semaphore_mem>>)
    %dma_wait3A_327 = arith.constant 7 : i32
    %dma_wait3A_328 = tpu.memref_slice %arg3[%dma_wait3A_327] : memref<32x!tpu.dma_semaphore, #tpu.memory_space<semaphore_mem>> -> memref<1x!tpu.dma_semaphore, #tpu.memory_space<semaphore_mem>>
    %dma_wait3A_329 = tpu.memref_squeeze %dma_wait3A_328 : memref<1x!tpu.dma_semaphore, #tpu.memory_space<semaphore_mem>> -> memref<!tpu.dma_semaphore, #tpu.memory_space<semaphore_mem>>
    %dma_wait3A_330 = arith.constant 56 : i32
    %dma_wait3A_331 = arith.constant 0 : i32
    %dma_wait3A_332 = arith.constant 0 : i32
    %dma_wait3A_333 = tpu.memref_slice %arg1[%dma_wait3A_330, %dma_wait3A_331, %dma_wait3A_332] : memref<1024x200x128xf32, #tpu.memory_space<any>> -> memref<8x200x128xf32, #tpu.memory_space<any>>
    tpu.wait_dma2 semaphore(%dma_wait3A_329 : memref<!tpu.dma_semaphore, #tpu.memory_space<semaphore_mem>>) src(%arg2 : memref<8x200x128xf32, #tpu.memory_space<vmem>>) dst(%dma_wait3A_333 : memref<8x200x128xf32, #tpu.memory_space<any>>)
    %dma_start3A_334 = arith.constant 7 : i32
    %dma_start3A_335 = tpu.memref_slice %arg3[%dma_start3A_334] : memref<32x!tpu.dma_semaphore, #tpu.memory_space<semaphore_mem>> -> memref<1x!tpu.dma_semaphore, #tpu.memory_space<semaphore_mem>>
    %dma_start3A_336 = tpu.memref_squeeze %dma_start3A_335 : memref<1x!tpu.dma_semaphore, #tpu.memory_space<semaphore_mem>> -> memref<!tpu.dma_semaphore, #tpu.memory_space<semaphore_mem>>
    %dma_start3A_337 = arith.constant 312 : i32
    %dma_start3A_338 = arith.constant 0 : i32
    %dma_start3A_339 = arith.constant 0 : i32
    %dma_start3A_340 = tpu.memref_slice %arg1[%dma_start3A_337, %dma_start3A_338, %dma_start3A_339] : memref<1024x200x128xf32, #tpu.memory_space<any>> -> memref<8x200x128xf32, #tpu.memory_space<any>>
    tpu.enqueue_dma source(%arg2 : memref<8x200x128xf32, #tpu.memory_space<vmem>>) target(%dma_start3A_340 : memref<8x200x128xf32, #tpu.memory_space<any>>) target_semaphore(%dma_start3A_336 : memref<!tpu.dma_semaphore, #tpu.memory_space<semaphore_mem>>)
    %dma_wait3A_341 = arith.constant 8 : i32
    %dma_wait3A_342 = tpu.memref_slice %arg3[%dma_wait3A_341] : memref<32x!tpu.dma_semaphore, #tpu.memory_space<semaphore_mem>> -> memref<1x!tpu.dma_semaphore, #tpu.memory_space<semaphore_mem>>
    %dma_wait3A_343 = tpu.memref_squeeze %dma_wait3A_342 : memref<1x!tpu.dma_semaphore, #tpu.memory_space<semaphore_mem>> -> memref<!tpu.dma_semaphore, #tpu.memory_space<semaphore_mem>>
    %dma_wait3A_344 = arith.constant 64 : i32
    %dma_wait3A_345 = arith.constant 0 : i32
    %dma_wait3A_346 = arith.constant 0 : i32
    %dma_wait3A_347 = tpu.memref_slice %arg1[%dma_wait3A_344, %dma_wait3A_345, %dma_wait3A_346] : memref<1024x200x128xf32, #tpu.memory_space<any>> -> memref<8x200x128xf32, #tpu.memory_space<any>>
    tpu.wait_dma2 semaphore(%dma_wait3A_343 : memref<!tpu.dma_semaphore, #tpu.memory_space<semaphore_mem>>) src(%arg2 : memref<8x200x128xf32, #tpu.memory_space<vmem>>) dst(%dma_wait3A_347 : memref<8x200x128xf32, #tpu.memory_space<any>>)
    %dma_start3A_348 = arith.constant 8 : i32
    %dma_start3A_349 = tpu.memref_slice %arg3[%dma_start3A_348] : memref<32x!tpu.dma_semaphore, #tpu.memory_space<semaphore_mem>> -> memref<1x!tpu.dma_semaphore, #tpu.memory_space<semaphore_mem>>
    %dma_start3A_350 = tpu.memref_squeeze %dma_start3A_349 : memref<1x!tpu.dma_semaphore, #tpu.memory_space<semaphore_mem>> -> memref<!tpu.dma_semaphore, #tpu.memory_space<semaphore_mem>>
    %dma_start3A_351 = arith.constant 320 : i32
    %dma_start3A_352 = arith.constant 0 : i32
    %dma_start3A_353 = arith.constant 0 : i32
    %dma_start3A_354 = tpu.memref_slice %arg1[%dma_start3A_351, %dma_start3A_352, %dma_start3A_353] : memref<1024x200x128xf32, #tpu.memory_space<any>> -> memref<8x200x128xf32, #tpu.memory_space<any>>
    tpu.enqueue_dma source(%arg2 : memref<8x200x128xf32, #tpu.memory_space<vmem>>) target(%dma_start3A_354 : memref<8x200x128xf32, #tpu.memory_space<any>>) target_semaphore(%dma_start3A_350 : memref<!tpu.dma_semaphore, #tpu.memory_space<semaphore_mem>>)
    %dma_wait3A_355 = arith.constant 9 : i32
    %dma_wait3A_356 = tpu.memref_slice %arg3[%dma_wait3A_355] : memref<32x!tpu.dma_semaphore, #tpu.memory_space<semaphore_mem>> -> memref<1x!tpu.dma_semaphore, #tpu.memory_space<semaphore_mem>>
    %dma_wait3A_357 = tpu.memref_squeeze %dma_wait3A_356 : memref<1x!tpu.dma_semaphore, #tpu.memory_space<semaphore_mem>> -> memref<!tpu.dma_semaphore, #tpu.memory_space<semaphore_mem>>
    %dma_wait3A_358 = arith.constant 72 : i32
    %dma_wait3A_359 = arith.constant 0 : i32
    %dma_wait3A_360 = arith.constant 0 : i32
    %dma_wait3A_361 = tpu.memref_slice %arg1[%dma_wait3A_358, %dma_wait3A_359, %dma_wait3A_360] : memref<1024x200x128xf32, #tpu.memory_space<any>> -> memref<8x200x128xf32, #tpu.memory_space<any>>
    tpu.wait_dma2 semaphore(%dma_wait3A_357 : memref<!tpu.dma_semaphore, #tpu.memory_space<semaphore_mem>>) src(%arg2 : memref<8x200x128xf32, #tpu.memory_space<vmem>>) dst(%dma_wait3A_361 : memref<8x200x128xf32, #tpu.memory_space<any>>)
    %dma_start3A_362 = arith.constant 9 : i32
    %dma_start3A_363 = tpu.memref_slice %arg3[%dma_start3A_362] : memref<32x!tpu.dma_semaphore, #tpu.memory_space<semaphore_mem>> -> memref<1x!tpu.dma_semaphore, #tpu.memory_space<semaphore_mem>>
    %dma_start3A_364 = tpu.memref_squeeze %dma_start3A_363 : memref<1x!tpu.dma_semaphore, #tpu.memory_space<semaphore_mem>> -> memref<!tpu.dma_semaphore, #tpu.memory_space<semaphore_mem>>
    %dma_start3A_365 = arith.constant 328 : i32
    %dma_start3A_366 = arith.constant 0 : i32
    %dma_start3A_367 = arith.constant 0 : i32
    %dma_start3A_368 = tpu.memref_slice %arg1[%dma_start3A_365, %dma_start3A_366, %dma_start3A_367] : memref<1024x200x128xf32, #tpu.memory_space<any>> -> memref<8x200x128xf32, #tpu.memory_space<any>>
    tpu.enqueue_dma source(%arg2 : memref<8x200x128xf32, #tpu.memory_space<vmem>>) target(%dma_start3A_368 : memref<8x200x128xf32, #tpu.memory_space<any>>) target_semaphore(%dma_start3A_364 : memref<!tpu.dma_semaphore, #tpu.memory_space<semaphore_mem>>)
    %dma_wait3A_369 = arith.constant 10 : i32
    %dma_wait3A_370 = tpu.memref_slice %arg3[%dma_wait3A_369] : memref<32x!tpu.dma_semaphore, #tpu.memory_space<semaphore_mem>> -> memref<1x!tpu.dma_semaphore, #tpu.memory_space<semaphore_mem>>
    %dma_wait3A_371 = tpu.memref_squeeze %dma_wait3A_370 : memref<1x!tpu.dma_semaphore, #tpu.memory_space<semaphore_mem>> -> memref<!tpu.dma_semaphore, #tpu.memory_space<semaphore_mem>>
    %dma_wait3A_372 = arith.constant 80 : i32
    %dma_wait3A_373 = arith.constant 0 : i32
    %dma_wait3A_374 = arith.constant 0 : i32
    %dma_wait3A_375 = tpu.memref_slice %arg1[%dma_wait3A_372, %dma_wait3A_373, %dma_wait3A_374] : memref<1024x200x128xf32, #tpu.memory_space<any>> -> memref<8x200x128xf32, #tpu.memory_space<any>>
    tpu.wait_dma2 semaphore(%dma_wait3A_371 : memref<!tpu.dma_semaphore, #tpu.memory_space<semaphore_mem>>) src(%arg2 : memref<8x200x128xf32, #tpu.memory_space<vmem>>) dst(%dma_wait3A_375 : memref<8x200x128xf32, #tpu.memory_space<any>>)
    %dma_start3A_376 = arith.constant 10 : i32
    %dma_start3A_377 = tpu.memref_slice %arg3[%dma_start3A_376] : memref<32x!tpu.dma_semaphore, #tpu.memory_space<semaphore_mem>> -> memref<1x!tpu.dma_semaphore, #tpu.memory_space<semaphore_mem>>
    %dma_start3A_378 = tpu.memref_squeeze %dma_start3A_377 : memref<1x!tpu.dma_semaphore, #tpu.memory_space<semaphore_mem>> -> memref<!tpu.dma_semaphore, #tpu.memory_space<semaphore_mem>>
    %dma_start3A_379 = arith.constant 336 : i32
    %dma_start3A_380 = arith.constant 0 : i32
    %dma_start3A_381 = arith.constant 0 : i32
    %dma_start3A_382 = tpu.memref_slice %arg1[%dma_start3A_379, %dma_start3A_380, %dma_start3A_381] : memref<1024x200x128xf32, #tpu.memory_space<any>> -> memref<8x200x128xf32, #tpu.memory_space<any>>
    tpu.enqueue_dma source(%arg2 : memref<8x200x128xf32, #tpu.memory_space<vmem>>) target(%dma_start3A_382 : memref<8x200x128xf32, #tpu.memory_space<any>>) target_semaphore(%dma_start3A_378 : memref<!tpu.dma_semaphore, #tpu.memory_space<semaphore_mem>>)
    %dma_wait3A_383 = arith.constant 11 : i32
    %dma_wait3A_384 = tpu.memref_slice %arg3[%dma_wait3A_383] : memref<32x!tpu.dma_semaphore, #tpu.memory_space<semaphore_mem>> -> memref<1x!tpu.dma_semaphore, #tpu.memory_space<semaphore_mem>>
    %dma_wait3A_385 = tpu.memref_squeeze %dma_wait3A_384 : memref<1x!tpu.dma_semaphore, #tpu.memory_space<semaphore_mem>> -> memref<!tpu.dma_semaphore, #tpu.memory_space<semaphore_mem>>
    %dma_wait3A_386 = arith.constant 88 : i32
    %dma_wait3A_387 = arith.constant 0 : i32
    %dma_wait3A_388 = arith.constant 0 : i32
    %dma_wait3A_389 = tpu.memref_slice %arg1[%dma_wait3A_386, %dma_wait3A_387, %dma_wait3A_388] : memref<1024x200x128xf32, #tpu.memory_space<any>> -> memref<8x200x128xf32, #tpu.memory_space<any>>
    tpu.wait_dma2 semaphore(%dma_wait3A_385 : memref<!tpu.dma_semaphore, #tpu.memory_space<semaphore_mem>>) src(%arg2 : memref<8x200x128xf32, #tpu.memory_space<vmem>>) dst(%dma_wait3A_389 : memref<8x200x128xf32, #tpu.memory_space<any>>)
    %dma_start3A_390 = arith.constant 11 : i32
    %dma_start3A_391 = tpu.memref_slice %arg3[%dma_start3A_390] : memref<32x!tpu.dma_semaphore, #tpu.memory_space<semaphore_mem>> -> memref<1x!tpu.dma_semaphore, #tpu.memory_space<semaphore_mem>>
    %dma_start3A_392 = tpu.memref_squeeze %dma_start3A_391 : memref<1x!tpu.dma_semaphore, #tpu.memory_space<semaphore_mem>> -> memref<!tpu.dma_semaphore, #tpu.memory_space<semaphore_mem>>
    %dma_start3A_393 = arith.constant 344 : i32
    %dma_start3A_394 = arith.constant 0 : i32
    %dma_start3A_395 = arith.constant 0 : i32
    %dma_start3A_396 = tpu.memref_slice %arg1[%dma_start3A_393, %dma_start3A_394, %dma_start3A_395] : memref<1024x200x128xf32, #tpu.memory_space<any>> -> memref<8x200x128xf32, #tpu.memory_space<any>>
    tpu.enqueue_dma source(%arg2 : memref<8x200x128xf32, #tpu.memory_space<vmem>>) target(%dma_start3A_396 : memref<8x200x128xf32, #tpu.memory_space<any>>) target_semaphore(%dma_start3A_392 : memref<!tpu.dma_semaphore, #tpu.memory_space<semaphore_mem>>)
    %dma_wait3A_397 = arith.constant 12 : i32
    %dma_wait3A_398 = tpu.memref_slice %arg3[%dma_wait3A_397] : memref<32x!tpu.dma_semaphore, #tpu.memory_space<semaphore_mem>> -> memref<1x!tpu.dma_semaphore, #tpu.memory_space<semaphore_mem>>
    %dma_wait3A_399 = tpu.memref_squeeze %dma_wait3A_398 : memref<1x!tpu.dma_semaphore, #tpu.memory_space<semaphore_mem>> -> memref<!tpu.dma_semaphore, #tpu.memory_space<semaphore_mem>>
    %dma_wait3A_400 = arith.constant 96 : i32
    %dma_wait3A_401 = arith.constant 0 : i32
    %dma_wait3A_402 = arith.constant 0 : i32
    %dma_wait3A_403 = tpu.memref_slice %arg1[%dma_wait3A_400, %dma_wait3A_401, %dma_wait3A_402] : memref<1024x200x128xf32, #tpu.memory_space<any>> -> memref<8x200x128xf32, #tpu.memory_space<any>>
    tpu.wait_dma2 semaphore(%dma_wait3A_399 : memref<!tpu.dma_semaphore, #tpu.memory_space<semaphore_mem>>) src(%arg2 : memref<8x200x128xf32, #tpu.memory_space<vmem>>) dst(%dma_wait3A_403 : memref<8x200x128xf32, #tpu.memory_space<any>>)
    %dma_start3A_404 = arith.constant 12 : i32
    %dma_start3A_405 = tpu.memref_slice %arg3[%dma_start3A_404] : memref<32x!tpu.dma_semaphore, #tpu.memory_space<semaphore_mem>> -> memref<1x!tpu.dma_semaphore, #tpu.memory_space<semaphore_mem>>
    %dma_start3A_406 = tpu.memref_squeeze %dma_start3A_405 : memref<1x!tpu.dma_semaphore, #tpu.memory_space<semaphore_mem>> -> memref<!tpu.dma_semaphore, #tpu.memory_space<semaphore_mem>>
    %dma_start3A_407 = arith.constant 352 : i32
    %dma_start3A_408 = arith.constant 0 : i32
    %dma_start3A_409 = arith.constant 0 : i32
    %dma_start3A_410 = tpu.memref_slice %arg1[%dma_start3A_407, %dma_start3A_408, %dma_start3A_409] : memref<1024x200x128xf32, #tpu.memory_space<any>> -> memref<8x200x128xf32, #tpu.memory_space<any>>
    tpu.enqueue_dma source(%arg2 : memref<8x200x128xf32, #tpu.memory_space<vmem>>) target(%dma_start3A_410 : memref<8x200x128xf32, #tpu.memory_space<any>>) target_semaphore(%dma_start3A_406 : memref<!tpu.dma_semaphore, #tpu.memory_space<semaphore_mem>>)
    %dma_wait3A_411 = arith.constant 13 : i32
    %dma_wait3A_412 = tpu.memref_slice %arg3[%dma_wait3A_411] : memref<32x!tpu.dma_semaphore, #tpu.memory_space<semaphore_mem>> -> memref<1x!tpu.dma_semaphore, #tpu.memory_space<semaphore_mem>>
    %dma_wait3A_413 = tpu.memref_squeeze %dma_wait3A_412 : memref<1x!tpu.dma_semaphore, #tpu.memory_space<semaphore_mem>> -> memref<!tpu.dma_semaphore, #tpu.memory_space<semaphore_mem>>
    %dma_wait3A_414 = arith.constant 104 : i32
    %dma_wait3A_415 = arith.constant 0 : i32
    %dma_wait3A_416 = arith.constant 0 : i32
    %dma_wait3A_417 = tpu.memref_slice %arg1[%dma_wait3A_414, %dma_wait3A_415, %dma_wait3A_416] : memref<1024x200x128xf32, #tpu.memory_space<any>> -> memref<8x200x128xf32, #tpu.memory_space<any>>
    tpu.wait_dma2 semaphore(%dma_wait3A_413 : memref<!tpu.dma_semaphore, #tpu.memory_space<semaphore_mem>>) src(%arg2 : memref<8x200x128xf32, #tpu.memory_space<vmem>>) dst(%dma_wait3A_417 : memref<8x200x128xf32, #tpu.memory_space<any>>)
    %dma_start3A_418 = arith.constant 13 : i32
    %dma_start3A_419 = tpu.memref_slice %arg3[%dma_start3A_418] : memref<32x!tpu.dma_semaphore, #tpu.memory_space<semaphore_mem>> -> memref<1x!tpu.dma_semaphore, #tpu.memory_space<semaphore_mem>>
    %dma_start3A_420 = tpu.memref_squeeze %dma_start3A_419 : memref<1x!tpu.dma_semaphore, #tpu.memory_space<semaphore_mem>> -> memref<!tpu.dma_semaphore, #tpu.memory_space<semaphore_mem>>
    %dma_start3A_421 = arith.constant 360 : i32
    %dma_start3A_422 = arith.constant 0 : i32
    %dma_start3A_423 = arith.constant 0 : i32
    %dma_start3A_424 = tpu.memref_slice %arg1[%dma_start3A_421, %dma_start3A_422, %dma_start3A_423] : memref<1024x200x128xf32, #tpu.memory_space<any>> -> memref<8x200x128xf32, #tpu.memory_space<any>>
    tpu.enqueue_dma source(%arg2 : memref<8x200x128xf32, #tpu.memory_space<vmem>>) target(%dma_start3A_424 : memref<8x200x128xf32, #tpu.memory_space<any>>) target_semaphore(%dma_start3A_420 : memref<!tpu.dma_semaphore, #tpu.memory_space<semaphore_mem>>)
    %dma_wait3A_425 = arith.constant 14 : i32
    %dma_wait3A_426 = tpu.memref_slice %arg3[%dma_wait3A_425] : memref<32x!tpu.dma_semaphore, #tpu.memory_space<semaphore_mem>> -> memref<1x!tpu.dma_semaphore, #tpu.memory_space<semaphore_mem>>
    %dma_wait3A_427 = tpu.memref_squeeze %dma_wait3A_426 : memref<1x!tpu.dma_semaphore, #tpu.memory_space<semaphore_mem>> -> memref<!tpu.dma_semaphore, #tpu.memory_space<semaphore_mem>>
    %dma_wait3A_428 = arith.constant 112 : i32
    %dma_wait3A_429 = arith.constant 0 : i32
    %dma_wait3A_430 = arith.constant 0 : i32
    %dma_wait3A_431 = tpu.memref_slice %arg1[%dma_wait3A_428, %dma_wait3A_429, %dma_wait3A_430] : memref<1024x200x128xf32, #tpu.memory_space<any>> -> memref<8x200x128xf32, #tpu.memory_space<any>>
    tpu.wait_dma2 semaphore(%dma_wait3A_427 : memref<!tpu.dma_semaphore, #tpu.memory_space<semaphore_mem>>) src(%arg2 : memref<8x200x128xf32, #tpu.memory_space<vmem>>) dst(%dma_wait3A_431 : memref<8x200x128xf32, #tpu.memory_space<any>>)
    %dma_start3A_432 = arith.constant 14 : i32
    %dma_start3A_433 = tpu.memref_slice %arg3[%dma_start3A_432] : memref<32x!tpu.dma_semaphore, #tpu.memory_space<semaphore_mem>> -> memref<1x!tpu.dma_semaphore, #tpu.memory_space<semaphore_mem>>
    %dma_start3A_434 = tpu.memref_squeeze %dma_start3A_433 : memref<1x!tpu.dma_semaphore, #tpu.memory_space<semaphore_mem>> -> memref<!tpu.dma_semaphore, #tpu.memory_space<semaphore_mem>>
    %dma_start3A_435 = arith.constant 368 : i32
    %dma_start3A_436 = arith.constant 0 : i32
    %dma_start3A_437 = arith.constant 0 : i32
    %dma_start3A_438 = tpu.memref_slice %arg1[%dma_start3A_435, %dma_start3A_436, %dma_start3A_437] : memref<1024x200x128xf32, #tpu.memory_space<any>> -> memref<8x200x128xf32, #tpu.memory_space<any>>
    tpu.enqueue_dma source(%arg2 : memref<8x200x128xf32, #tpu.memory_space<vmem>>) target(%dma_start3A_438 : memref<8x200x128xf32, #tpu.memory_space<any>>) target_semaphore(%dma_start3A_434 : memref<!tpu.dma_semaphore, #tpu.memory_space<semaphore_mem>>)
    %dma_wait3A_439 = arith.constant 15 : i32
    %dma_wait3A_440 = tpu.memref_slice %arg3[%dma_wait3A_439] : memref<32x!tpu.dma_semaphore, #tpu.memory_space<semaphore_mem>> -> memref<1x!tpu.dma_semaphore, #tpu.memory_space<semaphore_mem>>
    %dma_wait3A_441 = tpu.memref_squeeze %dma_wait3A_440 : memref<1x!tpu.dma_semaphore, #tpu.memory_space<semaphore_mem>> -> memref<!tpu.dma_semaphore, #tpu.memory_space<semaphore_mem>>
    %dma_wait3A_442 = arith.constant 120 : i32
    %dma_wait3A_443 = arith.constant 0 : i32
    %dma_wait3A_444 = arith.constant 0 : i32
    %dma_wait3A_445 = tpu.memref_slice %arg1[%dma_wait3A_442, %dma_wait3A_443, %dma_wait3A_444] : memref<1024x200x128xf32, #tpu.memory_space<any>> -> memref<8x200x128xf32, #tpu.memory_space<any>>
    tpu.wait_dma2 semaphore(%dma_wait3A_441 : memref<!tpu.dma_semaphore, #tpu.memory_space<semaphore_mem>>) src(%arg2 : memref<8x200x128xf32, #tpu.memory_space<vmem>>) dst(%dma_wait3A_445 : memref<8x200x128xf32, #tpu.memory_space<any>>)
    %dma_start3A_446 = arith.constant 15 : i32
    %dma_start3A_447 = tpu.memref_slice %arg3[%dma_start3A_446] : memref<32x!tpu.dma_semaphore, #tpu.memory_space<semaphore_mem>> -> memref<1x!tpu.dma_semaphore, #tpu.memory_space<semaphore_mem>>
    %dma_start3A_448 = tpu.memref_squeeze %dma_start3A_447 : memref<1x!tpu.dma_semaphore, #tpu.memory_space<semaphore_mem>> -> memref<!tpu.dma_semaphore, #tpu.memory_space<semaphore_mem>>
    %dma_start3A_449 = arith.constant 376 : i32
    %dma_start3A_450 = arith.constant 0 : i32
    %dma_start3A_451 = arith.constant 0 : i32
    %dma_start3A_452 = tpu.memref_slice %arg1[%dma_start3A_449, %dma_start3A_450, %dma_start3A_451] : memref<1024x200x128xf32, #tpu.memory_space<any>> -> memref<8x200x128xf32, #tpu.memory_space<any>>
    tpu.enqueue_dma source(%arg2 : memref<8x200x128xf32, #tpu.memory_space<vmem>>) target(%dma_start3A_452 : memref<8x200x128xf32, #tpu.memory_space<any>>) target_semaphore(%dma_start3A_448 : memref<!tpu.dma_semaphore, #tpu.memory_space<semaphore_mem>>)
    %dma_wait3A_453 = arith.constant 16 : i32
    %dma_wait3A_454 = tpu.memref_slice %arg3[%dma_wait3A_453] : memref<32x!tpu.dma_semaphore, #tpu.memory_space<semaphore_mem>> -> memref<1x!tpu.dma_semaphore, #tpu.memory_space<semaphore_mem>>
    %dma_wait3A_455 = tpu.memref_squeeze %dma_wait3A_454 : memref<1x!tpu.dma_semaphore, #tpu.memory_space<semaphore_mem>> -> memref<!tpu.dma_semaphore, #tpu.memory_space<semaphore_mem>>
    %dma_wait3A_456 = arith.constant 128 : i32
    %dma_wait3A_457 = arith.constant 0 : i32
    %dma_wait3A_458 = arith.constant 0 : i32
    %dma_wait3A_459 = tpu.memref_slice %arg1[%dma_wait3A_456, %dma_wait3A_457, %dma_wait3A_458] : memref<1024x200x128xf32, #tpu.memory_space<any>> -> memref<8x200x128xf32, #tpu.memory_space<any>>
    tpu.wait_dma2 semaphore(%dma_wait3A_455 : memref<!tpu.dma_semaphore, #tpu.memory_space<semaphore_mem>>) src(%arg2 : memref<8x200x128xf32, #tpu.memory_space<vmem>>) dst(%dma_wait3A_459 : memref<8x200x128xf32, #tpu.memory_space<any>>)
    %dma_start3A_460 = arith.constant 16 : i32
    %dma_start3A_461 = tpu.memref_slice %arg3[%dma_start3A_460] : memref<32x!tpu.dma_semaphore, #tpu.memory_space<semaphore_mem>> -> memref<1x!tpu.dma_semaphore, #tpu.memory_space<semaphore_mem>>
    %dma_start3A_462 = tpu.memref_squeeze %dma_start3A_461 : memref<1x!tpu.dma_semaphore, #tpu.memory_space<semaphore_mem>> -> memref<!tpu.dma_semaphore, #tpu.memory_space<semaphore_mem>>
    %dma_start3A_463 = arith.constant 384 : i32
    %dma_start3A_464 = arith.constant 0 : i32
    %dma_start3A_465 = arith.constant 0 : i32
    %dma_start3A_466 = tpu.memref_slice %arg1[%dma_start3A_463, %dma_start3A_464, %dma_start3A_465] : memref<1024x200x128xf32, #tpu.memory_space<any>> -> memref<8x200x128xf32, #tpu.memory_space<any>>
    tpu.enqueue_dma source(%arg2 : memref<8x200x128xf32, #tpu.memory_space<vmem>>) target(%dma_start3A_466 : memref<8x200x128xf32, #tpu.memory_space<any>>) target_semaphore(%dma_start3A_462 : memref<!tpu.dma_semaphore, #tpu.memory_space<semaphore_mem>>)
    %dma_wait3A_467 = arith.constant 17 : i32
    %dma_wait3A_468 = tpu.memref_slice %arg3[%dma_wait3A_467] : memref<32x!tpu.dma_semaphore, #tpu.memory_space<semaphore_mem>> -> memref<1x!tpu.dma_semaphore, #tpu.memory_space<semaphore_mem>>
    %dma_wait3A_469 = tpu.memref_squeeze %dma_wait3A_468 : memref<1x!tpu.dma_semaphore, #tpu.memory_space<semaphore_mem>> -> memref<!tpu.dma_semaphore, #tpu.memory_space<semaphore_mem>>
    %dma_wait3A_470 = arith.constant 136 : i32
    %dma_wait3A_471 = arith.constant 0 : i32
    %dma_wait3A_472 = arith.constant 0 : i32
    %dma_wait3A_473 = tpu.memref_slice %arg1[%dma_wait3A_470, %dma_wait3A_471, %dma_wait3A_472] : memref<1024x200x128xf32, #tpu.memory_space<any>> -> memref<8x200x128xf32, #tpu.memory_space<any>>
    tpu.wait_dma2 semaphore(%dma_wait3A_469 : memref<!tpu.dma_semaphore, #tpu.memory_space<semaphore_mem>>) src(%arg2 : memref<8x200x128xf32, #tpu.memory_space<vmem>>) dst(%dma_wait3A_473 : memref<8x200x128xf32, #tpu.memory_space<any>>)
    %dma_start3A_474 = arith.constant 17 : i32
    %dma_start3A_475 = tpu.memref_slice %arg3[%dma_start3A_474] : memref<32x!tpu.dma_semaphore, #tpu.memory_space<semaphore_mem>> -> memref<1x!tpu.dma_semaphore, #tpu.memory_space<semaphore_mem>>
    %dma_start3A_476 = tpu.memref_squeeze %dma_start3A_475 : memref<1x!tpu.dma_semaphore, #tpu.memory_space<semaphore_mem>> -> memref<!tpu.dma_semaphore, #tpu.memory_space<semaphore_mem>>
    %dma_start3A_477 = arith.constant 392 : i32
    %dma_start3A_478 = arith.constant 0 : i32
    %dma_start3A_479 = arith.constant 0 : i32
    %dma_start3A_480 = tpu.memref_slice %arg1[%dma_start3A_477, %dma_start3A_478, %dma_start3A_479] : memref<1024x200x128xf32, #tpu.memory_space<any>> -> memref<8x200x128xf32, #tpu.memory_space<any>>
    tpu.enqueue_dma source(%arg2 : memref<8x200x128xf32, #tpu.memory_space<vmem>>) target(%dma_start3A_480 : memref<8x200x128xf32, #tpu.memory_space<any>>) target_semaphore(%dma_start3A_476 : memref<!tpu.dma_semaphore, #tpu.memory_space<semaphore_mem>>)
    %dma_wait3A_481 = arith.constant 18 : i32
    %dma_wait3A_482 = tpu.memref_slice %arg3[%dma_wait3A_481] : memref<32x!tpu.dma_semaphore, #tpu.memory_space<semaphore_mem>> -> memref<1x!tpu.dma_semaphore, #tpu.memory_space<semaphore_mem>>
    %dma_wait3A_483 = tpu.memref_squeeze %dma_wait3A_482 : memref<1x!tpu.dma_semaphore, #tpu.memory_space<semaphore_mem>> -> memref<!tpu.dma_semaphore, #tpu.memory_space<semaphore_mem>>
    %dma_wait3A_484 = arith.constant 144 : i32
    %dma_wait3A_485 = arith.constant 0 : i32
    %dma_wait3A_486 = arith.constant 0 : i32
    %dma_wait3A_487 = tpu.memref_slice %arg1[%dma_wait3A_484, %dma_wait3A_485, %dma_wait3A_486] : memref<1024x200x128xf32, #tpu.memory_space<any>> -> memref<8x200x128xf32, #tpu.memory_space<any>>
    tpu.wait_dma2 semaphore(%dma_wait3A_483 : memref<!tpu.dma_semaphore, #tpu.memory_space<semaphore_mem>>) src(%arg2 : memref<8x200x128xf32, #tpu.memory_space<vmem>>) dst(%dma_wait3A_487 : memref<8x200x128xf32, #tpu.memory_space<any>>)
    %dma_start3A_488 = arith.constant 18 : i32
    %dma_start3A_489 = tpu.memref_slice %arg3[%dma_start3A_488] : memref<32x!tpu.dma_semaphore, #tpu.memory_space<semaphore_mem>> -> memref<1x!tpu.dma_semaphore, #tpu.memory_space<semaphore_mem>>
    %dma_start3A_490 = tpu.memref_squeeze %dma_start3A_489 : memref<1x!tpu.dma_semaphore, #tpu.memory_space<semaphore_mem>> -> memref<!tpu.dma_semaphore, #tpu.memory_space<semaphore_mem>>
    %dma_start3A_491 = arith.constant 400 : i32
    %dma_start3A_492 = arith.constant 0 : i32
    %dma_start3A_493 = arith.constant 0 : i32
    %dma_start3A_494 = tpu.memref_slice %arg1[%dma_start3A_491, %dma_start3A_492, %dma_start3A_493] : memref<1024x200x128xf32, #tpu.memory_space<any>> -> memref<8x200x128xf32, #tpu.memory_space<any>>
    tpu.enqueue_dma source(%arg2 : memref<8x200x128xf32, #tpu.memory_space<vmem>>) target(%dma_start3A_494 : memref<8x200x128xf32, #tpu.memory_space<any>>) target_semaphore(%dma_start3A_490 : memref<!tpu.dma_semaphore, #tpu.memory_space<semaphore_mem>>)
    %dma_wait3A_495 = arith.constant 19 : i32
    %dma_wait3A_496 = tpu.memref_slice %arg3[%dma_wait3A_495] : memref<32x!tpu.dma_semaphore, #tpu.memory_space<semaphore_mem>> -> memref<1x!tpu.dma_semaphore, #tpu.memory_space<semaphore_mem>>
    %dma_wait3A_497 = tpu.memref_squeeze %dma_wait3A_496 : memref<1x!tpu.dma_semaphore, #tpu.memory_space<semaphore_mem>> -> memref<!tpu.dma_semaphore, #tpu.memory_space<semaphore_mem>>
    %dma_wait3A_498 = arith.constant 152 : i32
    %dma_wait3A_499 = arith.constant 0 : i32
    %dma_wait3A_500 = arith.constant 0 : i32
    %dma_wait3A_501 = tpu.memref_slice %arg1[%dma_wait3A_498, %dma_wait3A_499, %dma_wait3A_500] : memref<1024x200x128xf32, #tpu.memory_space<any>> -> memref<8x200x128xf32, #tpu.memory_space<any>>
    tpu.wait_dma2 semaphore(%dma_wait3A_497 : memref<!tpu.dma_semaphore, #tpu.memory_space<semaphore_mem>>) src(%arg2 : memref<8x200x128xf32, #tpu.memory_space<vmem>>) dst(%dma_wait3A_501 : memref<8x200x128xf32, #tpu.memory_space<any>>)
    %dma_start3A_502 = arith.constant 19 : i32
    %dma_start3A_503 = tpu.memref_slice %arg3[%dma_start3A_502] : memref<32x!tpu.dma_semaphore, #tpu.memory_space<semaphore_mem>> -> memref<1x!tpu.dma_semaphore, #tpu.memory_space<semaphore_mem>>
    %dma_start3A_504 = tpu.memref_squeeze %dma_start3A_503 : memref<1x!tpu.dma_semaphore, #tpu.memory_space<semaphore_mem>> -> memref<!tpu.dma_semaphore, #tpu.memory_space<semaphore_mem>>
    %dma_start3A_505 = arith.constant 408 : i32
    %dma_start3A_506 = arith.constant 0 : i32
    %dma_start3A_507 = arith.constant 0 : i32
    %dma_start3A_508 = tpu.memref_slice %arg1[%dma_start3A_505, %dma_start3A_506, %dma_start3A_507] : memref<1024x200x128xf32, #tpu.memory_space<any>> -> memref<8x200x128xf32, #tpu.memory_space<any>>
    tpu.enqueue_dma source(%arg2 : memref<8x200x128xf32, #tpu.memory_space<vmem>>) target(%dma_start3A_508 : memref<8x200x128xf32, #tpu.memory_space<any>>) target_semaphore(%dma_start3A_504 : memref<!tpu.dma_semaphore, #tpu.memory_space<semaphore_mem>>)
    %dma_wait3A_509 = arith.constant 20 : i32
    %dma_wait3A_510 = tpu.memref_slice %arg3[%dma_wait3A_509] : memref<32x!tpu.dma_semaphore, #tpu.memory_space<semaphore_mem>> -> memref<1x!tpu.dma_semaphore, #tpu.memory_space<semaphore_mem>>
    %dma_wait3A_511 = tpu.memref_squeeze %dma_wait3A_510 : memref<1x!tpu.dma_semaphore, #tpu.memory_space<semaphore_mem>> -> memref<!tpu.dma_semaphore, #tpu.memory_space<semaphore_mem>>
    %dma_wait3A_512 = arith.constant 160 : i32
    %dma_wait3A_513 = arith.constant 0 : i32
    %dma_wait3A_514 = arith.constant 0 : i32
    %dma_wait3A_515 = tpu.memref_slice %arg1[%dma_wait3A_512, %dma_wait3A_513, %dma_wait3A_514] : memref<1024x200x128xf32, #tpu.memory_space<any>> -> memref<8x200x128xf32, #tpu.memory_space<any>>
    tpu.wait_dma2 semaphore(%dma_wait3A_511 : memref<!tpu.dma_semaphore, #tpu.memory_space<semaphore_mem>>) src(%arg2 : memref<8x200x128xf32, #tpu.memory_space<vmem>>) dst(%dma_wait3A_515 : memref<8x200x128xf32, #tpu.memory_space<any>>)
    %dma_start3A_516 = arith.constant 20 : i32
    %dma_start3A_517 = tpu.memref_slice %arg3[%dma_start3A_516] : memref<32x!tpu.dma_semaphore, #tpu.memory_space<semaphore_mem>> -> memref<1x!tpu.dma_semaphore, #tpu.memory_space<semaphore_mem>>
    %dma_start3A_518 = tpu.memref_squeeze %dma_start3A_517 : memref<1x!tpu.dma_semaphore, #tpu.memory_space<semaphore_mem>> -> memref<!tpu.dma_semaphore, #tpu.memory_space<semaphore_mem>>
    %dma_start3A_519 = arith.constant 416 : i32
    %dma_start3A_520 = arith.constant 0 : i32
    %dma_start3A_521 = arith.constant 0 : i32
    %dma_start3A_522 = tpu.memref_slice %arg1[%dma_start3A_519, %dma_start3A_520, %dma_start3A_521] : memref<1024x200x128xf32, #tpu.memory_space<any>> -> memref<8x200x128xf32, #tpu.memory_space<any>>
    tpu.enqueue_dma source(%arg2 : memref<8x200x128xf32, #tpu.memory_space<vmem>>) target(%dma_start3A_522 : memref<8x200x128xf32, #tpu.memory_space<any>>) target_semaphore(%dma_start3A_518 : memref<!tpu.dma_semaphore, #tpu.memory_space<semaphore_mem>>)
    %dma_wait3A_523 = arith.constant 21 : i32
    %dma_wait3A_524 = tpu.memref_slice %arg3[%dma_wait3A_523] : memref<32x!tpu.dma_semaphore, #tpu.memory_space<semaphore_mem>> -> memref<1x!tpu.dma_semaphore, #tpu.memory_space<semaphore_mem>>
    %dma_wait3A_525 = tpu.memref_squeeze %dma_wait3A_524 : memref<1x!tpu.dma_semaphore, #tpu.memory_space<semaphore_mem>> -> memref<!tpu.dma_semaphore, #tpu.memory_space<semaphore_mem>>
    %dma_wait3A_526 = arith.constant 168 : i32
    %dma_wait3A_527 = arith.constant 0 : i32
    %dma_wait3A_528 = arith.constant 0 : i32
    %dma_wait3A_529 = tpu.memref_slice %arg1[%dma_wait3A_526, %dma_wait3A_527, %dma_wait3A_528] : memref<1024x200x128xf32, #tpu.memory_space<any>> -> memref<8x200x128xf32, #tpu.memory_space<any>>
    tpu.wait_dma2 semaphore(%dma_wait3A_525 : memref<!tpu.dma_semaphore, #tpu.memory_space<semaphore_mem>>) src(%arg2 : memref<8x200x128xf32, #tpu.memory_space<vmem>>) dst(%dma_wait3A_529 : memref<8x200x128xf32, #tpu.memory_space<any>>)
    %dma_start3A_530 = arith.constant 21 : i32
    %dma_start3A_531 = tpu.memref_slice %arg3[%dma_start3A_530] : memref<32x!tpu.dma_semaphore, #tpu.memory_space<semaphore_mem>> -> memref<1x!tpu.dma_semaphore, #tpu.memory_space<semaphore_mem>>
    %dma_start3A_532 = tpu.memref_squeeze %dma_start3A_531 : memref<1x!tpu.dma_semaphore, #tpu.memory_space<semaphore_mem>> -> memref<!tpu.dma_semaphore, #tpu.memory_space<semaphore_mem>>
    %dma_start3A_533 = arith.constant 424 : i32
    %dma_start3A_534 = arith.constant 0 : i32
    %dma_start3A_535 = arith.constant 0 : i32
    %dma_start3A_536 = tpu.memref_slice %arg1[%dma_start3A_533, %dma_start3A_534, %dma_start3A_535] : memref<1024x200x128xf32, #tpu.memory_space<any>> -> memref<8x200x128xf32, #tpu.memory_space<any>>
    tpu.enqueue_dma source(%arg2 : memref<8x200x128xf32, #tpu.memory_space<vmem>>) target(%dma_start3A_536 : memref<8x200x128xf32, #tpu.memory_space<any>>) target_semaphore(%dma_start3A_532 : memref<!tpu.dma_semaphore, #tpu.memory_space<semaphore_mem>>)
    %dma_wait3A_537 = arith.constant 22 : i32
    %dma_wait3A_538 = tpu.memref_slice %arg3[%dma_wait3A_537] : memref<32x!tpu.dma_semaphore, #tpu.memory_space<semaphore_mem>> -> memref<1x!tpu.dma_semaphore, #tpu.memory_space<semaphore_mem>>
    %dma_wait3A_539 = tpu.memref_squeeze %dma_wait3A_538 : memref<1x!tpu.dma_semaphore, #tpu.memory_space<semaphore_mem>> -> memref<!tpu.dma_semaphore, #tpu.memory_space<semaphore_mem>>
    %dma_wait3A_540 = arith.constant 176 : i32
    %dma_wait3A_541 = arith.constant 0 : i32
    %dma_wait3A_542 = arith.constant 0 : i32
    %dma_wait3A_543 = tpu.memref_slice %arg1[%dma_wait3A_540, %dma_wait3A_541, %dma_wait3A_542] : memref<1024x200x128xf32, #tpu.memory_space<any>> -> memref<8x200x128xf32, #tpu.memory_space<any>>
    tpu.wait_dma2 semaphore(%dma_wait3A_539 : memref<!tpu.dma_semaphore, #tpu.memory_space<semaphore_mem>>) src(%arg2 : memref<8x200x128xf32, #tpu.memory_space<vmem>>) dst(%dma_wait3A_543 : memref<8x200x128xf32, #tpu.memory_space<any>>)
    %dma_start3A_544 = arith.constant 22 : i32
    %dma_start3A_545 = tpu.memref_slice %arg3[%dma_start3A_544] : memref<32x!tpu.dma_semaphore, #tpu.memory_space<semaphore_mem>> -> memref<1x!tpu.dma_semaphore, #tpu.memory_space<semaphore_mem>>
    %dma_start3A_546 = tpu.memref_squeeze %dma_start3A_545 : memref<1x!tpu.dma_semaphore, #tpu.memory_space<semaphore_mem>> -> memref<!tpu.dma_semaphore, #tpu.memory_space<semaphore_mem>>
    %dma_start3A_547 = arith.constant 432 : i32
    %dma_start3A_548 = arith.constant 0 : i32
    %dma_start3A_549 = arith.constant 0 : i32
    %dma_start3A_550 = tpu.memref_slice %arg1[%dma_start3A_547, %dma_start3A_548, %dma_start3A_549] : memref<1024x200x128xf32, #tpu.memory_space<any>> -> memref<8x200x128xf32, #tpu.memory_space<any>>
    tpu.enqueue_dma source(%arg2 : memref<8x200x128xf32, #tpu.memory_space<vmem>>) target(%dma_start3A_550 : memref<8x200x128xf32, #tpu.memory_space<any>>) target_semaphore(%dma_start3A_546 : memref<!tpu.dma_semaphore, #tpu.memory_space<semaphore_mem>>)
    %dma_wait3A_551 = arith.constant 23 : i32
    %dma_wait3A_552 = tpu.memref_slice %arg3[%dma_wait3A_551] : memref<32x!tpu.dma_semaphore, #tpu.memory_space<semaphore_mem>> -> memref<1x!tpu.dma_semaphore, #tpu.memory_space<semaphore_mem>>
    %dma_wait3A_553 = tpu.memref_squeeze %dma_wait3A_552 : memref<1x!tpu.dma_semaphore, #tpu.memory_space<semaphore_mem>> -> memref<!tpu.dma_semaphore, #tpu.memory_space<semaphore_mem>>
    %dma_wait3A_554 = arith.constant 184 : i32
    %dma_wait3A_555 = arith.constant 0 : i32
    %dma_wait3A_556 = arith.constant 0 : i32
    %dma_wait3A_557 = tpu.memref_slice %arg1[%dma_wait3A_554, %dma_wait3A_555, %dma_wait3A_556] : memref<1024x200x128xf32, #tpu.memory_space<any>> -> memref<8x200x128xf32, #tpu.memory_space<any>>
    tpu.wait_dma2 semaphore(%dma_wait3A_553 : memref<!tpu.dma_semaphore, #tpu.memory_space<semaphore_mem>>) src(%arg2 : memref<8x200x128xf32, #tpu.memory_space<vmem>>) dst(%dma_wait3A_557 : memref<8x200x128xf32, #tpu.memory_space<any>>)
    %dma_start3A_558 = arith.constant 23 : i32
    %dma_start3A_559 = tpu.memref_slice %arg3[%dma_start3A_558] : memref<32x!tpu.dma_semaphore, #tpu.memory_space<semaphore_mem>> -> memref<1x!tpu.dma_semaphore, #tpu.memory_space<semaphore_mem>>
    %dma_start3A_560 = tpu.memref_squeeze %dma_start3A_559 : memref<1x!tpu.dma_semaphore, #tpu.memory_space<semaphore_mem>> -> memref<!tpu.dma_semaphore, #tpu.memory_space<semaphore_mem>>
    %dma_start3A_561 = arith.constant 440 : i32
    %dma_start3A_562 = arith.constant 0 : i32
    %dma_start3A_563 = arith.constant 0 : i32
    %dma_start3A_564 = tpu.memref_slice %arg1[%dma_start3A_561, %dma_start3A_562, %dma_start3A_563] : memref<1024x200x128xf32, #tpu.memory_space<any>> -> memref<8x200x128xf32, #tpu.memory_space<any>>
    tpu.enqueue_dma source(%arg2 : memref<8x200x128xf32, #tpu.memory_space<vmem>>) target(%dma_start3A_564 : memref<8x200x128xf32, #tpu.memory_space<any>>) target_semaphore(%dma_start3A_560 : memref<!tpu.dma_semaphore, #tpu.memory_space<semaphore_mem>>)
    %dma_wait3A_565 = arith.constant 24 : i32
    %dma_wait3A_566 = tpu.memref_slice %arg3[%dma_wait3A_565] : memref<32x!tpu.dma_semaphore, #tpu.memory_space<semaphore_mem>> -> memref<1x!tpu.dma_semaphore, #tpu.memory_space<semaphore_mem>>
    %dma_wait3A_567 = tpu.memref_squeeze %dma_wait3A_566 : memref<1x!tpu.dma_semaphore, #tpu.memory_space<semaphore_mem>> -> memref<!tpu.dma_semaphore, #tpu.memory_space<semaphore_mem>>
    %dma_wait3A_568 = arith.constant 192 : i32
    %dma_wait3A_569 = arith.constant 0 : i32
    %dma_wait3A_570 = arith.constant 0 : i32
    %dma_wait3A_571 = tpu.memref_slice %arg1[%dma_wait3A_568, %dma_wait3A_569, %dma_wait3A_570] : memref<1024x200x128xf32, #tpu.memory_space<any>> -> memref<8x200x128xf32, #tpu.memory_space<any>>
    tpu.wait_dma2 semaphore(%dma_wait3A_567 : memref<!tpu.dma_semaphore, #tpu.memory_space<semaphore_mem>>) src(%arg2 : memref<8x200x128xf32, #tpu.memory_space<vmem>>) dst(%dma_wait3A_571 : memref<8x200x128xf32, #tpu.memory_space<any>>)
    %dma_start3A_572 = arith.constant 24 : i32
    %dma_start3A_573 = tpu.memref_slice %arg3[%dma_start3A_572] : memref<32x!tpu.dma_semaphore, #tpu.memory_space<semaphore_mem>> -> memref<1x!tpu.dma_semaphore, #tpu.memory_space<semaphore_mem>>
    %dma_start3A_574 = tpu.memref_squeeze %dma_start3A_573 : memref<1x!tpu.dma_semaphore, #tpu.memory_space<semaphore_mem>> -> memref<!tpu.dma_semaphore, #tpu.memory_space<semaphore_mem>>
    %dma_start3A_575 = arith.constant 448 : i32
    %dma_start3A_576 = arith.constant 0 : i32
    %dma_start3A_577 = arith.constant 0 : i32
    %dma_start3A_578 = tpu.memref_slice %arg1[%dma_start3A_575, %dma_start3A_576, %dma_start3A_577] : memref<1024x200x128xf32, #tpu.memory_space<any>> -> memref<8x200x128xf32, #tpu.memory_space<any>>
    tpu.enqueue_dma source(%arg2 : memref<8x200x128xf32, #tpu.memory_space<vmem>>) target(%dma_start3A_578 : memref<8x200x128xf32, #tpu.memory_space<any>>) target_semaphore(%dma_start3A_574 : memref<!tpu.dma_semaphore, #tpu.memory_space<semaphore_mem>>)
    %dma_wait3A_579 = arith.constant 25 : i32
    %dma_wait3A_580 = tpu.memref_slice %arg3[%dma_wait3A_579] : memref<32x!tpu.dma_semaphore, #tpu.memory_space<semaphore_mem>> -> memref<1x!tpu.dma_semaphore, #tpu.memory_space<semaphore_mem>>
    %dma_wait3A_581 = tpu.memref_squeeze %dma_wait3A_580 : memref<1x!tpu.dma_semaphore, #tpu.memory_space<semaphore_mem>> -> memref<!tpu.dma_semaphore, #tpu.memory_space<semaphore_mem>>
    %dma_wait3A_582 = arith.constant 200 : i32
    %dma_wait3A_583 = arith.constant 0 : i32
    %dma_wait3A_584 = arith.constant 0 : i32
    %dma_wait3A_585 = tpu.memref_slice %arg1[%dma_wait3A_582, %dma_wait3A_583, %dma_wait3A_584] : memref<1024x200x128xf32, #tpu.memory_space<any>> -> memref<8x200x128xf32, #tpu.memory_space<any>>
    tpu.wait_dma2 semaphore(%dma_wait3A_581 : memref<!tpu.dma_semaphore, #tpu.memory_space<semaphore_mem>>) src(%arg2 : memref<8x200x128xf32, #tpu.memory_space<vmem>>) dst(%dma_wait3A_585 : memref<8x200x128xf32, #tpu.memory_space<any>>)
    %dma_start3A_586 = arith.constant 25 : i32
    %dma_start3A_587 = tpu.memref_slice %arg3[%dma_start3A_586] : memref<32x!tpu.dma_semaphore, #tpu.memory_space<semaphore_mem>> -> memref<1x!tpu.dma_semaphore, #tpu.memory_space<semaphore_mem>>
    %dma_start3A_588 = tpu.memref_squeeze %dma_start3A_587 : memref<1x!tpu.dma_semaphore, #tpu.memory_space<semaphore_mem>> -> memref<!tpu.dma_semaphore, #tpu.memory_space<semaphore_mem>>
    %dma_start3A_589 = arith.constant 456 : i32
    %dma_start3A_590 = arith.constant 0 : i32
    %dma_start3A_591 = arith.constant 0 : i32
    %dma_start3A_592 = tpu.memref_slice %arg1[%dma_start3A_589, %dma_start3A_590, %dma_start3A_591] : memref<1024x200x128xf32, #tpu.memory_space<any>> -> memref<8x200x128xf32, #tpu.memory_space<any>>
    tpu.enqueue_dma source(%arg2 : memref<8x200x128xf32, #tpu.memory_space<vmem>>) target(%dma_start3A_592 : memref<8x200x128xf32, #tpu.memory_space<any>>) target_semaphore(%dma_start3A_588 : memref<!tpu.dma_semaphore, #tpu.memory_space<semaphore_mem>>)
    %dma_wait3A_593 = arith.constant 26 : i32
    %dma_wait3A_594 = tpu.memref_slice %arg3[%dma_wait3A_593] : memref<32x!tpu.dma_semaphore, #tpu.memory_space<semaphore_mem>> -> memref<1x!tpu.dma_semaphore, #tpu.memory_space<semaphore_mem>>
    %dma_wait3A_595 = tpu.memref_squeeze %dma_wait3A_594 : memref<1x!tpu.dma_semaphore, #tpu.memory_space<semaphore_mem>> -> memref<!tpu.dma_semaphore, #tpu.memory_space<semaphore_mem>>
    %dma_wait3A_596 = arith.constant 208 : i32
    %dma_wait3A_597 = arith.constant 0 : i32
    %dma_wait3A_598 = arith.constant 0 : i32
    %dma_wait3A_599 = tpu.memref_slice %arg1[%dma_wait3A_596, %dma_wait3A_597, %dma_wait3A_598] : memref<1024x200x128xf32, #tpu.memory_space<any>> -> memref<8x200x128xf32, #tpu.memory_space<any>>
    tpu.wait_dma2 semaphore(%dma_wait3A_595 : memref<!tpu.dma_semaphore, #tpu.memory_space<semaphore_mem>>) src(%arg2 : memref<8x200x128xf32, #tpu.memory_space<vmem>>) dst(%dma_wait3A_599 : memref<8x200x128xf32, #tpu.memory_space<any>>)
    %dma_start3A_600 = arith.constant 26 : i32
    %dma_start3A_601 = tpu.memref_slice %arg3[%dma_start3A_600] : memref<32x!tpu.dma_semaphore, #tpu.memory_space<semaphore_mem>> -> memref<1x!tpu.dma_semaphore, #tpu.memory_space<semaphore_mem>>
    %dma_start3A_602 = tpu.memref_squeeze %dma_start3A_601 : memref<1x!tpu.dma_semaphore, #tpu.memory_space<semaphore_mem>> -> memref<!tpu.dma_semaphore, #tpu.memory_space<semaphore_mem>>
    %dma_start3A_603 = arith.constant 464 : i32
    %dma_start3A_604 = arith.constant 0 : i32
    %dma_start3A_605 = arith.constant 0 : i32
    %dma_start3A_606 = tpu.memref_slice %arg1[%dma_start3A_603, %dma_start3A_604, %dma_start3A_605] : memref<1024x200x128xf32, #tpu.memory_space<any>> -> memref<8x200x128xf32, #tpu.memory_space<any>>
    tpu.enqueue_dma source(%arg2 : memref<8x200x128xf32, #tpu.memory_space<vmem>>) target(%dma_start3A_606 : memref<8x200x128xf32, #tpu.memory_space<any>>) target_semaphore(%dma_start3A_602 : memref<!tpu.dma_semaphore, #tpu.memory_space<semaphore_mem>>)
    %dma_wait3A_607 = arith.constant 27 : i32
    %dma_wait3A_608 = tpu.memref_slice %arg3[%dma_wait3A_607] : memref<32x!tpu.dma_semaphore, #tpu.memory_space<semaphore_mem>> -> memref<1x!tpu.dma_semaphore, #tpu.memory_space<semaphore_mem>>
    %dma_wait3A_609 = tpu.memref_squeeze %dma_wait3A_608 : memref<1x!tpu.dma_semaphore, #tpu.memory_space<semaphore_mem>> -> memref<!tpu.dma_semaphore, #tpu.memory_space<semaphore_mem>>
    %dma_wait3A_610 = arith.constant 216 : i32
    %dma_wait3A_611 = arith.constant 0 : i32
    %dma_wait3A_612 = arith.constant 0 : i32
    %dma_wait3A_613 = tpu.memref_slice %arg1[%dma_wait3A_610, %dma_wait3A_611, %dma_wait3A_612] : memref<1024x200x128xf32, #tpu.memory_space<any>> -> memref<8x200x128xf32, #tpu.memory_space<any>>
    tpu.wait_dma2 semaphore(%dma_wait3A_609 : memref<!tpu.dma_semaphore, #tpu.memory_space<semaphore_mem>>) src(%arg2 : memref<8x200x128xf32, #tpu.memory_space<vmem>>) dst(%dma_wait3A_613 : memref<8x200x128xf32, #tpu.memory_space<any>>)
    %dma_start3A_614 = arith.constant 27 : i32
    %dma_start3A_615 = tpu.memref_slice %arg3[%dma_start3A_614] : memref<32x!tpu.dma_semaphore, #tpu.memory_space<semaphore_mem>> -> memref<1x!tpu.dma_semaphore, #tpu.memory_space<semaphore_mem>>
    %dma_start3A_616 = tpu.memref_squeeze %dma_start3A_615 : memref<1x!tpu.dma_semaphore, #tpu.memory_space<semaphore_mem>> -> memref<!tpu.dma_semaphore, #tpu.memory_space<semaphore_mem>>
    %dma_start3A_617 = arith.constant 472 : i32
    %dma_start3A_618 = arith.constant 0 : i32
    %dma_start3A_619 = arith.constant 0 : i32
    %dma_start3A_620 = tpu.memref_slice %arg1[%dma_start3A_617, %dma_start3A_618, %dma_start3A_619] : memref<1024x200x128xf32, #tpu.memory_space<any>> -> memref<8x200x128xf32, #tpu.memory_space<any>>
    tpu.enqueue_dma source(%arg2 : memref<8x200x128xf32, #tpu.memory_space<vmem>>) target(%dma_start3A_620 : memref<8x200x128xf32, #tpu.memory_space<any>>) target_semaphore(%dma_start3A_616 : memref<!tpu.dma_semaphore, #tpu.memory_space<semaphore_mem>>)
    %dma_wait3A_621 = arith.constant 28 : i32
    %dma_wait3A_622 = tpu.memref_slice %arg3[%dma_wait3A_621] : memref<32x!tpu.dma_semaphore, #tpu.memory_space<semaphore_mem>> -> memref<1x!tpu.dma_semaphore, #tpu.memory_space<semaphore_mem>>
    %dma_wait3A_623 = tpu.memref_squeeze %dma_wait3A_622 : memref<1x!tpu.dma_semaphore, #tpu.memory_space<semaphore_mem>> -> memref<!tpu.dma_semaphore, #tpu.memory_space<semaphore_mem>>
    %dma_wait3A_624 = arith.constant 224 : i32
    %dma_wait3A_625 = arith.constant 0 : i32
    %dma_wait3A_626 = arith.constant 0 : i32
    %dma_wait3A_627 = tpu.memref_slice %arg1[%dma_wait3A_624, %dma_wait3A_625, %dma_wait3A_626] : memref<1024x200x128xf32, #tpu.memory_space<any>> -> memref<8x200x128xf32, #tpu.memory_space<any>>
    tpu.wait_dma2 semaphore(%dma_wait3A_623 : memref<!tpu.dma_semaphore, #tpu.memory_space<semaphore_mem>>) src(%arg2 : memref<8x200x128xf32, #tpu.memory_space<vmem>>) dst(%dma_wait3A_627 : memref<8x200x128xf32, #tpu.memory_space<any>>)
    %dma_start3A_628 = arith.constant 28 : i32
    %dma_start3A_629 = tpu.memref_slice %arg3[%dma_start3A_628] : memref<32x!tpu.dma_semaphore, #tpu.memory_space<semaphore_mem>> -> memref<1x!tpu.dma_semaphore, #tpu.memory_space<semaphore_mem>>
    %dma_start3A_630 = tpu.memref_squeeze %dma_start3A_629 : memref<1x!tpu.dma_semaphore, #tpu.memory_space<semaphore_mem>> -> memref<!tpu.dma_semaphore, #tpu.memory_space<semaphore_mem>>
    %dma_start3A_631 = arith.constant 480 : i32
    %dma_start3A_632 = arith.constant 0 : i32
    %dma_start3A_633 = arith.constant 0 : i32
    %dma_start3A_634 = tpu.memref_slice %arg1[%dma_start3A_631, %dma_start3A_632, %dma_start3A_633] : memref<1024x200x128xf32, #tpu.memory_space<any>> -> memref<8x200x128xf32, #tpu.memory_space<any>>
    tpu.enqueue_dma source(%arg2 : memref<8x200x128xf32, #tpu.memory_space<vmem>>) target(%dma_start3A_634 : memref<8x200x128xf32, #tpu.memory_space<any>>) target_semaphore(%dma_start3A_630 : memref<!tpu.dma_semaphore, #tpu.memory_space<semaphore_mem>>)
    %dma_wait3A_635 = arith.constant 29 : i32
    %dma_wait3A_636 = tpu.memref_slice %arg3[%dma_wait3A_635] : memref<32x!tpu.dma_semaphore, #tpu.memory_space<semaphore_mem>> -> memref<1x!tpu.dma_semaphore, #tpu.memory_space<semaphore_mem>>
    %dma_wait3A_637 = tpu.memref_squeeze %dma_wait3A_636 : memref<1x!tpu.dma_semaphore, #tpu.memory_space<semaphore_mem>> -> memref<!tpu.dma_semaphore, #tpu.memory_space<semaphore_mem>>
    %dma_wait3A_638 = arith.constant 232 : i32
    %dma_wait3A_639 = arith.constant 0 : i32
    %dma_wait3A_640 = arith.constant 0 : i32
    %dma_wait3A_641 = tpu.memref_slice %arg1[%dma_wait3A_638, %dma_wait3A_639, %dma_wait3A_640] : memref<1024x200x128xf32, #tpu.memory_space<any>> -> memref<8x200x128xf32, #tpu.memory_space<any>>
    tpu.wait_dma2 semaphore(%dma_wait3A_637 : memref<!tpu.dma_semaphore, #tpu.memory_space<semaphore_mem>>) src(%arg2 : memref<8x200x128xf32, #tpu.memory_space<vmem>>) dst(%dma_wait3A_641 : memref<8x200x128xf32, #tpu.memory_space<any>>)
    %dma_start3A_642 = arith.constant 29 : i32
    %dma_start3A_643 = tpu.memref_slice %arg3[%dma_start3A_642] : memref<32x!tpu.dma_semaphore, #tpu.memory_space<semaphore_mem>> -> memref<1x!tpu.dma_semaphore, #tpu.memory_space<semaphore_mem>>
    %dma_start3A_644 = tpu.memref_squeeze %dma_start3A_643 : memref<1x!tpu.dma_semaphore, #tpu.memory_space<semaphore_mem>> -> memref<!tpu.dma_semaphore, #tpu.memory_space<semaphore_mem>>
    %dma_start3A_645 = arith.constant 488 : i32
    %dma_start3A_646 = arith.constant 0 : i32
    %dma_start3A_647 = arith.constant 0 : i32
    %dma_start3A_648 = tpu.memref_slice %arg1[%dma_start3A_645, %dma_start3A_646, %dma_start3A_647] : memref<1024x200x128xf32, #tpu.memory_space<any>> -> memref<8x200x128xf32, #tpu.memory_space<any>>
    tpu.enqueue_dma source(%arg2 : memref<8x200x128xf32, #tpu.memory_space<vmem>>) target(%dma_start3A_648 : memref<8x200x128xf32, #tpu.memory_space<any>>) target_semaphore(%dma_start3A_644 : memref<!tpu.dma_semaphore, #tpu.memory_space<semaphore_mem>>)
    %dma_wait3A_649 = arith.constant 30 : i32
    %dma_wait3A_650 = tpu.memref_slice %arg3[%dma_wait3A_649] : memref<32x!tpu.dma_semaphore, #tpu.memory_space<semaphore_mem>> -> memref<1x!tpu.dma_semaphore, #tpu.memory_space<semaphore_mem>>
    %dma_wait3A_651 = tpu.memref_squeeze %dma_wait3A_650 : memref<1x!tpu.dma_semaphore, #tpu.memory_space<semaphore_mem>> -> memref<!tpu.dma_semaphore, #tpu.memory_space<semaphore_mem>>
    %dma_wait3A_652 = arith.constant 240 : i32
    %dma_wait3A_653 = arith.constant 0 : i32
    %dma_wait3A_654 = arith.constant 0 : i32
    %dma_wait3A_655 = tpu.memref_slice %arg1[%dma_wait3A_652, %dma_wait3A_653, %dma_wait3A_654] : memref<1024x200x128xf32, #tpu.memory_space<any>> -> memref<8x200x128xf32, #tpu.memory_space<any>>
    tpu.wait_dma2 semaphore(%dma_wait3A_651 : memref<!tpu.dma_semaphore, #tpu.memory_space<semaphore_mem>>) src(%arg2 : memref<8x200x128xf32, #tpu.memory_space<vmem>>) dst(%dma_wait3A_655 : memref<8x200x128xf32, #tpu.memory_space<any>>)
    %dma_start3A_656 = arith.constant 30 : i32
    %dma_start3A_657 = tpu.memref_slice %arg3[%dma_start3A_656] : memref<32x!tpu.dma_semaphore, #tpu.memory_space<semaphore_mem>> -> memref<1x!tpu.dma_semaphore, #tpu.memory_space<semaphore_mem>>
    %dma_start3A_658 = tpu.memref_squeeze %dma_start3A_657 : memref<1x!tpu.dma_semaphore, #tpu.memory_space<semaphore_mem>> -> memref<!tpu.dma_semaphore, #tpu.memory_space<semaphore_mem>>
    %dma_start3A_659 = arith.constant 496 : i32
    %dma_start3A_660 = arith.constant 0 : i32
    %dma_start3A_661 = arith.constant 0 : i32
    %dma_start3A_662 = tpu.memref_slice %arg1[%dma_start3A_659, %dma_start3A_660, %dma_start3A_661] : memref<1024x200x128xf32, #tpu.memory_space<any>> -> memref<8x200x128xf32, #tpu.memory_space<any>>
    tpu.enqueue_dma source(%arg2 : memref<8x200x128xf32, #tpu.memory_space<vmem>>) target(%dma_start3A_662 : memref<8x200x128xf32, #tpu.memory_space<any>>) target_semaphore(%dma_start3A_658 : memref<!tpu.dma_semaphore, #tpu.memory_space<semaphore_mem>>)
    %dma_wait3A_663 = arith.constant 31 : i32
    %dma_wait3A_664 = tpu.memref_slice %arg3[%dma_wait3A_663] : memref<32x!tpu.dma_semaphore, #tpu.memory_space<semaphore_mem>> -> memref<1x!tpu.dma_semaphore, #tpu.memory_space<semaphore_mem>>
    %dma_wait3A_665 = tpu.memref_squeeze %dma_wait3A_664 : memref<1x!tpu.dma_semaphore, #tpu.memory_space<semaphore_mem>> -> memref<!tpu.dma_semaphore, #tpu.memory_space<semaphore_mem>>
    %dma_wait3A_666 = arith.constant 248 : i32
    %dma_wait3A_667 = arith.constant 0 : i32
    %dma_wait3A_668 = arith.constant 0 : i32
    %dma_wait3A_669 = tpu.memref_slice %arg1[%dma_wait3A_666, %dma_wait3A_667, %dma_wait3A_668] : memref<1024x200x128xf32, #tpu.memory_space<any>> -> memref<8x200x128xf32, #tpu.memory_space<any>>
    tpu.wait_dma2 semaphore(%dma_wait3A_665 : memref<!tpu.dma_semaphore, #tpu.memory_space<semaphore_mem>>) src(%arg2 : memref<8x200x128xf32, #tpu.memory_space<vmem>>) dst(%dma_wait3A_669 : memref<8x200x128xf32, #tpu.memory_space<any>>)
    %dma_start3A_670 = arith.constant 31 : i32
    %dma_start3A_671 = tpu.memref_slice %arg3[%dma_start3A_670] : memref<32x!tpu.dma_semaphore, #tpu.memory_space<semaphore_mem>> -> memref<1x!tpu.dma_semaphore, #tpu.memory_space<semaphore_mem>>
    %dma_start3A_672 = tpu.memref_squeeze %dma_start3A_671 : memref<1x!tpu.dma_semaphore, #tpu.memory_space<semaphore_mem>> -> memref<!tpu.dma_semaphore, #tpu.memory_space<semaphore_mem>>
    %dma_start3A_673 = arith.constant 504 : i32
    %dma_start3A_674 = arith.constant 0 : i32
    %dma_start3A_675 = arith.constant 0 : i32
    %dma_start3A_676 = tpu.memref_slice %arg1[%dma_start3A_673, %dma_start3A_674, %dma_start3A_675] : memref<1024x200x128xf32, #tpu.memory_space<any>> -> memref<8x200x128xf32, #tpu.memory_space<any>>
    tpu.enqueue_dma source(%arg2 : memref<8x200x128xf32, #tpu.memory_space<vmem>>) target(%dma_start3A_676 : memref<8x200x128xf32, #tpu.memory_space<any>>) target_semaphore(%dma_start3A_672 : memref<!tpu.dma_semaphore, #tpu.memory_space<semaphore_mem>>)
    %dma_wait3A_677 = arith.constant 0 : i32
    %dma_wait3A_678 = tpu.memref_slice %arg3[%dma_wait3A_677] : memref<32x!tpu.dma_semaphore, #tpu.memory_space<semaphore_mem>> -> memref<1x!tpu.dma_semaphore, #tpu.memory_space<semaphore_mem>>
    %dma_wait3A_679 = tpu.memref_squeeze %dma_wait3A_678 : memref<1x!tpu.dma_semaphore, #tpu.memory_space<semaphore_mem>> -> memref<!tpu.dma_semaphore, #tpu.memory_space<semaphore_mem>>
    %dma_wait3A_680 = arith.constant 256 : i32
    %dma_wait3A_681 = arith.constant 0 : i32
    %dma_wait3A_682 = arith.constant 0 : i32
    %dma_wait3A_683 = tpu.memref_slice %arg1[%dma_wait3A_680, %dma_wait3A_681, %dma_wait3A_682] : memref<1024x200x128xf32, #tpu.memory_space<any>> -> memref<8x200x128xf32, #tpu.memory_space<any>>
    tpu.wait_dma2 semaphore(%dma_wait3A_679 : memref<!tpu.dma_semaphore, #tpu.memory_space<semaphore_mem>>) src(%arg2 : memref<8x200x128xf32, #tpu.memory_space<vmem>>) dst(%dma_wait3A_683 : memref<8x200x128xf32, #tpu.memory_space<any>>)
    %dma_start3A_684 = arith.constant 0 : i32
    %dma_start3A_685 = tpu.memref_slice %arg3[%dma_start3A_684] : memref<32x!tpu.dma_semaphore, #tpu.memory_space<semaphore_mem>> -> memref<1x!tpu.dma_semaphore, #tpu.memory_space<semaphore_mem>>
    %dma_start3A_686 = tpu.memref_squeeze %dma_start3A_685 : memref<1x!tpu.dma_semaphore, #tpu.memory_space<semaphore_mem>> -> memref<!tpu.dma_semaphore, #tpu.memory_space<semaphore_mem>>
    %dma_start3A_687 = arith.constant 512 : i32
    %dma_start3A_688 = arith.constant 0 : i32
    %dma_start3A_689 = arith.constant 0 : i32
    %dma_start3A_690 = tpu.memref_slice %arg1[%dma_start3A_687, %dma_start3A_688, %dma_start3A_689] : memref<1024x200x128xf32, #tpu.memory_space<any>> -> memref<8x200x128xf32, #tpu.memory_space<any>>
    tpu.enqueue_dma source(%arg2 : memref<8x200x128xf32, #tpu.memory_space<vmem>>) target(%dma_start3A_690 : memref<8x200x128xf32, #tpu.memory_space<any>>) target_semaphore(%dma_start3A_686 : memref<!tpu.dma_semaphore, #tpu.memory_space<semaphore_mem>>)
    %dma_wait3A_691 = arith.constant 1 : i32
    %dma_wait3A_692 = tpu.memref_slice %arg3[%dma_wait3A_691] : memref<32x!tpu.dma_semaphore, #tpu.memory_space<semaphore_mem>> -> memref<1x!tpu.dma_semaphore, #tpu.memory_space<semaphore_mem>>
    %dma_wait3A_693 = tpu.memref_squeeze %dma_wait3A_692 : memref<1x!tpu.dma_semaphore, #tpu.memory_space<semaphore_mem>> -> memref<!tpu.dma_semaphore, #tpu.memory_space<semaphore_mem>>
    %dma_wait3A_694 = arith.constant 264 : i32
    %dma_wait3A_695 = arith.constant 0 : i32
    %dma_wait3A_696 = arith.constant 0 : i32
    %dma_wait3A_697 = tpu.memref_slice %arg1[%dma_wait3A_694, %dma_wait3A_695, %dma_wait3A_696] : memref<1024x200x128xf32, #tpu.memory_space<any>> -> memref<8x200x128xf32, #tpu.memory_space<any>>
    tpu.wait_dma2 semaphore(%dma_wait3A_693 : memref<!tpu.dma_semaphore, #tpu.memory_space<semaphore_mem>>) src(%arg2 : memref<8x200x128xf32, #tpu.memory_space<vmem>>) dst(%dma_wait3A_697 : memref<8x200x128xf32, #tpu.memory_space<any>>)
    %dma_start3A_698 = arith.constant 1 : i32
    %dma_start3A_699 = tpu.memref_slice %arg3[%dma_start3A_698] : memref<32x!tpu.dma_semaphore, #tpu.memory_space<semaphore_mem>> -> memref<1x!tpu.dma_semaphore, #tpu.memory_space<semaphore_mem>>
    %dma_start3A_700 = tpu.memref_squeeze %dma_start3A_699 : memref<1x!tpu.dma_semaphore, #tpu.memory_space<semaphore_mem>> -> memref<!tpu.dma_semaphore, #tpu.memory_space<semaphore_mem>>
    %dma_start3A_701 = arith.constant 520 : i32
    %dma_start3A_702 = arith.constant 0 : i32
    %dma_start3A_703 = arith.constant 0 : i32
    %dma_start3A_704 = tpu.memref_slice %arg1[%dma_start3A_701, %dma_start3A_702, %dma_start3A_703] : memref<1024x200x128xf32, #tpu.memory_space<any>> -> memref<8x200x128xf32, #tpu.memory_space<any>>
    tpu.enqueue_dma source(%arg2 : memref<8x200x128xf32, #tpu.memory_space<vmem>>) target(%dma_start3A_704 : memref<8x200x128xf32, #tpu.memory_space<any>>) target_semaphore(%dma_start3A_700 : memref<!tpu.dma_semaphore, #tpu.memory_space<semaphore_mem>>)
    %dma_wait3A_705 = arith.constant 2 : i32
    %dma_wait3A_706 = tpu.memref_slice %arg3[%dma_wait3A_705] : memref<32x!tpu.dma_semaphore, #tpu.memory_space<semaphore_mem>> -> memref<1x!tpu.dma_semaphore, #tpu.memory_space<semaphore_mem>>
    %dma_wait3A_707 = tpu.memref_squeeze %dma_wait3A_706 : memref<1x!tpu.dma_semaphore, #tpu.memory_space<semaphore_mem>> -> memref<!tpu.dma_semaphore, #tpu.memory_space<semaphore_mem>>
    %dma_wait3A_708 = arith.constant 272 : i32
    %dma_wait3A_709 = arith.constant 0 : i32
    %dma_wait3A_710 = arith.constant 0 : i32
    %dma_wait3A_711 = tpu.memref_slice %arg1[%dma_wait3A_708, %dma_wait3A_709, %dma_wait3A_710] : memref<1024x200x128xf32, #tpu.memory_space<any>> -> memref<8x200x128xf32, #tpu.memory_space<any>>
    tpu.wait_dma2 semaphore(%dma_wait3A_707 : memref<!tpu.dma_semaphore, #tpu.memory_space<semaphore_mem>>) src(%arg2 : memref<8x200x128xf32, #tpu.memory_space<vmem>>) dst(%dma_wait3A_711 : memref<8x200x128xf32, #tpu.memory_space<any>>)
    %dma_start3A_712 = arith.constant 2 : i32
    %dma_start3A_713 = tpu.memref_slice %arg3[%dma_start3A_712] : memref<32x!tpu.dma_semaphore, #tpu.memory_space<semaphore_mem>> -> memref<1x!tpu.dma_semaphore, #tpu.memory_space<semaphore_mem>>
    %dma_start3A_714 = tpu.memref_squeeze %dma_start3A_713 : memref<1x!tpu.dma_semaphore, #tpu.memory_space<semaphore_mem>> -> memref<!tpu.dma_semaphore, #tpu.memory_space<semaphore_mem>>
    %dma_start3A_715 = arith.constant 528 : i32
    %dma_start3A_716 = arith.constant 0 : i32
    %dma_start3A_717 = arith.constant 0 : i32
    %dma_start3A_718 = tpu.memref_slice %arg1[%dma_start3A_715, %dma_start3A_716, %dma_start3A_717] : memref<1024x200x128xf32, #tpu.memory_space<any>> -> memref<8x200x128xf32, #tpu.memory_space<any>>
    tpu.enqueue_dma source(%arg2 : memref<8x200x128xf32, #tpu.memory_space<vmem>>) target(%dma_start3A_718 : memref<8x200x128xf32, #tpu.memory_space<any>>) target_semaphore(%dma_start3A_714 : memref<!tpu.dma_semaphore, #tpu.memory_space<semaphore_mem>>)
    %dma_wait3A_719 = arith.constant 3 : i32
    %dma_wait3A_720 = tpu.memref_slice %arg3[%dma_wait3A_719] : memref<32x!tpu.dma_semaphore, #tpu.memory_space<semaphore_mem>> -> memref<1x!tpu.dma_semaphore, #tpu.memory_space<semaphore_mem>>
    %dma_wait3A_721 = tpu.memref_squeeze %dma_wait3A_720 : memref<1x!tpu.dma_semaphore, #tpu.memory_space<semaphore_mem>> -> memref<!tpu.dma_semaphore, #tpu.memory_space<semaphore_mem>>
    %dma_wait3A_722 = arith.constant 280 : i32
    %dma_wait3A_723 = arith.constant 0 : i32
    %dma_wait3A_724 = arith.constant 0 : i32
    %dma_wait3A_725 = tpu.memref_slice %arg1[%dma_wait3A_722, %dma_wait3A_723, %dma_wait3A_724] : memref<1024x200x128xf32, #tpu.memory_space<any>> -> memref<8x200x128xf32, #tpu.memory_space<any>>
    tpu.wait_dma2 semaphore(%dma_wait3A_721 : memref<!tpu.dma_semaphore, #tpu.memory_space<semaphore_mem>>) src(%arg2 : memref<8x200x128xf32, #tpu.memory_space<vmem>>) dst(%dma_wait3A_725 : memref<8x200x128xf32, #tpu.memory_space<any>>)
    %dma_start3A_726 = arith.constant 3 : i32
    %dma_start3A_727 = tpu.memref_slice %arg3[%dma_start3A_726] : memref<32x!tpu.dma_semaphore, #tpu.memory_space<semaphore_mem>> -> memref<1x!tpu.dma_semaphore, #tpu.memory_space<semaphore_mem>>
    %dma_start3A_728 = tpu.memref_squeeze %dma_start3A_727 : memref<1x!tpu.dma_semaphore, #tpu.memory_space<semaphore_mem>> -> memref<!tpu.dma_semaphore, #tpu.memory_space<semaphore_mem>>
    %dma_start3A_729 = arith.constant 536 : i32
    %dma_start3A_730 = arith.constant 0 : i32
    %dma_start3A_731 = arith.constant 0 : i32
    %dma_start3A_732 = tpu.memref_slice %arg1[%dma_start3A_729, %dma_start3A_730, %dma_start3A_731] : memref<1024x200x128xf32, #tpu.memory_space<any>> -> memref<8x200x128xf32, #tpu.memory_space<any>>
    tpu.enqueue_dma source(%arg2 : memref<8x200x128xf32, #tpu.memory_space<vmem>>) target(%dma_start3A_732 : memref<8x200x128xf32, #tpu.memory_space<any>>) target_semaphore(%dma_start3A_728 : memref<!tpu.dma_semaphore, #tpu.memory_space<semaphore_mem>>)
    %dma_wait3A_733 = arith.constant 4 : i32
    %dma_wait3A_734 = tpu.memref_slice %arg3[%dma_wait3A_733] : memref<32x!tpu.dma_semaphore, #tpu.memory_space<semaphore_mem>> -> memref<1x!tpu.dma_semaphore, #tpu.memory_space<semaphore_mem>>
    %dma_wait3A_735 = tpu.memref_squeeze %dma_wait3A_734 : memref<1x!tpu.dma_semaphore, #tpu.memory_space<semaphore_mem>> -> memref<!tpu.dma_semaphore, #tpu.memory_space<semaphore_mem>>
    %dma_wait3A_736 = arith.constant 288 : i32
    %dma_wait3A_737 = arith.constant 0 : i32
    %dma_wait3A_738 = arith.constant 0 : i32
    %dma_wait3A_739 = tpu.memref_slice %arg1[%dma_wait3A_736, %dma_wait3A_737, %dma_wait3A_738] : memref<1024x200x128xf32, #tpu.memory_space<any>> -> memref<8x200x128xf32, #tpu.memory_space<any>>
    tpu.wait_dma2 semaphore(%dma_wait3A_735 : memref<!tpu.dma_semaphore, #tpu.memory_space<semaphore_mem>>) src(%arg2 : memref<8x200x128xf32, #tpu.memory_space<vmem>>) dst(%dma_wait3A_739 : memref<8x200x128xf32, #tpu.memory_space<any>>)
    %dma_start3A_740 = arith.constant 4 : i32
    %dma_start3A_741 = tpu.memref_slice %arg3[%dma_start3A_740] : memref<32x!tpu.dma_semaphore, #tpu.memory_space<semaphore_mem>> -> memref<1x!tpu.dma_semaphore, #tpu.memory_space<semaphore_mem>>
    %dma_start3A_742 = tpu.memref_squeeze %dma_start3A_741 : memref<1x!tpu.dma_semaphore, #tpu.memory_space<semaphore_mem>> -> memref<!tpu.dma_semaphore, #tpu.memory_space<semaphore_mem>>
    %dma_start3A_743 = arith.constant 544 : i32
    %dma_start3A_744 = arith.constant 0 : i32
    %dma_start3A_745 = arith.constant 0 : i32
    %dma_start3A_746 = tpu.memref_slice %arg1[%dma_start3A_743, %dma_start3A_744, %dma_start3A_745] : memref<1024x200x128xf32, #tpu.memory_space<any>> -> memref<8x200x128xf32, #tpu.memory_space<any>>
    tpu.enqueue_dma source(%arg2 : memref<8x200x128xf32, #tpu.memory_space<vmem>>) target(%dma_start3A_746 : memref<8x200x128xf32, #tpu.memory_space<any>>) target_semaphore(%dma_start3A_742 : memref<!tpu.dma_semaphore, #tpu.memory_space<semaphore_mem>>)
    %dma_wait3A_747 = arith.constant 5 : i32
    %dma_wait3A_748 = tpu.memref_slice %arg3[%dma_wait3A_747] : memref<32x!tpu.dma_semaphore, #tpu.memory_space<semaphore_mem>> -> memref<1x!tpu.dma_semaphore, #tpu.memory_space<semaphore_mem>>
    %dma_wait3A_749 = tpu.memref_squeeze %dma_wait3A_748 : memref<1x!tpu.dma_semaphore, #tpu.memory_space<semaphore_mem>> -> memref<!tpu.dma_semaphore, #tpu.memory_space<semaphore_mem>>
    %dma_wait3A_750 = arith.constant 296 : i32
    %dma_wait3A_751 = arith.constant 0 : i32
    %dma_wait3A_752 = arith.constant 0 : i32
    %dma_wait3A_753 = tpu.memref_slice %arg1[%dma_wait3A_750, %dma_wait3A_751, %dma_wait3A_752] : memref<1024x200x128xf32, #tpu.memory_space<any>> -> memref<8x200x128xf32, #tpu.memory_space<any>>
    tpu.wait_dma2 semaphore(%dma_wait3A_749 : memref<!tpu.dma_semaphore, #tpu.memory_space<semaphore_mem>>) src(%arg2 : memref<8x200x128xf32, #tpu.memory_space<vmem>>) dst(%dma_wait3A_753 : memref<8x200x128xf32, #tpu.memory_space<any>>)
    %dma_start3A_754 = arith.constant 5 : i32
    %dma_start3A_755 = tpu.memref_slice %arg3[%dma_start3A_754] : memref<32x!tpu.dma_semaphore, #tpu.memory_space<semaphore_mem>> -> memref<1x!tpu.dma_semaphore, #tpu.memory_space<semaphore_mem>>
    %dma_start3A_756 = tpu.memref_squeeze %dma_start3A_755 : memref<1x!tpu.dma_semaphore, #tpu.memory_space<semaphore_mem>> -> memref<!tpu.dma_semaphore, #tpu.memory_space<semaphore_mem>>
    %dma_start3A_757 = arith.constant 552 : i32
    %dma_start3A_758 = arith.constant 0 : i32
    %dma_start3A_759 = arith.constant 0 : i32
    %dma_start3A_760 = tpu.memref_slice %arg1[%dma_start3A_757, %dma_start3A_758, %dma_start3A_759] : memref<1024x200x128xf32, #tpu.memory_space<any>> -> memref<8x200x128xf32, #tpu.memory_space<any>>
    tpu.enqueue_dma source(%arg2 : memref<8x200x128xf32, #tpu.memory_space<vmem>>) target(%dma_start3A_760 : memref<8x200x128xf32, #tpu.memory_space<any>>) target_semaphore(%dma_start3A_756 : memref<!tpu.dma_semaphore, #tpu.memory_space<semaphore_mem>>)
    %dma_wait3A_761 = arith.constant 6 : i32
    %dma_wait3A_762 = tpu.memref_slice %arg3[%dma_wait3A_761] : memref<32x!tpu.dma_semaphore, #tpu.memory_space<semaphore_mem>> -> memref<1x!tpu.dma_semaphore, #tpu.memory_space<semaphore_mem>>
    %dma_wait3A_763 = tpu.memref_squeeze %dma_wait3A_762 : memref<1x!tpu.dma_semaphore, #tpu.memory_space<semaphore_mem>> -> memref<!tpu.dma_semaphore, #tpu.memory_space<semaphore_mem>>
    %dma_wait3A_764 = arith.constant 304 : i32
    %dma_wait3A_765 = arith.constant 0 : i32
    %dma_wait3A_766 = arith.constant 0 : i32
    %dma_wait3A_767 = tpu.memref_slice %arg1[%dma_wait3A_764, %dma_wait3A_765, %dma_wait3A_766] : memref<1024x200x128xf32, #tpu.memory_space<any>> -> memref<8x200x128xf32, #tpu.memory_space<any>>
    tpu.wait_dma2 semaphore(%dma_wait3A_763 : memref<!tpu.dma_semaphore, #tpu.memory_space<semaphore_mem>>) src(%arg2 : memref<8x200x128xf32, #tpu.memory_space<vmem>>) dst(%dma_wait3A_767 : memref<8x200x128xf32, #tpu.memory_space<any>>)
    %dma_start3A_768 = arith.constant 6 : i32
    %dma_start3A_769 = tpu.memref_slice %arg3[%dma_start3A_768] : memref<32x!tpu.dma_semaphore, #tpu.memory_space<semaphore_mem>> -> memref<1x!tpu.dma_semaphore, #tpu.memory_space<semaphore_mem>>
    %dma_start3A_770 = tpu.memref_squeeze %dma_start3A_769 : memref<1x!tpu.dma_semaphore, #tpu.memory_space<semaphore_mem>> -> memref<!tpu.dma_semaphore, #tpu.memory_space<semaphore_mem>>
    %dma_start3A_771 = arith.constant 560 : i32
    %dma_start3A_772 = arith.constant 0 : i32
    %dma_start3A_773 = arith.constant 0 : i32
    %dma_start3A_774 = tpu.memref_slice %arg1[%dma_start3A_771, %dma_start3A_772, %dma_start3A_773] : memref<1024x200x128xf32, #tpu.memory_space<any>> -> memref<8x200x128xf32, #tpu.memory_space<any>>
    tpu.enqueue_dma source(%arg2 : memref<8x200x128xf32, #tpu.memory_space<vmem>>) target(%dma_start3A_774 : memref<8x200x128xf32, #tpu.memory_space<any>>) target_semaphore(%dma_start3A_770 : memref<!tpu.dma_semaphore, #tpu.memory_space<semaphore_mem>>)
    %dma_wait3A_775 = arith.constant 7 : i32
    %dma_wait3A_776 = tpu.memref_slice %arg3[%dma_wait3A_775] : memref<32x!tpu.dma_semaphore, #tpu.memory_space<semaphore_mem>> -> memref<1x!tpu.dma_semaphore, #tpu.memory_space<semaphore_mem>>
    %dma_wait3A_777 = tpu.memref_squeeze %dma_wait3A_776 : memref<1x!tpu.dma_semaphore, #tpu.memory_space<semaphore_mem>> -> memref<!tpu.dma_semaphore, #tpu.memory_space<semaphore_mem>>
    %dma_wait3A_778 = arith.constant 312 : i32
    %dma_wait3A_779 = arith.constant 0 : i32
    %dma_wait3A_780 = arith.constant 0 : i32
    %dma_wait3A_781 = tpu.memref_slice %arg1[%dma_wait3A_778, %dma_wait3A_779, %dma_wait3A_780] : memref<1024x200x128xf32, #tpu.memory_space<any>> -> memref<8x200x128xf32, #tpu.memory_space<any>>
    tpu.wait_dma2 semaphore(%dma_wait3A_777 : memref<!tpu.dma_semaphore, #tpu.memory_space<semaphore_mem>>) src(%arg2 : memref<8x200x128xf32, #tpu.memory_space<vmem>>) dst(%dma_wait3A_781 : memref<8x200x128xf32, #tpu.memory_space<any>>)
    %dma_start3A_782 = arith.constant 7 : i32
    %dma_start3A_783 = tpu.memref_slice %arg3[%dma_start3A_782] : memref<32x!tpu.dma_semaphore, #tpu.memory_space<semaphore_mem>> -> memref<1x!tpu.dma_semaphore, #tpu.memory_space<semaphore_mem>>
    %dma_start3A_784 = tpu.memref_squeeze %dma_start3A_783 : memref<1x!tpu.dma_semaphore, #tpu.memory_space<semaphore_mem>> -> memref<!tpu.dma_semaphore, #tpu.memory_space<semaphore_mem>>
    %dma_start3A_785 = arith.constant 568 : i32
    %dma_start3A_786 = arith.constant 0 : i32
    %dma_start3A_787 = arith.constant 0 : i32
    %dma_start3A_788 = tpu.memref_slice %arg1[%dma_start3A_785, %dma_start3A_786, %dma_start3A_787] : memref<1024x200x128xf32, #tpu.memory_space<any>> -> memref<8x200x128xf32, #tpu.memory_space<any>>
    tpu.enqueue_dma source(%arg2 : memref<8x200x128xf32, #tpu.memory_space<vmem>>) target(%dma_start3A_788 : memref<8x200x128xf32, #tpu.memory_space<any>>) target_semaphore(%dma_start3A_784 : memref<!tpu.dma_semaphore, #tpu.memory_space<semaphore_mem>>)
    %dma_wait3A_789 = arith.constant 8 : i32
    %dma_wait3A_790 = tpu.memref_slice %arg3[%dma_wait3A_789] : memref<32x!tpu.dma_semaphore, #tpu.memory_space<semaphore_mem>> -> memref<1x!tpu.dma_semaphore, #tpu.memory_space<semaphore_mem>>
    %dma_wait3A_791 = tpu.memref_squeeze %dma_wait3A_790 : memref<1x!tpu.dma_semaphore, #tpu.memory_space<semaphore_mem>> -> memref<!tpu.dma_semaphore, #tpu.memory_space<semaphore_mem>>
    %dma_wait3A_792 = arith.constant 320 : i32
    %dma_wait3A_793 = arith.constant 0 : i32
    %dma_wait3A_794 = arith.constant 0 : i32
    %dma_wait3A_795 = tpu.memref_slice %arg1[%dma_wait3A_792, %dma_wait3A_793, %dma_wait3A_794] : memref<1024x200x128xf32, #tpu.memory_space<any>> -> memref<8x200x128xf32, #tpu.memory_space<any>>
    tpu.wait_dma2 semaphore(%dma_wait3A_791 : memref<!tpu.dma_semaphore, #tpu.memory_space<semaphore_mem>>) src(%arg2 : memref<8x200x128xf32, #tpu.memory_space<vmem>>) dst(%dma_wait3A_795 : memref<8x200x128xf32, #tpu.memory_space<any>>)
    %dma_start3A_796 = arith.constant 8 : i32
    %dma_start3A_797 = tpu.memref_slice %arg3[%dma_start3A_796] : memref<32x!tpu.dma_semaphore, #tpu.memory_space<semaphore_mem>> -> memref<1x!tpu.dma_semaphore, #tpu.memory_space<semaphore_mem>>
    %dma_start3A_798 = tpu.memref_squeeze %dma_start3A_797 : memref<1x!tpu.dma_semaphore, #tpu.memory_space<semaphore_mem>> -> memref<!tpu.dma_semaphore, #tpu.memory_space<semaphore_mem>>
    %dma_start3A_799 = arith.constant 576 : i32
    %dma_start3A_800 = arith.constant 0 : i32
    %dma_start3A_801 = arith.constant 0 : i32
    %dma_start3A_802 = tpu.memref_slice %arg1[%dma_start3A_799, %dma_start3A_800, %dma_start3A_801] : memref<1024x200x128xf32, #tpu.memory_space<any>> -> memref<8x200x128xf32, #tpu.memory_space<any>>
    tpu.enqueue_dma source(%arg2 : memref<8x200x128xf32, #tpu.memory_space<vmem>>) target(%dma_start3A_802 : memref<8x200x128xf32, #tpu.memory_space<any>>) target_semaphore(%dma_start3A_798 : memref<!tpu.dma_semaphore, #tpu.memory_space<semaphore_mem>>)
    %dma_wait3A_803 = arith.constant 9 : i32
    %dma_wait3A_804 = tpu.memref_slice %arg3[%dma_wait3A_803] : memref<32x!tpu.dma_semaphore, #tpu.memory_space<semaphore_mem>> -> memref<1x!tpu.dma_semaphore, #tpu.memory_space<semaphore_mem>>
    %dma_wait3A_805 = tpu.memref_squeeze %dma_wait3A_804 : memref<1x!tpu.dma_semaphore, #tpu.memory_space<semaphore_mem>> -> memref<!tpu.dma_semaphore, #tpu.memory_space<semaphore_mem>>
    %dma_wait3A_806 = arith.constant 328 : i32
    %dma_wait3A_807 = arith.constant 0 : i32
    %dma_wait3A_808 = arith.constant 0 : i32
    %dma_wait3A_809 = tpu.memref_slice %arg1[%dma_wait3A_806, %dma_wait3A_807, %dma_wait3A_808] : memref<1024x200x128xf32, #tpu.memory_space<any>> -> memref<8x200x128xf32, #tpu.memory_space<any>>
    tpu.wait_dma2 semaphore(%dma_wait3A_805 : memref<!tpu.dma_semaphore, #tpu.memory_space<semaphore_mem>>) src(%arg2 : memref<8x200x128xf32, #tpu.memory_space<vmem>>) dst(%dma_wait3A_809 : memref<8x200x128xf32, #tpu.memory_space<any>>)
    %dma_start3A_810 = arith.constant 9 : i32
    %dma_start3A_811 = tpu.memref_slice %arg3[%dma_start3A_810] : memref<32x!tpu.dma_semaphore, #tpu.memory_space<semaphore_mem>> -> memref<1x!tpu.dma_semaphore, #tpu.memory_space<semaphore_mem>>
    %dma_start3A_812 = tpu.memref_squeeze %dma_start3A_811 : memref<1x!tpu.dma_semaphore, #tpu.memory_space<semaphore_mem>> -> memref<!tpu.dma_semaphore, #tpu.memory_space<semaphore_mem>>
    %dma_start3A_813 = arith.constant 584 : i32
    %dma_start3A_814 = arith.constant 0 : i32
    %dma_start3A_815 = arith.constant 0 : i32
    %dma_start3A_816 = tpu.memref_slice %arg1[%dma_start3A_813, %dma_start3A_814, %dma_start3A_815] : memref<1024x200x128xf32, #tpu.memory_space<any>> -> memref<8x200x128xf32, #tpu.memory_space<any>>
    tpu.enqueue_dma source(%arg2 : memref<8x200x128xf32, #tpu.memory_space<vmem>>) target(%dma_start3A_816 : memref<8x200x128xf32, #tpu.memory_space<any>>) target_semaphore(%dma_start3A_812 : memref<!tpu.dma_semaphore, #tpu.memory_space<semaphore_mem>>)
    %dma_wait3A_817 = arith.constant 10 : i32
    %dma_wait3A_818 = tpu.memref_slice %arg3[%dma_wait3A_817] : memref<32x!tpu.dma_semaphore, #tpu.memory_space<semaphore_mem>> -> memref<1x!tpu.dma_semaphore, #tpu.memory_space<semaphore_mem>>
    %dma_wait3A_819 = tpu.memref_squeeze %dma_wait3A_818 : memref<1x!tpu.dma_semaphore, #tpu.memory_space<semaphore_mem>> -> memref<!tpu.dma_semaphore, #tpu.memory_space<semaphore_mem>>
    %dma_wait3A_820 = arith.constant 336 : i32
    %dma_wait3A_821 = arith.constant 0 : i32
    %dma_wait3A_822 = arith.constant 0 : i32
    %dma_wait3A_823 = tpu.memref_slice %arg1[%dma_wait3A_820, %dma_wait3A_821, %dma_wait3A_822] : memref<1024x200x128xf32, #tpu.memory_space<any>> -> memref<8x200x128xf32, #tpu.memory_space<any>>
    tpu.wait_dma2 semaphore(%dma_wait3A_819 : memref<!tpu.dma_semaphore, #tpu.memory_space<semaphore_mem>>) src(%arg2 : memref<8x200x128xf32, #tpu.memory_space<vmem>>) dst(%dma_wait3A_823 : memref<8x200x128xf32, #tpu.memory_space<any>>)
    %dma_start3A_824 = arith.constant 10 : i32
    %dma_start3A_825 = tpu.memref_slice %arg3[%dma_start3A_824] : memref<32x!tpu.dma_semaphore, #tpu.memory_space<semaphore_mem>> -> memref<1x!tpu.dma_semaphore, #tpu.memory_space<semaphore_mem>>
    %dma_start3A_826 = tpu.memref_squeeze %dma_start3A_825 : memref<1x!tpu.dma_semaphore, #tpu.memory_space<semaphore_mem>> -> memref<!tpu.dma_semaphore, #tpu.memory_space<semaphore_mem>>
    %dma_start3A_827 = arith.constant 592 : i32
    %dma_start3A_828 = arith.constant 0 : i32
    %dma_start3A_829 = arith.constant 0 : i32
    %dma_start3A_830 = tpu.memref_slice %arg1[%dma_start3A_827, %dma_start3A_828, %dma_start3A_829] : memref<1024x200x128xf32, #tpu.memory_space<any>> -> memref<8x200x128xf32, #tpu.memory_space<any>>
    tpu.enqueue_dma source(%arg2 : memref<8x200x128xf32, #tpu.memory_space<vmem>>) target(%dma_start3A_830 : memref<8x200x128xf32, #tpu.memory_space<any>>) target_semaphore(%dma_start3A_826 : memref<!tpu.dma_semaphore, #tpu.memory_space<semaphore_mem>>)
    %dma_wait3A_831 = arith.constant 11 : i32
    %dma_wait3A_832 = tpu.memref_slice %arg3[%dma_wait3A_831] : memref<32x!tpu.dma_semaphore, #tpu.memory_space<semaphore_mem>> -> memref<1x!tpu.dma_semaphore, #tpu.memory_space<semaphore_mem>>
    %dma_wait3A_833 = tpu.memref_squeeze %dma_wait3A_832 : memref<1x!tpu.dma_semaphore, #tpu.memory_space<semaphore_mem>> -> memref<!tpu.dma_semaphore, #tpu.memory_space<semaphore_mem>>
    %dma_wait3A_834 = arith.constant 344 : i32
    %dma_wait3A_835 = arith.constant 0 : i32
    %dma_wait3A_836 = arith.constant 0 : i32
    %dma_wait3A_837 = tpu.memref_slice %arg1[%dma_wait3A_834, %dma_wait3A_835, %dma_wait3A_836] : memref<1024x200x128xf32, #tpu.memory_space<any>> -> memref<8x200x128xf32, #tpu.memory_space<any>>
    tpu.wait_dma2 semaphore(%dma_wait3A_833 : memref<!tpu.dma_semaphore, #tpu.memory_space<semaphore_mem>>) src(%arg2 : memref<8x200x128xf32, #tpu.memory_space<vmem>>) dst(%dma_wait3A_837 : memref<8x200x128xf32, #tpu.memory_space<any>>)
    %dma_start3A_838 = arith.constant 11 : i32
    %dma_start3A_839 = tpu.memref_slice %arg3[%dma_start3A_838] : memref<32x!tpu.dma_semaphore, #tpu.memory_space<semaphore_mem>> -> memref<1x!tpu.dma_semaphore, #tpu.memory_space<semaphore_mem>>
    %dma_start3A_840 = tpu.memref_squeeze %dma_start3A_839 : memref<1x!tpu.dma_semaphore, #tpu.memory_space<semaphore_mem>> -> memref<!tpu.dma_semaphore, #tpu.memory_space<semaphore_mem>>
    %dma_start3A_841 = arith.constant 600 : i32
    %dma_start3A_842 = arith.constant 0 : i32
    %dma_start3A_843 = arith.constant 0 : i32
    %dma_start3A_844 = tpu.memref_slice %arg1[%dma_start3A_841, %dma_start3A_842, %dma_start3A_843] : memref<1024x200x128xf32, #tpu.memory_space<any>> -> memref<8x200x128xf32, #tpu.memory_space<any>>
    tpu.enqueue_dma source(%arg2 : memref<8x200x128xf32, #tpu.memory_space<vmem>>) target(%dma_start3A_844 : memref<8x200x128xf32, #tpu.memory_space<any>>) target_semaphore(%dma_start3A_840 : memref<!tpu.dma_semaphore, #tpu.memory_space<semaphore_mem>>)
    %dma_wait3A_845 = arith.constant 12 : i32
    %dma_wait3A_846 = tpu.memref_slice %arg3[%dma_wait3A_845] : memref<32x!tpu.dma_semaphore, #tpu.memory_space<semaphore_mem>> -> memref<1x!tpu.dma_semaphore, #tpu.memory_space<semaphore_mem>>
    %dma_wait3A_847 = tpu.memref_squeeze %dma_wait3A_846 : memref<1x!tpu.dma_semaphore, #tpu.memory_space<semaphore_mem>> -> memref<!tpu.dma_semaphore, #tpu.memory_space<semaphore_mem>>
    %dma_wait3A_848 = arith.constant 352 : i32
    %dma_wait3A_849 = arith.constant 0 : i32
    %dma_wait3A_850 = arith.constant 0 : i32
    %dma_wait3A_851 = tpu.memref_slice %arg1[%dma_wait3A_848, %dma_wait3A_849, %dma_wait3A_850] : memref<1024x200x128xf32, #tpu.memory_space<any>> -> memref<8x200x128xf32, #tpu.memory_space<any>>
    tpu.wait_dma2 semaphore(%dma_wait3A_847 : memref<!tpu.dma_semaphore, #tpu.memory_space<semaphore_mem>>) src(%arg2 : memref<8x200x128xf32, #tpu.memory_space<vmem>>) dst(%dma_wait3A_851 : memref<8x200x128xf32, #tpu.memory_space<any>>)
    %dma_start3A_852 = arith.constant 12 : i32
    %dma_start3A_853 = tpu.memref_slice %arg3[%dma_start3A_852] : memref<32x!tpu.dma_semaphore, #tpu.memory_space<semaphore_mem>> -> memref<1x!tpu.dma_semaphore, #tpu.memory_space<semaphore_mem>>
    %dma_start3A_854 = tpu.memref_squeeze %dma_start3A_853 : memref<1x!tpu.dma_semaphore, #tpu.memory_space<semaphore_mem>> -> memref<!tpu.dma_semaphore, #tpu.memory_space<semaphore_mem>>
    %dma_start3A_855 = arith.constant 608 : i32
    %dma_start3A_856 = arith.constant 0 : i32
    %dma_start3A_857 = arith.constant 0 : i32
    %dma_start3A_858 = tpu.memref_slice %arg1[%dma_start3A_855, %dma_start3A_856, %dma_start3A_857] : memref<1024x200x128xf32, #tpu.memory_space<any>> -> memref<8x200x128xf32, #tpu.memory_space<any>>
    tpu.enqueue_dma source(%arg2 : memref<8x200x128xf32, #tpu.memory_space<vmem>>) target(%dma_start3A_858 : memref<8x200x128xf32, #tpu.memory_space<any>>) target_semaphore(%dma_start3A_854 : memref<!tpu.dma_semaphore, #tpu.memory_space<semaphore_mem>>)
    %dma_wait3A_859 = arith.constant 13 : i32
    %dma_wait3A_860 = tpu.memref_slice %arg3[%dma_wait3A_859] : memref<32x!tpu.dma_semaphore, #tpu.memory_space<semaphore_mem>> -> memref<1x!tpu.dma_semaphore, #tpu.memory_space<semaphore_mem>>
    %dma_wait3A_861 = tpu.memref_squeeze %dma_wait3A_860 : memref<1x!tpu.dma_semaphore, #tpu.memory_space<semaphore_mem>> -> memref<!tpu.dma_semaphore, #tpu.memory_space<semaphore_mem>>
    %dma_wait3A_862 = arith.constant 360 : i32
    %dma_wait3A_863 = arith.constant 0 : i32
    %dma_wait3A_864 = arith.constant 0 : i32
    %dma_wait3A_865 = tpu.memref_slice %arg1[%dma_wait3A_862, %dma_wait3A_863, %dma_wait3A_864] : memref<1024x200x128xf32, #tpu.memory_space<any>> -> memref<8x200x128xf32, #tpu.memory_space<any>>
    tpu.wait_dma2 semaphore(%dma_wait3A_861 : memref<!tpu.dma_semaphore, #tpu.memory_space<semaphore_mem>>) src(%arg2 : memref<8x200x128xf32, #tpu.memory_space<vmem>>) dst(%dma_wait3A_865 : memref<8x200x128xf32, #tpu.memory_space<any>>)
    %dma_start3A_866 = arith.constant 13 : i32
    %dma_start3A_867 = tpu.memref_slice %arg3[%dma_start3A_866] : memref<32x!tpu.dma_semaphore, #tpu.memory_space<semaphore_mem>> -> memref<1x!tpu.dma_semaphore, #tpu.memory_space<semaphore_mem>>
    %dma_start3A_868 = tpu.memref_squeeze %dma_start3A_867 : memref<1x!tpu.dma_semaphore, #tpu.memory_space<semaphore_mem>> -> memref<!tpu.dma_semaphore, #tpu.memory_space<semaphore_mem>>
    %dma_start3A_869 = arith.constant 616 : i32
    %dma_start3A_870 = arith.constant 0 : i32
    %dma_start3A_871 = arith.constant 0 : i32
    %dma_start3A_872 = tpu.memref_slice %arg1[%dma_start3A_869, %dma_start3A_870, %dma_start3A_871] : memref<1024x200x128xf32, #tpu.memory_space<any>> -> memref<8x200x128xf32, #tpu.memory_space<any>>
    tpu.enqueue_dma source(%arg2 : memref<8x200x128xf32, #tpu.memory_space<vmem>>) target(%dma_start3A_872 : memref<8x200x128xf32, #tpu.memory_space<any>>) target_semaphore(%dma_start3A_868 : memref<!tpu.dma_semaphore, #tpu.memory_space<semaphore_mem>>)
    %dma_wait3A_873 = arith.constant 14 : i32
    %dma_wait3A_874 = tpu.memref_slice %arg3[%dma_wait3A_873] : memref<32x!tpu.dma_semaphore, #tpu.memory_space<semaphore_mem>> -> memref<1x!tpu.dma_semaphore, #tpu.memory_space<semaphore_mem>>
    %dma_wait3A_875 = tpu.memref_squeeze %dma_wait3A_874 : memref<1x!tpu.dma_semaphore, #tpu.memory_space<semaphore_mem>> -> memref<!tpu.dma_semaphore, #tpu.memory_space<semaphore_mem>>
    %dma_wait3A_876 = arith.constant 368 : i32
    %dma_wait3A_877 = arith.constant 0 : i32
    %dma_wait3A_878 = arith.constant 0 : i32
    %dma_wait3A_879 = tpu.memref_slice %arg1[%dma_wait3A_876, %dma_wait3A_877, %dma_wait3A_878] : memref<1024x200x128xf32, #tpu.memory_space<any>> -> memref<8x200x128xf32, #tpu.memory_space<any>>
    tpu.wait_dma2 semaphore(%dma_wait3A_875 : memref<!tpu.dma_semaphore, #tpu.memory_space<semaphore_mem>>) src(%arg2 : memref<8x200x128xf32, #tpu.memory_space<vmem>>) dst(%dma_wait3A_879 : memref<8x200x128xf32, #tpu.memory_space<any>>)
    %dma_start3A_880 = arith.constant 14 : i32
    %dma_start3A_881 = tpu.memref_slice %arg3[%dma_start3A_880] : memref<32x!tpu.dma_semaphore, #tpu.memory_space<semaphore_mem>> -> memref<1x!tpu.dma_semaphore, #tpu.memory_space<semaphore_mem>>
    %dma_start3A_882 = tpu.memref_squeeze %dma_start3A_881 : memref<1x!tpu.dma_semaphore, #tpu.memory_space<semaphore_mem>> -> memref<!tpu.dma_semaphore, #tpu.memory_space<semaphore_mem>>
    %dma_start3A_883 = arith.constant 624 : i32
    %dma_start3A_884 = arith.constant 0 : i32
    %dma_start3A_885 = arith.constant 0 : i32
    %dma_start3A_886 = tpu.memref_slice %arg1[%dma_start3A_883, %dma_start3A_884, %dma_start3A_885] : memref<1024x200x128xf32, #tpu.memory_space<any>> -> memref<8x200x128xf32, #tpu.memory_space<any>>
    tpu.enqueue_dma source(%arg2 : memref<8x200x128xf32, #tpu.memory_space<vmem>>) target(%dma_start3A_886 : memref<8x200x128xf32, #tpu.memory_space<any>>) target_semaphore(%dma_start3A_882 : memref<!tpu.dma_semaphore, #tpu.memory_space<semaphore_mem>>)
    %dma_wait3A_887 = arith.constant 15 : i32
    %dma_wait3A_888 = tpu.memref_slice %arg3[%dma_wait3A_887] : memref<32x!tpu.dma_semaphore, #tpu.memory_space<semaphore_mem>> -> memref<1x!tpu.dma_semaphore, #tpu.memory_space<semaphore_mem>>
    %dma_wait3A_889 = tpu.memref_squeeze %dma_wait3A_888 : memref<1x!tpu.dma_semaphore, #tpu.memory_space<semaphore_mem>> -> memref<!tpu.dma_semaphore, #tpu.memory_space<semaphore_mem>>
    %dma_wait3A_890 = arith.constant 376 : i32
    %dma_wait3A_891 = arith.constant 0 : i32
    %dma_wait3A_892 = arith.constant 0 : i32
    %dma_wait3A_893 = tpu.memref_slice %arg1[%dma_wait3A_890, %dma_wait3A_891, %dma_wait3A_892] : memref<1024x200x128xf32, #tpu.memory_space<any>> -> memref<8x200x128xf32, #tpu.memory_space<any>>
    tpu.wait_dma2 semaphore(%dma_wait3A_889 : memref<!tpu.dma_semaphore, #tpu.memory_space<semaphore_mem>>) src(%arg2 : memref<8x200x128xf32, #tpu.memory_space<vmem>>) dst(%dma_wait3A_893 : memref<8x200x128xf32, #tpu.memory_space<any>>)
    %dma_start3A_894 = arith.constant 15 : i32
    %dma_start3A_895 = tpu.memref_slice %arg3[%dma_start3A_894] : memref<32x!tpu.dma_semaphore, #tpu.memory_space<semaphore_mem>> -> memref<1x!tpu.dma_semaphore, #tpu.memory_space<semaphore_mem>>
    %dma_start3A_896 = tpu.memref_squeeze %dma_start3A_895 : memref<1x!tpu.dma_semaphore, #tpu.memory_space<semaphore_mem>> -> memref<!tpu.dma_semaphore, #tpu.memory_space<semaphore_mem>>
    %dma_start3A_897 = arith.constant 632 : i32
    %dma_start3A_898 = arith.constant 0 : i32
    %dma_start3A_899 = arith.constant 0 : i32
    %dma_start3A_900 = tpu.memref_slice %arg1[%dma_start3A_897, %dma_start3A_898, %dma_start3A_899] : memref<1024x200x128xf32, #tpu.memory_space<any>> -> memref<8x200x128xf32, #tpu.memory_space<any>>
    tpu.enqueue_dma source(%arg2 : memref<8x200x128xf32, #tpu.memory_space<vmem>>) target(%dma_start3A_900 : memref<8x200x128xf32, #tpu.memory_space<any>>) target_semaphore(%dma_start3A_896 : memref<!tpu.dma_semaphore, #tpu.memory_space<semaphore_mem>>)
    %dma_wait3A_901 = arith.constant 16 : i32
    %dma_wait3A_902 = tpu.memref_slice %arg3[%dma_wait3A_901] : memref<32x!tpu.dma_semaphore, #tpu.memory_space<semaphore_mem>> -> memref<1x!tpu.dma_semaphore, #tpu.memory_space<semaphore_mem>>
    %dma_wait3A_903 = tpu.memref_squeeze %dma_wait3A_902 : memref<1x!tpu.dma_semaphore, #tpu.memory_space<semaphore_mem>> -> memref<!tpu.dma_semaphore, #tpu.memory_space<semaphore_mem>>
    %dma_wait3A_904 = arith.constant 384 : i32
    %dma_wait3A_905 = arith.constant 0 : i32
    %dma_wait3A_906 = arith.constant 0 : i32
    %dma_wait3A_907 = tpu.memref_slice %arg1[%dma_wait3A_904, %dma_wait3A_905, %dma_wait3A_906] : memref<1024x200x128xf32, #tpu.memory_space<any>> -> memref<8x200x128xf32, #tpu.memory_space<any>>
    tpu.wait_dma2 semaphore(%dma_wait3A_903 : memref<!tpu.dma_semaphore, #tpu.memory_space<semaphore_mem>>) src(%arg2 : memref<8x200x128xf32, #tpu.memory_space<vmem>>) dst(%dma_wait3A_907 : memref<8x200x128xf32, #tpu.memory_space<any>>)
    %dma_start3A_908 = arith.constant 16 : i32
    %dma_start3A_909 = tpu.memref_slice %arg3[%dma_start3A_908] : memref<32x!tpu.dma_semaphore, #tpu.memory_space<semaphore_mem>> -> memref<1x!tpu.dma_semaphore, #tpu.memory_space<semaphore_mem>>
    %dma_start3A_910 = tpu.memref_squeeze %dma_start3A_909 : memref<1x!tpu.dma_semaphore, #tpu.memory_space<semaphore_mem>> -> memref<!tpu.dma_semaphore, #tpu.memory_space<semaphore_mem>>
    %dma_start3A_911 = arith.constant 640 : i32
    %dma_start3A_912 = arith.constant 0 : i32
    %dma_start3A_913 = arith.constant 0 : i32
    %dma_start3A_914 = tpu.memref_slice %arg1[%dma_start3A_911, %dma_start3A_912, %dma_start3A_913] : memref<1024x200x128xf32, #tpu.memory_space<any>> -> memref<8x200x128xf32, #tpu.memory_space<any>>
    tpu.enqueue_dma source(%arg2 : memref<8x200x128xf32, #tpu.memory_space<vmem>>) target(%dma_start3A_914 : memref<8x200x128xf32, #tpu.memory_space<any>>) target_semaphore(%dma_start3A_910 : memref<!tpu.dma_semaphore, #tpu.memory_space<semaphore_mem>>)
    %dma_wait3A_915 = arith.constant 17 : i32
    %dma_wait3A_916 = tpu.memref_slice %arg3[%dma_wait3A_915] : memref<32x!tpu.dma_semaphore, #tpu.memory_space<semaphore_mem>> -> memref<1x!tpu.dma_semaphore, #tpu.memory_space<semaphore_mem>>
    %dma_wait3A_917 = tpu.memref_squeeze %dma_wait3A_916 : memref<1x!tpu.dma_semaphore, #tpu.memory_space<semaphore_mem>> -> memref<!tpu.dma_semaphore, #tpu.memory_space<semaphore_mem>>
    %dma_wait3A_918 = arith.constant 392 : i32
    %dma_wait3A_919 = arith.constant 0 : i32
    %dma_wait3A_920 = arith.constant 0 : i32
    %dma_wait3A_921 = tpu.memref_slice %arg1[%dma_wait3A_918, %dma_wait3A_919, %dma_wait3A_920] : memref<1024x200x128xf32, #tpu.memory_space<any>> -> memref<8x200x128xf32, #tpu.memory_space<any>>
    tpu.wait_dma2 semaphore(%dma_wait3A_917 : memref<!tpu.dma_semaphore, #tpu.memory_space<semaphore_mem>>) src(%arg2 : memref<8x200x128xf32, #tpu.memory_space<vmem>>) dst(%dma_wait3A_921 : memref<8x200x128xf32, #tpu.memory_space<any>>)
    %dma_start3A_922 = arith.constant 17 : i32
    %dma_start3A_923 = tpu.memref_slice %arg3[%dma_start3A_922] : memref<32x!tpu.dma_semaphore, #tpu.memory_space<semaphore_mem>> -> memref<1x!tpu.dma_semaphore, #tpu.memory_space<semaphore_mem>>
    %dma_start3A_924 = tpu.memref_squeeze %dma_start3A_923 : memref<1x!tpu.dma_semaphore, #tpu.memory_space<semaphore_mem>> -> memref<!tpu.dma_semaphore, #tpu.memory_space<semaphore_mem>>
    %dma_start3A_925 = arith.constant 648 : i32
    %dma_start3A_926 = arith.constant 0 : i32
    %dma_start3A_927 = arith.constant 0 : i32
    %dma_start3A_928 = tpu.memref_slice %arg1[%dma_start3A_925, %dma_start3A_926, %dma_start3A_927] : memref<1024x200x128xf32, #tpu.memory_space<any>> -> memref<8x200x128xf32, #tpu.memory_space<any>>
    tpu.enqueue_dma source(%arg2 : memref<8x200x128xf32, #tpu.memory_space<vmem>>) target(%dma_start3A_928 : memref<8x200x128xf32, #tpu.memory_space<any>>) target_semaphore(%dma_start3A_924 : memref<!tpu.dma_semaphore, #tpu.memory_space<semaphore_mem>>)
    %dma_wait3A_929 = arith.constant 18 : i32
    %dma_wait3A_930 = tpu.memref_slice %arg3[%dma_wait3A_929] : memref<32x!tpu.dma_semaphore, #tpu.memory_space<semaphore_mem>> -> memref<1x!tpu.dma_semaphore, #tpu.memory_space<semaphore_mem>>
    %dma_wait3A_931 = tpu.memref_squeeze %dma_wait3A_930 : memref<1x!tpu.dma_semaphore, #tpu.memory_space<semaphore_mem>> -> memref<!tpu.dma_semaphore, #tpu.memory_space<semaphore_mem>>
    %dma_wait3A_932 = arith.constant 400 : i32
    %dma_wait3A_933 = arith.constant 0 : i32
    %dma_wait3A_934 = arith.constant 0 : i32
    %dma_wait3A_935 = tpu.memref_slice %arg1[%dma_wait3A_932, %dma_wait3A_933, %dma_wait3A_934] : memref<1024x200x128xf32, #tpu.memory_space<any>> -> memref<8x200x128xf32, #tpu.memory_space<any>>
    tpu.wait_dma2 semaphore(%dma_wait3A_931 : memref<!tpu.dma_semaphore, #tpu.memory_space<semaphore_mem>>) src(%arg2 : memref<8x200x128xf32, #tpu.memory_space<vmem>>) dst(%dma_wait3A_935 : memref<8x200x128xf32, #tpu.memory_space<any>>)
    %dma_start3A_936 = arith.constant 18 : i32
    %dma_start3A_937 = tpu.memref_slice %arg3[%dma_start3A_936] : memref<32x!tpu.dma_semaphore, #tpu.memory_space<semaphore_mem>> -> memref<1x!tpu.dma_semaphore, #tpu.memory_space<semaphore_mem>>
    %dma_start3A_938 = tpu.memref_squeeze %dma_start3A_937 : memref<1x!tpu.dma_semaphore, #tpu.memory_space<semaphore_mem>> -> memref<!tpu.dma_semaphore, #tpu.memory_space<semaphore_mem>>
    %dma_start3A_939 = arith.constant 656 : i32
    %dma_start3A_940 = arith.constant 0 : i32
    %dma_start3A_941 = arith.constant 0 : i32
    %dma_start3A_942 = tpu.memref_slice %arg1[%dma_start3A_939, %dma_start3A_940, %dma_start3A_941] : memref<1024x200x128xf32, #tpu.memory_space<any>> -> memref<8x200x128xf32, #tpu.memory_space<any>>
    tpu.enqueue_dma source(%arg2 : memref<8x200x128xf32, #tpu.memory_space<vmem>>) target(%dma_start3A_942 : memref<8x200x128xf32, #tpu.memory_space<any>>) target_semaphore(%dma_start3A_938 : memref<!tpu.dma_semaphore, #tpu.memory_space<semaphore_mem>>)
    %dma_wait3A_943 = arith.constant 19 : i32
    %dma_wait3A_944 = tpu.memref_slice %arg3[%dma_wait3A_943] : memref<32x!tpu.dma_semaphore, #tpu.memory_space<semaphore_mem>> -> memref<1x!tpu.dma_semaphore, #tpu.memory_space<semaphore_mem>>
    %dma_wait3A_945 = tpu.memref_squeeze %dma_wait3A_944 : memref<1x!tpu.dma_semaphore, #tpu.memory_space<semaphore_mem>> -> memref<!tpu.dma_semaphore, #tpu.memory_space<semaphore_mem>>
    %dma_wait3A_946 = arith.constant 408 : i32
    %dma_wait3A_947 = arith.constant 0 : i32
    %dma_wait3A_948 = arith.constant 0 : i32
    %dma_wait3A_949 = tpu.memref_slice %arg1[%dma_wait3A_946, %dma_wait3A_947, %dma_wait3A_948] : memref<1024x200x128xf32, #tpu.memory_space<any>> -> memref<8x200x128xf32, #tpu.memory_space<any>>
    tpu.wait_dma2 semaphore(%dma_wait3A_945 : memref<!tpu.dma_semaphore, #tpu.memory_space<semaphore_mem>>) src(%arg2 : memref<8x200x128xf32, #tpu.memory_space<vmem>>) dst(%dma_wait3A_949 : memref<8x200x128xf32, #tpu.memory_space<any>>)
    %dma_start3A_950 = arith.constant 19 : i32
    %dma_start3A_951 = tpu.memref_slice %arg3[%dma_start3A_950] : memref<32x!tpu.dma_semaphore, #tpu.memory_space<semaphore_mem>> -> memref<1x!tpu.dma_semaphore, #tpu.memory_space<semaphore_mem>>
    %dma_start3A_952 = tpu.memref_squeeze %dma_start3A_951 : memref<1x!tpu.dma_semaphore, #tpu.memory_space<semaphore_mem>> -> memref<!tpu.dma_semaphore, #tpu.memory_space<semaphore_mem>>
    %dma_start3A_953 = arith.constant 664 : i32
    %dma_start3A_954 = arith.constant 0 : i32
    %dma_start3A_955 = arith.constant 0 : i32
    %dma_start3A_956 = tpu.memref_slice %arg1[%dma_start3A_953, %dma_start3A_954, %dma_start3A_955] : memref<1024x200x128xf32, #tpu.memory_space<any>> -> memref<8x200x128xf32, #tpu.memory_space<any>>
    tpu.enqueue_dma source(%arg2 : memref<8x200x128xf32, #tpu.memory_space<vmem>>) target(%dma_start3A_956 : memref<8x200x128xf32, #tpu.memory_space<any>>) target_semaphore(%dma_start3A_952 : memref<!tpu.dma_semaphore, #tpu.memory_space<semaphore_mem>>)
    %dma_wait3A_957 = arith.constant 20 : i32
    %dma_wait3A_958 = tpu.memref_slice %arg3[%dma_wait3A_957] : memref<32x!tpu.dma_semaphore, #tpu.memory_space<semaphore_mem>> -> memref<1x!tpu.dma_semaphore, #tpu.memory_space<semaphore_mem>>
    %dma_wait3A_959 = tpu.memref_squeeze %dma_wait3A_958 : memref<1x!tpu.dma_semaphore, #tpu.memory_space<semaphore_mem>> -> memref<!tpu.dma_semaphore, #tpu.memory_space<semaphore_mem>>
    %dma_wait3A_960 = arith.constant 416 : i32
    %dma_wait3A_961 = arith.constant 0 : i32
    %dma_wait3A_962 = arith.constant 0 : i32
    %dma_wait3A_963 = tpu.memref_slice %arg1[%dma_wait3A_960, %dma_wait3A_961, %dma_wait3A_962] : memref<1024x200x128xf32, #tpu.memory_space<any>> -> memref<8x200x128xf32, #tpu.memory_space<any>>
    tpu.wait_dma2 semaphore(%dma_wait3A_959 : memref<!tpu.dma_semaphore, #tpu.memory_space<semaphore_mem>>) src(%arg2 : memref<8x200x128xf32, #tpu.memory_space<vmem>>) dst(%dma_wait3A_963 : memref<8x200x128xf32, #tpu.memory_space<any>>)
    %dma_start3A_964 = arith.constant 20 : i32
    %dma_start3A_965 = tpu.memref_slice %arg3[%dma_start3A_964] : memref<32x!tpu.dma_semaphore, #tpu.memory_space<semaphore_mem>> -> memref<1x!tpu.dma_semaphore, #tpu.memory_space<semaphore_mem>>
    %dma_start3A_966 = tpu.memref_squeeze %dma_start3A_965 : memref<1x!tpu.dma_semaphore, #tpu.memory_space<semaphore_mem>> -> memref<!tpu.dma_semaphore, #tpu.memory_space<semaphore_mem>>
    %dma_start3A_967 = arith.constant 672 : i32
    %dma_start3A_968 = arith.constant 0 : i32
    %dma_start3A_969 = arith.constant 0 : i32
    %dma_start3A_970 = tpu.memref_slice %arg1[%dma_start3A_967, %dma_start3A_968, %dma_start3A_969] : memref<1024x200x128xf32, #tpu.memory_space<any>> -> memref<8x200x128xf32, #tpu.memory_space<any>>
    tpu.enqueue_dma source(%arg2 : memref<8x200x128xf32, #tpu.memory_space<vmem>>) target(%dma_start3A_970 : memref<8x200x128xf32, #tpu.memory_space<any>>) target_semaphore(%dma_start3A_966 : memref<!tpu.dma_semaphore, #tpu.memory_space<semaphore_mem>>)
    %dma_wait3A_971 = arith.constant 21 : i32
    %dma_wait3A_972 = tpu.memref_slice %arg3[%dma_wait3A_971] : memref<32x!tpu.dma_semaphore, #tpu.memory_space<semaphore_mem>> -> memref<1x!tpu.dma_semaphore, #tpu.memory_space<semaphore_mem>>
    %dma_wait3A_973 = tpu.memref_squeeze %dma_wait3A_972 : memref<1x!tpu.dma_semaphore, #tpu.memory_space<semaphore_mem>> -> memref<!tpu.dma_semaphore, #tpu.memory_space<semaphore_mem>>
    %dma_wait3A_974 = arith.constant 424 : i32
    %dma_wait3A_975 = arith.constant 0 : i32
    %dma_wait3A_976 = arith.constant 0 : i32
    %dma_wait3A_977 = tpu.memref_slice %arg1[%dma_wait3A_974, %dma_wait3A_975, %dma_wait3A_976] : memref<1024x200x128xf32, #tpu.memory_space<any>> -> memref<8x200x128xf32, #tpu.memory_space<any>>
    tpu.wait_dma2 semaphore(%dma_wait3A_973 : memref<!tpu.dma_semaphore, #tpu.memory_space<semaphore_mem>>) src(%arg2 : memref<8x200x128xf32, #tpu.memory_space<vmem>>) dst(%dma_wait3A_977 : memref<8x200x128xf32, #tpu.memory_space<any>>)
    %dma_start3A_978 = arith.constant 21 : i32
    %dma_start3A_979 = tpu.memref_slice %arg3[%dma_start3A_978] : memref<32x!tpu.dma_semaphore, #tpu.memory_space<semaphore_mem>> -> memref<1x!tpu.dma_semaphore, #tpu.memory_space<semaphore_mem>>
    %dma_start3A_980 = tpu.memref_squeeze %dma_start3A_979 : memref<1x!tpu.dma_semaphore, #tpu.memory_space<semaphore_mem>> -> memref<!tpu.dma_semaphore, #tpu.memory_space<semaphore_mem>>
    %dma_start3A_981 = arith.constant 680 : i32
    %dma_start3A_982 = arith.constant 0 : i32
    %dma_start3A_983 = arith.constant 0 : i32
    %dma_start3A_984 = tpu.memref_slice %arg1[%dma_start3A_981, %dma_start3A_982, %dma_start3A_983] : memref<1024x200x128xf32, #tpu.memory_space<any>> -> memref<8x200x128xf32, #tpu.memory_space<any>>
    tpu.enqueue_dma source(%arg2 : memref<8x200x128xf32, #tpu.memory_space<vmem>>) target(%dma_start3A_984 : memref<8x200x128xf32, #tpu.memory_space<any>>) target_semaphore(%dma_start3A_980 : memref<!tpu.dma_semaphore, #tpu.memory_space<semaphore_mem>>)
    %dma_wait3A_985 = arith.constant 22 : i32
    %dma_wait3A_986 = tpu.memref_slice %arg3[%dma_wait3A_985] : memref<32x!tpu.dma_semaphore, #tpu.memory_space<semaphore_mem>> -> memref<1x!tpu.dma_semaphore, #tpu.memory_space<semaphore_mem>>
    %dma_wait3A_987 = tpu.memref_squeeze %dma_wait3A_986 : memref<1x!tpu.dma_semaphore, #tpu.memory_space<semaphore_mem>> -> memref<!tpu.dma_semaphore, #tpu.memory_space<semaphore_mem>>
    %dma_wait3A_988 = arith.constant 432 : i32
    %dma_wait3A_989 = arith.constant 0 : i32
    %dma_wait3A_990 = arith.constant 0 : i32
    %dma_wait3A_991 = tpu.memref_slice %arg1[%dma_wait3A_988, %dma_wait3A_989, %dma_wait3A_990] : memref<1024x200x128xf32, #tpu.memory_space<any>> -> memref<8x200x128xf32, #tpu.memory_space<any>>
    tpu.wait_dma2 semaphore(%dma_wait3A_987 : memref<!tpu.dma_semaphore, #tpu.memory_space<semaphore_mem>>) src(%arg2 : memref<8x200x128xf32, #tpu.memory_space<vmem>>) dst(%dma_wait3A_991 : memref<8x200x128xf32, #tpu.memory_space<any>>)
    %dma_start3A_992 = arith.constant 22 : i32
    %dma_start3A_993 = tpu.memref_slice %arg3[%dma_start3A_992] : memref<32x!tpu.dma_semaphore, #tpu.memory_space<semaphore_mem>> -> memref<1x!tpu.dma_semaphore, #tpu.memory_space<semaphore_mem>>
    %dma_start3A_994 = tpu.memref_squeeze %dma_start3A_993 : memref<1x!tpu.dma_semaphore, #tpu.memory_space<semaphore_mem>> -> memref<!tpu.dma_semaphore, #tpu.memory_space<semaphore_mem>>
    %dma_start3A_995 = arith.constant 688 : i32
    %dma_start3A_996 = arith.constant 0 : i32
    %dma_start3A_997 = arith.constant 0 : i32
    %dma_start3A_998 = tpu.memref_slice %arg1[%dma_start3A_995, %dma_start3A_996, %dma_start3A_997] : memref<1024x200x128xf32, #tpu.memory_space<any>> -> memref<8x200x128xf32, #tpu.memory_space<any>>
    tpu.enqueue_dma source(%arg2 : memref<8x200x128xf32, #tpu.memory_space<vmem>>) target(%dma_start3A_998 : memref<8x200x128xf32, #tpu.memory_space<any>>) target_semaphore(%dma_start3A_994 : memref<!tpu.dma_semaphore, #tpu.memory_space<semaphore_mem>>)
    %dma_wait3A_999 = arith.constant 23 : i32
    %dma_wait3A_1000 = tpu.memref_slice %arg3[%dma_wait3A_999] : memref<32x!tpu.dma_semaphore, #tpu.memory_space<semaphore_mem>> -> memref<1x!tpu.dma_semaphore, #tpu.memory_space<semaphore_mem>>
    %dma_wait3A_1001 = tpu.memref_squeeze %dma_wait3A_1000 : memref<1x!tpu.dma_semaphore, #tpu.memory_space<semaphore_mem>> -> memref<!tpu.dma_semaphore, #tpu.memory_space<semaphore_mem>>
    %dma_wait3A_1002 = arith.constant 440 : i32
    %dma_wait3A_1003 = arith.constant 0 : i32
    %dma_wait3A_1004 = arith.constant 0 : i32
    %dma_wait3A_1005 = tpu.memref_slice %arg1[%dma_wait3A_1002, %dma_wait3A_1003, %dma_wait3A_1004] : memref<1024x200x128xf32, #tpu.memory_space<any>> -> memref<8x200x128xf32, #tpu.memory_space<any>>
    tpu.wait_dma2 semaphore(%dma_wait3A_1001 : memref<!tpu.dma_semaphore, #tpu.memory_space<semaphore_mem>>) src(%arg2 : memref<8x200x128xf32, #tpu.memory_space<vmem>>) dst(%dma_wait3A_1005 : memref<8x200x128xf32, #tpu.memory_space<any>>)
    %dma_start3A_1006 = arith.constant 23 : i32
    %dma_start3A_1007 = tpu.memref_slice %arg3[%dma_start3A_1006] : memref<32x!tpu.dma_semaphore, #tpu.memory_space<semaphore_mem>> -> memref<1x!tpu.dma_semaphore, #tpu.memory_space<semaphore_mem>>
    %dma_start3A_1008 = tpu.memref_squeeze %dma_start3A_1007 : memref<1x!tpu.dma_semaphore, #tpu.memory_space<semaphore_mem>> -> memref<!tpu.dma_semaphore, #tpu.memory_space<semaphore_mem>>
    %dma_start3A_1009 = arith.constant 696 : i32
    %dma_start3A_1010 = arith.constant 0 : i32
    %dma_start3A_1011 = arith.constant 0 : i32
    %dma_start3A_1012 = tpu.memref_slice %arg1[%dma_start3A_1009, %dma_start3A_1010, %dma_start3A_1011] : memref<1024x200x128xf32, #tpu.memory_space<any>> -> memref<8x200x128xf32, #tpu.memory_space<any>>
    tpu.enqueue_dma source(%arg2 : memref<8x200x128xf32, #tpu.memory_space<vmem>>) target(%dma_start3A_1012 : memref<8x200x128xf32, #tpu.memory_space<any>>) target_semaphore(%dma_start3A_1008 : memref<!tpu.dma_semaphore, #tpu.memory_space<semaphore_mem>>)
    %dma_wait3A_1013 = arith.constant 24 : i32
    %dma_wait3A_1014 = tpu.memref_slice %arg3[%dma_wait3A_1013] : memref<32x!tpu.dma_semaphore, #tpu.memory_space<semaphore_mem>> -> memref<1x!tpu.dma_semaphore, #tpu.memory_space<semaphore_mem>>
    %dma_wait3A_1015 = tpu.memref_squeeze %dma_wait3A_1014 : memref<1x!tpu.dma_semaphore, #tpu.memory_space<semaphore_mem>> -> memref<!tpu.dma_semaphore, #tpu.memory_space<semaphore_mem>>
    %dma_wait3A_1016 = arith.constant 448 : i32
    %dma_wait3A_1017 = arith.constant 0 : i32
    %dma_wait3A_1018 = arith.constant 0 : i32
    %dma_wait3A_1019 = tpu.memref_slice %arg1[%dma_wait3A_1016, %dma_wait3A_1017, %dma_wait3A_1018] : memref<1024x200x128xf32, #tpu.memory_space<any>> -> memref<8x200x128xf32, #tpu.memory_space<any>>
    tpu.wait_dma2 semaphore(%dma_wait3A_1015 : memref<!tpu.dma_semaphore, #tpu.memory_space<semaphore_mem>>) src(%arg2 : memref<8x200x128xf32, #tpu.memory_space<vmem>>) dst(%dma_wait3A_1019 : memref<8x200x128xf32, #tpu.memory_space<any>>)
    %dma_start3A_1020 = arith.constant 24 : i32
    %dma_start3A_1021 = tpu.memref_slice %arg3[%dma_start3A_1020] : memref<32x!tpu.dma_semaphore, #tpu.memory_space<semaphore_mem>> -> memref<1x!tpu.dma_semaphore, #tpu.memory_space<semaphore_mem>>
    %dma_start3A_1022 = tpu.memref_squeeze %dma_start3A_1021 : memref<1x!tpu.dma_semaphore, #tpu.memory_space<semaphore_mem>> -> memref<!tpu.dma_semaphore, #tpu.memory_space<semaphore_mem>>
    %dma_start3A_1023 = arith.constant 704 : i32
    %dma_start3A_1024 = arith.constant 0 : i32
    %dma_start3A_1025 = arith.constant 0 : i32
    %dma_start3A_1026 = tpu.memref_slice %arg1[%dma_start3A_1023, %dma_start3A_1024, %dma_start3A_1025] : memref<1024x200x128xf32, #tpu.memory_space<any>> -> memref<8x200x128xf32, #tpu.memory_space<any>>
    tpu.enqueue_dma source(%arg2 : memref<8x200x128xf32, #tpu.memory_space<vmem>>) target(%dma_start3A_1026 : memref<8x200x128xf32, #tpu.memory_space<any>>) target_semaphore(%dma_start3A_1022 : memref<!tpu.dma_semaphore, #tpu.memory_space<semaphore_mem>>)
    %dma_wait3A_1027 = arith.constant 25 : i32
    %dma_wait3A_1028 = tpu.memref_slice %arg3[%dma_wait3A_1027] : memref<32x!tpu.dma_semaphore, #tpu.memory_space<semaphore_mem>> -> memref<1x!tpu.dma_semaphore, #tpu.memory_space<semaphore_mem>>
    %dma_wait3A_1029 = tpu.memref_squeeze %dma_wait3A_1028 : memref<1x!tpu.dma_semaphore, #tpu.memory_space<semaphore_mem>> -> memref<!tpu.dma_semaphore, #tpu.memory_space<semaphore_mem>>
    %dma_wait3A_1030 = arith.constant 456 : i32
    %dma_wait3A_1031 = arith.constant 0 : i32
    %dma_wait3A_1032 = arith.constant 0 : i32
    %dma_wait3A_1033 = tpu.memref_slice %arg1[%dma_wait3A_1030, %dma_wait3A_1031, %dma_wait3A_1032] : memref<1024x200x128xf32, #tpu.memory_space<any>> -> memref<8x200x128xf32, #tpu.memory_space<any>>
    tpu.wait_dma2 semaphore(%dma_wait3A_1029 : memref<!tpu.dma_semaphore, #tpu.memory_space<semaphore_mem>>) src(%arg2 : memref<8x200x128xf32, #tpu.memory_space<vmem>>) dst(%dma_wait3A_1033 : memref<8x200x128xf32, #tpu.memory_space<any>>)
    %dma_start3A_1034 = arith.constant 25 : i32
    %dma_start3A_1035 = tpu.memref_slice %arg3[%dma_start3A_1034] : memref<32x!tpu.dma_semaphore, #tpu.memory_space<semaphore_mem>> -> memref<1x!tpu.dma_semaphore, #tpu.memory_space<semaphore_mem>>
    %dma_start3A_1036 = tpu.memref_squeeze %dma_start3A_1035 : memref<1x!tpu.dma_semaphore, #tpu.memory_space<semaphore_mem>> -> memref<!tpu.dma_semaphore, #tpu.memory_space<semaphore_mem>>
    %dma_start3A_1037 = arith.constant 712 : i32
    %dma_start3A_1038 = arith.constant 0 : i32
    %dma_start3A_1039 = arith.constant 0 : i32
    %dma_start3A_1040 = tpu.memref_slice %arg1[%dma_start3A_1037, %dma_start3A_1038, %dma_start3A_1039] : memref<1024x200x128xf32, #tpu.memory_space<any>> -> memref<8x200x128xf32, #tpu.memory_space<any>>
    tpu.enqueue_dma source(%arg2 : memref<8x200x128xf32, #tpu.memory_space<vmem>>) target(%dma_start3A_1040 : memref<8x200x128xf32, #tpu.memory_space<any>>) target_semaphore(%dma_start3A_1036 : memref<!tpu.dma_semaphore, #tpu.memory_space<semaphore_mem>>)
    %dma_wait3A_1041 = arith.constant 26 : i32
    %dma_wait3A_1042 = tpu.memref_slice %arg3[%dma_wait3A_1041] : memref<32x!tpu.dma_semaphore, #tpu.memory_space<semaphore_mem>> -> memref<1x!tpu.dma_semaphore, #tpu.memory_space<semaphore_mem>>
    %dma_wait3A_1043 = tpu.memref_squeeze %dma_wait3A_1042 : memref<1x!tpu.dma_semaphore, #tpu.memory_space<semaphore_mem>> -> memref<!tpu.dma_semaphore, #tpu.memory_space<semaphore_mem>>
    %dma_wait3A_1044 = arith.constant 464 : i32
    %dma_wait3A_1045 = arith.constant 0 : i32
    %dma_wait3A_1046 = arith.constant 0 : i32
    %dma_wait3A_1047 = tpu.memref_slice %arg1[%dma_wait3A_1044, %dma_wait3A_1045, %dma_wait3A_1046] : memref<1024x200x128xf32, #tpu.memory_space<any>> -> memref<8x200x128xf32, #tpu.memory_space<any>>
    tpu.wait_dma2 semaphore(%dma_wait3A_1043 : memref<!tpu.dma_semaphore, #tpu.memory_space<semaphore_mem>>) src(%arg2 : memref<8x200x128xf32, #tpu.memory_space<vmem>>) dst(%dma_wait3A_1047 : memref<8x200x128xf32, #tpu.memory_space<any>>)
    %dma_start3A_1048 = arith.constant 26 : i32
    %dma_start3A_1049 = tpu.memref_slice %arg3[%dma_start3A_1048] : memref<32x!tpu.dma_semaphore, #tpu.memory_space<semaphore_mem>> -> memref<1x!tpu.dma_semaphore, #tpu.memory_space<semaphore_mem>>
    %dma_start3A_1050 = tpu.memref_squeeze %dma_start3A_1049 : memref<1x!tpu.dma_semaphore, #tpu.memory_space<semaphore_mem>> -> memref<!tpu.dma_semaphore, #tpu.memory_space<semaphore_mem>>
    %dma_start3A_1051 = arith.constant 720 : i32
    %dma_start3A_1052 = arith.constant 0 : i32
    %dma_start3A_1053 = arith.constant 0 : i32
    %dma_start3A_1054 = tpu.memref_slice %arg1[%dma_start3A_1051, %dma_start3A_1052, %dma_start3A_1053] : memref<1024x200x128xf32, #tpu.memory_space<any>> -> memref<8x200x128xf32, #tpu.memory_space<any>>
    tpu.enqueue_dma source(%arg2 : memref<8x200x128xf32, #tpu.memory_space<vmem>>) target(%dma_start3A_1054 : memref<8x200x128xf32, #tpu.memory_space<any>>) target_semaphore(%dma_start3A_1050 : memref<!tpu.dma_semaphore, #tpu.memory_space<semaphore_mem>>)
    %dma_wait3A_1055 = arith.constant 27 : i32
    %dma_wait3A_1056 = tpu.memref_slice %arg3[%dma_wait3A_1055] : memref<32x!tpu.dma_semaphore, #tpu.memory_space<semaphore_mem>> -> memref<1x!tpu.dma_semaphore, #tpu.memory_space<semaphore_mem>>
    %dma_wait3A_1057 = tpu.memref_squeeze %dma_wait3A_1056 : memref<1x!tpu.dma_semaphore, #tpu.memory_space<semaphore_mem>> -> memref<!tpu.dma_semaphore, #tpu.memory_space<semaphore_mem>>
    %dma_wait3A_1058 = arith.constant 472 : i32
    %dma_wait3A_1059 = arith.constant 0 : i32
    %dma_wait3A_1060 = arith.constant 0 : i32
    %dma_wait3A_1061 = tpu.memref_slice %arg1[%dma_wait3A_1058, %dma_wait3A_1059, %dma_wait3A_1060] : memref<1024x200x128xf32, #tpu.memory_space<any>> -> memref<8x200x128xf32, #tpu.memory_space<any>>
    tpu.wait_dma2 semaphore(%dma_wait3A_1057 : memref<!tpu.dma_semaphore, #tpu.memory_space<semaphore_mem>>) src(%arg2 : memref<8x200x128xf32, #tpu.memory_space<vmem>>) dst(%dma_wait3A_1061 : memref<8x200x128xf32, #tpu.memory_space<any>>)
    %dma_start3A_1062 = arith.constant 27 : i32
    %dma_start3A_1063 = tpu.memref_slice %arg3[%dma_start3A_1062] : memref<32x!tpu.dma_semaphore, #tpu.memory_space<semaphore_mem>> -> memref<1x!tpu.dma_semaphore, #tpu.memory_space<semaphore_mem>>
    %dma_start3A_1064 = tpu.memref_squeeze %dma_start3A_1063 : memref<1x!tpu.dma_semaphore, #tpu.memory_space<semaphore_mem>> -> memref<!tpu.dma_semaphore, #tpu.memory_space<semaphore_mem>>
    %dma_start3A_1065 = arith.constant 728 : i32
    %dma_start3A_1066 = arith.constant 0 : i32
    %dma_start3A_1067 = arith.constant 0 : i32
    %dma_start3A_1068 = tpu.memref_slice %arg1[%dma_start3A_1065, %dma_start3A_1066, %dma_start3A_1067] : memref<1024x200x128xf32, #tpu.memory_space<any>> -> memref<8x200x128xf32, #tpu.memory_space<any>>
    tpu.enqueue_dma source(%arg2 : memref<8x200x128xf32, #tpu.memory_space<vmem>>) target(%dma_start3A_1068 : memref<8x200x128xf32, #tpu.memory_space<any>>) target_semaphore(%dma_start3A_1064 : memref<!tpu.dma_semaphore, #tpu.memory_space<semaphore_mem>>)
    %dma_wait3A_1069 = arith.constant 28 : i32
    %dma_wait3A_1070 = tpu.memref_slice %arg3[%dma_wait3A_1069] : memref<32x!tpu.dma_semaphore, #tpu.memory_space<semaphore_mem>> -> memref<1x!tpu.dma_semaphore, #tpu.memory_space<semaphore_mem>>
    %dma_wait3A_1071 = tpu.memref_squeeze %dma_wait3A_1070 : memref<1x!tpu.dma_semaphore, #tpu.memory_space<semaphore_mem>> -> memref<!tpu.dma_semaphore, #tpu.memory_space<semaphore_mem>>
    %dma_wait3A_1072 = arith.constant 480 : i32
    %dma_wait3A_1073 = arith.constant 0 : i32
    %dma_wait3A_1074 = arith.constant 0 : i32
    %dma_wait3A_1075 = tpu.memref_slice %arg1[%dma_wait3A_1072, %dma_wait3A_1073, %dma_wait3A_1074] : memref<1024x200x128xf32, #tpu.memory_space<any>> -> memref<8x200x128xf32, #tpu.memory_space<any>>
    tpu.wait_dma2 semaphore(%dma_wait3A_1071 : memref<!tpu.dma_semaphore, #tpu.memory_space<semaphore_mem>>) src(%arg2 : memref<8x200x128xf32, #tpu.memory_space<vmem>>) dst(%dma_wait3A_1075 : memref<8x200x128xf32, #tpu.memory_space<any>>)
    %dma_start3A_1076 = arith.constant 28 : i32
    %dma_start3A_1077 = tpu.memref_slice %arg3[%dma_start3A_1076] : memref<32x!tpu.dma_semaphore, #tpu.memory_space<semaphore_mem>> -> memref<1x!tpu.dma_semaphore, #tpu.memory_space<semaphore_mem>>
    %dma_start3A_1078 = tpu.memref_squeeze %dma_start3A_1077 : memref<1x!tpu.dma_semaphore, #tpu.memory_space<semaphore_mem>> -> memref<!tpu.dma_semaphore, #tpu.memory_space<semaphore_mem>>
    %dma_start3A_1079 = arith.constant 736 : i32
    %dma_start3A_1080 = arith.constant 0 : i32
    %dma_start3A_1081 = arith.constant 0 : i32
    %dma_start3A_1082 = tpu.memref_slice %arg1[%dma_start3A_1079, %dma_start3A_1080, %dma_start3A_1081] : memref<1024x200x128xf32, #tpu.memory_space<any>> -> memref<8x200x128xf32, #tpu.memory_space<any>>
    tpu.enqueue_dma source(%arg2 : memref<8x200x128xf32, #tpu.memory_space<vmem>>) target(%dma_start3A_1082 : memref<8x200x128xf32, #tpu.memory_space<any>>) target_semaphore(%dma_start3A_1078 : memref<!tpu.dma_semaphore, #tpu.memory_space<semaphore_mem>>)
    %dma_wait3A_1083 = arith.constant 29 : i32
    %dma_wait3A_1084 = tpu.memref_slice %arg3[%dma_wait3A_1083] : memref<32x!tpu.dma_semaphore, #tpu.memory_space<semaphore_mem>> -> memref<1x!tpu.dma_semaphore, #tpu.memory_space<semaphore_mem>>
    %dma_wait3A_1085 = tpu.memref_squeeze %dma_wait3A_1084 : memref<1x!tpu.dma_semaphore, #tpu.memory_space<semaphore_mem>> -> memref<!tpu.dma_semaphore, #tpu.memory_space<semaphore_mem>>
    %dma_wait3A_1086 = arith.constant 488 : i32
    %dma_wait3A_1087 = arith.constant 0 : i32
    %dma_wait3A_1088 = arith.constant 0 : i32
    %dma_wait3A_1089 = tpu.memref_slice %arg1[%dma_wait3A_1086, %dma_wait3A_1087, %dma_wait3A_1088] : memref<1024x200x128xf32, #tpu.memory_space<any>> -> memref<8x200x128xf32, #tpu.memory_space<any>>
    tpu.wait_dma2 semaphore(%dma_wait3A_1085 : memref<!tpu.dma_semaphore, #tpu.memory_space<semaphore_mem>>) src(%arg2 : memref<8x200x128xf32, #tpu.memory_space<vmem>>) dst(%dma_wait3A_1089 : memref<8x200x128xf32, #tpu.memory_space<any>>)
    %dma_start3A_1090 = arith.constant 29 : i32
    %dma_start3A_1091 = tpu.memref_slice %arg3[%dma_start3A_1090] : memref<32x!tpu.dma_semaphore, #tpu.memory_space<semaphore_mem>> -> memref<1x!tpu.dma_semaphore, #tpu.memory_space<semaphore_mem>>
    %dma_start3A_1092 = tpu.memref_squeeze %dma_start3A_1091 : memref<1x!tpu.dma_semaphore, #tpu.memory_space<semaphore_mem>> -> memref<!tpu.dma_semaphore, #tpu.memory_space<semaphore_mem>>
    %dma_start3A_1093 = arith.constant 744 : i32
    %dma_start3A_1094 = arith.constant 0 : i32
    %dma_start3A_1095 = arith.constant 0 : i32
    %dma_start3A_1096 = tpu.memref_slice %arg1[%dma_start3A_1093, %dma_start3A_1094, %dma_start3A_1095] : memref<1024x200x128xf32, #tpu.memory_space<any>> -> memref<8x200x128xf32, #tpu.memory_space<any>>
    tpu.enqueue_dma source(%arg2 : memref<8x200x128xf32, #tpu.memory_space<vmem>>) target(%dma_start3A_1096 : memref<8x200x128xf32, #tpu.memory_space<any>>) target_semaphore(%dma_start3A_1092 : memref<!tpu.dma_semaphore, #tpu.memory_space<semaphore_mem>>)
    %dma_wait3A_1097 = arith.constant 30 : i32
    %dma_wait3A_1098 = tpu.memref_slice %arg3[%dma_wait3A_1097] : memref<32x!tpu.dma_semaphore, #tpu.memory_space<semaphore_mem>> -> memref<1x!tpu.dma_semaphore, #tpu.memory_space<semaphore_mem>>
    %dma_wait3A_1099 = tpu.memref_squeeze %dma_wait3A_1098 : memref<1x!tpu.dma_semaphore, #tpu.memory_space<semaphore_mem>> -> memref<!tpu.dma_semaphore, #tpu.memory_space<semaphore_mem>>
    %dma_wait3A_1100 = arith.constant 496 : i32
    %dma_wait3A_1101 = arith.constant 0 : i32
    %dma_wait3A_1102 = arith.constant 0 : i32
    %dma_wait3A_1103 = tpu.memref_slice %arg1[%dma_wait3A_1100, %dma_wait3A_1101, %dma_wait3A_1102] : memref<1024x200x128xf32, #tpu.memory_space<any>> -> memref<8x200x128xf32, #tpu.memory_space<any>>
    tpu.wait_dma2 semaphore(%dma_wait3A_1099 : memref<!tpu.dma_semaphore, #tpu.memory_space<semaphore_mem>>) src(%arg2 : memref<8x200x128xf32, #tpu.memory_space<vmem>>) dst(%dma_wait3A_1103 : memref<8x200x128xf32, #tpu.memory_space<any>>)
    %dma_start3A_1104 = arith.constant 30 : i32
    %dma_start3A_1105 = tpu.memref_slice %arg3[%dma_start3A_1104] : memref<32x!tpu.dma_semaphore, #tpu.memory_space<semaphore_mem>> -> memref<1x!tpu.dma_semaphore, #tpu.memory_space<semaphore_mem>>
    %dma_start3A_1106 = tpu.memref_squeeze %dma_start3A_1105 : memref<1x!tpu.dma_semaphore, #tpu.memory_space<semaphore_mem>> -> memref<!tpu.dma_semaphore, #tpu.memory_space<semaphore_mem>>
    %dma_start3A_1107 = arith.constant 752 : i32
    %dma_start3A_1108 = arith.constant 0 : i32
    %dma_start3A_1109 = arith.constant 0 : i32
    %dma_start3A_1110 = tpu.memref_slice %arg1[%dma_start3A_1107, %dma_start3A_1108, %dma_start3A_1109] : memref<1024x200x128xf32, #tpu.memory_space<any>> -> memref<8x200x128xf32, #tpu.memory_space<any>>
    tpu.enqueue_dma source(%arg2 : memref<8x200x128xf32, #tpu.memory_space<vmem>>) target(%dma_start3A_1110 : memref<8x200x128xf32, #tpu.memory_space<any>>) target_semaphore(%dma_start3A_1106 : memref<!tpu.dma_semaphore, #tpu.memory_space<semaphore_mem>>)
    %dma_wait3A_1111 = arith.constant 31 : i32
    %dma_wait3A_1112 = tpu.memref_slice %arg3[%dma_wait3A_1111] : memref<32x!tpu.dma_semaphore, #tpu.memory_space<semaphore_mem>> -> memref<1x!tpu.dma_semaphore, #tpu.memory_space<semaphore_mem>>
    %dma_wait3A_1113 = tpu.memref_squeeze %dma_wait3A_1112 : memref<1x!tpu.dma_semaphore, #tpu.memory_space<semaphore_mem>> -> memref<!tpu.dma_semaphore, #tpu.memory_space<semaphore_mem>>
    %dma_wait3A_1114 = arith.constant 504 : i32
    %dma_wait3A_1115 = arith.constant 0 : i32
    %dma_wait3A_1116 = arith.constant 0 : i32
    %dma_wait3A_1117 = tpu.memref_slice %arg1[%dma_wait3A_1114, %dma_wait3A_1115, %dma_wait3A_1116] : memref<1024x200x128xf32, #tpu.memory_space<any>> -> memref<8x200x128xf32, #tpu.memory_space<any>>
    tpu.wait_dma2 semaphore(%dma_wait3A_1113 : memref<!tpu.dma_semaphore, #tpu.memory_space<semaphore_mem>>) src(%arg2 : memref<8x200x128xf32, #tpu.memory_space<vmem>>) dst(%dma_wait3A_1117 : memref<8x200x128xf32, #tpu.memory_space<any>>)
    %dma_start3A_1118 = arith.constant 31 : i32
    %dma_start3A_1119 = tpu.memref_slice %arg3[%dma_start3A_1118] : memref<32x!tpu.dma_semaphore, #tpu.memory_space<semaphore_mem>> -> memref<1x!tpu.dma_semaphore, #tpu.memory_space<semaphore_mem>>
    %dma_start3A_1120 = tpu.memref_squeeze %dma_start3A_1119 : memref<1x!tpu.dma_semaphore, #tpu.memory_space<semaphore_mem>> -> memref<!tpu.dma_semaphore, #tpu.memory_space<semaphore_mem>>
    %dma_start3A_1121 = arith.constant 760 : i32
    %dma_start3A_1122 = arith.constant 0 : i32
    %dma_start3A_1123 = arith.constant 0 : i32
    %dma_start3A_1124 = tpu.memref_slice %arg1[%dma_start3A_1121, %dma_start3A_1122, %dma_start3A_1123] : memref<1024x200x128xf32, #tpu.memory_space<any>> -> memref<8x200x128xf32, #tpu.memory_space<any>>
    tpu.enqueue_dma source(%arg2 : memref<8x200x128xf32, #tpu.memory_space<vmem>>) target(%dma_start3A_1124 : memref<8x200x128xf32, #tpu.memory_space<any>>) target_semaphore(%dma_start3A_1120 : memref<!tpu.dma_semaphore, #tpu.memory_space<semaphore_mem>>)
    %dma_wait3A_1125 = arith.constant 0 : i32
    %dma_wait3A_1126 = tpu.memref_slice %arg3[%dma_wait3A_1125] : memref<32x!tpu.dma_semaphore, #tpu.memory_space<semaphore_mem>> -> memref<1x!tpu.dma_semaphore, #tpu.memory_space<semaphore_mem>>
    %dma_wait3A_1127 = tpu.memref_squeeze %dma_wait3A_1126 : memref<1x!tpu.dma_semaphore, #tpu.memory_space<semaphore_mem>> -> memref<!tpu.dma_semaphore, #tpu.memory_space<semaphore_mem>>
    %dma_wait3A_1128 = arith.constant 512 : i32
    %dma_wait3A_1129 = arith.constant 0 : i32
    %dma_wait3A_1130 = arith.constant 0 : i32
    %dma_wait3A_1131 = tpu.memref_slice %arg1[%dma_wait3A_1128, %dma_wait3A_1129, %dma_wait3A_1130] : memref<1024x200x128xf32, #tpu.memory_space<any>> -> memref<8x200x128xf32, #tpu.memory_space<any>>
    tpu.wait_dma2 semaphore(%dma_wait3A_1127 : memref<!tpu.dma_semaphore, #tpu.memory_space<semaphore_mem>>) src(%arg2 : memref<8x200x128xf32, #tpu.memory_space<vmem>>) dst(%dma_wait3A_1131 : memref<8x200x128xf32, #tpu.memory_space<any>>)
    %dma_start3A_1132 = arith.constant 0 : i32
    %dma_start3A_1133 = tpu.memref_slice %arg3[%dma_start3A_1132] : memref<32x!tpu.dma_semaphore, #tpu.memory_space<semaphore_mem>> -> memref<1x!tpu.dma_semaphore, #tpu.memory_space<semaphore_mem>>
    %dma_start3A_1134 = tpu.memref_squeeze %dma_start3A_1133 : memref<1x!tpu.dma_semaphore, #tpu.memory_space<semaphore_mem>> -> memref<!tpu.dma_semaphore, #tpu.memory_space<semaphore_mem>>
    %dma_start3A_1135 = arith.constant 768 : i32
    %dma_start3A_1136 = arith.constant 0 : i32
    %dma_start3A_1137 = arith.constant 0 : i32
    %dma_start3A_1138 = tpu.memref_slice %arg1[%dma_start3A_1135, %dma_start3A_1136, %dma_start3A_1137] : memref<1024x200x128xf32, #tpu.memory_space<any>> -> memref<8x200x128xf32, #tpu.memory_space<any>>
    tpu.enqueue_dma source(%arg2 : memref<8x200x128xf32, #tpu.memory_space<vmem>>) target(%dma_start3A_1138 : memref<8x200x128xf32, #tpu.memory_space<any>>) target_semaphore(%dma_start3A_1134 : memref<!tpu.dma_semaphore, #tpu.memory_space<semaphore_mem>>)
    %dma_wait3A_1139 = arith.constant 1 : i32
    %dma_wait3A_1140 = tpu.memref_slice %arg3[%dma_wait3A_1139] : memref<32x!tpu.dma_semaphore, #tpu.memory_space<semaphore_mem>> -> memref<1x!tpu.dma_semaphore, #tpu.memory_space<semaphore_mem>>
    %dma_wait3A_1141 = tpu.memref_squeeze %dma_wait3A_1140 : memref<1x!tpu.dma_semaphore, #tpu.memory_space<semaphore_mem>> -> memref<!tpu.dma_semaphore, #tpu.memory_space<semaphore_mem>>
    %dma_wait3A_1142 = arith.constant 520 : i32
    %dma_wait3A_1143 = arith.constant 0 : i32
    %dma_wait3A_1144 = arith.constant 0 : i32
    %dma_wait3A_1145 = tpu.memref_slice %arg1[%dma_wait3A_1142, %dma_wait3A_1143, %dma_wait3A_1144] : memref<1024x200x128xf32, #tpu.memory_space<any>> -> memref<8x200x128xf32, #tpu.memory_space<any>>
    tpu.wait_dma2 semaphore(%dma_wait3A_1141 : memref<!tpu.dma_semaphore, #tpu.memory_space<semaphore_mem>>) src(%arg2 : memref<8x200x128xf32, #tpu.memory_space<vmem>>) dst(%dma_wait3A_1145 : memref<8x200x128xf32, #tpu.memory_space<any>>)
    %dma_start3A_1146 = arith.constant 1 : i32
    %dma_start3A_1147 = tpu.memref_slice %arg3[%dma_start3A_1146] : memref<32x!tpu.dma_semaphore, #tpu.memory_space<semaphore_mem>> -> memref<1x!tpu.dma_semaphore, #tpu.memory_space<semaphore_mem>>
    %dma_start3A_1148 = tpu.memref_squeeze %dma_start3A_1147 : memref<1x!tpu.dma_semaphore, #tpu.memory_space<semaphore_mem>> -> memref<!tpu.dma_semaphore, #tpu.memory_space<semaphore_mem>>
    %dma_start3A_1149 = arith.constant 776 : i32
    %dma_start3A_1150 = arith.constant 0 : i32
    %dma_start3A_1151 = arith.constant 0 : i32
    %dma_start3A_1152 = tpu.memref_slice %arg1[%dma_start3A_1149, %dma_start3A_1150, %dma_start3A_1151] : memref<1024x200x128xf32, #tpu.memory_space<any>> -> memref<8x200x128xf32, #tpu.memory_space<any>>
    tpu.enqueue_dma source(%arg2 : memref<8x200x128xf32, #tpu.memory_space<vmem>>) target(%dma_start3A_1152 : memref<8x200x128xf32, #tpu.memory_space<any>>) target_semaphore(%dma_start3A_1148 : memref<!tpu.dma_semaphore, #tpu.memory_space<semaphore_mem>>)
    %dma_wait3A_1153 = arith.constant 2 : i32
    %dma_wait3A_1154 = tpu.memref_slice %arg3[%dma_wait3A_1153] : memref<32x!tpu.dma_semaphore, #tpu.memory_space<semaphore_mem>> -> memref<1x!tpu.dma_semaphore, #tpu.memory_space<semaphore_mem>>
    %dma_wait3A_1155 = tpu.memref_squeeze %dma_wait3A_1154 : memref<1x!tpu.dma_semaphore, #tpu.memory_space<semaphore_mem>> -> memref<!tpu.dma_semaphore, #tpu.memory_space<semaphore_mem>>
    %dma_wait3A_1156 = arith.constant 528 : i32
    %dma_wait3A_1157 = arith.constant 0 : i32
    %dma_wait3A_1158 = arith.constant 0 : i32
    %dma_wait3A_1159 = tpu.memref_slice %arg1[%dma_wait3A_1156, %dma_wait3A_1157, %dma_wait3A_1158] : memref<1024x200x128xf32, #tpu.memory_space<any>> -> memref<8x200x128xf32, #tpu.memory_space<any>>
    tpu.wait_dma2 semaphore(%dma_wait3A_1155 : memref<!tpu.dma_semaphore, #tpu.memory_space<semaphore_mem>>) src(%arg2 : memref<8x200x128xf32, #tpu.memory_space<vmem>>) dst(%dma_wait3A_1159 : memref<8x200x128xf32, #tpu.memory_space<any>>)
    %dma_start3A_1160 = arith.constant 2 : i32
    %dma_start3A_1161 = tpu.memref_slice %arg3[%dma_start3A_1160] : memref<32x!tpu.dma_semaphore, #tpu.memory_space<semaphore_mem>> -> memref<1x!tpu.dma_semaphore, #tpu.memory_space<semaphore_mem>>
    %dma_start3A_1162 = tpu.memref_squeeze %dma_start3A_1161 : memref<1x!tpu.dma_semaphore, #tpu.memory_space<semaphore_mem>> -> memref<!tpu.dma_semaphore, #tpu.memory_space<semaphore_mem>>
    %dma_start3A_1163 = arith.constant 784 : i32
    %dma_start3A_1164 = arith.constant 0 : i32
    %dma_start3A_1165 = arith.constant 0 : i32
    %dma_start3A_1166 = tpu.memref_slice %arg1[%dma_start3A_1163, %dma_start3A_1164, %dma_start3A_1165] : memref<1024x200x128xf32, #tpu.memory_space<any>> -> memref<8x200x128xf32, #tpu.memory_space<any>>
    tpu.enqueue_dma source(%arg2 : memref<8x200x128xf32, #tpu.memory_space<vmem>>) target(%dma_start3A_1166 : memref<8x200x128xf32, #tpu.memory_space<any>>) target_semaphore(%dma_start3A_1162 : memref<!tpu.dma_semaphore, #tpu.memory_space<semaphore_mem>>)
    %dma_wait3A_1167 = arith.constant 3 : i32
    %dma_wait3A_1168 = tpu.memref_slice %arg3[%dma_wait3A_1167] : memref<32x!tpu.dma_semaphore, #tpu.memory_space<semaphore_mem>> -> memref<1x!tpu.dma_semaphore, #tpu.memory_space<semaphore_mem>>
    %dma_wait3A_1169 = tpu.memref_squeeze %dma_wait3A_1168 : memref<1x!tpu.dma_semaphore, #tpu.memory_space<semaphore_mem>> -> memref<!tpu.dma_semaphore, #tpu.memory_space<semaphore_mem>>
    %dma_wait3A_1170 = arith.constant 536 : i32
    %dma_wait3A_1171 = arith.constant 0 : i32
    %dma_wait3A_1172 = arith.constant 0 : i32
    %dma_wait3A_1173 = tpu.memref_slice %arg1[%dma_wait3A_1170, %dma_wait3A_1171, %dma_wait3A_1172] : memref<1024x200x128xf32, #tpu.memory_space<any>> -> memref<8x200x128xf32, #tpu.memory_space<any>>
    tpu.wait_dma2 semaphore(%dma_wait3A_1169 : memref<!tpu.dma_semaphore, #tpu.memory_space<semaphore_mem>>) src(%arg2 : memref<8x200x128xf32, #tpu.memory_space<vmem>>) dst(%dma_wait3A_1173 : memref<8x200x128xf32, #tpu.memory_space<any>>)
    %dma_start3A_1174 = arith.constant 3 : i32
    %dma_start3A_1175 = tpu.memref_slice %arg3[%dma_start3A_1174] : memref<32x!tpu.dma_semaphore, #tpu.memory_space<semaphore_mem>> -> memref<1x!tpu.dma_semaphore, #tpu.memory_space<semaphore_mem>>
    %dma_start3A_1176 = tpu.memref_squeeze %dma_start3A_1175 : memref<1x!tpu.dma_semaphore, #tpu.memory_space<semaphore_mem>> -> memref<!tpu.dma_semaphore, #tpu.memory_space<semaphore_mem>>
    %dma_start3A_1177 = arith.constant 792 : i32
    %dma_start3A_1178 = arith.constant 0 : i32
    %dma_start3A_1179 = arith.constant 0 : i32
    %dma_start3A_1180 = tpu.memref_slice %arg1[%dma_start3A_1177, %dma_start3A_1178, %dma_start3A_1179] : memref<1024x200x128xf32, #tpu.memory_space<any>> -> memref<8x200x128xf32, #tpu.memory_space<any>>
    tpu.enqueue_dma source(%arg2 : memref<8x200x128xf32, #tpu.memory_space<vmem>>) target(%dma_start3A_1180 : memref<8x200x128xf32, #tpu.memory_space<any>>) target_semaphore(%dma_start3A_1176 : memref<!tpu.dma_semaphore, #tpu.memory_space<semaphore_mem>>)
    %dma_wait3A_1181 = arith.constant 4 : i32
    %dma_wait3A_1182 = tpu.memref_slice %arg3[%dma_wait3A_1181] : memref<32x!tpu.dma_semaphore, #tpu.memory_space<semaphore_mem>> -> memref<1x!tpu.dma_semaphore, #tpu.memory_space<semaphore_mem>>
    %dma_wait3A_1183 = tpu.memref_squeeze %dma_wait3A_1182 : memref<1x!tpu.dma_semaphore, #tpu.memory_space<semaphore_mem>> -> memref<!tpu.dma_semaphore, #tpu.memory_space<semaphore_mem>>
    %dma_wait3A_1184 = arith.constant 544 : i32
    %dma_wait3A_1185 = arith.constant 0 : i32
    %dma_wait3A_1186 = arith.constant 0 : i32
    %dma_wait3A_1187 = tpu.memref_slice %arg1[%dma_wait3A_1184, %dma_wait3A_1185, %dma_wait3A_1186] : memref<1024x200x128xf32, #tpu.memory_space<any>> -> memref<8x200x128xf32, #tpu.memory_space<any>>
    tpu.wait_dma2 semaphore(%dma_wait3A_1183 : memref<!tpu.dma_semaphore, #tpu.memory_space<semaphore_mem>>) src(%arg2 : memref<8x200x128xf32, #tpu.memory_space<vmem>>) dst(%dma_wait3A_1187 : memref<8x200x128xf32, #tpu.memory_space<any>>)
    %dma_start3A_1188 = arith.constant 4 : i32
    %dma_start3A_1189 = tpu.memref_slice %arg3[%dma_start3A_1188] : memref<32x!tpu.dma_semaphore, #tpu.memory_space<semaphore_mem>> -> memref<1x!tpu.dma_semaphore, #tpu.memory_space<semaphore_mem>>
    %dma_start3A_1190 = tpu.memref_squeeze %dma_start3A_1189 : memref<1x!tpu.dma_semaphore, #tpu.memory_space<semaphore_mem>> -> memref<!tpu.dma_semaphore, #tpu.memory_space<semaphore_mem>>
    %dma_start3A_1191 = arith.constant 800 : i32
    %dma_start3A_1192 = arith.constant 0 : i32
    %dma_start3A_1193 = arith.constant 0 : i32
    %dma_start3A_1194 = tpu.memref_slice %arg1[%dma_start3A_1191, %dma_start3A_1192, %dma_start3A_1193] : memref<1024x200x128xf32, #tpu.memory_space<any>> -> memref<8x200x128xf32, #tpu.memory_space<any>>
    tpu.enqueue_dma source(%arg2 : memref<8x200x128xf32, #tpu.memory_space<vmem>>) target(%dma_start3A_1194 : memref<8x200x128xf32, #tpu.memory_space<any>>) target_semaphore(%dma_start3A_1190 : memref<!tpu.dma_semaphore, #tpu.memory_space<semaphore_mem>>)
    %dma_wait3A_1195 = arith.constant 5 : i32
    %dma_wait3A_1196 = tpu.memref_slice %arg3[%dma_wait3A_1195] : memref<32x!tpu.dma_semaphore, #tpu.memory_space<semaphore_mem>> -> memref<1x!tpu.dma_semaphore, #tpu.memory_space<semaphore_mem>>
    %dma_wait3A_1197 = tpu.memref_squeeze %dma_wait3A_1196 : memref<1x!tpu.dma_semaphore, #tpu.memory_space<semaphore_mem>> -> memref<!tpu.dma_semaphore, #tpu.memory_space<semaphore_mem>>
    %dma_wait3A_1198 = arith.constant 552 : i32
    %dma_wait3A_1199 = arith.constant 0 : i32
    %dma_wait3A_1200 = arith.constant 0 : i32
    %dma_wait3A_1201 = tpu.memref_slice %arg1[%dma_wait3A_1198, %dma_wait3A_1199, %dma_wait3A_1200] : memref<1024x200x128xf32, #tpu.memory_space<any>> -> memref<8x200x128xf32, #tpu.memory_space<any>>
    tpu.wait_dma2 semaphore(%dma_wait3A_1197 : memref<!tpu.dma_semaphore, #tpu.memory_space<semaphore_mem>>) src(%arg2 : memref<8x200x128xf32, #tpu.memory_space<vmem>>) dst(%dma_wait3A_1201 : memref<8x200x128xf32, #tpu.memory_space<any>>)
    %dma_start3A_1202 = arith.constant 5 : i32
    %dma_start3A_1203 = tpu.memref_slice %arg3[%dma_start3A_1202] : memref<32x!tpu.dma_semaphore, #tpu.memory_space<semaphore_mem>> -> memref<1x!tpu.dma_semaphore, #tpu.memory_space<semaphore_mem>>
    %dma_start3A_1204 = tpu.memref_squeeze %dma_start3A_1203 : memref<1x!tpu.dma_semaphore, #tpu.memory_space<semaphore_mem>> -> memref<!tpu.dma_semaphore, #tpu.memory_space<semaphore_mem>>
    %dma_start3A_1205 = arith.constant 808 : i32
    %dma_start3A_1206 = arith.constant 0 : i32
    %dma_start3A_1207 = arith.constant 0 : i32
    %dma_start3A_1208 = tpu.memref_slice %arg1[%dma_start3A_1205, %dma_start3A_1206, %dma_start3A_1207] : memref<1024x200x128xf32, #tpu.memory_space<any>> -> memref<8x200x128xf32, #tpu.memory_space<any>>
    tpu.enqueue_dma source(%arg2 : memref<8x200x128xf32, #tpu.memory_space<vmem>>) target(%dma_start3A_1208 : memref<8x200x128xf32, #tpu.memory_space<any>>) target_semaphore(%dma_start3A_1204 : memref<!tpu.dma_semaphore, #tpu.memory_space<semaphore_mem>>)
    %dma_wait3A_1209 = arith.constant 6 : i32
    %dma_wait3A_1210 = tpu.memref_slice %arg3[%dma_wait3A_1209] : memref<32x!tpu.dma_semaphore, #tpu.memory_space<semaphore_mem>> -> memref<1x!tpu.dma_semaphore, #tpu.memory_space<semaphore_mem>>
    %dma_wait3A_1211 = tpu.memref_squeeze %dma_wait3A_1210 : memref<1x!tpu.dma_semaphore, #tpu.memory_space<semaphore_mem>> -> memref<!tpu.dma_semaphore, #tpu.memory_space<semaphore_mem>>
    %dma_wait3A_1212 = arith.constant 560 : i32
    %dma_wait3A_1213 = arith.constant 0 : i32
    %dma_wait3A_1214 = arith.constant 0 : i32
    %dma_wait3A_1215 = tpu.memref_slice %arg1[%dma_wait3A_1212, %dma_wait3A_1213, %dma_wait3A_1214] : memref<1024x200x128xf32, #tpu.memory_space<any>> -> memref<8x200x128xf32, #tpu.memory_space<any>>
    tpu.wait_dma2 semaphore(%dma_wait3A_1211 : memref<!tpu.dma_semaphore, #tpu.memory_space<semaphore_mem>>) src(%arg2 : memref<8x200x128xf32, #tpu.memory_space<vmem>>) dst(%dma_wait3A_1215 : memref<8x200x128xf32, #tpu.memory_space<any>>)
    %dma_start3A_1216 = arith.constant 6 : i32
    %dma_start3A_1217 = tpu.memref_slice %arg3[%dma_start3A_1216] : memref<32x!tpu.dma_semaphore, #tpu.memory_space<semaphore_mem>> -> memref<1x!tpu.dma_semaphore, #tpu.memory_space<semaphore_mem>>
    %dma_start3A_1218 = tpu.memref_squeeze %dma_start3A_1217 : memref<1x!tpu.dma_semaphore, #tpu.memory_space<semaphore_mem>> -> memref<!tpu.dma_semaphore, #tpu.memory_space<semaphore_mem>>
    %dma_start3A_1219 = arith.constant 816 : i32
    %dma_start3A_1220 = arith.constant 0 : i32
    %dma_start3A_1221 = arith.constant 0 : i32
    %dma_start3A_1222 = tpu.memref_slice %arg1[%dma_start3A_1219, %dma_start3A_1220, %dma_start3A_1221] : memref<1024x200x128xf32, #tpu.memory_space<any>> -> memref<8x200x128xf32, #tpu.memory_space<any>>
    tpu.enqueue_dma source(%arg2 : memref<8x200x128xf32, #tpu.memory_space<vmem>>) target(%dma_start3A_1222 : memref<8x200x128xf32, #tpu.memory_space<any>>) target_semaphore(%dma_start3A_1218 : memref<!tpu.dma_semaphore, #tpu.memory_space<semaphore_mem>>)
    %dma_wait3A_1223 = arith.constant 7 : i32
    %dma_wait3A_1224 = tpu.memref_slice %arg3[%dma_wait3A_1223] : memref<32x!tpu.dma_semaphore, #tpu.memory_space<semaphore_mem>> -> memref<1x!tpu.dma_semaphore, #tpu.memory_space<semaphore_mem>>
    %dma_wait3A_1225 = tpu.memref_squeeze %dma_wait3A_1224 : memref<1x!tpu.dma_semaphore, #tpu.memory_space<semaphore_mem>> -> memref<!tpu.dma_semaphore, #tpu.memory_space<semaphore_mem>>
    %dma_wait3A_1226 = arith.constant 568 : i32
    %dma_wait3A_1227 = arith.constant 0 : i32
    %dma_wait3A_1228 = arith.constant 0 : i32
    %dma_wait3A_1229 = tpu.memref_slice %arg1[%dma_wait3A_1226, %dma_wait3A_1227, %dma_wait3A_1228] : memref<1024x200x128xf32, #tpu.memory_space<any>> -> memref<8x200x128xf32, #tpu.memory_space<any>>
    tpu.wait_dma2 semaphore(%dma_wait3A_1225 : memref<!tpu.dma_semaphore, #tpu.memory_space<semaphore_mem>>) src(%arg2 : memref<8x200x128xf32, #tpu.memory_space<vmem>>) dst(%dma_wait3A_1229 : memref<8x200x128xf32, #tpu.memory_space<any>>)
    %dma_start3A_1230 = arith.constant 7 : i32
    %dma_start3A_1231 = tpu.memref_slice %arg3[%dma_start3A_1230] : memref<32x!tpu.dma_semaphore, #tpu.memory_space<semaphore_mem>> -> memref<1x!tpu.dma_semaphore, #tpu.memory_space<semaphore_mem>>
    %dma_start3A_1232 = tpu.memref_squeeze %dma_start3A_1231 : memref<1x!tpu.dma_semaphore, #tpu.memory_space<semaphore_mem>> -> memref<!tpu.dma_semaphore, #tpu.memory_space<semaphore_mem>>
    %dma_start3A_1233 = arith.constant 824 : i32
    %dma_start3A_1234 = arith.constant 0 : i32
    %dma_start3A_1235 = arith.constant 0 : i32
    %dma_start3A_1236 = tpu.memref_slice %arg1[%dma_start3A_1233, %dma_start3A_1234, %dma_start3A_1235] : memref<1024x200x128xf32, #tpu.memory_space<any>> -> memref<8x200x128xf32, #tpu.memory_space<any>>
    tpu.enqueue_dma source(%arg2 : memref<8x200x128xf32, #tpu.memory_space<vmem>>) target(%dma_start3A_1236 : memref<8x200x128xf32, #tpu.memory_space<any>>) target_semaphore(%dma_start3A_1232 : memref<!tpu.dma_semaphore, #tpu.memory_space<semaphore_mem>>)
    %dma_wait3A_1237 = arith.constant 8 : i32
    %dma_wait3A_1238 = tpu.memref_slice %arg3[%dma_wait3A_1237] : memref<32x!tpu.dma_semaphore, #tpu.memory_space<semaphore_mem>> -> memref<1x!tpu.dma_semaphore, #tpu.memory_space<semaphore_mem>>
    %dma_wait3A_1239 = tpu.memref_squeeze %dma_wait3A_1238 : memref<1x!tpu.dma_semaphore, #tpu.memory_space<semaphore_mem>> -> memref<!tpu.dma_semaphore, #tpu.memory_space<semaphore_mem>>
    %dma_wait3A_1240 = arith.constant 576 : i32
    %dma_wait3A_1241 = arith.constant 0 : i32
    %dma_wait3A_1242 = arith.constant 0 : i32
    %dma_wait3A_1243 = tpu.memref_slice %arg1[%dma_wait3A_1240, %dma_wait3A_1241, %dma_wait3A_1242] : memref<1024x200x128xf32, #tpu.memory_space<any>> -> memref<8x200x128xf32, #tpu.memory_space<any>>
    tpu.wait_dma2 semaphore(%dma_wait3A_1239 : memref<!tpu.dma_semaphore, #tpu.memory_space<semaphore_mem>>) src(%arg2 : memref<8x200x128xf32, #tpu.memory_space<vmem>>) dst(%dma_wait3A_1243 : memref<8x200x128xf32, #tpu.memory_space<any>>)
    %dma_start3A_1244 = arith.constant 8 : i32
    %dma_start3A_1245 = tpu.memref_slice %arg3[%dma_start3A_1244] : memref<32x!tpu.dma_semaphore, #tpu.memory_space<semaphore_mem>> -> memref<1x!tpu.dma_semaphore, #tpu.memory_space<semaphore_mem>>
    %dma_start3A_1246 = tpu.memref_squeeze %dma_start3A_1245 : memref<1x!tpu.dma_semaphore, #tpu.memory_space<semaphore_mem>> -> memref<!tpu.dma_semaphore, #tpu.memory_space<semaphore_mem>>
    %dma_start3A_1247 = arith.constant 832 : i32
    %dma_start3A_1248 = arith.constant 0 : i32
    %dma_start3A_1249 = arith.constant 0 : i32
    %dma_start3A_1250 = tpu.memref_slice %arg1[%dma_start3A_1247, %dma_start3A_1248, %dma_start3A_1249] : memref<1024x200x128xf32, #tpu.memory_space<any>> -> memref<8x200x128xf32, #tpu.memory_space<any>>
    tpu.enqueue_dma source(%arg2 : memref<8x200x128xf32, #tpu.memory_space<vmem>>) target(%dma_start3A_1250 : memref<8x200x128xf32, #tpu.memory_space<any>>) target_semaphore(%dma_start3A_1246 : memref<!tpu.dma_semaphore, #tpu.memory_space<semaphore_mem>>)
    %dma_wait3A_1251 = arith.constant 9 : i32
    %dma_wait3A_1252 = tpu.memref_slice %arg3[%dma_wait3A_1251] : memref<32x!tpu.dma_semaphore, #tpu.memory_space<semaphore_mem>> -> memref<1x!tpu.dma_semaphore, #tpu.memory_space<semaphore_mem>>
    %dma_wait3A_1253 = tpu.memref_squeeze %dma_wait3A_1252 : memref<1x!tpu.dma_semaphore, #tpu.memory_space<semaphore_mem>> -> memref<!tpu.dma_semaphore, #tpu.memory_space<semaphore_mem>>
    %dma_wait3A_1254 = arith.constant 584 : i32
    %dma_wait3A_1255 = arith.constant 0 : i32
    %dma_wait3A_1256 = arith.constant 0 : i32
    %dma_wait3A_1257 = tpu.memref_slice %arg1[%dma_wait3A_1254, %dma_wait3A_1255, %dma_wait3A_1256] : memref<1024x200x128xf32, #tpu.memory_space<any>> -> memref<8x200x128xf32, #tpu.memory_space<any>>
    tpu.wait_dma2 semaphore(%dma_wait3A_1253 : memref<!tpu.dma_semaphore, #tpu.memory_space<semaphore_mem>>) src(%arg2 : memref<8x200x128xf32, #tpu.memory_space<vmem>>) dst(%dma_wait3A_1257 : memref<8x200x128xf32, #tpu.memory_space<any>>)
    %dma_start3A_1258 = arith.constant 9 : i32
    %dma_start3A_1259 = tpu.memref_slice %arg3[%dma_start3A_1258] : memref<32x!tpu.dma_semaphore, #tpu.memory_space<semaphore_mem>> -> memref<1x!tpu.dma_semaphore, #tpu.memory_space<semaphore_mem>>
    %dma_start3A_1260 = tpu.memref_squeeze %dma_start3A_1259 : memref<1x!tpu.dma_semaphore, #tpu.memory_space<semaphore_mem>> -> memref<!tpu.dma_semaphore, #tpu.memory_space<semaphore_mem>>
    %dma_start3A_1261 = arith.constant 840 : i32
    %dma_start3A_1262 = arith.constant 0 : i32
    %dma_start3A_1263 = arith.constant 0 : i32
    %dma_start3A_1264 = tpu.memref_slice %arg1[%dma_start3A_1261, %dma_start3A_1262, %dma_start3A_1263] : memref<1024x200x128xf32, #tpu.memory_space<any>> -> memref<8x200x128xf32, #tpu.memory_space<any>>
    tpu.enqueue_dma source(%arg2 : memref<8x200x128xf32, #tpu.memory_space<vmem>>) target(%dma_start3A_1264 : memref<8x200x128xf32, #tpu.memory_space<any>>) target_semaphore(%dma_start3A_1260 : memref<!tpu.dma_semaphore, #tpu.memory_space<semaphore_mem>>)
    %dma_wait3A_1265 = arith.constant 10 : i32
    %dma_wait3A_1266 = tpu.memref_slice %arg3[%dma_wait3A_1265] : memref<32x!tpu.dma_semaphore, #tpu.memory_space<semaphore_mem>> -> memref<1x!tpu.dma_semaphore, #tpu.memory_space<semaphore_mem>>
    %dma_wait3A_1267 = tpu.memref_squeeze %dma_wait3A_1266 : memref<1x!tpu.dma_semaphore, #tpu.memory_space<semaphore_mem>> -> memref<!tpu.dma_semaphore, #tpu.memory_space<semaphore_mem>>
    %dma_wait3A_1268 = arith.constant 592 : i32
    %dma_wait3A_1269 = arith.constant 0 : i32
    %dma_wait3A_1270 = arith.constant 0 : i32
    %dma_wait3A_1271 = tpu.memref_slice %arg1[%dma_wait3A_1268, %dma_wait3A_1269, %dma_wait3A_1270] : memref<1024x200x128xf32, #tpu.memory_space<any>> -> memref<8x200x128xf32, #tpu.memory_space<any>>
    tpu.wait_dma2 semaphore(%dma_wait3A_1267 : memref<!tpu.dma_semaphore, #tpu.memory_space<semaphore_mem>>) src(%arg2 : memref<8x200x128xf32, #tpu.memory_space<vmem>>) dst(%dma_wait3A_1271 : memref<8x200x128xf32, #tpu.memory_space<any>>)
    %dma_start3A_1272 = arith.constant 10 : i32
    %dma_start3A_1273 = tpu.memref_slice %arg3[%dma_start3A_1272] : memref<32x!tpu.dma_semaphore, #tpu.memory_space<semaphore_mem>> -> memref<1x!tpu.dma_semaphore, #tpu.memory_space<semaphore_mem>>
    %dma_start3A_1274 = tpu.memref_squeeze %dma_start3A_1273 : memref<1x!tpu.dma_semaphore, #tpu.memory_space<semaphore_mem>> -> memref<!tpu.dma_semaphore, #tpu.memory_space<semaphore_mem>>
    %dma_start3A_1275 = arith.constant 848 : i32
    %dma_start3A_1276 = arith.constant 0 : i32
    %dma_start3A_1277 = arith.constant 0 : i32
    %dma_start3A_1278 = tpu.memref_slice %arg1[%dma_start3A_1275, %dma_start3A_1276, %dma_start3A_1277] : memref<1024x200x128xf32, #tpu.memory_space<any>> -> memref<8x200x128xf32, #tpu.memory_space<any>>
    tpu.enqueue_dma source(%arg2 : memref<8x200x128xf32, #tpu.memory_space<vmem>>) target(%dma_start3A_1278 : memref<8x200x128xf32, #tpu.memory_space<any>>) target_semaphore(%dma_start3A_1274 : memref<!tpu.dma_semaphore, #tpu.memory_space<semaphore_mem>>)
    %dma_wait3A_1279 = arith.constant 11 : i32
    %dma_wait3A_1280 = tpu.memref_slice %arg3[%dma_wait3A_1279] : memref<32x!tpu.dma_semaphore, #tpu.memory_space<semaphore_mem>> -> memref<1x!tpu.dma_semaphore, #tpu.memory_space<semaphore_mem>>
    %dma_wait3A_1281 = tpu.memref_squeeze %dma_wait3A_1280 : memref<1x!tpu.dma_semaphore, #tpu.memory_space<semaphore_mem>> -> memref<!tpu.dma_semaphore, #tpu.memory_space<semaphore_mem>>
    %dma_wait3A_1282 = arith.constant 600 : i32
    %dma_wait3A_1283 = arith.constant 0 : i32
    %dma_wait3A_1284 = arith.constant 0 : i32
    %dma_wait3A_1285 = tpu.memref_slice %arg1[%dma_wait3A_1282, %dma_wait3A_1283, %dma_wait3A_1284] : memref<1024x200x128xf32, #tpu.memory_space<any>> -> memref<8x200x128xf32, #tpu.memory_space<any>>
    tpu.wait_dma2 semaphore(%dma_wait3A_1281 : memref<!tpu.dma_semaphore, #tpu.memory_space<semaphore_mem>>) src(%arg2 : memref<8x200x128xf32, #tpu.memory_space<vmem>>) dst(%dma_wait3A_1285 : memref<8x200x128xf32, #tpu.memory_space<any>>)
    %dma_start3A_1286 = arith.constant 11 : i32
    %dma_start3A_1287 = tpu.memref_slice %arg3[%dma_start3A_1286] : memref<32x!tpu.dma_semaphore, #tpu.memory_space<semaphore_mem>> -> memref<1x!tpu.dma_semaphore, #tpu.memory_space<semaphore_mem>>
    %dma_start3A_1288 = tpu.memref_squeeze %dma_start3A_1287 : memref<1x!tpu.dma_semaphore, #tpu.memory_space<semaphore_mem>> -> memref<!tpu.dma_semaphore, #tpu.memory_space<semaphore_mem>>
    %dma_start3A_1289 = arith.constant 856 : i32
    %dma_start3A_1290 = arith.constant 0 : i32
    %dma_start3A_1291 = arith.constant 0 : i32
    %dma_start3A_1292 = tpu.memref_slice %arg1[%dma_start3A_1289, %dma_start3A_1290, %dma_start3A_1291] : memref<1024x200x128xf32, #tpu.memory_space<any>> -> memref<8x200x128xf32, #tpu.memory_space<any>>
    tpu.enqueue_dma source(%arg2 : memref<8x200x128xf32, #tpu.memory_space<vmem>>) target(%dma_start3A_1292 : memref<8x200x128xf32, #tpu.memory_space<any>>) target_semaphore(%dma_start3A_1288 : memref<!tpu.dma_semaphore, #tpu.memory_space<semaphore_mem>>)
    %dma_wait3A_1293 = arith.constant 12 : i32
    %dma_wait3A_1294 = tpu.memref_slice %arg3[%dma_wait3A_1293] : memref<32x!tpu.dma_semaphore, #tpu.memory_space<semaphore_mem>> -> memref<1x!tpu.dma_semaphore, #tpu.memory_space<semaphore_mem>>
    %dma_wait3A_1295 = tpu.memref_squeeze %dma_wait3A_1294 : memref<1x!tpu.dma_semaphore, #tpu.memory_space<semaphore_mem>> -> memref<!tpu.dma_semaphore, #tpu.memory_space<semaphore_mem>>
    %dma_wait3A_1296 = arith.constant 608 : i32
    %dma_wait3A_1297 = arith.constant 0 : i32
    %dma_wait3A_1298 = arith.constant 0 : i32
    %dma_wait3A_1299 = tpu.memref_slice %arg1[%dma_wait3A_1296, %dma_wait3A_1297, %dma_wait3A_1298] : memref<1024x200x128xf32, #tpu.memory_space<any>> -> memref<8x200x128xf32, #tpu.memory_space<any>>
    tpu.wait_dma2 semaphore(%dma_wait3A_1295 : memref<!tpu.dma_semaphore, #tpu.memory_space<semaphore_mem>>) src(%arg2 : memref<8x200x128xf32, #tpu.memory_space<vmem>>) dst(%dma_wait3A_1299 : memref<8x200x128xf32, #tpu.memory_space<any>>)
    %dma_start3A_1300 = arith.constant 12 : i32
    %dma_start3A_1301 = tpu.memref_slice %arg3[%dma_start3A_1300] : memref<32x!tpu.dma_semaphore, #tpu.memory_space<semaphore_mem>> -> memref<1x!tpu.dma_semaphore, #tpu.memory_space<semaphore_mem>>
    %dma_start3A_1302 = tpu.memref_squeeze %dma_start3A_1301 : memref<1x!tpu.dma_semaphore, #tpu.memory_space<semaphore_mem>> -> memref<!tpu.dma_semaphore, #tpu.memory_space<semaphore_mem>>
    %dma_start3A_1303 = arith.constant 864 : i32
    %dma_start3A_1304 = arith.constant 0 : i32
    %dma_start3A_1305 = arith.constant 0 : i32
    %dma_start3A_1306 = tpu.memref_slice %arg1[%dma_start3A_1303, %dma_start3A_1304, %dma_start3A_1305] : memref<1024x200x128xf32, #tpu.memory_space<any>> -> memref<8x200x128xf32, #tpu.memory_space<any>>
    tpu.enqueue_dma source(%arg2 : memref<8x200x128xf32, #tpu.memory_space<vmem>>) target(%dma_start3A_1306 : memref<8x200x128xf32, #tpu.memory_space<any>>) target_semaphore(%dma_start3A_1302 : memref<!tpu.dma_semaphore, #tpu.memory_space<semaphore_mem>>)
    %dma_wait3A_1307 = arith.constant 13 : i32
    %dma_wait3A_1308 = tpu.memref_slice %arg3[%dma_wait3A_1307] : memref<32x!tpu.dma_semaphore, #tpu.memory_space<semaphore_mem>> -> memref<1x!tpu.dma_semaphore, #tpu.memory_space<semaphore_mem>>
    %dma_wait3A_1309 = tpu.memref_squeeze %dma_wait3A_1308 : memref<1x!tpu.dma_semaphore, #tpu.memory_space<semaphore_mem>> -> memref<!tpu.dma_semaphore, #tpu.memory_space<semaphore_mem>>
    %dma_wait3A_1310 = arith.constant 616 : i32
    %dma_wait3A_1311 = arith.constant 0 : i32
    %dma_wait3A_1312 = arith.constant 0 : i32
    %dma_wait3A_1313 = tpu.memref_slice %arg1[%dma_wait3A_1310, %dma_wait3A_1311, %dma_wait3A_1312] : memref<1024x200x128xf32, #tpu.memory_space<any>> -> memref<8x200x128xf32, #tpu.memory_space<any>>
    tpu.wait_dma2 semaphore(%dma_wait3A_1309 : memref<!tpu.dma_semaphore, #tpu.memory_space<semaphore_mem>>) src(%arg2 : memref<8x200x128xf32, #tpu.memory_space<vmem>>) dst(%dma_wait3A_1313 : memref<8x200x128xf32, #tpu.memory_space<any>>)
    %dma_start3A_1314 = arith.constant 13 : i32
    %dma_start3A_1315 = tpu.memref_slice %arg3[%dma_start3A_1314] : memref<32x!tpu.dma_semaphore, #tpu.memory_space<semaphore_mem>> -> memref<1x!tpu.dma_semaphore, #tpu.memory_space<semaphore_mem>>
    %dma_start3A_1316 = tpu.memref_squeeze %dma_start3A_1315 : memref<1x!tpu.dma_semaphore, #tpu.memory_space<semaphore_mem>> -> memref<!tpu.dma_semaphore, #tpu.memory_space<semaphore_mem>>
    %dma_start3A_1317 = arith.constant 872 : i32
    %dma_start3A_1318 = arith.constant 0 : i32
    %dma_start3A_1319 = arith.constant 0 : i32
    %dma_start3A_1320 = tpu.memref_slice %arg1[%dma_start3A_1317, %dma_start3A_1318, %dma_start3A_1319] : memref<1024x200x128xf32, #tpu.memory_space<any>> -> memref<8x200x128xf32, #tpu.memory_space<any>>
    tpu.enqueue_dma source(%arg2 : memref<8x200x128xf32, #tpu.memory_space<vmem>>) target(%dma_start3A_1320 : memref<8x200x128xf32, #tpu.memory_space<any>>) target_semaphore(%dma_start3A_1316 : memref<!tpu.dma_semaphore, #tpu.memory_space<semaphore_mem>>)
    %dma_wait3A_1321 = arith.constant 14 : i32
    %dma_wait3A_1322 = tpu.memref_slice %arg3[%dma_wait3A_1321] : memref<32x!tpu.dma_semaphore, #tpu.memory_space<semaphore_mem>> -> memref<1x!tpu.dma_semaphore, #tpu.memory_space<semaphore_mem>>
    %dma_wait3A_1323 = tpu.memref_squeeze %dma_wait3A_1322 : memref<1x!tpu.dma_semaphore, #tpu.memory_space<semaphore_mem>> -> memref<!tpu.dma_semaphore, #tpu.memory_space<semaphore_mem>>
    %dma_wait3A_1324 = arith.constant 624 : i32
    %dma_wait3A_1325 = arith.constant 0 : i32
    %dma_wait3A_1326 = arith.constant 0 : i32
    %dma_wait3A_1327 = tpu.memref_slice %arg1[%dma_wait3A_1324, %dma_wait3A_1325, %dma_wait3A_1326] : memref<1024x200x128xf32, #tpu.memory_space<any>> -> memref<8x200x128xf32, #tpu.memory_space<any>>
    tpu.wait_dma2 semaphore(%dma_wait3A_1323 : memref<!tpu.dma_semaphore, #tpu.memory_space<semaphore_mem>>) src(%arg2 : memref<8x200x128xf32, #tpu.memory_space<vmem>>) dst(%dma_wait3A_1327 : memref<8x200x128xf32, #tpu.memory_space<any>>)
    %dma_start3A_1328 = arith.constant 14 : i32
    %dma_start3A_1329 = tpu.memref_slice %arg3[%dma_start3A_1328] : memref<32x!tpu.dma_semaphore, #tpu.memory_space<semaphore_mem>> -> memref<1x!tpu.dma_semaphore, #tpu.memory_space<semaphore_mem>>
    %dma_start3A_1330 = tpu.memref_squeeze %dma_start3A_1329 : memref<1x!tpu.dma_semaphore, #tpu.memory_space<semaphore_mem>> -> memref<!tpu.dma_semaphore, #tpu.memory_space<semaphore_mem>>
    %dma_start3A_1331 = arith.constant 880 : i32
    %dma_start3A_1332 = arith.constant 0 : i32
    %dma_start3A_1333 = arith.constant 0 : i32
    %dma_start3A_1334 = tpu.memref_slice %arg1[%dma_start3A_1331, %dma_start3A_1332, %dma_start3A_1333] : memref<1024x200x128xf32, #tpu.memory_space<any>> -> memref<8x200x128xf32, #tpu.memory_space<any>>
    tpu.enqueue_dma source(%arg2 : memref<8x200x128xf32, #tpu.memory_space<vmem>>) target(%dma_start3A_1334 : memref<8x200x128xf32, #tpu.memory_space<any>>) target_semaphore(%dma_start3A_1330 : memref<!tpu.dma_semaphore, #tpu.memory_space<semaphore_mem>>)
    %dma_wait3A_1335 = arith.constant 15 : i32
    %dma_wait3A_1336 = tpu.memref_slice %arg3[%dma_wait3A_1335] : memref<32x!tpu.dma_semaphore, #tpu.memory_space<semaphore_mem>> -> memref<1x!tpu.dma_semaphore, #tpu.memory_space<semaphore_mem>>
    %dma_wait3A_1337 = tpu.memref_squeeze %dma_wait3A_1336 : memref<1x!tpu.dma_semaphore, #tpu.memory_space<semaphore_mem>> -> memref<!tpu.dma_semaphore, #tpu.memory_space<semaphore_mem>>
    %dma_wait3A_1338 = arith.constant 632 : i32
    %dma_wait3A_1339 = arith.constant 0 : i32
    %dma_wait3A_1340 = arith.constant 0 : i32
    %dma_wait3A_1341 = tpu.memref_slice %arg1[%dma_wait3A_1338, %dma_wait3A_1339, %dma_wait3A_1340] : memref<1024x200x128xf32, #tpu.memory_space<any>> -> memref<8x200x128xf32, #tpu.memory_space<any>>
    tpu.wait_dma2 semaphore(%dma_wait3A_1337 : memref<!tpu.dma_semaphore, #tpu.memory_space<semaphore_mem>>) src(%arg2 : memref<8x200x128xf32, #tpu.memory_space<vmem>>) dst(%dma_wait3A_1341 : memref<8x200x128xf32, #tpu.memory_space<any>>)
    %dma_start3A_1342 = arith.constant 15 : i32
    %dma_start3A_1343 = tpu.memref_slice %arg3[%dma_start3A_1342] : memref<32x!tpu.dma_semaphore, #tpu.memory_space<semaphore_mem>> -> memref<1x!tpu.dma_semaphore, #tpu.memory_space<semaphore_mem>>
    %dma_start3A_1344 = tpu.memref_squeeze %dma_start3A_1343 : memref<1x!tpu.dma_semaphore, #tpu.memory_space<semaphore_mem>> -> memref<!tpu.dma_semaphore, #tpu.memory_space<semaphore_mem>>
    %dma_start3A_1345 = arith.constant 888 : i32
    %dma_start3A_1346 = arith.constant 0 : i32
    %dma_start3A_1347 = arith.constant 0 : i32
    %dma_start3A_1348 = tpu.memref_slice %arg1[%dma_start3A_1345, %dma_start3A_1346, %dma_start3A_1347] : memref<1024x200x128xf32, #tpu.memory_space<any>> -> memref<8x200x128xf32, #tpu.memory_space<any>>
    tpu.enqueue_dma source(%arg2 : memref<8x200x128xf32, #tpu.memory_space<vmem>>) target(%dma_start3A_1348 : memref<8x200x128xf32, #tpu.memory_space<any>>) target_semaphore(%dma_start3A_1344 : memref<!tpu.dma_semaphore, #tpu.memory_space<semaphore_mem>>)
    %dma_wait3A_1349 = arith.constant 16 : i32
    %dma_wait3A_1350 = tpu.memref_slice %arg3[%dma_wait3A_1349] : memref<32x!tpu.dma_semaphore, #tpu.memory_space<semaphore_mem>> -> memref<1x!tpu.dma_semaphore, #tpu.memory_space<semaphore_mem>>
    %dma_wait3A_1351 = tpu.memref_squeeze %dma_wait3A_1350 : memref<1x!tpu.dma_semaphore, #tpu.memory_space<semaphore_mem>> -> memref<!tpu.dma_semaphore, #tpu.memory_space<semaphore_mem>>
    %dma_wait3A_1352 = arith.constant 640 : i32
    %dma_wait3A_1353 = arith.constant 0 : i32
    %dma_wait3A_1354 = arith.constant 0 : i32
    %dma_wait3A_1355 = tpu.memref_slice %arg1[%dma_wait3A_1352, %dma_wait3A_1353, %dma_wait3A_1354] : memref<1024x200x128xf32, #tpu.memory_space<any>> -> memref<8x200x128xf32, #tpu.memory_space<any>>
    tpu.wait_dma2 semaphore(%dma_wait3A_1351 : memref<!tpu.dma_semaphore, #tpu.memory_space<semaphore_mem>>) src(%arg2 : memref<8x200x128xf32, #tpu.memory_space<vmem>>) dst(%dma_wait3A_1355 : memref<8x200x128xf32, #tpu.memory_space<any>>)
    %dma_start3A_1356 = arith.constant 16 : i32
    %dma_start3A_1357 = tpu.memref_slice %arg3[%dma_start3A_1356] : memref<32x!tpu.dma_semaphore, #tpu.memory_space<semaphore_mem>> -> memref<1x!tpu.dma_semaphore, #tpu.memory_space<semaphore_mem>>
    %dma_start3A_1358 = tpu.memref_squeeze %dma_start3A_1357 : memref<1x!tpu.dma_semaphore, #tpu.memory_space<semaphore_mem>> -> memref<!tpu.dma_semaphore, #tpu.memory_space<semaphore_mem>>
    %dma_start3A_1359 = arith.constant 896 : i32
    %dma_start3A_1360 = arith.constant 0 : i32
    %dma_start3A_1361 = arith.constant 0 : i32
    %dma_start3A_1362 = tpu.memref_slice %arg1[%dma_start3A_1359, %dma_start3A_1360, %dma_start3A_1361] : memref<1024x200x128xf32, #tpu.memory_space<any>> -> memref<8x200x128xf32, #tpu.memory_space<any>>
    tpu.enqueue_dma source(%arg2 : memref<8x200x128xf32, #tpu.memory_space<vmem>>) target(%dma_start3A_1362 : memref<8x200x128xf32, #tpu.memory_space<any>>) target_semaphore(%dma_start3A_1358 : memref<!tpu.dma_semaphore, #tpu.memory_space<semaphore_mem>>)
    %dma_wait3A_1363 = arith.constant 17 : i32
    %dma_wait3A_1364 = tpu.memref_slice %arg3[%dma_wait3A_1363] : memref<32x!tpu.dma_semaphore, #tpu.memory_space<semaphore_mem>> -> memref<1x!tpu.dma_semaphore, #tpu.memory_space<semaphore_mem>>
    %dma_wait3A_1365 = tpu.memref_squeeze %dma_wait3A_1364 : memref<1x!tpu.dma_semaphore, #tpu.memory_space<semaphore_mem>> -> memref<!tpu.dma_semaphore, #tpu.memory_space<semaphore_mem>>
    %dma_wait3A_1366 = arith.constant 648 : i32
    %dma_wait3A_1367 = arith.constant 0 : i32
    %dma_wait3A_1368 = arith.constant 0 : i32
    %dma_wait3A_1369 = tpu.memref_slice %arg1[%dma_wait3A_1366, %dma_wait3A_1367, %dma_wait3A_1368] : memref<1024x200x128xf32, #tpu.memory_space<any>> -> memref<8x200x128xf32, #tpu.memory_space<any>>
    tpu.wait_dma2 semaphore(%dma_wait3A_1365 : memref<!tpu.dma_semaphore, #tpu.memory_space<semaphore_mem>>) src(%arg2 : memref<8x200x128xf32, #tpu.memory_space<vmem>>) dst(%dma_wait3A_1369 : memref<8x200x128xf32, #tpu.memory_space<any>>)
    %dma_start3A_1370 = arith.constant 17 : i32
    %dma_start3A_1371 = tpu.memref_slice %arg3[%dma_start3A_1370] : memref<32x!tpu.dma_semaphore, #tpu.memory_space<semaphore_mem>> -> memref<1x!tpu.dma_semaphore, #tpu.memory_space<semaphore_mem>>
    %dma_start3A_1372 = tpu.memref_squeeze %dma_start3A_1371 : memref<1x!tpu.dma_semaphore, #tpu.memory_space<semaphore_mem>> -> memref<!tpu.dma_semaphore, #tpu.memory_space<semaphore_mem>>
    %dma_start3A_1373 = arith.constant 904 : i32
    %dma_start3A_1374 = arith.constant 0 : i32
    %dma_start3A_1375 = arith.constant 0 : i32
    %dma_start3A_1376 = tpu.memref_slice %arg1[%dma_start3A_1373, %dma_start3A_1374, %dma_start3A_1375] : memref<1024x200x128xf32, #tpu.memory_space<any>> -> memref<8x200x128xf32, #tpu.memory_space<any>>
    tpu.enqueue_dma source(%arg2 : memref<8x200x128xf32, #tpu.memory_space<vmem>>) target(%dma_start3A_1376 : memref<8x200x128xf32, #tpu.memory_space<any>>) target_semaphore(%dma_start3A_1372 : memref<!tpu.dma_semaphore, #tpu.memory_space<semaphore_mem>>)
    %dma_wait3A_1377 = arith.constant 18 : i32
    %dma_wait3A_1378 = tpu.memref_slice %arg3[%dma_wait3A_1377] : memref<32x!tpu.dma_semaphore, #tpu.memory_space<semaphore_mem>> -> memref<1x!tpu.dma_semaphore, #tpu.memory_space<semaphore_mem>>
    %dma_wait3A_1379 = tpu.memref_squeeze %dma_wait3A_1378 : memref<1x!tpu.dma_semaphore, #tpu.memory_space<semaphore_mem>> -> memref<!tpu.dma_semaphore, #tpu.memory_space<semaphore_mem>>
    %dma_wait3A_1380 = arith.constant 656 : i32
    %dma_wait3A_1381 = arith.constant 0 : i32
    %dma_wait3A_1382 = arith.constant 0 : i32
    %dma_wait3A_1383 = tpu.memref_slice %arg1[%dma_wait3A_1380, %dma_wait3A_1381, %dma_wait3A_1382] : memref<1024x200x128xf32, #tpu.memory_space<any>> -> memref<8x200x128xf32, #tpu.memory_space<any>>
    tpu.wait_dma2 semaphore(%dma_wait3A_1379 : memref<!tpu.dma_semaphore, #tpu.memory_space<semaphore_mem>>) src(%arg2 : memref<8x200x128xf32, #tpu.memory_space<vmem>>) dst(%dma_wait3A_1383 : memref<8x200x128xf32, #tpu.memory_space<any>>)
    %dma_start3A_1384 = arith.constant 18 : i32
    %dma_start3A_1385 = tpu.memref_slice %arg3[%dma_start3A_1384] : memref<32x!tpu.dma_semaphore, #tpu.memory_space<semaphore_mem>> -> memref<1x!tpu.dma_semaphore, #tpu.memory_space<semaphore_mem>>
    %dma_start3A_1386 = tpu.memref_squeeze %dma_start3A_1385 : memref<1x!tpu.dma_semaphore, #tpu.memory_space<semaphore_mem>> -> memref<!tpu.dma_semaphore, #tpu.memory_space<semaphore_mem>>
    %dma_start3A_1387 = arith.constant 912 : i32
    %dma_start3A_1388 = arith.constant 0 : i32
    %dma_start3A_1389 = arith.constant 0 : i32
    %dma_start3A_1390 = tpu.memref_slice %arg1[%dma_start3A_1387, %dma_start3A_1388, %dma_start3A_1389] : memref<1024x200x128xf32, #tpu.memory_space<any>> -> memref<8x200x128xf32, #tpu.memory_space<any>>
    tpu.enqueue_dma source(%arg2 : memref<8x200x128xf32, #tpu.memory_space<vmem>>) target(%dma_start3A_1390 : memref<8x200x128xf32, #tpu.memory_space<any>>) target_semaphore(%dma_start3A_1386 : memref<!tpu.dma_semaphore, #tpu.memory_space<semaphore_mem>>)
    %dma_wait3A_1391 = arith.constant 19 : i32
    %dma_wait3A_1392 = tpu.memref_slice %arg3[%dma_wait3A_1391] : memref<32x!tpu.dma_semaphore, #tpu.memory_space<semaphore_mem>> -> memref<1x!tpu.dma_semaphore, #tpu.memory_space<semaphore_mem>>
    %dma_wait3A_1393 = tpu.memref_squeeze %dma_wait3A_1392 : memref<1x!tpu.dma_semaphore, #tpu.memory_space<semaphore_mem>> -> memref<!tpu.dma_semaphore, #tpu.memory_space<semaphore_mem>>
    %dma_wait3A_1394 = arith.constant 664 : i32
    %dma_wait3A_1395 = arith.constant 0 : i32
    %dma_wait3A_1396 = arith.constant 0 : i32
    %dma_wait3A_1397 = tpu.memref_slice %arg1[%dma_wait3A_1394, %dma_wait3A_1395, %dma_wait3A_1396] : memref<1024x200x128xf32, #tpu.memory_space<any>> -> memref<8x200x128xf32, #tpu.memory_space<any>>
    tpu.wait_dma2 semaphore(%dma_wait3A_1393 : memref<!tpu.dma_semaphore, #tpu.memory_space<semaphore_mem>>) src(%arg2 : memref<8x200x128xf32, #tpu.memory_space<vmem>>) dst(%dma_wait3A_1397 : memref<8x200x128xf32, #tpu.memory_space<any>>)
    %dma_start3A_1398 = arith.constant 19 : i32
    %dma_start3A_1399 = tpu.memref_slice %arg3[%dma_start3A_1398] : memref<32x!tpu.dma_semaphore, #tpu.memory_space<semaphore_mem>> -> memref<1x!tpu.dma_semaphore, #tpu.memory_space<semaphore_mem>>
    %dma_start3A_1400 = tpu.memref_squeeze %dma_start3A_1399 : memref<1x!tpu.dma_semaphore, #tpu.memory_space<semaphore_mem>> -> memref<!tpu.dma_semaphore, #tpu.memory_space<semaphore_mem>>
    %dma_start3A_1401 = arith.constant 920 : i32
    %dma_start3A_1402 = arith.constant 0 : i32
    %dma_start3A_1403 = arith.constant 0 : i32
    %dma_start3A_1404 = tpu.memref_slice %arg1[%dma_start3A_1401, %dma_start3A_1402, %dma_start3A_1403] : memref<1024x200x128xf32, #tpu.memory_space<any>> -> memref<8x200x128xf32, #tpu.memory_space<any>>
    tpu.enqueue_dma source(%arg2 : memref<8x200x128xf32, #tpu.memory_space<vmem>>) target(%dma_start3A_1404 : memref<8x200x128xf32, #tpu.memory_space<any>>) target_semaphore(%dma_start3A_1400 : memref<!tpu.dma_semaphore, #tpu.memory_space<semaphore_mem>>)
    %dma_wait3A_1405 = arith.constant 20 : i32
    %dma_wait3A_1406 = tpu.memref_slice %arg3[%dma_wait3A_1405] : memref<32x!tpu.dma_semaphore, #tpu.memory_space<semaphore_mem>> -> memref<1x!tpu.dma_semaphore, #tpu.memory_space<semaphore_mem>>
    %dma_wait3A_1407 = tpu.memref_squeeze %dma_wait3A_1406 : memref<1x!tpu.dma_semaphore, #tpu.memory_space<semaphore_mem>> -> memref<!tpu.dma_semaphore, #tpu.memory_space<semaphore_mem>>
    %dma_wait3A_1408 = arith.constant 672 : i32
    %dma_wait3A_1409 = arith.constant 0 : i32
    %dma_wait3A_1410 = arith.constant 0 : i32
    %dma_wait3A_1411 = tpu.memref_slice %arg1[%dma_wait3A_1408, %dma_wait3A_1409, %dma_wait3A_1410] : memref<1024x200x128xf32, #tpu.memory_space<any>> -> memref<8x200x128xf32, #tpu.memory_space<any>>
    tpu.wait_dma2 semaphore(%dma_wait3A_1407 : memref<!tpu.dma_semaphore, #tpu.memory_space<semaphore_mem>>) src(%arg2 : memref<8x200x128xf32, #tpu.memory_space<vmem>>) dst(%dma_wait3A_1411 : memref<8x200x128xf32, #tpu.memory_space<any>>)
    %dma_start3A_1412 = arith.constant 20 : i32
    %dma_start3A_1413 = tpu.memref_slice %arg3[%dma_start3A_1412] : memref<32x!tpu.dma_semaphore, #tpu.memory_space<semaphore_mem>> -> memref<1x!tpu.dma_semaphore, #tpu.memory_space<semaphore_mem>>
    %dma_start3A_1414 = tpu.memref_squeeze %dma_start3A_1413 : memref<1x!tpu.dma_semaphore, #tpu.memory_space<semaphore_mem>> -> memref<!tpu.dma_semaphore, #tpu.memory_space<semaphore_mem>>
    %dma_start3A_1415 = arith.constant 928 : i32
    %dma_start3A_1416 = arith.constant 0 : i32
    %dma_start3A_1417 = arith.constant 0 : i32
    %dma_start3A_1418 = tpu.memref_slice %arg1[%dma_start3A_1415, %dma_start3A_1416, %dma_start3A_1417] : memref<1024x200x128xf32, #tpu.memory_space<any>> -> memref<8x200x128xf32, #tpu.memory_space<any>>
    tpu.enqueue_dma source(%arg2 : memref<8x200x128xf32, #tpu.memory_space<vmem>>) target(%dma_start3A_1418 : memref<8x200x128xf32, #tpu.memory_space<any>>) target_semaphore(%dma_start3A_1414 : memref<!tpu.dma_semaphore, #tpu.memory_space<semaphore_mem>>)
    %dma_wait3A_1419 = arith.constant 21 : i32
    %dma_wait3A_1420 = tpu.memref_slice %arg3[%dma_wait3A_1419] : memref<32x!tpu.dma_semaphore, #tpu.memory_space<semaphore_mem>> -> memref<1x!tpu.dma_semaphore, #tpu.memory_space<semaphore_mem>>
    %dma_wait3A_1421 = tpu.memref_squeeze %dma_wait3A_1420 : memref<1x!tpu.dma_semaphore, #tpu.memory_space<semaphore_mem>> -> memref<!tpu.dma_semaphore, #tpu.memory_space<semaphore_mem>>
    %dma_wait3A_1422 = arith.constant 680 : i32
    %dma_wait3A_1423 = arith.constant 0 : i32
    %dma_wait3A_1424 = arith.constant 0 : i32
    %dma_wait3A_1425 = tpu.memref_slice %arg1[%dma_wait3A_1422, %dma_wait3A_1423, %dma_wait3A_1424] : memref<1024x200x128xf32, #tpu.memory_space<any>> -> memref<8x200x128xf32, #tpu.memory_space<any>>
    tpu.wait_dma2 semaphore(%dma_wait3A_1421 : memref<!tpu.dma_semaphore, #tpu.memory_space<semaphore_mem>>) src(%arg2 : memref<8x200x128xf32, #tpu.memory_space<vmem>>) dst(%dma_wait3A_1425 : memref<8x200x128xf32, #tpu.memory_space<any>>)
    %dma_start3A_1426 = arith.constant 21 : i32
    %dma_start3A_1427 = tpu.memref_slice %arg3[%dma_start3A_1426] : memref<32x!tpu.dma_semaphore, #tpu.memory_space<semaphore_mem>> -> memref<1x!tpu.dma_semaphore, #tpu.memory_space<semaphore_mem>>
    %dma_start3A_1428 = tpu.memref_squeeze %dma_start3A_1427 : memref<1x!tpu.dma_semaphore, #tpu.memory_space<semaphore_mem>> -> memref<!tpu.dma_semaphore, #tpu.memory_space<semaphore_mem>>
    %dma_start3A_1429 = arith.constant 936 : i32
    %dma_start3A_1430 = arith.constant 0 : i32
    %dma_start3A_1431 = arith.constant 0 : i32
    %dma_start3A_1432 = tpu.memref_slice %arg1[%dma_start3A_1429, %dma_start3A_1430, %dma_start3A_1431] : memref<1024x200x128xf32, #tpu.memory_space<any>> -> memref<8x200x128xf32, #tpu.memory_space<any>>
    tpu.enqueue_dma source(%arg2 : memref<8x200x128xf32, #tpu.memory_space<vmem>>) target(%dma_start3A_1432 : memref<8x200x128xf32, #tpu.memory_space<any>>) target_semaphore(%dma_start3A_1428 : memref<!tpu.dma_semaphore, #tpu.memory_space<semaphore_mem>>)
    %dma_wait3A_1433 = arith.constant 22 : i32
    %dma_wait3A_1434 = tpu.memref_slice %arg3[%dma_wait3A_1433] : memref<32x!tpu.dma_semaphore, #tpu.memory_space<semaphore_mem>> -> memref<1x!tpu.dma_semaphore, #tpu.memory_space<semaphore_mem>>
    %dma_wait3A_1435 = tpu.memref_squeeze %dma_wait3A_1434 : memref<1x!tpu.dma_semaphore, #tpu.memory_space<semaphore_mem>> -> memref<!tpu.dma_semaphore, #tpu.memory_space<semaphore_mem>>
    %dma_wait3A_1436 = arith.constant 688 : i32
    %dma_wait3A_1437 = arith.constant 0 : i32
    %dma_wait3A_1438 = arith.constant 0 : i32
    %dma_wait3A_1439 = tpu.memref_slice %arg1[%dma_wait3A_1436, %dma_wait3A_1437, %dma_wait3A_1438] : memref<1024x200x128xf32, #tpu.memory_space<any>> -> memref<8x200x128xf32, #tpu.memory_space<any>>
    tpu.wait_dma2 semaphore(%dma_wait3A_1435 : memref<!tpu.dma_semaphore, #tpu.memory_space<semaphore_mem>>) src(%arg2 : memref<8x200x128xf32, #tpu.memory_space<vmem>>) dst(%dma_wait3A_1439 : memref<8x200x128xf32, #tpu.memory_space<any>>)
    %dma_start3A_1440 = arith.constant 22 : i32
    %dma_start3A_1441 = tpu.memref_slice %arg3[%dma_start3A_1440] : memref<32x!tpu.dma_semaphore, #tpu.memory_space<semaphore_mem>> -> memref<1x!tpu.dma_semaphore, #tpu.memory_space<semaphore_mem>>
    %dma_start3A_1442 = tpu.memref_squeeze %dma_start3A_1441 : memref<1x!tpu.dma_semaphore, #tpu.memory_space<semaphore_mem>> -> memref<!tpu.dma_semaphore, #tpu.memory_space<semaphore_mem>>
    %dma_start3A_1443 = arith.constant 944 : i32
    %dma_start3A_1444 = arith.constant 0 : i32
    %dma_start3A_1445 = arith.constant 0 : i32
    %dma_start3A_1446 = tpu.memref_slice %arg1[%dma_start3A_1443, %dma_start3A_1444, %dma_start3A_1445] : memref<1024x200x128xf32, #tpu.memory_space<any>> -> memref<8x200x128xf32, #tpu.memory_space<any>>
    tpu.enqueue_dma source(%arg2 : memref<8x200x128xf32, #tpu.memory_space<vmem>>) target(%dma_start3A_1446 : memref<8x200x128xf32, #tpu.memory_space<any>>) target_semaphore(%dma_start3A_1442 : memref<!tpu.dma_semaphore, #tpu.memory_space<semaphore_mem>>)
    %dma_wait3A_1447 = arith.constant 23 : i32
    %dma_wait3A_1448 = tpu.memref_slice %arg3[%dma_wait3A_1447] : memref<32x!tpu.dma_semaphore, #tpu.memory_space<semaphore_mem>> -> memref<1x!tpu.dma_semaphore, #tpu.memory_space<semaphore_mem>>
    %dma_wait3A_1449 = tpu.memref_squeeze %dma_wait3A_1448 : memref<1x!tpu.dma_semaphore, #tpu.memory_space<semaphore_mem>> -> memref<!tpu.dma_semaphore, #tpu.memory_space<semaphore_mem>>
    %dma_wait3A_1450 = arith.constant 696 : i32
    %dma_wait3A_1451 = arith.constant 0 : i32
    %dma_wait3A_1452 = arith.constant 0 : i32
    %dma_wait3A_1453 = tpu.memref_slice %arg1[%dma_wait3A_1450, %dma_wait3A_1451, %dma_wait3A_1452] : memref<1024x200x128xf32, #tpu.memory_space<any>> -> memref<8x200x128xf32, #tpu.memory_space<any>>
    tpu.wait_dma2 semaphore(%dma_wait3A_1449 : memref<!tpu.dma_semaphore, #tpu.memory_space<semaphore_mem>>) src(%arg2 : memref<8x200x128xf32, #tpu.memory_space<vmem>>) dst(%dma_wait3A_1453 : memref<8x200x128xf32, #tpu.memory_space<any>>)
    %dma_start3A_1454 = arith.constant 23 : i32
    %dma_start3A_1455 = tpu.memref_slice %arg3[%dma_start3A_1454] : memref<32x!tpu.dma_semaphore, #tpu.memory_space<semaphore_mem>> -> memref<1x!tpu.dma_semaphore, #tpu.memory_space<semaphore_mem>>
    %dma_start3A_1456 = tpu.memref_squeeze %dma_start3A_1455 : memref<1x!tpu.dma_semaphore, #tpu.memory_space<semaphore_mem>> -> memref<!tpu.dma_semaphore, #tpu.memory_space<semaphore_mem>>
    %dma_start3A_1457 = arith.constant 952 : i32
    %dma_start3A_1458 = arith.constant 0 : i32
    %dma_start3A_1459 = arith.constant 0 : i32
    %dma_start3A_1460 = tpu.memref_slice %arg1[%dma_start3A_1457, %dma_start3A_1458, %dma_start3A_1459] : memref<1024x200x128xf32, #tpu.memory_space<any>> -> memref<8x200x128xf32, #tpu.memory_space<any>>
    tpu.enqueue_dma source(%arg2 : memref<8x200x128xf32, #tpu.memory_space<vmem>>) target(%dma_start3A_1460 : memref<8x200x128xf32, #tpu.memory_space<any>>) target_semaphore(%dma_start3A_1456 : memref<!tpu.dma_semaphore, #tpu.memory_space<semaphore_mem>>)
    %dma_wait3A_1461 = arith.constant 24 : i32
    %dma_wait3A_1462 = tpu.memref_slice %arg3[%dma_wait3A_1461] : memref<32x!tpu.dma_semaphore, #tpu.memory_space<semaphore_mem>> -> memref<1x!tpu.dma_semaphore, #tpu.memory_space<semaphore_mem>>
    %dma_wait3A_1463 = tpu.memref_squeeze %dma_wait3A_1462 : memref<1x!tpu.dma_semaphore, #tpu.memory_space<semaphore_mem>> -> memref<!tpu.dma_semaphore, #tpu.memory_space<semaphore_mem>>
    %dma_wait3A_1464 = arith.constant 704 : i32
    %dma_wait3A_1465 = arith.constant 0 : i32
    %dma_wait3A_1466 = arith.constant 0 : i32
    %dma_wait3A_1467 = tpu.memref_slice %arg1[%dma_wait3A_1464, %dma_wait3A_1465, %dma_wait3A_1466] : memref<1024x200x128xf32, #tpu.memory_space<any>> -> memref<8x200x128xf32, #tpu.memory_space<any>>
    tpu.wait_dma2 semaphore(%dma_wait3A_1463 : memref<!tpu.dma_semaphore, #tpu.memory_space<semaphore_mem>>) src(%arg2 : memref<8x200x128xf32, #tpu.memory_space<vmem>>) dst(%dma_wait3A_1467 : memref<8x200x128xf32, #tpu.memory_space<any>>)
    %dma_start3A_1468 = arith.constant 24 : i32
    %dma_start3A_1469 = tpu.memref_slice %arg3[%dma_start3A_1468] : memref<32x!tpu.dma_semaphore, #tpu.memory_space<semaphore_mem>> -> memref<1x!tpu.dma_semaphore, #tpu.memory_space<semaphore_mem>>
    %dma_start3A_1470 = tpu.memref_squeeze %dma_start3A_1469 : memref<1x!tpu.dma_semaphore, #tpu.memory_space<semaphore_mem>> -> memref<!tpu.dma_semaphore, #tpu.memory_space<semaphore_mem>>
    %dma_start3A_1471 = arith.constant 960 : i32
    %dma_start3A_1472 = arith.constant 0 : i32
    %dma_start3A_1473 = arith.constant 0 : i32
    %dma_start3A_1474 = tpu.memref_slice %arg1[%dma_start3A_1471, %dma_start3A_1472, %dma_start3A_1473] : memref<1024x200x128xf32, #tpu.memory_space<any>> -> memref<8x200x128xf32, #tpu.memory_space<any>>
    tpu.enqueue_dma source(%arg2 : memref<8x200x128xf32, #tpu.memory_space<vmem>>) target(%dma_start3A_1474 : memref<8x200x128xf32, #tpu.memory_space<any>>) target_semaphore(%dma_start3A_1470 : memref<!tpu.dma_semaphore, #tpu.memory_space<semaphore_mem>>)
    %dma_wait3A_1475 = arith.constant 25 : i32
    %dma_wait3A_1476 = tpu.memref_slice %arg3[%dma_wait3A_1475] : memref<32x!tpu.dma_semaphore, #tpu.memory_space<semaphore_mem>> -> memref<1x!tpu.dma_semaphore, #tpu.memory_space<semaphore_mem>>
    %dma_wait3A_1477 = tpu.memref_squeeze %dma_wait3A_1476 : memref<1x!tpu.dma_semaphore, #tpu.memory_space<semaphore_mem>> -> memref<!tpu.dma_semaphore, #tpu.memory_space<semaphore_mem>>
    %dma_wait3A_1478 = arith.constant 712 : i32
    %dma_wait3A_1479 = arith.constant 0 : i32
    %dma_wait3A_1480 = arith.constant 0 : i32
    %dma_wait3A_1481 = tpu.memref_slice %arg1[%dma_wait3A_1478, %dma_wait3A_1479, %dma_wait3A_1480] : memref<1024x200x128xf32, #tpu.memory_space<any>> -> memref<8x200x128xf32, #tpu.memory_space<any>>
    tpu.wait_dma2 semaphore(%dma_wait3A_1477 : memref<!tpu.dma_semaphore, #tpu.memory_space<semaphore_mem>>) src(%arg2 : memref<8x200x128xf32, #tpu.memory_space<vmem>>) dst(%dma_wait3A_1481 : memref<8x200x128xf32, #tpu.memory_space<any>>)
    %dma_start3A_1482 = arith.constant 25 : i32
    %dma_start3A_1483 = tpu.memref_slice %arg3[%dma_start3A_1482] : memref<32x!tpu.dma_semaphore, #tpu.memory_space<semaphore_mem>> -> memref<1x!tpu.dma_semaphore, #tpu.memory_space<semaphore_mem>>
    %dma_start3A_1484 = tpu.memref_squeeze %dma_start3A_1483 : memref<1x!tpu.dma_semaphore, #tpu.memory_space<semaphore_mem>> -> memref<!tpu.dma_semaphore, #tpu.memory_space<semaphore_mem>>
    %dma_start3A_1485 = arith.constant 968 : i32
    %dma_start3A_1486 = arith.constant 0 : i32
    %dma_start3A_1487 = arith.constant 0 : i32
    %dma_start3A_1488 = tpu.memref_slice %arg1[%dma_start3A_1485, %dma_start3A_1486, %dma_start3A_1487] : memref<1024x200x128xf32, #tpu.memory_space<any>> -> memref<8x200x128xf32, #tpu.memory_space<any>>
    tpu.enqueue_dma source(%arg2 : memref<8x200x128xf32, #tpu.memory_space<vmem>>) target(%dma_start3A_1488 : memref<8x200x128xf32, #tpu.memory_space<any>>) target_semaphore(%dma_start3A_1484 : memref<!tpu.dma_semaphore, #tpu.memory_space<semaphore_mem>>)
    %dma_wait3A_1489 = arith.constant 26 : i32
    %dma_wait3A_1490 = tpu.memref_slice %arg3[%dma_wait3A_1489] : memref<32x!tpu.dma_semaphore, #tpu.memory_space<semaphore_mem>> -> memref<1x!tpu.dma_semaphore, #tpu.memory_space<semaphore_mem>>
    %dma_wait3A_1491 = tpu.memref_squeeze %dma_wait3A_1490 : memref<1x!tpu.dma_semaphore, #tpu.memory_space<semaphore_mem>> -> memref<!tpu.dma_semaphore, #tpu.memory_space<semaphore_mem>>
    %dma_wait3A_1492 = arith.constant 720 : i32
    %dma_wait3A_1493 = arith.constant 0 : i32
    %dma_wait3A_1494 = arith.constant 0 : i32
    %dma_wait3A_1495 = tpu.memref_slice %arg1[%dma_wait3A_1492, %dma_wait3A_1493, %dma_wait3A_1494] : memref<1024x200x128xf32, #tpu.memory_space<any>> -> memref<8x200x128xf32, #tpu.memory_space<any>>
    tpu.wait_dma2 semaphore(%dma_wait3A_1491 : memref<!tpu.dma_semaphore, #tpu.memory_space<semaphore_mem>>) src(%arg2 : memref<8x200x128xf32, #tpu.memory_space<vmem>>) dst(%dma_wait3A_1495 : memref<8x200x128xf32, #tpu.memory_space<any>>)
    %dma_start3A_1496 = arith.constant 26 : i32
    %dma_start3A_1497 = tpu.memref_slice %arg3[%dma_start3A_1496] : memref<32x!tpu.dma_semaphore, #tpu.memory_space<semaphore_mem>> -> memref<1x!tpu.dma_semaphore, #tpu.memory_space<semaphore_mem>>
    %dma_start3A_1498 = tpu.memref_squeeze %dma_start3A_1497 : memref<1x!tpu.dma_semaphore, #tpu.memory_space<semaphore_mem>> -> memref<!tpu.dma_semaphore, #tpu.memory_space<semaphore_mem>>
    %dma_start3A_1499 = arith.constant 976 : i32
    %dma_start3A_1500 = arith.constant 0 : i32
    %dma_start3A_1501 = arith.constant 0 : i32
    %dma_start3A_1502 = tpu.memref_slice %arg1[%dma_start3A_1499, %dma_start3A_1500, %dma_start3A_1501] : memref<1024x200x128xf32, #tpu.memory_space<any>> -> memref<8x200x128xf32, #tpu.memory_space<any>>
    tpu.enqueue_dma source(%arg2 : memref<8x200x128xf32, #tpu.memory_space<vmem>>) target(%dma_start3A_1502 : memref<8x200x128xf32, #tpu.memory_space<any>>) target_semaphore(%dma_start3A_1498 : memref<!tpu.dma_semaphore, #tpu.memory_space<semaphore_mem>>)
    %dma_wait3A_1503 = arith.constant 27 : i32
    %dma_wait3A_1504 = tpu.memref_slice %arg3[%dma_wait3A_1503] : memref<32x!tpu.dma_semaphore, #tpu.memory_space<semaphore_mem>> -> memref<1x!tpu.dma_semaphore, #tpu.memory_space<semaphore_mem>>
    %dma_wait3A_1505 = tpu.memref_squeeze %dma_wait3A_1504 : memref<1x!tpu.dma_semaphore, #tpu.memory_space<semaphore_mem>> -> memref<!tpu.dma_semaphore, #tpu.memory_space<semaphore_mem>>
    %dma_wait3A_1506 = arith.constant 728 : i32
    %dma_wait3A_1507 = arith.constant 0 : i32
    %dma_wait3A_1508 = arith.constant 0 : i32
    %dma_wait3A_1509 = tpu.memref_slice %arg1[%dma_wait3A_1506, %dma_wait3A_1507, %dma_wait3A_1508] : memref<1024x200x128xf32, #tpu.memory_space<any>> -> memref<8x200x128xf32, #tpu.memory_space<any>>
    tpu.wait_dma2 semaphore(%dma_wait3A_1505 : memref<!tpu.dma_semaphore, #tpu.memory_space<semaphore_mem>>) src(%arg2 : memref<8x200x128xf32, #tpu.memory_space<vmem>>) dst(%dma_wait3A_1509 : memref<8x200x128xf32, #tpu.memory_space<any>>)
    %dma_start3A_1510 = arith.constant 27 : i32
    %dma_start3A_1511 = tpu.memref_slice %arg3[%dma_start3A_1510] : memref<32x!tpu.dma_semaphore, #tpu.memory_space<semaphore_mem>> -> memref<1x!tpu.dma_semaphore, #tpu.memory_space<semaphore_mem>>
    %dma_start3A_1512 = tpu.memref_squeeze %dma_start3A_1511 : memref<1x!tpu.dma_semaphore, #tpu.memory_space<semaphore_mem>> -> memref<!tpu.dma_semaphore, #tpu.memory_space<semaphore_mem>>
    %dma_start3A_1513 = arith.constant 984 : i32
    %dma_start3A_1514 = arith.constant 0 : i32
    %dma_start3A_1515 = arith.constant 0 : i32
    %dma_start3A_1516 = tpu.memref_slice %arg1[%dma_start3A_1513, %dma_start3A_1514, %dma_start3A_1515] : memref<1024x200x128xf32, #tpu.memory_space<any>> -> memref<8x200x128xf32, #tpu.memory_space<any>>
    tpu.enqueue_dma source(%arg2 : memref<8x200x128xf32, #tpu.memory_space<vmem>>) target(%dma_start3A_1516 : memref<8x200x128xf32, #tpu.memory_space<any>>) target_semaphore(%dma_start3A_1512 : memref<!tpu.dma_semaphore, #tpu.memory_space<semaphore_mem>>)
    %dma_wait3A_1517 = arith.constant 28 : i32
    %dma_wait3A_1518 = tpu.memref_slice %arg3[%dma_wait3A_1517] : memref<32x!tpu.dma_semaphore, #tpu.memory_space<semaphore_mem>> -> memref<1x!tpu.dma_semaphore, #tpu.memory_space<semaphore_mem>>
    %dma_wait3A_1519 = tpu.memref_squeeze %dma_wait3A_1518 : memref<1x!tpu.dma_semaphore, #tpu.memory_space<semaphore_mem>> -> memref<!tpu.dma_semaphore, #tpu.memory_space<semaphore_mem>>
    %dma_wait3A_1520 = arith.constant 736 : i32
    %dma_wait3A_1521 = arith.constant 0 : i32
    %dma_wait3A_1522 = arith.constant 0 : i32
    %dma_wait3A_1523 = tpu.memref_slice %arg1[%dma_wait3A_1520, %dma_wait3A_1521, %dma_wait3A_1522] : memref<1024x200x128xf32, #tpu.memory_space<any>> -> memref<8x200x128xf32, #tpu.memory_space<any>>
    tpu.wait_dma2 semaphore(%dma_wait3A_1519 : memref<!tpu.dma_semaphore, #tpu.memory_space<semaphore_mem>>) src(%arg2 : memref<8x200x128xf32, #tpu.memory_space<vmem>>) dst(%dma_wait3A_1523 : memref<8x200x128xf32, #tpu.memory_space<any>>)
    %dma_start3A_1524 = arith.constant 28 : i32
    %dma_start3A_1525 = tpu.memref_slice %arg3[%dma_start3A_1524] : memref<32x!tpu.dma_semaphore, #tpu.memory_space<semaphore_mem>> -> memref<1x!tpu.dma_semaphore, #tpu.memory_space<semaphore_mem>>
    %dma_start3A_1526 = tpu.memref_squeeze %dma_start3A_1525 : memref<1x!tpu.dma_semaphore, #tpu.memory_space<semaphore_mem>> -> memref<!tpu.dma_semaphore, #tpu.memory_space<semaphore_mem>>
    %dma_start3A_1527 = arith.constant 992 : i32
    %dma_start3A_1528 = arith.constant 0 : i32
    %dma_start3A_1529 = arith.constant 0 : i32
    %dma_start3A_1530 = tpu.memref_slice %arg1[%dma_start3A_1527, %dma_start3A_1528, %dma_start3A_1529] : memref<1024x200x128xf32, #tpu.memory_space<any>> -> memref<8x200x128xf32, #tpu.memory_space<any>>
    tpu.enqueue_dma source(%arg2 : memref<8x200x128xf32, #tpu.memory_space<vmem>>) target(%dma_start3A_1530 : memref<8x200x128xf32, #tpu.memory_space<any>>) target_semaphore(%dma_start3A_1526 : memref<!tpu.dma_semaphore, #tpu.memory_space<semaphore_mem>>)
    %dma_wait3A_1531 = arith.constant 29 : i32
    %dma_wait3A_1532 = tpu.memref_slice %arg3[%dma_wait3A_1531] : memref<32x!tpu.dma_semaphore, #tpu.memory_space<semaphore_mem>> -> memref<1x!tpu.dma_semaphore, #tpu.memory_space<semaphore_mem>>
    %dma_wait3A_1533 = tpu.memref_squeeze %dma_wait3A_1532 : memref<1x!tpu.dma_semaphore, #tpu.memory_space<semaphore_mem>> -> memref<!tpu.dma_semaphore, #tpu.memory_space<semaphore_mem>>
    %dma_wait3A_1534 = arith.constant 744 : i32
    %dma_wait3A_1535 = arith.constant 0 : i32
    %dma_wait3A_1536 = arith.constant 0 : i32
    %dma_wait3A_1537 = tpu.memref_slice %arg1[%dma_wait3A_1534, %dma_wait3A_1535, %dma_wait3A_1536] : memref<1024x200x128xf32, #tpu.memory_space<any>> -> memref<8x200x128xf32, #tpu.memory_space<any>>
    tpu.wait_dma2 semaphore(%dma_wait3A_1533 : memref<!tpu.dma_semaphore, #tpu.memory_space<semaphore_mem>>) src(%arg2 : memref<8x200x128xf32, #tpu.memory_space<vmem>>) dst(%dma_wait3A_1537 : memref<8x200x128xf32, #tpu.memory_space<any>>)
    %dma_start3A_1538 = arith.constant 29 : i32
    %dma_start3A_1539 = tpu.memref_slice %arg3[%dma_start3A_1538] : memref<32x!tpu.dma_semaphore, #tpu.memory_space<semaphore_mem>> -> memref<1x!tpu.dma_semaphore, #tpu.memory_space<semaphore_mem>>
    %dma_start3A_1540 = tpu.memref_squeeze %dma_start3A_1539 : memref<1x!tpu.dma_semaphore, #tpu.memory_space<semaphore_mem>> -> memref<!tpu.dma_semaphore, #tpu.memory_space<semaphore_mem>>
    %dma_start3A_1541 = arith.constant 1000 : i32
    %dma_start3A_1542 = arith.constant 0 : i32
    %dma_start3A_1543 = arith.constant 0 : i32
    %dma_start3A_1544 = tpu.memref_slice %arg1[%dma_start3A_1541, %dma_start3A_1542, %dma_start3A_1543] : memref<1024x200x128xf32, #tpu.memory_space<any>> -> memref<8x200x128xf32, #tpu.memory_space<any>>
    tpu.enqueue_dma source(%arg2 : memref<8x200x128xf32, #tpu.memory_space<vmem>>) target(%dma_start3A_1544 : memref<8x200x128xf32, #tpu.memory_space<any>>) target_semaphore(%dma_start3A_1540 : memref<!tpu.dma_semaphore, #tpu.memory_space<semaphore_mem>>)
    %dma_wait3A_1545 = arith.constant 30 : i32
    %dma_wait3A_1546 = tpu.memref_slice %arg3[%dma_wait3A_1545] : memref<32x!tpu.dma_semaphore, #tpu.memory_space<semaphore_mem>> -> memref<1x!tpu.dma_semaphore, #tpu.memory_space<semaphore_mem>>
    %dma_wait3A_1547 = tpu.memref_squeeze %dma_wait3A_1546 : memref<1x!tpu.dma_semaphore, #tpu.memory_space<semaphore_mem>> -> memref<!tpu.dma_semaphore, #tpu.memory_space<semaphore_mem>>
    %dma_wait3A_1548 = arith.constant 752 : i32
    %dma_wait3A_1549 = arith.constant 0 : i32
    %dma_wait3A_1550 = arith.constant 0 : i32
    %dma_wait3A_1551 = tpu.memref_slice %arg1[%dma_wait3A_1548, %dma_wait3A_1549, %dma_wait3A_1550] : memref<1024x200x128xf32, #tpu.memory_space<any>> -> memref<8x200x128xf32, #tpu.memory_space<any>>
    tpu.wait_dma2 semaphore(%dma_wait3A_1547 : memref<!tpu.dma_semaphore, #tpu.memory_space<semaphore_mem>>) src(%arg2 : memref<8x200x128xf32, #tpu.memory_space<vmem>>) dst(%dma_wait3A_1551 : memref<8x200x128xf32, #tpu.memory_space<any>>)
    %dma_start3A_1552 = arith.constant 30 : i32
    %dma_start3A_1553 = tpu.memref_slice %arg3[%dma_start3A_1552] : memref<32x!tpu.dma_semaphore, #tpu.memory_space<semaphore_mem>> -> memref<1x!tpu.dma_semaphore, #tpu.memory_space<semaphore_mem>>
    %dma_start3A_1554 = tpu.memref_squeeze %dma_start3A_1553 : memref<1x!tpu.dma_semaphore, #tpu.memory_space<semaphore_mem>> -> memref<!tpu.dma_semaphore, #tpu.memory_space<semaphore_mem>>
    %dma_start3A_1555 = arith.constant 1008 : i32
    %dma_start3A_1556 = arith.constant 0 : i32
    %dma_start3A_1557 = arith.constant 0 : i32
    %dma_start3A_1558 = tpu.memref_slice %arg1[%dma_start3A_1555, %dma_start3A_1556, %dma_start3A_1557] : memref<1024x200x128xf32, #tpu.memory_space<any>> -> memref<8x200x128xf32, #tpu.memory_space<any>>
    tpu.enqueue_dma source(%arg2 : memref<8x200x128xf32, #tpu.memory_space<vmem>>) target(%dma_start3A_1558 : memref<8x200x128xf32, #tpu.memory_space<any>>) target_semaphore(%dma_start3A_1554 : memref<!tpu.dma_semaphore, #tpu.memory_space<semaphore_mem>>)
    %dma_wait3A_1559 = arith.constant 31 : i32
    %dma_wait3A_1560 = tpu.memref_slice %arg3[%dma_wait3A_1559] : memref<32x!tpu.dma_semaphore, #tpu.memory_space<semaphore_mem>> -> memref<1x!tpu.dma_semaphore, #tpu.memory_space<semaphore_mem>>
    %dma_wait3A_1561 = tpu.memref_squeeze %dma_wait3A_1560 : memref<1x!tpu.dma_semaphore, #tpu.memory_space<semaphore_mem>> -> memref<!tpu.dma_semaphore, #tpu.memory_space<semaphore_mem>>
    %dma_wait3A_1562 = arith.constant 760 : i32
    %dma_wait3A_1563 = arith.constant 0 : i32
    %dma_wait3A_1564 = arith.constant 0 : i32
    %dma_wait3A_1565 = tpu.memref_slice %arg1[%dma_wait3A_1562, %dma_wait3A_1563, %dma_wait3A_1564] : memref<1024x200x128xf32, #tpu.memory_space<any>> -> memref<8x200x128xf32, #tpu.memory_space<any>>
    tpu.wait_dma2 semaphore(%dma_wait3A_1561 : memref<!tpu.dma_semaphore, #tpu.memory_space<semaphore_mem>>) src(%arg2 : memref<8x200x128xf32, #tpu.memory_space<vmem>>) dst(%dma_wait3A_1565 : memref<8x200x128xf32, #tpu.memory_space<any>>)
    %dma_start3A_1566 = arith.constant 31 : i32
    %dma_start3A_1567 = tpu.memref_slice %arg3[%dma_start3A_1566] : memref<32x!tpu.dma_semaphore, #tpu.memory_space<semaphore_mem>> -> memref<1x!tpu.dma_semaphore, #tpu.memory_space<semaphore_mem>>
    %dma_start3A_1568 = tpu.memref_squeeze %dma_start3A_1567 : memref<1x!tpu.dma_semaphore, #tpu.memory_space<semaphore_mem>> -> memref<!tpu.dma_semaphore, #tpu.memory_space<semaphore_mem>>
    %dma_start3A_1569 = arith.constant 1016 : i32
    %dma_start3A_1570 = arith.constant 0 : i32
    %dma_start3A_1571 = arith.constant 0 : i32
    %dma_start3A_1572 = tpu.memref_slice %arg1[%dma_start3A_1569, %dma_start3A_1570, %dma_start3A_1571] : memref<1024x200x128xf32, #tpu.memory_space<any>> -> memref<8x200x128xf32, #tpu.memory_space<any>>
    tpu.enqueue_dma source(%arg2 : memref<8x200x128xf32, #tpu.memory_space<vmem>>) target(%dma_start3A_1572 : memref<8x200x128xf32, #tpu.memory_space<any>>) target_semaphore(%dma_start3A_1568 : memref<!tpu.dma_semaphore, #tpu.memory_space<semaphore_mem>>)
    %dma_wait3A_1573 = arith.constant 0 : i32
    %dma_wait3A_1574 = tpu.memref_slice %arg3[%dma_wait3A_1573] : memref<32x!tpu.dma_semaphore, #tpu.memory_space<semaphore_mem>> -> memref<1x!tpu.dma_semaphore, #tpu.memory_space<semaphore_mem>>
    %dma_wait3A_1575 = tpu.memref_squeeze %dma_wait3A_1574 : memref<1x!tpu.dma_semaphore, #tpu.memory_space<semaphore_mem>> -> memref<!tpu.dma_semaphore, #tpu.memory_space<semaphore_mem>>
    %dma_wait3A_1576 = arith.constant 768 : i32
    %dma_wait3A_1577 = arith.constant 0 : i32
    %dma_wait3A_1578 = arith.constant 0 : i32
    %dma_wait3A_1579 = tpu.memref_slice %arg1[%dma_wait3A_1576, %dma_wait3A_1577, %dma_wait3A_1578] : memref<1024x200x128xf32, #tpu.memory_space<any>> -> memref<8x200x128xf32, #tpu.memory_space<any>>
    tpu.wait_dma2 semaphore(%dma_wait3A_1575 : memref<!tpu.dma_semaphore, #tpu.memory_space<semaphore_mem>>) src(%arg2 : memref<8x200x128xf32, #tpu.memory_space<vmem>>) dst(%dma_wait3A_1579 : memref<8x200x128xf32, #tpu.memory_space<any>>)
    %dma_wait3A_1580 = arith.constant 1 : i32
    %dma_wait3A_1581 = tpu.memref_slice %arg3[%dma_wait3A_1580] : memref<32x!tpu.dma_semaphore, #tpu.memory_space<semaphore_mem>> -> memref<1x!tpu.dma_semaphore, #tpu.memory_space<semaphore_mem>>
    %dma_wait3A_1582 = tpu.memref_squeeze %dma_wait3A_1581 : memref<1x!tpu.dma_semaphore, #tpu.memory_space<semaphore_mem>> -> memref<!tpu.dma_semaphore, #tpu.memory_space<semaphore_mem>>
    %dma_wait3A_1583 = arith.constant 776 : i32
    %dma_wait3A_1584 = arith.constant 0 : i32
    %dma_wait3A_1585 = arith.constant 0 : i32
    %dma_wait3A_1586 = tpu.memref_slice %arg1[%dma_wait3A_1583, %dma_wait3A_1584, %dma_wait3A_1585] : memref<1024x200x128xf32, #tpu.memory_space<any>> -> memref<8x200x128xf32, #tpu.memory_space<any>>
    tpu.wait_dma2 semaphore(%dma_wait3A_1582 : memref<!tpu.dma_semaphore, #tpu.memory_space<semaphore_mem>>) src(%arg2 : memref<8x200x128xf32, #tpu.memory_space<vmem>>) dst(%dma_wait3A_1586 : memref<8x200x128xf32, #tpu.memory_space<any>>)
    %dma_wait3A_1587 = arith.constant 2 : i32
    %dma_wait3A_1588 = tpu.memref_slice %arg3[%dma_wait3A_1587] : memref<32x!tpu.dma_semaphore, #tpu.memory_space<semaphore_mem>> -> memref<1x!tpu.dma_semaphore, #tpu.memory_space<semaphore_mem>>
    %dma_wait3A_1589 = tpu.memref_squeeze %dma_wait3A_1588 : memref<1x!tpu.dma_semaphore, #tpu.memory_space<semaphore_mem>> -> memref<!tpu.dma_semaphore, #tpu.memory_space<semaphore_mem>>
    %dma_wait3A_1590 = arith.constant 784 : i32
    %dma_wait3A_1591 = arith.constant 0 : i32
    %dma_wait3A_1592 = arith.constant 0 : i32
    %dma_wait3A_1593 = tpu.memref_slice %arg1[%dma_wait3A_1590, %dma_wait3A_1591, %dma_wait3A_1592] : memref<1024x200x128xf32, #tpu.memory_space<any>> -> memref<8x200x128xf32, #tpu.memory_space<any>>
    tpu.wait_dma2 semaphore(%dma_wait3A_1589 : memref<!tpu.dma_semaphore, #tpu.memory_space<semaphore_mem>>) src(%arg2 : memref<8x200x128xf32, #tpu.memory_space<vmem>>) dst(%dma_wait3A_1593 : memref<8x200x128xf32, #tpu.memory_space<any>>)
    %dma_wait3A_1594 = arith.constant 3 : i32
    %dma_wait3A_1595 = tpu.memref_slice %arg3[%dma_wait3A_1594] : memref<32x!tpu.dma_semaphore, #tpu.memory_space<semaphore_mem>> -> memref<1x!tpu.dma_semaphore, #tpu.memory_space<semaphore_mem>>
    %dma_wait3A_1596 = tpu.memref_squeeze %dma_wait3A_1595 : memref<1x!tpu.dma_semaphore, #tpu.memory_space<semaphore_mem>> -> memref<!tpu.dma_semaphore, #tpu.memory_space<semaphore_mem>>
    %dma_wait3A_1597 = arith.constant 792 : i32
    %dma_wait3A_1598 = arith.constant 0 : i32
    %dma_wait3A_1599 = arith.constant 0 : i32
    %dma_wait3A_1600 = tpu.memref_slice %arg1[%dma_wait3A_1597, %dma_wait3A_1598, %dma_wait3A_1599] : memref<1024x200x128xf32, #tpu.memory_space<any>> -> memref<8x200x128xf32, #tpu.memory_space<any>>
    tpu.wait_dma2 semaphore(%dma_wait3A_1596 : memref<!tpu.dma_semaphore, #tpu.memory_space<semaphore_mem>>) src(%arg2 : memref<8x200x128xf32, #tpu.memory_space<vmem>>) dst(%dma_wait3A_1600 : memref<8x200x128xf32, #tpu.memory_space<any>>)
    %dma_wait3A_1601 = arith.constant 4 : i32
    %dma_wait3A_1602 = tpu.memref_slice %arg3[%dma_wait3A_1601] : memref<32x!tpu.dma_semaphore, #tpu.memory_space<semaphore_mem>> -> memref<1x!tpu.dma_semaphore, #tpu.memory_space<semaphore_mem>>
    %dma_wait3A_1603 = tpu.memref_squeeze %dma_wait3A_1602 : memref<1x!tpu.dma_semaphore, #tpu.memory_space<semaphore_mem>> -> memref<!tpu.dma_semaphore, #tpu.memory_space<semaphore_mem>>
    %dma_wait3A_1604 = arith.constant 800 : i32
    %dma_wait3A_1605 = arith.constant 0 : i32
    %dma_wait3A_1606 = arith.constant 0 : i32
    %dma_wait3A_1607 = tpu.memref_slice %arg1[%dma_wait3A_1604, %dma_wait3A_1605, %dma_wait3A_1606] : memref<1024x200x128xf32, #tpu.memory_space<any>> -> memref<8x200x128xf32, #tpu.memory_space<any>>
    tpu.wait_dma2 semaphore(%dma_wait3A_1603 : memref<!tpu.dma_semaphore, #tpu.memory_space<semaphore_mem>>) src(%arg2 : memref<8x200x128xf32, #tpu.memory_space<vmem>>) dst(%dma_wait3A_1607 : memref<8x200x128xf32, #tpu.memory_space<any>>)
    %dma_wait3A_1608 = arith.constant 5 : i32
    %dma_wait3A_1609 = tpu.memref_slice %arg3[%dma_wait3A_1608] : memref<32x!tpu.dma_semaphore, #tpu.memory_space<semaphore_mem>> -> memref<1x!tpu.dma_semaphore, #tpu.memory_space<semaphore_mem>>
    %dma_wait3A_1610 = tpu.memref_squeeze %dma_wait3A_1609 : memref<1x!tpu.dma_semaphore, #tpu.memory_space<semaphore_mem>> -> memref<!tpu.dma_semaphore, #tpu.memory_space<semaphore_mem>>
    %dma_wait3A_1611 = arith.constant 808 : i32
    %dma_wait3A_1612 = arith.constant 0 : i32
    %dma_wait3A_1613 = arith.constant 0 : i32
    %dma_wait3A_1614 = tpu.memref_slice %arg1[%dma_wait3A_1611, %dma_wait3A_1612, %dma_wait3A_1613] : memref<1024x200x128xf32, #tpu.memory_space<any>> -> memref<8x200x128xf32, #tpu.memory_space<any>>
    tpu.wait_dma2 semaphore(%dma_wait3A_1610 : memref<!tpu.dma_semaphore, #tpu.memory_space<semaphore_mem>>) src(%arg2 : memref<8x200x128xf32, #tpu.memory_space<vmem>>) dst(%dma_wait3A_1614 : memref<8x200x128xf32, #tpu.memory_space<any>>)
    %dma_wait3A_1615 = arith.constant 6 : i32
    %dma_wait3A_1616 = tpu.memref_slice %arg3[%dma_wait3A_1615] : memref<32x!tpu.dma_semaphore, #tpu.memory_space<semaphore_mem>> -> memref<1x!tpu.dma_semaphore, #tpu.memory_space<semaphore_mem>>
    %dma_wait3A_1617 = tpu.memref_squeeze %dma_wait3A_1616 : memref<1x!tpu.dma_semaphore, #tpu.memory_space<semaphore_mem>> -> memref<!tpu.dma_semaphore, #tpu.memory_space<semaphore_mem>>
    %dma_wait3A_1618 = arith.constant 816 : i32
    %dma_wait3A_1619 = arith.constant 0 : i32
    %dma_wait3A_1620 = arith.constant 0 : i32
    %dma_wait3A_1621 = tpu.memref_slice %arg1[%dma_wait3A_1618, %dma_wait3A_1619, %dma_wait3A_1620] : memref<1024x200x128xf32, #tpu.memory_space<any>> -> memref<8x200x128xf32, #tpu.memory_space<any>>
    tpu.wait_dma2 semaphore(%dma_wait3A_1617 : memref<!tpu.dma_semaphore, #tpu.memory_space<semaphore_mem>>) src(%arg2 : memref<8x200x128xf32, #tpu.memory_space<vmem>>) dst(%dma_wait3A_1621 : memref<8x200x128xf32, #tpu.memory_space<any>>)
    %dma_wait3A_1622 = arith.constant 7 : i32
    %dma_wait3A_1623 = tpu.memref_slice %arg3[%dma_wait3A_1622] : memref<32x!tpu.dma_semaphore, #tpu.memory_space<semaphore_mem>> -> memref<1x!tpu.dma_semaphore, #tpu.memory_space<semaphore_mem>>
    %dma_wait3A_1624 = tpu.memref_squeeze %dma_wait3A_1623 : memref<1x!tpu.dma_semaphore, #tpu.memory_space<semaphore_mem>> -> memref<!tpu.dma_semaphore, #tpu.memory_space<semaphore_mem>>
    %dma_wait3A_1625 = arith.constant 824 : i32
    %dma_wait3A_1626 = arith.constant 0 : i32
    %dma_wait3A_1627 = arith.constant 0 : i32
    %dma_wait3A_1628 = tpu.memref_slice %arg1[%dma_wait3A_1625, %dma_wait3A_1626, %dma_wait3A_1627] : memref<1024x200x128xf32, #tpu.memory_space<any>> -> memref<8x200x128xf32, #tpu.memory_space<any>>
    tpu.wait_dma2 semaphore(%dma_wait3A_1624 : memref<!tpu.dma_semaphore, #tpu.memory_space<semaphore_mem>>) src(%arg2 : memref<8x200x128xf32, #tpu.memory_space<vmem>>) dst(%dma_wait3A_1628 : memref<8x200x128xf32, #tpu.memory_space<any>>)
    %dma_wait3A_1629 = arith.constant 8 : i32
    %dma_wait3A_1630 = tpu.memref_slice %arg3[%dma_wait3A_1629] : memref<32x!tpu.dma_semaphore, #tpu.memory_space<semaphore_mem>> -> memref<1x!tpu.dma_semaphore, #tpu.memory_space<semaphore_mem>>
    %dma_wait3A_1631 = tpu.memref_squeeze %dma_wait3A_1630 : memref<1x!tpu.dma_semaphore, #tpu.memory_space<semaphore_mem>> -> memref<!tpu.dma_semaphore, #tpu.memory_space<semaphore_mem>>
    %dma_wait3A_1632 = arith.constant 832 : i32
    %dma_wait3A_1633 = arith.constant 0 : i32
    %dma_wait3A_1634 = arith.constant 0 : i32
    %dma_wait3A_1635 = tpu.memref_slice %arg1[%dma_wait3A_1632, %dma_wait3A_1633, %dma_wait3A_1634] : memref<1024x200x128xf32, #tpu.memory_space<any>> -> memref<8x200x128xf32, #tpu.memory_space<any>>
    tpu.wait_dma2 semaphore(%dma_wait3A_1631 : memref<!tpu.dma_semaphore, #tpu.memory_space<semaphore_mem>>) src(%arg2 : memref<8x200x128xf32, #tpu.memory_space<vmem>>) dst(%dma_wait3A_1635 : memref<8x200x128xf32, #tpu.memory_space<any>>)
    %dma_wait3A_1636 = arith.constant 9 : i32
    %dma_wait3A_1637 = tpu.memref_slice %arg3[%dma_wait3A_1636] : memref<32x!tpu.dma_semaphore, #tpu.memory_space<semaphore_mem>> -> memref<1x!tpu.dma_semaphore, #tpu.memory_space<semaphore_mem>>
    %dma_wait3A_1638 = tpu.memref_squeeze %dma_wait3A_1637 : memref<1x!tpu.dma_semaphore, #tpu.memory_space<semaphore_mem>> -> memref<!tpu.dma_semaphore, #tpu.memory_space<semaphore_mem>>
    %dma_wait3A_1639 = arith.constant 840 : i32
    %dma_wait3A_1640 = arith.constant 0 : i32
    %dma_wait3A_1641 = arith.constant 0 : i32
    %dma_wait3A_1642 = tpu.memref_slice %arg1[%dma_wait3A_1639, %dma_wait3A_1640, %dma_wait3A_1641] : memref<1024x200x128xf32, #tpu.memory_space<any>> -> memref<8x200x128xf32, #tpu.memory_space<any>>
    tpu.wait_dma2 semaphore(%dma_wait3A_1638 : memref<!tpu.dma_semaphore, #tpu.memory_space<semaphore_mem>>) src(%arg2 : memref<8x200x128xf32, #tpu.memory_space<vmem>>) dst(%dma_wait3A_1642 : memref<8x200x128xf32, #tpu.memory_space<any>>)
    %dma_wait3A_1643 = arith.constant 10 : i32
    %dma_wait3A_1644 = tpu.memref_slice %arg3[%dma_wait3A_1643] : memref<32x!tpu.dma_semaphore, #tpu.memory_space<semaphore_mem>> -> memref<1x!tpu.dma_semaphore, #tpu.memory_space<semaphore_mem>>
    %dma_wait3A_1645 = tpu.memref_squeeze %dma_wait3A_1644 : memref<1x!tpu.dma_semaphore, #tpu.memory_space<semaphore_mem>> -> memref<!tpu.dma_semaphore, #tpu.memory_space<semaphore_mem>>
    %dma_wait3A_1646 = arith.constant 848 : i32
    %dma_wait3A_1647 = arith.constant 0 : i32
    %dma_wait3A_1648 = arith.constant 0 : i32
    %dma_wait3A_1649 = tpu.memref_slice %arg1[%dma_wait3A_1646, %dma_wait3A_1647, %dma_wait3A_1648] : memref<1024x200x128xf32, #tpu.memory_space<any>> -> memref<8x200x128xf32, #tpu.memory_space<any>>
    tpu.wait_dma2 semaphore(%dma_wait3A_1645 : memref<!tpu.dma_semaphore, #tpu.memory_space<semaphore_mem>>) src(%arg2 : memref<8x200x128xf32, #tpu.memory_space<vmem>>) dst(%dma_wait3A_1649 : memref<8x200x128xf32, #tpu.memory_space<any>>)
    %dma_wait3A_1650 = arith.constant 11 : i32
    %dma_wait3A_1651 = tpu.memref_slice %arg3[%dma_wait3A_1650] : memref<32x!tpu.dma_semaphore, #tpu.memory_space<semaphore_mem>> -> memref<1x!tpu.dma_semaphore, #tpu.memory_space<semaphore_mem>>
    %dma_wait3A_1652 = tpu.memref_squeeze %dma_wait3A_1651 : memref<1x!tpu.dma_semaphore, #tpu.memory_space<semaphore_mem>> -> memref<!tpu.dma_semaphore, #tpu.memory_space<semaphore_mem>>
    %dma_wait3A_1653 = arith.constant 856 : i32
    %dma_wait3A_1654 = arith.constant 0 : i32
    %dma_wait3A_1655 = arith.constant 0 : i32
    %dma_wait3A_1656 = tpu.memref_slice %arg1[%dma_wait3A_1653, %dma_wait3A_1654, %dma_wait3A_1655] : memref<1024x200x128xf32, #tpu.memory_space<any>> -> memref<8x200x128xf32, #tpu.memory_space<any>>
    tpu.wait_dma2 semaphore(%dma_wait3A_1652 : memref<!tpu.dma_semaphore, #tpu.memory_space<semaphore_mem>>) src(%arg2 : memref<8x200x128xf32, #tpu.memory_space<vmem>>) dst(%dma_wait3A_1656 : memref<8x200x128xf32, #tpu.memory_space<any>>)
    %dma_wait3A_1657 = arith.constant 12 : i32
    %dma_wait3A_1658 = tpu.memref_slice %arg3[%dma_wait3A_1657] : memref<32x!tpu.dma_semaphore, #tpu.memory_space<semaphore_mem>> -> memref<1x!tpu.dma_semaphore, #tpu.memory_space<semaphore_mem>>
    %dma_wait3A_1659 = tpu.memref_squeeze %dma_wait3A_1658 : memref<1x!tpu.dma_semaphore, #tpu.memory_space<semaphore_mem>> -> memref<!tpu.dma_semaphore, #tpu.memory_space<semaphore_mem>>
    %dma_wait3A_1660 = arith.constant 864 : i32
    %dma_wait3A_1661 = arith.constant 0 : i32
    %dma_wait3A_1662 = arith.constant 0 : i32
    %dma_wait3A_1663 = tpu.memref_slice %arg1[%dma_wait3A_1660, %dma_wait3A_1661, %dma_wait3A_1662] : memref<1024x200x128xf32, #tpu.memory_space<any>> -> memref<8x200x128xf32, #tpu.memory_space<any>>
    tpu.wait_dma2 semaphore(%dma_wait3A_1659 : memref<!tpu.dma_semaphore, #tpu.memory_space<semaphore_mem>>) src(%arg2 : memref<8x200x128xf32, #tpu.memory_space<vmem>>) dst(%dma_wait3A_1663 : memref<8x200x128xf32, #tpu.memory_space<any>>)
    %dma_wait3A_1664 = arith.constant 13 : i32
    %dma_wait3A_1665 = tpu.memref_slice %arg3[%dma_wait3A_1664] : memref<32x!tpu.dma_semaphore, #tpu.memory_space<semaphore_mem>> -> memref<1x!tpu.dma_semaphore, #tpu.memory_space<semaphore_mem>>
    %dma_wait3A_1666 = tpu.memref_squeeze %dma_wait3A_1665 : memref<1x!tpu.dma_semaphore, #tpu.memory_space<semaphore_mem>> -> memref<!tpu.dma_semaphore, #tpu.memory_space<semaphore_mem>>
    %dma_wait3A_1667 = arith.constant 872 : i32
    %dma_wait3A_1668 = arith.constant 0 : i32
    %dma_wait3A_1669 = arith.constant 0 : i32
    %dma_wait3A_1670 = tpu.memref_slice %arg1[%dma_wait3A_1667, %dma_wait3A_1668, %dma_wait3A_1669] : memref<1024x200x128xf32, #tpu.memory_space<any>> -> memref<8x200x128xf32, #tpu.memory_space<any>>
    tpu.wait_dma2 semaphore(%dma_wait3A_1666 : memref<!tpu.dma_semaphore, #tpu.memory_space<semaphore_mem>>) src(%arg2 : memref<8x200x128xf32, #tpu.memory_space<vmem>>) dst(%dma_wait3A_1670 : memref<8x200x128xf32, #tpu.memory_space<any>>)
    %dma_wait3A_1671 = arith.constant 14 : i32
    %dma_wait3A_1672 = tpu.memref_slice %arg3[%dma_wait3A_1671] : memref<32x!tpu.dma_semaphore, #tpu.memory_space<semaphore_mem>> -> memref<1x!tpu.dma_semaphore, #tpu.memory_space<semaphore_mem>>
    %dma_wait3A_1673 = tpu.memref_squeeze %dma_wait3A_1672 : memref<1x!tpu.dma_semaphore, #tpu.memory_space<semaphore_mem>> -> memref<!tpu.dma_semaphore, #tpu.memory_space<semaphore_mem>>
    %dma_wait3A_1674 = arith.constant 880 : i32
    %dma_wait3A_1675 = arith.constant 0 : i32
    %dma_wait3A_1676 = arith.constant 0 : i32
    %dma_wait3A_1677 = tpu.memref_slice %arg1[%dma_wait3A_1674, %dma_wait3A_1675, %dma_wait3A_1676] : memref<1024x200x128xf32, #tpu.memory_space<any>> -> memref<8x200x128xf32, #tpu.memory_space<any>>
    tpu.wait_dma2 semaphore(%dma_wait3A_1673 : memref<!tpu.dma_semaphore, #tpu.memory_space<semaphore_mem>>) src(%arg2 : memref<8x200x128xf32, #tpu.memory_space<vmem>>) dst(%dma_wait3A_1677 : memref<8x200x128xf32, #tpu.memory_space<any>>)
    %dma_wait3A_1678 = arith.constant 15 : i32
    %dma_wait3A_1679 = tpu.memref_slice %arg3[%dma_wait3A_1678] : memref<32x!tpu.dma_semaphore, #tpu.memory_space<semaphore_mem>> -> memref<1x!tpu.dma_semaphore, #tpu.memory_space<semaphore_mem>>
    %dma_wait3A_1680 = tpu.memref_squeeze %dma_wait3A_1679 : memref<1x!tpu.dma_semaphore, #tpu.memory_space<semaphore_mem>> -> memref<!tpu.dma_semaphore, #tpu.memory_space<semaphore_mem>>
    %dma_wait3A_1681 = arith.constant 888 : i32
    %dma_wait3A_1682 = arith.constant 0 : i32
    %dma_wait3A_1683 = arith.constant 0 : i32
    %dma_wait3A_1684 = tpu.memref_slice %arg1[%dma_wait3A_1681, %dma_wait3A_1682, %dma_wait3A_1683] : memref<1024x200x128xf32, #tpu.memory_space<any>> -> memref<8x200x128xf32, #tpu.memory_space<any>>
    tpu.wait_dma2 semaphore(%dma_wait3A_1680 : memref<!tpu.dma_semaphore, #tpu.memory_space<semaphore_mem>>) src(%arg2 : memref<8x200x128xf32, #tpu.memory_space<vmem>>) dst(%dma_wait3A_1684 : memref<8x200x128xf32, #tpu.memory_space<any>>)
    %dma_wait3A_1685 = arith.constant 16 : i32
    %dma_wait3A_1686 = tpu.memref_slice %arg3[%dma_wait3A_1685] : memref<32x!tpu.dma_semaphore, #tpu.memory_space<semaphore_mem>> -> memref<1x!tpu.dma_semaphore, #tpu.memory_space<semaphore_mem>>
    %dma_wait3A_1687 = tpu.memref_squeeze %dma_wait3A_1686 : memref<1x!tpu.dma_semaphore, #tpu.memory_space<semaphore_mem>> -> memref<!tpu.dma_semaphore, #tpu.memory_space<semaphore_mem>>
    %dma_wait3A_1688 = arith.constant 896 : i32
    %dma_wait3A_1689 = arith.constant 0 : i32
    %dma_wait3A_1690 = arith.constant 0 : i32
    %dma_wait3A_1691 = tpu.memref_slice %arg1[%dma_wait3A_1688, %dma_wait3A_1689, %dma_wait3A_1690] : memref<1024x200x128xf32, #tpu.memory_space<any>> -> memref<8x200x128xf32, #tpu.memory_space<any>>
    tpu.wait_dma2 semaphore(%dma_wait3A_1687 : memref<!tpu.dma_semaphore, #tpu.memory_space<semaphore_mem>>) src(%arg2 : memref<8x200x128xf32, #tpu.memory_space<vmem>>) dst(%dma_wait3A_1691 : memref<8x200x128xf32, #tpu.memory_space<any>>)
    %dma_wait3A_1692 = arith.constant 17 : i32
    %dma_wait3A_1693 = tpu.memref_slice %arg3[%dma_wait3A_1692] : memref<32x!tpu.dma_semaphore, #tpu.memory_space<semaphore_mem>> -> memref<1x!tpu.dma_semaphore, #tpu.memory_space<semaphore_mem>>
    %dma_wait3A_1694 = tpu.memref_squeeze %dma_wait3A_1693 : memref<1x!tpu.dma_semaphore, #tpu.memory_space<semaphore_mem>> -> memref<!tpu.dma_semaphore, #tpu.memory_space<semaphore_mem>>
    %dma_wait3A_1695 = arith.constant 904 : i32
    %dma_wait3A_1696 = arith.constant 0 : i32
    %dma_wait3A_1697 = arith.constant 0 : i32
    %dma_wait3A_1698 = tpu.memref_slice %arg1[%dma_wait3A_1695, %dma_wait3A_1696, %dma_wait3A_1697] : memref<1024x200x128xf32, #tpu.memory_space<any>> -> memref<8x200x128xf32, #tpu.memory_space<any>>
    tpu.wait_dma2 semaphore(%dma_wait3A_1694 : memref<!tpu.dma_semaphore, #tpu.memory_space<semaphore_mem>>) src(%arg2 : memref<8x200x128xf32, #tpu.memory_space<vmem>>) dst(%dma_wait3A_1698 : memref<8x200x128xf32, #tpu.memory_space<any>>)
    %dma_wait3A_1699 = arith.constant 18 : i32
    %dma_wait3A_1700 = tpu.memref_slice %arg3[%dma_wait3A_1699] : memref<32x!tpu.dma_semaphore, #tpu.memory_space<semaphore_mem>> -> memref<1x!tpu.dma_semaphore, #tpu.memory_space<semaphore_mem>>
    %dma_wait3A_1701 = tpu.memref_squeeze %dma_wait3A_1700 : memref<1x!tpu.dma_semaphore, #tpu.memory_space<semaphore_mem>> -> memref<!tpu.dma_semaphore, #tpu.memory_space<semaphore_mem>>
    %dma_wait3A_1702 = arith.constant 912 : i32
    %dma_wait3A_1703 = arith.constant 0 : i32
    %dma_wait3A_1704 = arith.constant 0 : i32
    %dma_wait3A_1705 = tpu.memref_slice %arg1[%dma_wait3A_1702, %dma_wait3A_1703, %dma_wait3A_1704] : memref<1024x200x128xf32, #tpu.memory_space<any>> -> memref<8x200x128xf32, #tpu.memory_space<any>>
    tpu.wait_dma2 semaphore(%dma_wait3A_1701 : memref<!tpu.dma_semaphore, #tpu.memory_space<semaphore_mem>>) src(%arg2 : memref<8x200x128xf32, #tpu.memory_space<vmem>>) dst(%dma_wait3A_1705 : memref<8x200x128xf32, #tpu.memory_space<any>>)
    %dma_wait3A_1706 = arith.constant 19 : i32
    %dma_wait3A_1707 = tpu.memref_slice %arg3[%dma_wait3A_1706] : memref<32x!tpu.dma_semaphore, #tpu.memory_space<semaphore_mem>> -> memref<1x!tpu.dma_semaphore, #tpu.memory_space<semaphore_mem>>
    %dma_wait3A_1708 = tpu.memref_squeeze %dma_wait3A_1707 : memref<1x!tpu.dma_semaphore, #tpu.memory_space<semaphore_mem>> -> memref<!tpu.dma_semaphore, #tpu.memory_space<semaphore_mem>>
    %dma_wait3A_1709 = arith.constant 920 : i32
    %dma_wait3A_1710 = arith.constant 0 : i32
    %dma_wait3A_1711 = arith.constant 0 : i32
    %dma_wait3A_1712 = tpu.memref_slice %arg1[%dma_wait3A_1709, %dma_wait3A_1710, %dma_wait3A_1711] : memref<1024x200x128xf32, #tpu.memory_space<any>> -> memref<8x200x128xf32, #tpu.memory_space<any>>
    tpu.wait_dma2 semaphore(%dma_wait3A_1708 : memref<!tpu.dma_semaphore, #tpu.memory_space<semaphore_mem>>) src(%arg2 : memref<8x200x128xf32, #tpu.memory_space<vmem>>) dst(%dma_wait3A_1712 : memref<8x200x128xf32, #tpu.memory_space<any>>)
    %dma_wait3A_1713 = arith.constant 20 : i32
    %dma_wait3A_1714 = tpu.memref_slice %arg3[%dma_wait3A_1713] : memref<32x!tpu.dma_semaphore, #tpu.memory_space<semaphore_mem>> -> memref<1x!tpu.dma_semaphore, #tpu.memory_space<semaphore_mem>>
    %dma_wait3A_1715 = tpu.memref_squeeze %dma_wait3A_1714 : memref<1x!tpu.dma_semaphore, #tpu.memory_space<semaphore_mem>> -> memref<!tpu.dma_semaphore, #tpu.memory_space<semaphore_mem>>
    %dma_wait3A_1716 = arith.constant 928 : i32
    %dma_wait3A_1717 = arith.constant 0 : i32
    %dma_wait3A_1718 = arith.constant 0 : i32
    %dma_wait3A_1719 = tpu.memref_slice %arg1[%dma_wait3A_1716, %dma_wait3A_1717, %dma_wait3A_1718] : memref<1024x200x128xf32, #tpu.memory_space<any>> -> memref<8x200x128xf32, #tpu.memory_space<any>>
    tpu.wait_dma2 semaphore(%dma_wait3A_1715 : memref<!tpu.dma_semaphore, #tpu.memory_space<semaphore_mem>>) src(%arg2 : memref<8x200x128xf32, #tpu.memory_space<vmem>>) dst(%dma_wait3A_1719 : memref<8x200x128xf32, #tpu.memory_space<any>>)
    %dma_wait3A_1720 = arith.constant 21 : i32
    %dma_wait3A_1721 = tpu.memref_slice %arg3[%dma_wait3A_1720] : memref<32x!tpu.dma_semaphore, #tpu.memory_space<semaphore_mem>> -> memref<1x!tpu.dma_semaphore, #tpu.memory_space<semaphore_mem>>
    %dma_wait3A_1722 = tpu.memref_squeeze %dma_wait3A_1721 : memref<1x!tpu.dma_semaphore, #tpu.memory_space<semaphore_mem>> -> memref<!tpu.dma_semaphore, #tpu.memory_space<semaphore_mem>>
    %dma_wait3A_1723 = arith.constant 936 : i32
    %dma_wait3A_1724 = arith.constant 0 : i32
    %dma_wait3A_1725 = arith.constant 0 : i32
    %dma_wait3A_1726 = tpu.memref_slice %arg1[%dma_wait3A_1723, %dma_wait3A_1724, %dma_wait3A_1725] : memref<1024x200x128xf32, #tpu.memory_space<any>> -> memref<8x200x128xf32, #tpu.memory_space<any>>
    tpu.wait_dma2 semaphore(%dma_wait3A_1722 : memref<!tpu.dma_semaphore, #tpu.memory_space<semaphore_mem>>) src(%arg2 : memref<8x200x128xf32, #tpu.memory_space<vmem>>) dst(%dma_wait3A_1726 : memref<8x200x128xf32, #tpu.memory_space<any>>)
    %dma_wait3A_1727 = arith.constant 22 : i32
    %dma_wait3A_1728 = tpu.memref_slice %arg3[%dma_wait3A_1727] : memref<32x!tpu.dma_semaphore, #tpu.memory_space<semaphore_mem>> -> memref<1x!tpu.dma_semaphore, #tpu.memory_space<semaphore_mem>>
    %dma_wait3A_1729 = tpu.memref_squeeze %dma_wait3A_1728 : memref<1x!tpu.dma_semaphore, #tpu.memory_space<semaphore_mem>> -> memref<!tpu.dma_semaphore, #tpu.memory_space<semaphore_mem>>
    %dma_wait3A_1730 = arith.constant 944 : i32
    %dma_wait3A_1731 = arith.constant 0 : i32
    %dma_wait3A_1732 = arith.constant 0 : i32
    %dma_wait3A_1733 = tpu.memref_slice %arg1[%dma_wait3A_1730, %dma_wait3A_1731, %dma_wait3A_1732] : memref<1024x200x128xf32, #tpu.memory_space<any>> -> memref<8x200x128xf32, #tpu.memory_space<any>>
    tpu.wait_dma2 semaphore(%dma_wait3A_1729 : memref<!tpu.dma_semaphore, #tpu.memory_space<semaphore_mem>>) src(%arg2 : memref<8x200x128xf32, #tpu.memory_space<vmem>>) dst(%dma_wait3A_1733 : memref<8x200x128xf32, #tpu.memory_space<any>>)
    %dma_wait3A_1734 = arith.constant 23 : i32
    %dma_wait3A_1735 = tpu.memref_slice %arg3[%dma_wait3A_1734] : memref<32x!tpu.dma_semaphore, #tpu.memory_space<semaphore_mem>> -> memref<1x!tpu.dma_semaphore, #tpu.memory_space<semaphore_mem>>
    %dma_wait3A_1736 = tpu.memref_squeeze %dma_wait3A_1735 : memref<1x!tpu.dma_semaphore, #tpu.memory_space<semaphore_mem>> -> memref<!tpu.dma_semaphore, #tpu.memory_space<semaphore_mem>>
    %dma_wait3A_1737 = arith.constant 952 : i32
    %dma_wait3A_1738 = arith.constant 0 : i32
    %dma_wait3A_1739 = arith.constant 0 : i32
    %dma_wait3A_1740 = tpu.memref_slice %arg1[%dma_wait3A_1737, %dma_wait3A_1738, %dma_wait3A_1739] : memref<1024x200x128xf32, #tpu.memory_space<any>> -> memref<8x200x128xf32, #tpu.memory_space<any>>
    tpu.wait_dma2 semaphore(%dma_wait3A_1736 : memref<!tpu.dma_semaphore, #tpu.memory_space<semaphore_mem>>) src(%arg2 : memref<8x200x128xf32, #tpu.memory_space<vmem>>) dst(%dma_wait3A_1740 : memref<8x200x128xf32, #tpu.memory_space<any>>)
    %dma_wait3A_1741 = arith.constant 24 : i32
    %dma_wait3A_1742 = tpu.memref_slice %arg3[%dma_wait3A_1741] : memref<32x!tpu.dma_semaphore, #tpu.memory_space<semaphore_mem>> -> memref<1x!tpu.dma_semaphore, #tpu.memory_space<semaphore_mem>>
    %dma_wait3A_1743 = tpu.memref_squeeze %dma_wait3A_1742 : memref<1x!tpu.dma_semaphore, #tpu.memory_space<semaphore_mem>> -> memref<!tpu.dma_semaphore, #tpu.memory_space<semaphore_mem>>
    %dma_wait3A_1744 = arith.constant 960 : i32
    %dma_wait3A_1745 = arith.constant 0 : i32
    %dma_wait3A_1746 = arith.constant 0 : i32
    %dma_wait3A_1747 = tpu.memref_slice %arg1[%dma_wait3A_1744, %dma_wait3A_1745, %dma_wait3A_1746] : memref<1024x200x128xf32, #tpu.memory_space<any>> -> memref<8x200x128xf32, #tpu.memory_space<any>>
    tpu.wait_dma2 semaphore(%dma_wait3A_1743 : memref<!tpu.dma_semaphore, #tpu.memory_space<semaphore_mem>>) src(%arg2 : memref<8x200x128xf32, #tpu.memory_space<vmem>>) dst(%dma_wait3A_1747 : memref<8x200x128xf32, #tpu.memory_space<any>>)
    %dma_wait3A_1748 = arith.constant 25 : i32
    %dma_wait3A_1749 = tpu.memref_slice %arg3[%dma_wait3A_1748] : memref<32x!tpu.dma_semaphore, #tpu.memory_space<semaphore_mem>> -> memref<1x!tpu.dma_semaphore, #tpu.memory_space<semaphore_mem>>
    %dma_wait3A_1750 = tpu.memref_squeeze %dma_wait3A_1749 : memref<1x!tpu.dma_semaphore, #tpu.memory_space<semaphore_mem>> -> memref<!tpu.dma_semaphore, #tpu.memory_space<semaphore_mem>>
    %dma_wait3A_1751 = arith.constant 968 : i32
    %dma_wait3A_1752 = arith.constant 0 : i32
    %dma_wait3A_1753 = arith.constant 0 : i32
    %dma_wait3A_1754 = tpu.memref_slice %arg1[%dma_wait3A_1751, %dma_wait3A_1752, %dma_wait3A_1753] : memref<1024x200x128xf32, #tpu.memory_space<any>> -> memref<8x200x128xf32, #tpu.memory_space<any>>
    tpu.wait_dma2 semaphore(%dma_wait3A_1750 : memref<!tpu.dma_semaphore, #tpu.memory_space<semaphore_mem>>) src(%arg2 : memref<8x200x128xf32, #tpu.memory_space<vmem>>) dst(%dma_wait3A_1754 : memref<8x200x128xf32, #tpu.memory_space<any>>)
    %dma_wait3A_1755 = arith.constant 26 : i32
    %dma_wait3A_1756 = tpu.memref_slice %arg3[%dma_wait3A_1755] : memref<32x!tpu.dma_semaphore, #tpu.memory_space<semaphore_mem>> -> memref<1x!tpu.dma_semaphore, #tpu.memory_space<semaphore_mem>>
    %dma_wait3A_1757 = tpu.memref_squeeze %dma_wait3A_1756 : memref<1x!tpu.dma_semaphore, #tpu.memory_space<semaphore_mem>> -> memref<!tpu.dma_semaphore, #tpu.memory_space<semaphore_mem>>
    %dma_wait3A_1758 = arith.constant 976 : i32
    %dma_wait3A_1759 = arith.constant 0 : i32
    %dma_wait3A_1760 = arith.constant 0 : i32
    %dma_wait3A_1761 = tpu.memref_slice %arg1[%dma_wait3A_1758, %dma_wait3A_1759, %dma_wait3A_1760] : memref<1024x200x128xf32, #tpu.memory_space<any>> -> memref<8x200x128xf32, #tpu.memory_space<any>>
    tpu.wait_dma2 semaphore(%dma_wait3A_1757 : memref<!tpu.dma_semaphore, #tpu.memory_space<semaphore_mem>>) src(%arg2 : memref<8x200x128xf32, #tpu.memory_space<vmem>>) dst(%dma_wait3A_1761 : memref<8x200x128xf32, #tpu.memory_space<any>>)
    %dma_wait3A_1762 = arith.constant 27 : i32
    %dma_wait3A_1763 = tpu.memref_slice %arg3[%dma_wait3A_1762] : memref<32x!tpu.dma_semaphore, #tpu.memory_space<semaphore_mem>> -> memref<1x!tpu.dma_semaphore, #tpu.memory_space<semaphore_mem>>
    %dma_wait3A_1764 = tpu.memref_squeeze %dma_wait3A_1763 : memref<1x!tpu.dma_semaphore, #tpu.memory_space<semaphore_mem>> -> memref<!tpu.dma_semaphore, #tpu.memory_space<semaphore_mem>>
    %dma_wait3A_1765 = arith.constant 984 : i32
    %dma_wait3A_1766 = arith.constant 0 : i32
    %dma_wait3A_1767 = arith.constant 0 : i32
    %dma_wait3A_1768 = tpu.memref_slice %arg1[%dma_wait3A_1765, %dma_wait3A_1766, %dma_wait3A_1767] : memref<1024x200x128xf32, #tpu.memory_space<any>> -> memref<8x200x128xf32, #tpu.memory_space<any>>
    tpu.wait_dma2 semaphore(%dma_wait3A_1764 : memref<!tpu.dma_semaphore, #tpu.memory_space<semaphore_mem>>) src(%arg2 : memref<8x200x128xf32, #tpu.memory_space<vmem>>) dst(%dma_wait3A_1768 : memref<8x200x128xf32, #tpu.memory_space<any>>)
    %dma_wait3A_1769 = arith.constant 28 : i32
    %dma_wait3A_1770 = tpu.memref_slice %arg3[%dma_wait3A_1769] : memref<32x!tpu.dma_semaphore, #tpu.memory_space<semaphore_mem>> -> memref<1x!tpu.dma_semaphore, #tpu.memory_space<semaphore_mem>>
    %dma_wait3A_1771 = tpu.memref_squeeze %dma_wait3A_1770 : memref<1x!tpu.dma_semaphore, #tpu.memory_space<semaphore_mem>> -> memref<!tpu.dma_semaphore, #tpu.memory_space<semaphore_mem>>
    %dma_wait3A_1772 = arith.constant 992 : i32
    %dma_wait3A_1773 = arith.constant 0 : i32
    %dma_wait3A_1774 = arith.constant 0 : i32
    %dma_wait3A_1775 = tpu.memref_slice %arg1[%dma_wait3A_1772, %dma_wait3A_1773, %dma_wait3A_1774] : memref<1024x200x128xf32, #tpu.memory_space<any>> -> memref<8x200x128xf32, #tpu.memory_space<any>>
    tpu.wait_dma2 semaphore(%dma_wait3A_1771 : memref<!tpu.dma_semaphore, #tpu.memory_space<semaphore_mem>>) src(%arg2 : memref<8x200x128xf32, #tpu.memory_space<vmem>>) dst(%dma_wait3A_1775 : memref<8x200x128xf32, #tpu.memory_space<any>>)
    %dma_wait3A_1776 = arith.constant 29 : i32
    %dma_wait3A_1777 = tpu.memref_slice %arg3[%dma_wait3A_1776] : memref<32x!tpu.dma_semaphore, #tpu.memory_space<semaphore_mem>> -> memref<1x!tpu.dma_semaphore, #tpu.memory_space<semaphore_mem>>
    %dma_wait3A_1778 = tpu.memref_squeeze %dma_wait3A_1777 : memref<1x!tpu.dma_semaphore, #tpu.memory_space<semaphore_mem>> -> memref<!tpu.dma_semaphore, #tpu.memory_space<semaphore_mem>>
    %dma_wait3A_1779 = arith.constant 1000 : i32
    %dma_wait3A_1780 = arith.constant 0 : i32
    %dma_wait3A_1781 = arith.constant 0 : i32
    %dma_wait3A_1782 = tpu.memref_slice %arg1[%dma_wait3A_1779, %dma_wait3A_1780, %dma_wait3A_1781] : memref<1024x200x128xf32, #tpu.memory_space<any>> -> memref<8x200x128xf32, #tpu.memory_space<any>>
    tpu.wait_dma2 semaphore(%dma_wait3A_1778 : memref<!tpu.dma_semaphore, #tpu.memory_space<semaphore_mem>>) src(%arg2 : memref<8x200x128xf32, #tpu.memory_space<vmem>>) dst(%dma_wait3A_1782 : memref<8x200x128xf32, #tpu.memory_space<any>>)
    %dma_wait3A_1783 = arith.constant 30 : i32
    %dma_wait3A_1784 = tpu.memref_slice %arg3[%dma_wait3A_1783] : memref<32x!tpu.dma_semaphore, #tpu.memory_space<semaphore_mem>> -> memref<1x!tpu.dma_semaphore, #tpu.memory_space<semaphore_mem>>
    %dma_wait3A_1785 = tpu.memref_squeeze %dma_wait3A_1784 : memref<1x!tpu.dma_semaphore, #tpu.memory_space<semaphore_mem>> -> memref<!tpu.dma_semaphore, #tpu.memory_space<semaphore_mem>>
    %dma_wait3A_1786 = arith.constant 1008 : i32
    %dma_wait3A_1787 = arith.constant 0 : i32
    %dma_wait3A_1788 = arith.constant 0 : i32
    %dma_wait3A_1789 = tpu.memref_slice %arg1[%dma_wait3A_1786, %dma_wait3A_1787, %dma_wait3A_1788] : memref<1024x200x128xf32, #tpu.memory_space<any>> -> memref<8x200x128xf32, #tpu.memory_space<any>>
    tpu.wait_dma2 semaphore(%dma_wait3A_1785 : memref<!tpu.dma_semaphore, #tpu.memory_space<semaphore_mem>>) src(%arg2 : memref<8x200x128xf32, #tpu.memory_space<vmem>>) dst(%dma_wait3A_1789 : memref<8x200x128xf32, #tpu.memory_space<any>>)
    %dma_wait3A_1790 = arith.constant 31 : i32
    %dma_wait3A_1791 = tpu.memref_slice %arg3[%dma_wait3A_1790] : memref<32x!tpu.dma_semaphore, #tpu.memory_space<semaphore_mem>> -> memref<1x!tpu.dma_semaphore, #tpu.memory_space<semaphore_mem>>
    %dma_wait3A_1792 = tpu.memref_squeeze %dma_wait3A_1791 : memref<1x!tpu.dma_semaphore, #tpu.memory_space<semaphore_mem>> -> memref<!tpu.dma_semaphore, #tpu.memory_space<semaphore_mem>>
    %dma_wait3A_1793 = arith.constant 1016 : i32
    %dma_wait3A_1794 = arith.constant 0 : i32
    %dma_wait3A_1795 = arith.constant 0 : i32
    %dma_wait3A_1796 = tpu.memref_slice %arg1[%dma_wait3A_1793, %dma_wait3A_1794, %dma_wait3A_1795] : memref<1024x200x128xf32, #tpu.memory_space<any>> -> memref<8x200x128xf32, #tpu.memory_space<any>>
    tpu.wait_dma2 semaphore(%dma_wait3A_1792 : memref<!tpu.dma_semaphore, #tpu.memory_space<semaphore_mem>>) src(%arg2 : memref<8x200x128xf32, #tpu.memory_space<vmem>>) dst(%dma_wait3A_1796 : memref<8x200x128xf32, #tpu.memory_space<any>>)
    return
  }
}

</mosaic_0001>

<sc_bundles>
// kernel: kernel.4.cloned.1.call-start
scs
__scs_entry_jumppad:
0x0: {  	(pc) =	sbr.rel $0x88, $3  }
0x1: {  	(tag) =	ssettag $0x0;
	lr =	simm.s32 $0x1  }
0x2: {  	[smem:$0x3FA0] =	sst lr;
	_ =	strace $0xD0000000  }
0x3: {  	_ = 	snop  }
0x4: {  	_ = 	snop  }
0x5: {  	_ = 	snop  }
0x6: {  	_ = 	snop  }
0x7: {  	_ = 	snop  }
__scs_overlays_trampoline_lowered:
0x8: {  	[smem:$0x3FAF] =	sst s0  }
0x9: {  	[smem:$0x3FB0] =	sst s1  }
0xa: {  	[smem:$0x3FB1] =	sst s2  }
0xb: {  	[smem:$0x3FB2] =	sst s3  }
0xc: {  	[smem:$0x3FB3] =	sst s4  }
0xd: {  	[smem:$0x3FB4] =	sst s5  }
0xe: {  	[smem:$0x3FB5] =	sst s6  }
0xf: {  	[smem:$0x3FB6] =	sst s7  }
0x10: {  	[smem:$0x3FB7] =	sst s8  }
0x11: {  	[smem:$0x3FB8] =	sst s9;
	s0 =	simm.s32 @!p0 $0x0  }
0x12: {  	s1 =	sld [smem:$0x3F9E];
	s0 =	simm.s32 @p0 $0x1  }
0x13: {  	[smem:$0x3FB9] =	sst s0;
	s0 =	simm.s32 @!p1 $0x0  }
0x14: {  	s2 =	sld [smem:$0x3F9D];
	s0 =	simm.s32 @p1 $0x1  }
0x15: {  	[smem:$0x3FBA] =	sst s0;
	s0 =	simm.s32 @!p2 $0x0  }
0x16: {  	s3 =	sld [smem:$0x3FDB];
	s0 =	simm.s32 @p2 $0x1  }
0x17: {  	s4 =	simm.s32 $0x1BF5;
	[smem:$0x3FBC] =	sst s0  }
0x18: {  	s0 =	sld [smem:$0x3F9F];
	_ =	swait.ge [sflag:s4], $0x0  }
0x19: {  	s7 =	sld [smem:$0x3FA0]  }
0x1a: {  	s8 =	sadd.s32 $0xFFFFE003, lr  }
0x1b: {  	s9 =	sadd.s32 $0xFFFFFEF7, lr;
	s5 =	simm.s32 $0xFFFFFFFF;
	p2 =	slt.u32 s8, $0xFFFFF086  }
0x1c: {  	p1 =	slt.u32 s9, $0xF7A;
	s5 =	simm.s32 @!p2 $0x0  }
0x1d: {  	s5 =	simm.s32 @p1 $0x1;
	p0 =	seq.s32 s7, s2  }
0x1e: {  	s7 =	smul.u32 @!p0 $0xF7A, s2;
	p2 =	seq.s32 @!p0 s5, $0x0  }
0x1f: {  	s9 =	smul.u32 $0xF7A, s1;
	s8 =	simm.s32 @!p0 $0x1BF5;
	p2 =	por !p2, p0  }
0x20: {  	[sflag:s8] =	ssyncset.s32 @!p0 $0xFFFFF086;
	s6 =	sadd.s32 @!p0 s3, s7;
	s7 =	simm.s32 @!p0 $0x108  }
0x21: {  	s3 =	sadd.s32 s3, s9;
	s6 =	sadd.s32 @!p0 $0x88, s6;
	s7 =	simm.s32 @p2 $0x1082  }
0x22: {  	[simem:s7], [sflag:s8] =	dma.local @!p0 [hbm:s6], $0xF7A  }
0x23: {  	s9 =	sor.u32 $0xD0000000, s2;
	s6 =	simm.s32 $0x108;
	_ =	swait.ge @!p0 [sflag:s8], $0x0  }
0x24: {  	s3 =	sadd.s32 $0x88, s3;
	s6 =	simm.s32 @!p1 $0x1082;
	[sflag:s4] =	ssyncset.s32 $0xFFFFF086  }
0x25: {  	[simem:s6], [sflag:s4] =	dma.local [hbm:s3], $0xF7A  }
0x26: {  	[smem:$0x3FA0] =	sst s1;
	(tag) =	ssettag s2;
	_ =	strace s9  }
0x27: {  	s1 =	sld [smem:$0x3FB0]  }
0x28: {  	s2 =	sld [smem:$0x3FB1]  }
0x29: {  	s4 =	sld [smem:$0x3FB3]  }
0x2a: {  	p0 =	seq.s32 s5, $0x0;
	s5 =	sld [smem:$0x3FB4]  }
0x2b: {  	s6 =	sld [smem:$0x3FB5]  }
0x2c: {  	s7 =	sld [smem:$0x3FB6]  }
0x2d: {  	s3 =	simm.s32 $0x108;
	s8 =	sld [smem:$0x3FB7]  }
0x2e: {  	s3 =	simm.s32 @!p0 $0x1082;
	s9 =	sld [smem:$0x3FB8]  }
0x2f: {  	lr =	sadd.s32 s0, s3;
	s0 =	sld [smem:$0x3FAF]  }
0x30: {  	s3 =	sld [smem:$0x3FB2]  }
0x31: {  	[smem:$0x3FBB] =	sst s10  }
0x32: {  	s10 =	sld [smem:$0x3FB9];
	_ =	sdelay $0x3  }
0x33: {  	p0 =	seq.s32 s10, $0x1;
	s10 =	sld [smem:$0x3FBB];
	_ =	sdelay $0x3  }
0x34: {  	[smem:$0x3FBB] =	sst s10  }
0x35: {  	s10 =	sld [smem:$0x3FBA];
	_ =	sdelay $0x3  }
0x36: {  	p1 =	seq.s32 s10, $0x1;
	s10 =	sld [smem:$0x3FBB];
	_ =	sdelay $0x3  }
0x37: {  	[smem:$0x3FBB] =	sst s10  }
0x38: {  	s10 =	sld [smem:$0x3FBC]  }
0x39: {  	_ = 	snop;
	(pc) =	sbr.ind lr, $3  }
0x3a: {  	_ = 	snop  }
0x3b: {  	_ = 	snop  }
0x3c: {  	p2 =	seq.s32 s10, $0x1;
	s10 =	sld [smem:$0x3FBB]  }
0x3d: {  	_ =	shalt  }
0x3e: {  	_ =	shalt  }
0x3f: {  	_ =	shalt  }
0x40: {  	_ =	shalt  }
0x41: {  	_ =	shalt  }
0x42: {  	_ =	shalt  }
0x43: {  	_ =	shalt  }
0x44: {  	_ =	shalt  }
0x45: {  	_ =	shalt  }
0x46: {  	_ =	shalt  }
0x47: {  	_ =	shalt  }
0x48: {  	_ =	shalt  }
0x49: {  	_ =	shalt  }
0x4a: {  	_ =	shalt  }
0x4b: {  	_ =	shalt  }
0x4c: {  	_ =	shalt  }
0x4d: {  	_ =	shalt  }
0x4e: {  	_ =	shalt  }
0x4f: {  	_ =	shalt  }
0x50: {  	_ =	shalt  }
0x51: {  	_ =	shalt  }
0x52: {  	_ =	shalt  }
0x53: {  	_ =	shalt  }
0x54: {  	_ =	shalt  }
0x55: {  	_ =	shalt  }
0x56: {  	_ =	shalt  }
0x57: {  	_ =	shalt  }
0x58: {  	_ =	shalt  }
0x59: {  	_ =	shalt  }
0x5a: {  	_ =	shalt  }
0x5b: {  	_ =	shalt  }
0x5c: {  	_ =	shalt  }
0x5d: {  	_ =	shalt  }
0x5e: {  	_ =	shalt  }
0x5f: {  	_ =	shalt  }
0x60: {  	_ =	shalt  }
0x61: {  	_ =	shalt  }
0x62: {  	_ =	shalt  }
0x63: {  	_ =	shalt  }
0x64: {  	_ =	shalt  }
0x65: {  	_ =	shalt  }
0x66: {  	_ =	shalt  }
0x67: {  	_ =	shalt  }
0x68: {  	_ =	shalt  }
0x69: {  	_ =	shalt  }
0x6a: {  	_ =	shalt  }
0x6b: {  	_ =	shalt  }
0x6c: {  	_ =	shalt  }
0x6d: {  	_ =	shalt  }
0x6e: {  	_ =	shalt  }
0x6f: {  	_ =	shalt  }
0x70: {  	_ =	shalt  }
0x71: {  	_ =	shalt  }
0x72: {  	_ =	shalt  }
0x73: {  	_ =	shalt  }
0x74: {  	_ =	shalt  }
0x75: {  	_ =	shalt  }
0x76: {  	_ =	shalt  }
0x77: {  	_ =	shalt  }
0x78: {  	_ =	shalt  }
0x79: {  	_ =	shalt  }
0x7a: {  	_ =	shalt  }
0x7b: {  	_ =	shalt  }
0x7c: {  	_ =	shalt  }
0x7d: {  	_ =	shalt  }
0x7e: {  	_ =	shalt  }
0x7f: {  	_ =	shalt  }
0x80: {  	_ =	shalt  }
0x81: {  	_ =	shalt  }
0x82: {  	_ =	shalt  }
0x83: {  	_ =	shalt  }
0x84: {  	_ =	shalt  }
0x85: {  	_ =	shalt  }
0x86: {  	_ =	shalt  }
0x87: {  	_ =	shalt  }
.Lfunc_end0:
.L_simem_size_0:
called_computation_lowered:
.L_overlay_start_0:
0x88: {  	s2 =	sld [smem:$0x3FD9]  }
0x89: {  	s3 =	sld [smem:$0x3FFE];
	_ =	sdelay $0x1  }
0x8a: {  	s1 =	srdreg.scid  }
0x8b: {  	s0 =	sand.u32 $0x1, s1  }
0x8c: {  	s18 =	sshll.u32 s0, $0xA;
	s2 =	sadd.s32 s3, s2  }
0x8d: {  	s2 =	sadd.s32 s2, s18  }
0x8e: {  	[smem:$0x3FC7] =	sst s2  }
0x8f: {  	_ = 	snop  }
0x90: {  	s2 =	sld [smem:$0x3FC9]  }
0x91: {  	s19 =	sld [smem:$0x3FD0];
	(tm) =	ssettm $0x1  }
0x92: {  	s4 =	sld [smem:$0x3FFB];
	_ =	sdelay $0x3  }
0x93: {  	_ =	strace s4  }
0x94: {  	s4 =	sld [smem:$0x3FFC];
	_ =	sdelay $0x3  }
0x95: {  	_ =	strace s4  }
0x96: {  	s4 =	sld [smem:$0x3FFD];
	_ =	sdelay $0x3  }
0x97: {  	_ =	strace s4  }
0x98: {  	_ =	strace $0x8FFFFFFF  }
0x99: {  	s20 =	sld [smem:$0x3FDB];
	_ =	sdelay $0x1  }
0x9a: {  	s5 =	simm.s32 $_scs_section_size  }
0x9b: {  	s6 =	simm.s32 $_size__tile_overlayer_lowered;
	s7 =	simm.s32 $_tile_overlayer_lowered  }
0x9c: {  	s23 =	simm.s32 $0x1BFF;
	s22 =	sshll.u32 s7, $0x1;
	s4 =	sadd.s32 s5, s20  }
0x9d: {  	s8 =	simm.s32 $0x0;
	s21 =	sshll.u32 s6, $0x1;
	s6 =	sadd.s32 s22, s4  }
0x9e: {  	[timem:s8], [sflag:s23] =	dma.local [hbm:s6], s21  }
0x9f: {  	_ =	swait.ge [sflag:s23], s21  }
0xa0: {  	s5 =	ssub.s32 $0x0, s21;
	[sflag:s23] =	ssyncset.done $0x0  }
0xa1: {  	[sflag:s23] =	ssyncadd.s32 s5;
	_ =	sdelay $0x1  }
0xa2: {  	s24 =	simm.s32 $0x1B8B  }
0xa3: {  	_ =	swait.ge [sflag:s24], $0x1  }
0xa4: {  	[sflag:s24] =	ssyncset.done $0x0  }
0xa5: {  	s25 =	simm.s32 $0x1B8E;
	[sflag:s24] =	ssyncadd.s32 $0xFFFFFFFF  }
0xa6: {  	s26 =	simm.s32 $execute0_lowered;
	[smem:$0x3FD2] =	sst s25  }
0xa7: {  	s5 =	sshll.u32 s26, $0x1;
	_ =	strace $0x80000046;
	[dreg:$0x1] =	wrdreg $0xFFFFFFFF  }
0xa8: {  	s28 =	simm.s32 $_size_execute0_lowered;
	s4 =	sadd.s32 s4, s5;
	[dreg:$0x0] =	wrdreg $0x0  }
0xa9: {  	s5 =	sshll.u32 s28, $0x1;
	[dreg:$0x2] =	wrdreg s4  }
0xaa: {  	[dreg:$0x3] =	wrdreg s5  }
0xab: {  	[dreg:$0x4] =	wrdreg $0xC0  }
0xac: {  	_ =	task [dreg:s8], $0x5FFFF  }
0xad: {  	[dreg:$0x1] =	wrdreg $0xFFFFFFFF  }
0xae: {  	[dreg:$0x0] =	wrdreg $0x60  }
0xaf: {  	[dreg:$0x2] =	wrdreg s2  }
0xb0: {  	[dreg:$0x3] =	wrdreg s19  }
0xb1: {  	[dreg:$0x4] =	wrdreg $0x9  }
0xb2: {  	_ =	task.clear_ibuf [dreg:s8], $0x5FFFF;
	_ =	strace $0x90000046  }
0xb3: {  	s29 =	simm.s32 $0x9;
	_ =	strace $0x80000048  }
0xb4: {  	_ =	swait.ge [sflag:s29], $0x1  }
0xb5: {  	[sflag:s29] =	ssyncadd.s32 $0xFFFFFFFF  }
0xb6: {  	_ =	strace $0x90000048  }
0xb7: {  	_ =	sfence  }
0xb8: {  	s30 =	sld [smem:$0x0];
	_ =	sdelay $0x2  }
0xb9: {  	s31 =	sshll.u32 s1, $0xD;
	s1 =	sshrl.u32 s1, $0x2  }
0xba: {  	s3 =	sand.u32 $0x4000, s31;
	s1 =	sadd.s32 s1, s30  }
0xbb: {  	s0 =	sor.u32 s3, s0;
	s1 =	sshll.u32 s1, $0x11  }
0xbc: {  	s0 =	sor.u32 s1, s0  }
0xbd: {  	s0 =	sadd.s32 $0x8F2B, s0  }
0xbe: {  	[sflag:s0] =	ssyncadd.remote.s32 $0x1  }
0xbf: {  	_ =	sfence.sel $0xFFFF  }
0xc0: {  	[dreg:$0x0] =	wrdreg $0xFFFFFFFF;
	(pc) =	sbr.abs _section_cstart, $3  }
0xc1: {  	[dreg:$0x1] =	wrdreg $0xFFFFFFFF  }
0xc2: {  	_ =	task.clear_ibuf [dreg:s8], $0x2FFFF;
	_ =	strace $0x9FFFFFFF  }
0xc3: {  	(tm) =	ssettm $0x7FFFFFFF  }
tec
execute0_lowered:
.L_overlay_start_1:
0x0: {  	(tag) =	ssettag $0x1  }
0x1: {  	s0 =	rddreg [dreg:$0x1];
	s1 =	srdreg.scid;
	s3 =	simm.s32 $0x0  }
0x2: {  	s2 =	stileid.u32;
	s1 =	sand.u32 $0x1, s1;
	[smem:$0x7FF] =	sst s3  }
0x3: {  	s25 =	ssub.s32 $0x2, s1;
	s1 =	sshll.u32 s2, $0x4;
	_ =	strace $0x80000047  }
0x4: {  	s4 =	sshrl.u32 s25, $0x1;
	s2 =	smin.u32 s1, $0xB8;
	s6 =	smin.u32 s1, $0x80  }
0x5: {  	s7 =	smin.u32 s1, $0x7F;
	s10 =	smin.u32 s1, $0x7E;
	s13 =	smin.u32 s1, $0x7D  }
0x6: {  	s14 =	smin.u32 s1, $0x7C;
	s15 =	smin.u32 s1, $0x7B;
	s17 =	smin.u32 s1, $0x7A  }
0x7: {  	s20 =	smin.u32 s1, $0x78;
	s22 =	smin.u32 s1, $0x77;
	s24 =	smin.u32 s1, $0x76  }
0x8: {  	s16 =	ssub.s32 s25, s4;
	s26 =	smax.u32 s2, $0x47;
	s4 =	ssub.s32 $0x47, s2  }
0x9: {  	s5 =	smax.u32 s2, $0x80;
	s9 =	sshll.u32 s7, $0x7;
	s11 =	smax.u32 s2, $0x46  }
0xa: {  	s18 =	sshll.u32 s2, $0x4;
	s19 =	smax.u32 s2, $0x41;
	s21 =	smax.u32 s2, $0x40  }
0xb: {  	s23 =	smax.u32 s2, $0x3F;
	s25 =	smax.u32 s2, $0x3E;
	s3 =	smax.u32 s2, $0x3D  }
0xc: {  	s7 =	smax.u32 s2, $0x3C;
	p0 =	sgt.s32 s4, $0x0;
	s5 =	sadd.s32 $0xFFFFFF80, s5  }
0xd: {  	[dreg:$0x3] =	wrdreg s9;
	s12 =	sshll.u32 s11, $0x7;
	s9 =	smax.u32 s2, $0x45  }
0xe: {  	s11 =	smax.u32 s2, $0x44;
	s0 =	sadd.s32 s0, s18;
	s18 =	sshll.u32 s19, $0x7  }
0xf: {  	s19 =	sshll.u32 s20, $0x7;
	s20 =	sshll.u32 s21, $0x7;
	s21 =	sshll.u32 s22, $0x7  }
0x10: {  	s22 =	sshll.u32 s23, $0x7;
	s23 =	sshll.u32 s24, $0x7;
	s24 =	sshll.u32 s25, $0x7  }
0x11: {  	s29 =	sshll.u32 s7, $0x7;
	s7 =	smin.u32 s1, $0x72;
	s16 =	smax.u32 s16, $0x1  }
0x12: {  	s4 =	simm.s32 @!p0 $0x0;
	s8 =	scvt.s32.f32 s5;
	s5 =	sshll.u32 s26, $0x7  }
0x13: {  	[dreg:$0x9] =	wrdreg s12;
	s9 =	sshll.u32 s9, $0x7;
	s11 =	sshll.u32 s11, $0x7  }
0x14: {  	s12 =	sshll.u32 s15, $0x7;
	s15 =	smax.u32 s2, $0x42;
	[dreg:$0x5] =	wrdreg s0  }
0x15: {  	s0 =	sshll.u32 s7, $0x7;
	s7 =	smax.u32 s2, $0x39;
	[dreg:$0x6] =	wrdreg s16  }
0x16: {  	s16 =	simm.s32 $0x0;
	s4 =	scvt.s32.f32 s4;
	[dreg:$0x8] =	wrdreg s5  }
0x17: {  	s15 =	sshll.u32 s15, $0x7;
	[dreg:$0xb] =	wrdreg s8;
	s8 =	sshll.u32 s13, $0x7  }
0x18: {  	s13 =	smax.u32 s2, $0x43;
	[dreg:$0xa] =	wrdreg s4;
	s4 =	sshll.u32 s10, $0x7  }
0x19: {  	s10 =	sshll.u32 s14, $0x7;
	s13 =	sshll.u32 s13, $0x7;
	s14 =	sshll.u32 s17, $0x7  }
0x1a: {  	s17 =	smin.u32 s1, $0x79;
	[dreg:$0x4] =	wrdreg s4;
	s4 =	ssub.s32 s6, s26  }
0x1b: {  	s17 =	sshll.u32 s17, $0x7;
	s26 =	smin.u32 s1, $0x75;
	s6 =	smin.u32 s1, $0x74  }
0x1c: {  	s25 =	sshll.u32 s26, $0x7;
	s26 =	sshll.u32 s3, $0x7;
	s28 =	sshll.u32 s6, $0x7  }
0x1d: {  	s3 =	smin.u32 s1, $0x73;
	s6 =	smax.u32 s2, $0x3B;
	s1 =	smin.u32 s1, $0x71  }
0x1e: {  	s4 =	sadd.s32 $0xC8, s4;
	s30 =	sshll.u32 s3, $0x7;
	s31 =	sshll.u32 s6, $0x7  }
0x1f: {  	s6 =	smax.u32 s2, $0x3A;
	s3 =	sshll.u32 s7, $0x7;
	s7 =	rddreg [dreg:$0xb]  }
0x20: {  	s1 =	sshll.u32 s1, $0x7;
	s2 =	sshll.u32 s6, $0x7;
	s6 =	rddreg [dreg:$0xa]  }
0x21: {  	[dreg:$0x7] =	wrdreg s4;
	s4 =	sadd.s32 $0xFFFFDC80, s5;
	v1 =	vmov s7;
	s7 =	simm.s32 $0x0;
	v0 =	vmov s6  }
.LBB2_1:
0x22: {  	s5 =	simm.s32 $0x1;
	s6 =	rddreg [dreg:$0x0]  }
0x23: {  	[tilespmem:s16], [sflag:$0x1] =	stream.linear.gather [hbm4b:s6+s16], $0x8080, $0x38;
	[tilespmem:$0x8C00] =	vst v63  }
0x24: {  	_ =	swait.ge [sflag:s5], $0x8080  }
0x25: {  	s16 =	rddreg [dreg:$0x7]  }
0x26: {  	p1 =	sne.s32 s16, $0x1  }
.Ltmp0:
0x27: {  	_ = 	snop;
	(pc) =	sbr.rel @!p1 .LBB2_2-.Ltmp0, $4  }
0x28: {  	_ = 	snop  }
0x29: {  	[sflag:s5] =	ssyncset.done $0x0  }
0x2a: {  	[sflag:s5] =	ssyncadd.s32 $0xFFFF7F80  }
0x2b: {  	v2 =	vimm.f32 $0.0e+00;
	p0 =	por $0x0, $0x0;
	s6 =	sadd.s32 $0xFFFFFFFF, s16;
	v4 =	vld [tilespmem:s4+$0x70]  }
0x2c: {  	v5 =	vld [tilespmem:s4+$0x10]  }
0x2d: {  	v6 =	vld [tilespmem:s4+$0x20]  }
0x2e: {  	v7 =	vld [tilespmem:s4+$0x30];
	p1 =	sne.s32 s6, $0x1  }
.Ltmp1:
0x2f: {  	v9 =	vld [tilespmem:s4+$0x40];
	(pc) =	sbr.rel @!p1 .LBB2_4-.Ltmp1, $4  }
0x30: {  	v10 =	vld [tilespmem:s4+$0x50]  }
0x31: {  	v13 =	vld [tilespmem:s4+$0x60];
	v8 =	vimm.f32 $0.0e+00;
	v11 =	vimm.f32 $0.0e+00  }
0x32: {  	v14 =	vld [tilespmem:s4+$0x0];
	s16 =	sadd.s32 $0x80, s4;
	v12 =	vimm.f32 $0.0e+00;
	v3 =	vadd.f32 v4, v2;
	v5 =	vadd.f32 v5, v2  }
0x33: {  	s6 =	sadd.s32 $0xFFFFFFFF, s6;
	p0 =	por $0x1, $0x1;
	v15 =	vimm.f32 $0.0e+00;
	v4 =	vld [tilespmem:s16+$0x70];
	v6 =	vadd.f32 v6, v2;
	v7 =	vadd.f32 v7, v2  }
.LBB2_5:
0x34: {  	p1 =	sne.s32 s6, $0x1;
	v16 =	vld [tilespmem:s16+$0x10];
	v8 =	vadd.f32 v9, v8  }
0x35: {  	v17 =	vld [tilespmem:s16+$0x20];
	v11 =	vadd.f32 v10, v11  }
0x36: {  	v18 =	vld [tilespmem:s16+$0x30];
	v12 =	vadd.f32 v13, v12  }
.Ltmp2:
0x37: {  	v9 =	vld [tilespmem:s16+$0x40];
	v15 =	vadd.f32 v14, v15;
	(pc) =	sbr.rel @p1 .LBB2_5-.Ltmp2, $4  }
0x38: {  	v10 =	vld [tilespmem:s16+$0x50];
	v3 =	vadd.f32 v4, v3  }
0x39: {  	v5 =	vadd.f32 v16, v5;
	v13 =	vld [tilespmem:s16+$0x60]  }
0x3a: {  	v14 =	vld [tilespmem:s16+$0x0];
	v6 =	vadd.f32 v17, v6;
	s16 =	sadd.s32 $0x80, s16  }
0x3b: {  	s6 =	sadd.s32 $0xFFFFFFFF, s6;
	v4 =	vld [tilespmem:s16+$0x70];
	v7 =	vadd.f32 v18, v7  }
.LBB2_6:
0x3c: {  	v16 =	vld [tilespmem:s16+$0x10]  }
0x3d: {  	v17 =	vld [tilespmem:s16+$0x20]  }
0x3e: {  	v18 =	vld [tilespmem:s16+$0x30]  }
0x3f: {  	v19 =	vld [tilespmem:s16+$0x40]  }
0x40: {  	v20 =	vld [tilespmem:s16+$0x50]  }
0x41: {  	v21 =	vld [tilespmem:s16+$0x60]  }
0x42: {  	v22 =	vld [tilespmem:s16+$0x0]  }
0x43: {  	v23 =	vld [tilespmem:$0x0]  }
0x44: {  	v25 =	vld [tilespmem:$0x10]  }
0x45: {  	v26 =	vld [tilespmem:$0x8010]  }
0x46: {  	v37 =	vld [tilespmem:$0x20]  }
0x47: {  	v8 =	vadd.f32 @p0 v9, v8;
	v38 =	vld [tilespmem:$0x8020]  }
0x48: {  	v39 =	vld [tilespmem:$0x30];
	v10 =	vadd.f32 @p0 v10, v11  }
0x49: {  	v40 =	vld [tilespmem:$0x8030];
	v11 =	vadd.f32 @p0 v13, v12;
	v8 =	vpsel p0, v8, v2  }
0x4a: {  	v41 =	vld [tilespmem:$0x40];
	v13 =	vadd.f32 @p0 v14, v15;
	v10 =	vpsel p0, v10, v2;
	v3 =	vadd.f32 v4, v3  }
0x4b: {  	v44 =	vld [tilespmem:$0x50];
	v11 =	vpsel p0, v11, v2;
	v5 =	vadd.f32 v16, v5;
	v6 =	vadd.f32 v17, v6  }
0x4c: {  	v42 =	vld [tilespmem:$0x8040];
	v7 =	vadd.f32 v18, v7;
	v2 =	vpsel p0, v13, v2;
	v43 =	vmul.f32 v23, v0  }
0x4d: {  	v48 =	vld [tilespmem:$0x60];
	v8 =	vadd.f32 v19, v8;
	v45 =	vmul.f32 v25, v0;
	v9 =	vmul.f32 v37, v0  }
0x4e: {  	v46 =	vld [tilespmem:$0x8050];
	v10 =	vadd.f32 v20, v10;
	v4 =	vmul.f32 v39, v0;
	v49 =	vmul.f32 v26, v1  }
0x4f: {  	v52 =	vld [tilespmem:$0x8060];
	v11 =	vadd.f32 v21, v11;
	v12 =	vmul.f32 v38, v1;
	v51 =	vmul.f32 v40, v1  }
0x50: {  	v50 =	vld [tilespmem:$0x70];
	v15 =	vmul.f32 v41, v0;
	v54 =	vmul.f32 v44, v0;
	v5 =	vadd.f32 v45, v5  }
0x51: {  	v24 =	vld [tilespmem:$0x8000];
	v55 =	vmul.f32 v42, v1;
	v2 =	vadd.f32 v22, v2;
	v6 =	vadd.f32 v9, v6  }
0x52: {  	v53 =	vld [tilespmem:$0x8070];
	v56 =	vmul.f32 v48, v0;
	v4 =	vadd.f32 v4, v7;
	v5 =	vadd.f32 v49, v5  }
0x53: {  	v57 =	vmul.f32 v46, v1;
	v8 =	vadd.f32 v15, v8;
	v6 =	vadd.f32 v12, v6  }
0x54: {  	v58 =	vmul.f32 v52, v1;
	v7 =	vadd.f32 v54, v10;
	v4 =	vadd.f32 v51, v4;
	[tilespmem:$0x8410] =	vst v5  }
0x55: {  	v9 =	vmul.f32 v50, v0;
	v11 =	vadd.f32 v56, v11;
	v8 =	vadd.f32 v55, v8;
	[tilespmem:$0x8420] =	vst v6  }
0x56: {  	v47 =	vmul.f32 v24, v1;
	v2 =	vadd.f32 v43, v2;
	v7 =	vadd.f32 v57, v7;
	[tilespmem:$0x8430] =	vst v4  }
0x57: {  	v59 =	vmul.f32 v53, v1;
	v3 =	vadd.f32 v9, v3;
	v60 =	vadd.f32 v58, v11;
	[tilespmem:$0x8440] =	vst v8  }
0x58: {  	v2 =	vadd.f32 v47, v2;
	[tilespmem:$0x8450] =	vst v7  }
0x59: {  	v3 =	vadd.f32 v59, v3;
	[tilespmem:$0x8460] =	vst v60  }
0x5a: {  	[tilespmem:$0x8400] =	vst v2  }
0x5b: {  	s6 =	rddreg [dreg:$0x3];
	[tilespmem:$0x8470] =	vst v3  }
0x5c: {  	s5 =	rddreg [dreg:$0x8];
	v61 =	vld [tilespmem:s6+$0x4080]  }
0x5d: {  	v62 =	vld [tilespmem:s5+$0xFFFFDC80]  }
0x5e: {  	v63 =	vld [tilespmem:s6+$0x4090]  }
0x5f: {  	v24 =	vld [tilespmem:s5+$0xFFFFDC90]  }
0x60: {  	v25 =	vld [tilespmem:s6+$0x40A0]  }
0x61: {  	v26 =	vld [tilespmem:s5+$0xFFFFDCA0]  }
0x62: {  	v27 =	vld [tilespmem:s6+$0x40B0]  }
0x63: {  	v28 =	vld [tilespmem:s5+$0xFFFFDCB0]  }
0x64: {  	v29 =	vld [tilespmem:s6+$0x40C0]  }
0x65: {  	v30 =	vld [tilespmem:s5+$0xFFFFDCC0]  }
0x66: {  	v31 =	vld [tilespmem:s6+$0x40D0]  }
0x67: {  	v32 =	vld [tilespmem:s5+$0xFFFFDCD0];
	v2 =	vadd.f32 v61, v2  }
0x68: {  	v33 =	vld [tilespmem:s6+$0x40E0];
	v5 =	vadd.f32 v63, v5  }
0x69: {  	v35 =	vld [tilespmem:s6+$0x40F0];
	v6 =	vadd.f32 v25, v6;
	v2 =	vsub.f32 v2, v62  }
0x6a: {  	v34 =	vld [tilespmem:s5+$0xFFFFDCE0];
	v4 =	vadd.f32 v27, v4;
	v5 =	vsub.f32 v5, v24  }
0x6b: {  	v36 =	vld [tilespmem:s5+$0xFFFFDCF0];
	v8 =	vadd.f32 v29, v8;
	v6 =	vsub.f32 v6, v26;
	[tilespmem:$0x8480] =	vst v2  }
0x6c: {  	v7 =	vadd.f32 v31, v7;
	v4 =	vsub.f32 v4, v28;
	[tilespmem:$0x8490] =	vst v5  }
0x6d: {  	v9 =	vadd.f32 v33, v60;
	v8 =	vsub.f32 v8, v30;
	[tilespmem:$0x84A0] =	vst v6  }
0x6e: {  	v3 =	vadd.f32 v35, v3;
	v7 =	vsub.f32 v7, v32;
	[tilespmem:$0x84B0] =	vst v4  }
0x6f: {  	v9 =	vsub.f32 v9, v34;
	[tilespmem:$0x84C0] =	vst v8  }
0x70: {  	v3 =	vsub.f32 v3, v36;
	[tilespmem:$0x84D0] =	vst v7  }
0x71: {  	[tilespmem:$0x84E0] =	vst v9  }
0x72: {  	s5 =	rddreg [dreg:$0x4];
	[tilespmem:$0x84F0] =	vst v3  }
0x73: {  	s16 =	rddreg [dreg:$0x9];
	v37 =	vld [tilespmem:s5+$0x4100]  }
0x74: {  	v38 =	vld [tilespmem:s16+$0xFFFFDD00]  }
0x75: {  	v39 =	vld [tilespmem:s5+$0x4110]  }
0x76: {  	v40 =	vld [tilespmem:s16+$0xFFFFDD10]  }
0x77: {  	v41 =	vld [tilespmem:s5+$0x4120]  }
0x78: {  	v42 =	vld [tilespmem:s16+$0xFFFFDD20]  }
0x79: {  	v43 =	vld [tilespmem:s5+$0x4130]  }
0x7a: {  	v44 =	vld [tilespmem:s16+$0xFFFFDD30]  }
0x7b: {  	v45 =	vld [tilespmem:s5+$0x4140]  }
0x7c: {  	v46 =	vld [tilespmem:s16+$0xFFFFDD40]  }
0x7d: {  	v47 =	vld [tilespmem:s5+$0x4150]  }
0x7e: {  	v48 =	vld [tilespmem:s16+$0xFFFFDD50];
	v2 =	vadd.f32 v37, v2  }
0x7f: {  	v49 =	vld [tilespmem:s5+$0x4160];
	v5 =	vadd.f32 v39, v5  }
0x80: {  	v51 =	vld [tilespmem:s5+$0x4170];
	v6 =	vadd.f32 v41, v6;
	v2 =	vsub.f32 v2, v38  }
0x81: {  	v50 =	vld [tilespmem:s16+$0xFFFFDD60];
	v4 =	vadd.f32 v43, v4;
	v5 =	vsub.f32 v5, v40  }
0x82: {  	v52 =	vld [tilespmem:s16+$0xFFFFDD70];
	v8 =	vadd.f32 v45, v8;
	v6 =	vsub.f32 v6, v42;
	[tilespmem:$0x8500] =	vst v2  }
0x83: {  	v7 =	vadd.f32 v47, v7;
	v4 =	vsub.f32 v4, v44;
	[tilespmem:$0x8510] =	vst v5  }
0x84: {  	v9 =	vadd.f32 v49, v9;
	v8 =	vsub.f32 v8, v46;
	[tilespmem:$0x8520] =	vst v6  }
0x85: {  	v3 =	vadd.f32 v51, v3;
	v7 =	vsub.f32 v7, v48;
	[tilespmem:$0x8530] =	vst v4  }
0x86: {  	v9 =	vsub.f32 v9, v50;
	[tilespmem:$0x8540] =	vst v8  }
0x87: {  	v3 =	vsub.f32 v3, v52;
	[tilespmem:$0x8550] =	vst v7  }
0x88: {  	[tilespmem:$0x8560] =	vst v9  }
0x89: {  	[tilespmem:$0x8570] =	vst v3  }
0x8a: {  	v53 =	vld [tilespmem:s8+$0x4180]  }
0x8b: {  	v54 =	vld [tilespmem:s9+$0xFFFFDD80]  }
0x8c: {  	v55 =	vld [tilespmem:s8+$0x4190]  }
0x8d: {  	v56 =	vld [tilespmem:s9+$0xFFFFDD90]  }
0x8e: {  	v57 =	vld [tilespmem:s8+$0x41A0]  }
0x8f: {  	v58 =	vld [tilespmem:s9+$0xFFFFDDA0]  }
0x90: {  	v59 =	vld [tilespmem:s8+$0x41B0]  }
0x91: {  	v60 =	vld [tilespmem:s9+$0xFFFFDDB0]  }
0x92: {  	v61 =	vld [tilespmem:s8+$0x41C0]  }
0x93: {  	v62 =	vld [tilespmem:s9+$0xFFFFDDC0]  }
0x94: {  	v63 =	vld [tilespmem:s8+$0x41D0]  }
0x95: {  	v24 =	vld [tilespmem:s9+$0xFFFFDDD0];
	v2 =	vadd.f32 v53, v2  }
0x96: {  	v25 =	vld [tilespmem:s8+$0x41E0];
	v5 =	vadd.f32 v55, v5  }
0x97: {  	v27 =	vld [tilespmem:s8+$0x41F0];
	v6 =	vadd.f32 v57, v6;
	v2 =	vsub.f32 v2, v54  }
0x98: {  	v26 =	vld [tilespmem:s9+$0xFFFFDDE0];
	v4 =	vadd.f32 v59, v4;
	v5 =	vsub.f32 v5, v56  }
0x99: {  	v28 =	vld [tilespmem:s9+$0xFFFFDDF0];
	v8 =	vadd.f32 v61, v8;
	v6 =	vsub.f32 v6, v58;
	[tilespmem:$0x8580] =	vst v2  }
0x9a: {  	v7 =	vadd.f32 v63, v7;
	v4 =	vsub.f32 v4, v60;
	[tilespmem:$0x8590] =	vst v5  }
0x9b: {  	v9 =	vadd.f32 v25, v9;
	v8 =	vsub.f32 v8, v62;
	[tilespmem:$0x85A0] =	vst v6  }
0x9c: {  	v3 =	vadd.f32 v27, v3;
	v7 =	vsub.f32 v7, v24;
	[tilespmem:$0x85B0] =	vst v4  }
0x9d: {  	v9 =	vsub.f32 v9, v26;
	[tilespmem:$0x85C0] =	vst v8  }
0x9e: {  	v3 =	vsub.f32 v3, v28;
	[tilespmem:$0x85D0] =	vst v7  }
0x9f: {  	[tilespmem:$0x85E0] =	vst v9  }
0xa0: {  	[tilespmem:$0x85F0] =	vst v3  }
0xa1: {  	v29 =	vld [tilespmem:s10+$0x4200]  }
0xa2: {  	v30 =	vld [tilespmem:s11+$0xFFFFDE00]  }
0xa3: {  	v31 =	vld [tilespmem:s10+$0x4210]  }
0xa4: {  	v32 =	vld [tilespmem:s11+$0xFFFFDE10]  }
0xa5: {  	v33 =	vld [tilespmem:s10+$0x4220]  }
0xa6: {  	v34 =	vld [tilespmem:s11+$0xFFFFDE20]  }
0xa7: {  	v35 =	vld [tilespmem:s10+$0x4230]  }
0xa8: {  	v36 =	vld [tilespmem:s11+$0xFFFFDE30]  }
0xa9: {  	v37 =	vld [tilespmem:s10+$0x4240]  }
0xaa: {  	v38 =	vld [tilespmem:s11+$0xFFFFDE40]  }
0xab: {  	v39 =	vld [tilespmem:s10+$0x4250]  }
0xac: {  	v40 =	vld [tilespmem:s11+$0xFFFFDE50];
	v2 =	vadd.f32 v29, v2  }
0xad: {  	v41 =	vld [tilespmem:s10+$0x4260];
	v5 =	vadd.f32 v31, v5  }
0xae: {  	v43 =	vld [tilespmem:s10+$0x4270];
	v6 =	vadd.f32 v33, v6;
	v2 =	vsub.f32 v2, v30  }
0xaf: {  	v42 =	vld [tilespmem:s11+$0xFFFFDE60];
	v4 =	vadd.f32 v35, v4;
	v5 =	vsub.f32 v5, v32  }
0xb0: {  	v44 =	vld [tilespmem:s11+$0xFFFFDE70];
	v8 =	vadd.f32 v37, v8;
	v6 =	vsub.f32 v6, v34;
	[tilespmem:$0x8600] =	vst v2  }
0xb1: {  	v7 =	vadd.f32 v39, v7;
	v4 =	vsub.f32 v4, v36;
	[tilespmem:$0x8610] =	vst v5  }
0xb2: {  	v9 =	vadd.f32 v41, v9;
	v8 =	vsub.f32 v8, v38;
	[tilespmem:$0x8620] =	vst v6  }
0xb3: {  	v3 =	vadd.f32 v43, v3;
	v7 =	vsub.f32 v7, v40;
	[tilespmem:$0x8630] =	vst v4  }
0xb4: {  	v9 =	vsub.f32 v9, v42;
	[tilespmem:$0x8640] =	vst v8  }
0xb5: {  	v3 =	vsub.f32 v3, v44;
	[tilespmem:$0x8650] =	vst v7  }
0xb6: {  	[tilespmem:$0x8660] =	vst v9  }
0xb7: {  	[tilespmem:$0x8670] =	vst v3  }
0xb8: {  	v45 =	vld [tilespmem:s12+$0x4280]  }
0xb9: {  	v46 =	vld [tilespmem:s13+$0xFFFFDE80]  }
0xba: {  	v47 =	vld [tilespmem:s12+$0x4290]  }
0xbb: {  	v48 =	vld [tilespmem:s13+$0xFFFFDE90]  }
0xbc: {  	v49 =	vld [tilespmem:s12+$0x42A0]  }
0xbd: {  	v50 =	vld [tilespmem:s13+$0xFFFFDEA0]  }
0xbe: {  	v51 =	vld [tilespmem:s12+$0x42B0]  }
0xbf: {  	v52 =	vld [tilespmem:s13+$0xFFFFDEB0]  }
0xc0: {  	v53 =	vld [tilespmem:s12+$0x42C0]  }
0xc1: {  	v54 =	vld [tilespmem:s13+$0xFFFFDEC0]  }
0xc2: {  	v55 =	vld [tilespmem:s12+$0x42D0]  }
0xc3: {  	v56 =	vld [tilespmem:s13+$0xFFFFDED0];
	v2 =	vadd.f32 v45, v2  }
0xc4: {  	v57 =	vld [tilespmem:s12+$0x42E0];
	v5 =	vadd.f32 v47, v5  }
0xc5: {  	v59 =	vld [tilespmem:s12+$0x42F0];
	v6 =	vadd.f32 v49, v6;
	v2 =	vsub.f32 v2, v46  }
0xc6: {  	v58 =	vld [tilespmem:s13+$0xFFFFDEE0];
	v4 =	vadd.f32 v51, v4;
	v5 =	vsub.f32 v5, v48  }
0xc7: {  	v60 =	vld [tilespmem:s13+$0xFFFFDEF0];
	v8 =	vadd.f32 v53, v8;
	v6 =	vsub.f32 v6, v50;
	[tilespmem:$0x8680] =	vst v2  }
0xc8: {  	v7 =	vadd.f32 v55, v7;
	v4 =	vsub.f32 v4, v52;
	[tilespmem:$0x8690] =	vst v5  }
0xc9: {  	v9 =	vadd.f32 v57, v9;
	v8 =	vsub.f32 v8, v54;
	[tilespmem:$0x86A0] =	vst v6  }
0xca: {  	v3 =	vadd.f32 v59, v3;
	v7 =	vsub.f32 v7, v56;
	[tilespmem:$0x86B0] =	vst v4  }
0xcb: {  	v9 =	vsub.f32 v9, v58;
	[tilespmem:$0x86C0] =	vst v8  }
0xcc: {  	v3 =	vsub.f32 v3, v60;
	[tilespmem:$0x86D0] =	vst v7  }
0xcd: {  	[tilespmem:$0x86E0] =	vst v9  }
0xce: {  	[tilespmem:$0x86F0] =	vst v3  }
0xcf: {  	v61 =	vld [tilespmem:s14+$0x4300]  }
0xd0: {  	v62 =	vld [tilespmem:s15+$0xFFFFDF00]  }
0xd1: {  	v63 =	vld [tilespmem:s14+$0x4310]  }
0xd2: {  	v24 =	vld [tilespmem:s15+$0xFFFFDF10]  }
0xd3: {  	v25 =	vld [tilespmem:s14+$0x4320]  }
0xd4: {  	v26 =	vld [tilespmem:s15+$0xFFFFDF20]  }
0xd5: {  	v27 =	vld [tilespmem:s14+$0x4330]  }
0xd6: {  	v28 =	vld [tilespmem:s15+$0xFFFFDF30]  }
0xd7: {  	v29 =	vld [tilespmem:s14+$0x4340]  }
0xd8: {  	v30 =	vld [tilespmem:s15+$0xFFFFDF40]  }
0xd9: {  	v31 =	vld [tilespmem:s14+$0x4350]  }
0xda: {  	v32 =	vld [tilespmem:s15+$0xFFFFDF50];
	v2 =	vadd.f32 v61, v2  }
0xdb: {  	v33 =	vld [tilespmem:s14+$0x4360];
	v5 =	vadd.f32 v63, v5  }
0xdc: {  	v35 =	vld [tilespmem:s14+$0x4370];
	v6 =	vadd.f32 v25, v6;
	v2 =	vsub.f32 v2, v62  }
0xdd: {  	v34 =	vld [tilespmem:s15+$0xFFFFDF60];
	v4 =	vadd.f32 v27, v4;
	v5 =	vsub.f32 v5, v24  }
0xde: {  	v36 =	vld [tilespmem:s15+$0xFFFFDF70];
	v8 =	vadd.f32 v29, v8;
	v6 =	vsub.f32 v6, v26;
	[tilespmem:$0x8700] =	vst v2  }
0xdf: {  	v7 =	vadd.f32 v31, v7;
	v4 =	vsub.f32 v4, v28;
	[tilespmem:$0x8710] =	vst v5  }
0xe0: {  	v9 =	vadd.f32 v33, v9;
	v8 =	vsub.f32 v8, v30;
	[tilespmem:$0x8720] =	vst v6  }
0xe1: {  	v3 =	vadd.f32 v35, v3;
	v7 =	vsub.f32 v7, v32;
	[tilespmem:$0x8730] =	vst v4  }
0xe2: {  	v9 =	vsub.f32 v9, v34;
	[tilespmem:$0x8740] =	vst v8  }
0xe3: {  	v3 =	vsub.f32 v3, v36;
	[tilespmem:$0x8750] =	vst v7  }
0xe4: {  	[tilespmem:$0x8760] =	vst v9  }
0xe5: {  	[tilespmem:$0x8770] =	vst v3  }
0xe6: {  	v37 =	vld [tilespmem:s17+$0x4380]  }
0xe7: {  	v38 =	vld [tilespmem:s18+$0xFFFFDF80]  }
0xe8: {  	v39 =	vld [tilespmem:s17+$0x4390]  }
0xe9: {  	v40 =	vld [tilespmem:s18+$0xFFFFDF90]  }
0xea: {  	v41 =	vld [tilespmem:s17+$0x43A0]  }
0xeb: {  	v42 =	vld [tilespmem:s18+$0xFFFFDFA0]  }
0xec: {  	v43 =	vld [tilespmem:s17+$0x43B0]  }
0xed: {  	v44 =	vld [tilespmem:s18+$0xFFFFDFB0]  }
0xee: {  	v45 =	vld [tilespmem:s17+$0x43C0]  }
0xef: {  	v46 =	vld [tilespmem:s18+$0xFFFFDFC0]  }
0xf0: {  	v47 =	vld [tilespmem:s17+$0x43D0]  }
0xf1: {  	v48 =	vld [tilespmem:s18+$0xFFFFDFD0];
	v2 =	vadd.f32 v37, v2  }
0xf2: {  	v49 =	vld [tilespmem:s17+$0x43E0];
	v5 =	vadd.f32 v39, v5  }
0xf3: {  	v51 =	vld [tilespmem:s17+$0x43F0];
	v6 =	vadd.f32 v41, v6;
	v2 =	vsub.f32 v2, v38  }
0xf4: {  	v50 =	vld [tilespmem:s18+$0xFFFFDFE0];
	v4 =	vadd.f32 v43, v4;
	v5 =	vsub.f32 v5, v40  }
0xf5: {  	v52 =	vld [tilespmem:s18+$0xFFFFDFF0];
	v8 =	vadd.f32 v45, v8;
	v6 =	vsub.f32 v6, v42;
	[tilespmem:$0x8780] =	vst v2  }
0xf6: {  	v7 =	vadd.f32 v47, v7;
	v4 =	vsub.f32 v4, v44;
	[tilespmem:$0x8790] =	vst v5  }
0xf7: {  	v9 =	vadd.f32 v49, v9;
	v8 =	vsub.f32 v8, v46;
	[tilespmem:$0x87A0] =	vst v6  }
0xf8: {  	v3 =	vadd.f32 v51, v3;
	v7 =	vsub.f32 v7, v48;
	[tilespmem:$0x87B0] =	vst v4  }
0xf9: {  	v9 =	vsub.f32 v9, v50;
	[tilespmem:$0x87C0] =	vst v8  }
0xfa: {  	v3 =	vsub.f32 v3, v52;
	[tilespmem:$0x87D0] =	vst v7  }
0xfb: {  	[tilespmem:$0x87E0] =	vst v9  }
0xfc: {  	[tilespmem:$0x87F0] =	vst v3  }
0xfd: {  	v53 =	vld [tilespmem:s19+$0x4400]  }
0xfe: {  	v54 =	vld [tilespmem:s20+$0xFFFFE000]  }
0xff: {  	v55 =	vld [tilespmem:s19+$0x4410]  }
0x100: {  	v56 =	vld [tilespmem:s20+$0xFFFFE010]  }
0x101: {  	v57 =	vld [tilespmem:s19+$0x4420]  }
0x102: {  	v58 =	vld [tilespmem:s20+$0xFFFFE020]  }
0x103: {  	v59 =	vld [tilespmem:s19+$0x4430]  }
0x104: {  	v60 =	vld [tilespmem:s20+$0xFFFFE030]  }
0x105: {  	v61 =	vld [tilespmem:s19+$0x4440]  }
0x106: {  	v62 =	vld [tilespmem:s20+$0xFFFFE040]  }
0x107: {  	v63 =	vld [tilespmem:s19+$0x4450]  }
0x108: {  	v24 =	vld [tilespmem:s20+$0xFFFFE050];
	v2 =	vadd.f32 v53, v2  }
0x109: {  	v25 =	vld [tilespmem:s19+$0x4460];
	v5 =	vadd.f32 v55, v5  }
0x10a: {  	v27 =	vld [tilespmem:s19+$0x4470];
	v6 =	vadd.f32 v57, v6;
	v2 =	vsub.f32 v2, v54  }
0x10b: {  	v26 =	vld [tilespmem:s20+$0xFFFFE060];
	v4 =	vadd.f32 v59, v4;
	v5 =	vsub.f32 v5, v56  }
0x10c: {  	v28 =	vld [tilespmem:s20+$0xFFFFE070];
	v8 =	vadd.f32 v61, v8;
	v6 =	vsub.f32 v6, v58;
	[tilespmem:$0x8800] =	vst v2  }
0x10d: {  	v7 =	vadd.f32 v63, v7;
	v4 =	vsub.f32 v4, v60;
	[tilespmem:$0x8810] =	vst v5  }
0x10e: {  	v9 =	vadd.f32 v25, v9;
	v8 =	vsub.f32 v8, v62;
	[tilespmem:$0x8820] =	vst v6  }
0x10f: {  	v3 =	vadd.f32 v27, v3;
	v7 =	vsub.f32 v7, v24;
	[tilespmem:$0x8830] =	vst v4  }
0x110: {  	v9 =	vsub.f32 v9, v26;
	[tilespmem:$0x8840] =	vst v8  }
0x111: {  	v3 =	vsub.f32 v3, v28;
	[tilespmem:$0x8850] =	vst v7  }
0x112: {  	[tilespmem:$0x8860] =	vst v9  }
0x113: {  	[tilespmem:$0x8870] =	vst v3  }
0x114: {  	v29 =	vld [tilespmem:s21+$0x4480]  }
0x115: {  	v30 =	vld [tilespmem:s22+$0xFFFFE080]  }
0x116: {  	v31 =	vld [tilespmem:s21+$0x4490]  }
0x117: {  	v32 =	vld [tilespmem:s22+$0xFFFFE090]  }
0x118: {  	v33 =	vld [tilespmem:s21+$0x44A0]  }
0x119: {  	v34 =	vld [tilespmem:s22+$0xFFFFE0A0]  }
0x11a: {  	v35 =	vld [tilespmem:s21+$0x44B0]  }
0x11b: {  	v36 =	vld [tilespmem:s22+$0xFFFFE0B0]  }
0x11c: {  	v37 =	vld [tilespmem:s21+$0x44C0]  }
0x11d: {  	v38 =	vld [tilespmem:s22+$0xFFFFE0C0]  }
0x11e: {  	v39 =	vld [tilespmem:s21+$0x44D0]  }
0x11f: {  	v40 =	vld [tilespmem:s22+$0xFFFFE0D0];
	v2 =	vadd.f32 v29, v2  }
0x120: {  	v41 =	vld [tilespmem:s21+$0x44E0];
	v5 =	vadd.f32 v31, v5  }
0x121: {  	v43 =	vld [tilespmem:s21+$0x44F0];
	v6 =	vadd.f32 v33, v6;
	v2 =	vsub.f32 v2, v30  }
0x122: {  	v42 =	vld [tilespmem:s22+$0xFFFFE0E0];
	v4 =	vadd.f32 v35, v4;
	v5 =	vsub.f32 v5, v32  }
0x123: {  	v44 =	vld [tilespmem:s22+$0xFFFFE0F0];
	v8 =	vadd.f32 v37, v8;
	v6 =	vsub.f32 v6, v34;
	[tilespmem:$0x8880] =	vst v2  }
0x124: {  	v7 =	vadd.f32 v39, v7;
	v4 =	vsub.f32 v4, v36;
	[tilespmem:$0x8890] =	vst v5  }
0x125: {  	v9 =	vadd.f32 v41, v9;
	v8 =	vsub.f32 v8, v38;
	[tilespmem:$0x88A0] =	vst v6  }
0x126: {  	v3 =	vadd.f32 v43, v3;
	v7 =	vsub.f32 v7, v40;
	[tilespmem:$0x88B0] =	vst v4  }
0x127: {  	v9 =	vsub.f32 v9, v42;
	[tilespmem:$0x88C0] =	vst v8  }
0x128: {  	v3 =	vsub.f32 v3, v44;
	[tilespmem:$0x88D0] =	vst v7  }
0x129: {  	[tilespmem:$0x88E0] =	vst v9  }
0x12a: {  	[tilespmem:$0x88F0] =	vst v3  }
0x12b: {  	v45 =	vld [tilespmem:s23+$0x4500]  }
0x12c: {  	v46 =	vld [tilespmem:s24+$0xFFFFE100]  }
0x12d: {  	v47 =	vld [tilespmem:s23+$0x4510]  }
0x12e: {  	v48 =	vld [tilespmem:s24+$0xFFFFE110]  }
0x12f: {  	v49 =	vld [tilespmem:s23+$0x4520]  }
0x130: {  	v50 =	vld [tilespmem:s24+$0xFFFFE120]  }
0x131: {  	v51 =	vld [tilespmem:s23+$0x4530]  }
0x132: {  	v52 =	vld [tilespmem:s24+$0xFFFFE130]  }
0x133: {  	v53 =	vld [tilespmem:s23+$0x4540]  }
0x134: {  	v54 =	vld [tilespmem:s24+$0xFFFFE140]  }
0x135: {  	v55 =	vld [tilespmem:s23+$0x4550]  }
0x136: {  	v56 =	vld [tilespmem:s24+$0xFFFFE150];
	v2 =	vadd.f32 v45, v2  }
0x137: {  	v57 =	vld [tilespmem:s23+$0x4560];
	v5 =	vadd.f32 v47, v5  }
0x138: {  	v59 =	vld [tilespmem:s23+$0x4570];
	v6 =	vadd.f32 v49, v6;
	v2 =	vsub.f32 v2, v46  }
0x139: {  	v58 =	vld [tilespmem:s24+$0xFFFFE160];
	v4 =	vadd.f32 v51, v4;
	v5 =	vsub.f32 v5, v48  }
0x13a: {  	v60 =	vld [tilespmem:s24+$0xFFFFE170];
	v8 =	vadd.f32 v53, v8;
	v6 =	vsub.f32 v6, v50;
	[tilespmem:$0x8900] =	vst v2  }
0x13b: {  	v7 =	vadd.f32 v55, v7;
	v4 =	vsub.f32 v4, v52;
	[tilespmem:$0x8910] =	vst v5  }
0x13c: {  	v9 =	vadd.f32 v57, v9;
	v8 =	vsub.f32 v8, v54;
	[tilespmem:$0x8920] =	vst v6  }
0x13d: {  	v3 =	vadd.f32 v59, v3;
	v7 =	vsub.f32 v7, v56;
	[tilespmem:$0x8930] =	vst v4  }
0x13e: {  	v9 =	vsub.f32 v9, v58;
	[tilespmem:$0x8940] =	vst v8  }
0x13f: {  	v3 =	vsub.f32 v3, v60;
	[tilespmem:$0x8950] =	vst v7  }
0x140: {  	[tilespmem:$0x8960] =	vst v9  }
0x141: {  	[tilespmem:$0x8970] =	vst v3  }
0x142: {  	v61 =	vld [tilespmem:s25+$0x4580]  }
0x143: {  	v62 =	vld [tilespmem:s26+$0xFFFFE180]  }
0x144: {  	v63 =	vld [tilespmem:s25+$0x4590]  }
0x145: {  	v24 =	vld [tilespmem:s26+$0xFFFFE190]  }
0x146: {  	v25 =	vld [tilespmem:s25+$0x45A0]  }
0x147: {  	v26 =	vld [tilespmem:s26+$0xFFFFE1A0]  }
0x148: {  	v27 =	vld [tilespmem:s25+$0x45B0]  }
0x149: {  	v28 =	vld [tilespmem:s26+$0xFFFFE1B0]  }
0x14a: {  	v29 =	vld [tilespmem:s25+$0x45C0]  }
0x14b: {  	v30 =	vld [tilespmem:s26+$0xFFFFE1C0]  }
0x14c: {  	v31 =	vld [tilespmem:s25+$0x45D0]  }
0x14d: {  	v32 =	vld [tilespmem:s26+$0xFFFFE1D0];
	v2 =	vadd.f32 v61, v2  }
0x14e: {  	v33 =	vld [tilespmem:s25+$0x45E0];
	v5 =	vadd.f32 v63, v5  }
0x14f: {  	v35 =	vld [tilespmem:s25+$0x45F0];
	v6 =	vadd.f32 v25, v6;
	v2 =	vsub.f32 v2, v62  }
0x150: {  	v34 =	vld [tilespmem:s26+$0xFFFFE1E0];
	v4 =	vadd.f32 v27, v4;
	v5 =	vsub.f32 v5, v24  }
0x151: {  	v36 =	vld [tilespmem:s26+$0xFFFFE1F0];
	v8 =	vadd.f32 v29, v8;
	v6 =	vsub.f32 v6, v26;
	[tilespmem:$0x8980] =	vst v2  }
0x152: {  	v7 =	vadd.f32 v31, v7;
	v4 =	vsub.f32 v4, v28;
	[tilespmem:$0x8990] =	vst v5  }
0x153: {  	v9 =	vadd.f32 v33, v9;
	v8 =	vsub.f32 v8, v30;
	[tilespmem:$0x89A0] =	vst v6  }
0x154: {  	v3 =	vadd.f32 v35, v3;
	v7 =	vsub.f32 v7, v32;
	[tilespmem:$0x89B0] =	vst v4  }
0x155: {  	v9 =	vsub.f32 v9, v34;
	[tilespmem:$0x89C0] =	vst v8  }
0x156: {  	v3 =	vsub.f32 v3, v36;
	[tilespmem:$0x89D0] =	vst v7  }
0x157: {  	[tilespmem:$0x89E0] =	vst v9  }
0x158: {  	[tilespmem:$0x89F0] =	vst v3  }
0x159: {  	v37 =	vld [tilespmem:s28+$0x4600]  }
0x15a: {  	v38 =	vld [tilespmem:s29+$0xFFFFE200]  }
0x15b: {  	v39 =	vld [tilespmem:s28+$0x4610]  }
0x15c: {  	v40 =	vld [tilespmem:s29+$0xFFFFE210]  }
0x15d: {  	v41 =	vld [tilespmem:s28+$0x4620]  }
0x15e: {  	v42 =	vld [tilespmem:s29+$0xFFFFE220]  }
0x15f: {  	v43 =	vld [tilespmem:s28+$0x4630]  }
0x160: {  	v44 =	vld [tilespmem:s29+$0xFFFFE230]  }
0x161: {  	v45 =	vld [tilespmem:s28+$0x4640]  }
0x162: {  	v46 =	vld [tilespmem:s29+$0xFFFFE240]  }
0x163: {  	v47 =	vld [tilespmem:s28+$0x4650]  }
0x164: {  	v48 =	vld [tilespmem:s29+$0xFFFFE250];
	v2 =	vadd.f32 v37, v2  }
0x165: {  	v49 =	vld [tilespmem:s28+$0x4660];
	v5 =	vadd.f32 v39, v5  }
0x166: {  	v51 =	vld [tilespmem:s28+$0x4670];
	v6 =	vadd.f32 v41, v6;
	v2 =	vsub.f32 v2, v38  }
0x167: {  	v50 =	vld [tilespmem:s29+$0xFFFFE260];
	v4 =	vadd.f32 v43, v4;
	v5 =	vsub.f32 v5, v40  }
0x168: {  	v52 =	vld [tilespmem:s29+$0xFFFFE270];
	v8 =	vadd.f32 v45, v8;
	v6 =	vsub.f32 v6, v42;
	[tilespmem:$0x8A00] =	vst v2  }
0x169: {  	v7 =	vadd.f32 v47, v7;
	v4 =	vsub.f32 v4, v44;
	[tilespmem:$0x8A10] =	vst v5  }
0x16a: {  	v9 =	vadd.f32 v49, v9;
	v8 =	vsub.f32 v8, v46;
	[tilespmem:$0x8A20] =	vst v6  }
0x16b: {  	v3 =	vadd.f32 v51, v3;
	v7 =	vsub.f32 v7, v48;
	[tilespmem:$0x8A30] =	vst v4  }
0x16c: {  	v9 =	vsub.f32 v9, v50;
	[tilespmem:$0x8A40] =	vst v8  }
0x16d: {  	v3 =	vsub.f32 v3, v52;
	[tilespmem:$0x8A50] =	vst v7  }
0x16e: {  	[tilespmem:$0x8A60] =	vst v9  }
0x16f: {  	[tilespmem:$0x8A70] =	vst v3  }
0x170: {  	v53 =	vld [tilespmem:s30+$0x4680]  }
0x171: {  	v54 =	vld [tilespmem:s31+$0xFFFFE280]  }
0x172: {  	v55 =	vld [tilespmem:s30+$0x4690]  }
0x173: {  	v56 =	vld [tilespmem:s31+$0xFFFFE290]  }
0x174: {  	v57 =	vld [tilespmem:s30+$0x46A0]  }
0x175: {  	v58 =	vld [tilespmem:s31+$0xFFFFE2A0]  }
0x176: {  	v59 =	vld [tilespmem:s30+$0x46B0]  }
0x177: {  	v60 =	vld [tilespmem:s31+$0xFFFFE2B0]  }
0x178: {  	v61 =	vld [tilespmem:s30+$0x46C0]  }
0x179: {  	v62 =	vld [tilespmem:s31+$0xFFFFE2C0]  }
0x17a: {  	v63 =	vld [tilespmem:s30+$0x46D0]  }
0x17b: {  	v24 =	vld [tilespmem:s31+$0xFFFFE2D0];
	v2 =	vadd.f32 v53, v2  }
0x17c: {  	v25 =	vld [tilespmem:s30+$0x46E0];
	v5 =	vadd.f32 v55, v5  }
0x17d: {  	v27 =	vld [tilespmem:s30+$0x46F0];
	v6 =	vadd.f32 v57, v6;
	v2 =	vsub.f32 v2, v54  }
0x17e: {  	v26 =	vld [tilespmem:s31+$0xFFFFE2E0];
	v4 =	vadd.f32 v59, v4;
	v5 =	vsub.f32 v5, v56  }
0x17f: {  	v28 =	vld [tilespmem:s31+$0xFFFFE2F0];
	v8 =	vadd.f32 v61, v8;
	v6 =	vsub.f32 v6, v58;
	[tilespmem:$0x8A80] =	vst v2  }
0x180: {  	v7 =	vadd.f32 v63, v7;
	v4 =	vsub.f32 v4, v60;
	[tilespmem:$0x8A90] =	vst v5  }
0x181: {  	v9 =	vadd.f32 v25, v9;
	v8 =	vsub.f32 v8, v62;
	[tilespmem:$0x8AA0] =	vst v6  }
0x182: {  	v3 =	vadd.f32 v27, v3;
	v7 =	vsub.f32 v7, v24;
	[tilespmem:$0x8AB0] =	vst v4  }
0x183: {  	v9 =	vsub.f32 v9, v26;
	[tilespmem:$0x8AC0] =	vst v8  }
0x184: {  	v3 =	vsub.f32 v3, v28;
	[tilespmem:$0x8AD0] =	vst v7  }
0x185: {  	[tilespmem:$0x8AE0] =	vst v9  }
0x186: {  	[tilespmem:$0x8AF0] =	vst v3  }
0x187: {  	v29 =	vld [tilespmem:s0+$0x4700]  }
0x188: {  	v30 =	vld [tilespmem:s2+$0xFFFFE300]  }
0x189: {  	v31 =	vld [tilespmem:s0+$0x4710]  }
0x18a: {  	v32 =	vld [tilespmem:s2+$0xFFFFE310]  }
0x18b: {  	v33 =	vld [tilespmem:s0+$0x4720]  }
0x18c: {  	v34 =	vld [tilespmem:s2+$0xFFFFE320]  }
0x18d: {  	v35 =	vld [tilespmem:s0+$0x4730]  }
0x18e: {  	v36 =	vld [tilespmem:s2+$0xFFFFE330]  }
0x18f: {  	v37 =	vld [tilespmem:s0+$0x4740]  }
0x190: {  	v38 =	vld [tilespmem:s2+$0xFFFFE340]  }
0x191: {  	v39 =	vld [tilespmem:s0+$0x4750]  }
0x192: {  	v40 =	vld [tilespmem:s2+$0xFFFFE350];
	v2 =	vadd.f32 v29, v2  }
0x193: {  	v41 =	vld [tilespmem:s0+$0x4760];
	v5 =	vadd.f32 v31, v5  }
0x194: {  	v43 =	vld [tilespmem:s0+$0x4770];
	v6 =	vadd.f32 v33, v6;
	v2 =	vsub.f32 v2, v30  }
0x195: {  	v42 =	vld [tilespmem:s2+$0xFFFFE360];
	v4 =	vadd.f32 v35, v4;
	v5 =	vsub.f32 v5, v32  }
0x196: {  	v44 =	vld [tilespmem:s2+$0xFFFFE370];
	v8 =	vadd.f32 v37, v8;
	v6 =	vsub.f32 v6, v34;
	[tilespmem:$0x8B00] =	vst v2  }
0x197: {  	v7 =	vadd.f32 v39, v7;
	v4 =	vsub.f32 v4, v36;
	[tilespmem:$0x8B10] =	vst v5  }
0x198: {  	v9 =	vadd.f32 v41, v9;
	v8 =	vsub.f32 v8, v38;
	[tilespmem:$0x8B20] =	vst v6  }
0x199: {  	v3 =	vadd.f32 v43, v3;
	v7 =	vsub.f32 v7, v40;
	[tilespmem:$0x8B30] =	vst v4  }
0x19a: {  	v9 =	vsub.f32 v9, v42;
	[tilespmem:$0x8B40] =	vst v8  }
0x19b: {  	v3 =	vsub.f32 v3, v44;
	[tilespmem:$0x8B50] =	vst v7  }
0x19c: {  	[tilespmem:$0x8B60] =	vst v9  }
0x19d: {  	[tilespmem:$0x8B70] =	vst v3  }
0x19e: {  	v45 =	vld [tilespmem:s1+$0x4780]  }
0x19f: {  	v46 =	vld [tilespmem:s3+$0xFFFFE380]  }
0x1a0: {  	v47 =	vld [tilespmem:s1+$0x4790]  }
0x1a1: {  	v48 =	vld [tilespmem:s3+$0xFFFFE390]  }
0x1a2: {  	v49 =	vld [tilespmem:s1+$0x47A0]  }
0x1a3: {  	v50 =	vld [tilespmem:s3+$0xFFFFE3A0]  }
0x1a4: {  	v51 =	vld [tilespmem:s1+$0x47B0]  }
0x1a5: {  	v52 =	vld [tilespmem:s3+$0xFFFFE3B0]  }
0x1a6: {  	v53 =	vld [tilespmem:s1+$0x47C0]  }
0x1a7: {  	v54 =	vld [tilespmem:s3+$0xFFFFE3C0]  }
0x1a8: {  	v59 =	vld [tilespmem:s1+$0x47F0]  }
0x1a9: {  	v55 =	vld [tilespmem:s1+$0x47D0];
	v2 =	vadd.f32 v45, v2  }
0x1aa: {  	v60 =	vld [tilespmem:s3+$0xFFFFE3F0];
	v5 =	vadd.f32 v47, v5  }
0x1ab: {  	v57 =	vld [tilespmem:s1+$0x47E0];
	v6 =	vadd.f32 v49, v6;
	v2 =	vsub.f32 v2, v46  }
0x1ac: {  	v56 =	vld [tilespmem:s3+$0xFFFFE3D0];
	v8 =	vadd.f32 v53, v8;
	v5 =	vsub.f32 v5, v48  }
0x1ad: {  	v58 =	vld [tilespmem:s3+$0xFFFFE3E0];
	v3 =	vadd.f32 v59, v3;
	v6 =	vsub.f32 v6, v50;
	[tilespmem:$0x8B80] =	vst v2  }
0x1ae: {  	v4 =	vadd.f32 v51, v4;
	v62 =	vsub.f32 v8, v54;
	[tilespmem:$0x8B90] =	vst v5  }
0x1af: {  	v61 =	vadd.f32 v55, v7;
	v3 =	vsub.f32 v3, v60;
	[tilespmem:$0x8BA0] =	vst v6  }
0x1b0: {  	v63 =	vadd.f32 v57, v9;
	v2 =	vsub.f32 v4, v52;
	[tilespmem:$0x8BC0] =	vst v62  }
0x1b1: {  	v4 =	vsub.f32 v61, v56;
	[tilespmem:$0x8BF0] =	vst v3  }
0x1b2: {  	[tilespmem:$0x8BB0] =	vst v2;
	v2 =	vsub.f32 v63, v58  }
0x1b3: {  	[tilespmem:$0x8BD0] =	vst v4  }
0x1b4: {  	s6 =	rddreg [dreg:$0x5];
	s16 =	simm.s32 $0x0;
	s5 =	simm.s32 $0x8400;
	[tilespmem:$0x8BE0] =	vst v2  }
0x1b5: {  	[hbm4b:s6+s16] =	stream.linear.scatter [tilespmem:s5], [sflag:$0x1], $0x800, $0x38;
	[tilespmem:$0x8C00] =	vst v63  }
0x1b6: {  	s6 =	simm.s32 $0x1  }
0x1b7: {  	_ =	swait.ge [sflag:s6], $0x800  }
0x1b8: {  	s7 =	sadd.s32 $0x1, s7;
	s5 =	rddreg [dreg:$0x6]  }
0x1b9: {  	p0 =	sne.s32 s7, s5  }
.Ltmp3:
0x1ba: {  	_ = 	snop;
	(pc) =	sbr.rel @p0 .LBB2_1-.Ltmp3, $4  }
.Ltmp4:
0x1bb: {  	_ = 	snop;
	(pc) =	sbr.rel @!p0 .LBB2_7-.Ltmp4, $4  }
0x1bc: {  	_ = 	snop  }
0x1bd: {  	[sflag:s6] =	ssyncset.done $0x0;
	s6 =	simm.s32 $0x1  }
0x1be: {  	[sflag:s6] =	ssyncadd.s32 $0xFFFFF800  }
0x1bf: {  	_ = 	snop  }
.LBB2_2:
.Ltmp5:
0x1c0: {  	(pc) =	sbr.rel .LBB2_6-.Ltmp5, $4  }
0x1c1: {  	_ = 	snop  }
0x1c2: {  	v8 =	vimm.f32 $0.0e+00;
	v11 =	vimm.f32 $0.0e+00  }
0x1c3: {  	v12 =	vimm.f32 $0.0e+00;
	v15 =	vimm.f32 $0.0e+00;
	v3 =	vimm.f32 $0.0e+00  }
0x1c4: {  	s16 =	smov.u32 s4;
	v5 =	vimm.f32 $0.0e+00;
	v6 =	vimm.f32 $0.0e+00;
	v7 =	vimm.f32 $0.0e+00  }
.LBB2_4:
.Ltmp6:
0x1c5: {  	(pc) =	sbr.rel .LBB2_6-.Ltmp6, $3  }
0x1c6: {  	_ =	sdelay $0x1  }
0x1c7: {  	v8 =	vimm.f32 $0.0e+00  }
0x1c8: {  	v11 =	vimm.f32 $0.0e+00;
	v12 =	vimm.f32 $0.0e+00;
	v15 =	vimm.f32 $0.0e+00  }
.LBB2_7:
0x1c9: {  	_ =	sfence.sel $0x180000  }
0x1ca: {  	[bflag:$0x0] =	sbarrier.arrive $0xFFFF  }
0x1cb: {  	_ =	strace $0x90000047  }
0x1cc: {  	s0 =	stileid.u32;
	[bflag:$0x2] =	sbarrier.arrive $0xFFFF  }
0x1cd: {  	p0 =	sne.s32 s0, $0x0;
	s0 =	rddreg [dreg:$0x2]  }
0x1ce: {  	s0 =	sadd.s32 @!p0 $0x100000, s0  }
0x1cf: {  	[sflag:s0] =	ssyncadd.tile.s32 @!p0 $0x1;
	_ =	shalt  }
.Lfunc_end2:
_tile_overlayer_lowered:
.L_overlay_start_2:
0x1d0: {  	(tag) =	ssettag $0x2  }
0x1d1: {  	s0 =	rddreg [dreg:$0x0];
	s2 =	stileid.u32  }
0x1d2: {  	s1 =	rddreg [dreg:$0x1];
	p0 =	sne.s32 s2, $0x0  }
0x1d3: {  	s3 =	rddreg [dreg:$0x2];
	[bflag:$0x3] =	sbarrier.arrive $0xFFFF;
	s2 =	simm.s32 @!p0 $0x1C01  }
0x1d4: {  	[timem:s3], [sflag:s2] =	dma.local @!p0 [hbm:s0], s1  }
0x1d5: {  	s0 =	simm.s32 @!p0 $0x1  }
0x1d6: {  	_ =	swait.ge @!p0 [sflag:s0], s1  }
0x1d7: {  	s1 =	ssub.s32 @!p0 $0x0, s1;
	[sflag:s0] =	ssyncset.done @!p0 $0x0  }
0x1d8: {  	[sflag:s0] =	ssyncadd.s32 @!p0 s1  }
0x1d9: {  	[bflag:$0x3] =	sbarrier.arrive $0xFFFF  }
0x1da: {  	_ =	shalt  }

</sc_bundles>
